<compile_context>
chip_gen: v7x
topology: tpu7x:2x2x1
jax: 0.10.2.dev20260603
libtpu: 0.0.44.dev20260713+nightly
codegen_flags: <defaults>
</compile_context>

<pallas_src>
import functools

import jax
import jax.numpy as jnp
from jax import lax
from jax.experimental import pallas as pl
from jax.experimental.pallas import tpu as pltpu
from jax.experimental.pallas import tpu_sc as plsc

N, C, H, W = 2, 192, 128, 128
PH, PW = 7, 7
GH = GW = 2
K = 512
BINS = K * PH * PW
PAIRS = 16
SCALE = 0.25
NC, NS = 2, 16
NW = NC * NS
BPT = BINS // NW
G = 8
NG = BPT // G
CV = C // 16
CB = C // 32


def _tc_index_body(rois_ref, idx_ref, w_ref):
    r = rois_ref[...]
    b = r[:, 0:1].astype(jnp.int32)
    sw = r[:, 1:2] * SCALE - 0.5
    sh = r[:, 2:3] * SCALE - 0.5
    ew = r[:, 3:4] * SCALE - 0.5
    eh = r[:, 4:5] * SCALE - 0.5
    bin_w = (ew - sw) / PW
    bin_h = (eh - sh) / PH

    j2 = lax.broadcasted_iota(jnp.int32, (K, PAIRS * PH * PW), 1)
    binj = j2 >> 4
    corner = j2 & 3
    sidx = (j2 >> 2) & 3
    iy = (sidx >> 1).astype(jnp.float32)
    ix = (sidx & 1).astype(jnp.float32)
    ph = binj // PW
    pw = binj - ph * PW
    yf = sh + ph.astype(jnp.float32) * bin_h + (iy + 0.5) * bin_h * (1.0 / GH)
    xf = sw + pw.astype(jnp.float32) * bin_w + (ix + 0.5) * bin_w * (1.0 / GW)
    valid = (yf >= -1.0) & (yf <= H) & (xf >= -1.0) & (xf <= W)
    yc = jnp.maximum(yf, 0.0)
    xc = jnp.maximum(xf, 0.0)
    y_low = jnp.minimum(yc.astype(jnp.int32), H - 1)
    x_low = jnp.minimum(xc.astype(jnp.int32), W - 1)
    y_high = jnp.minimum(y_low + 1, H - 1)
    x_high = jnp.minimum(x_low + 1, W - 1)
    yc = jnp.where(y_low >= H - 1, y_low.astype(jnp.float32), yc)
    xc = jnp.where(x_low >= W - 1, x_low.astype(jnp.float32), xc)
    ly = yc - y_low.astype(jnp.float32)
    lx = xc - x_low.astype(jnp.float32)
    wy = jnp.where(corner < 2, 1.0 - ly, ly)
    wx = jnp.where((corner & 1) == 0, 1.0 - lx, lx)
    w = wy * wx * valid.astype(jnp.float32) * (1.0 / (GH * GW))
    rowsel = jnp.where(corner < 2, y_low, y_high)
    colsel = jnp.where((corner & 1) == 0, x_low, x_high)
    idx_ref[...] = b * (H * W) + rowsel * W + colsel
    wu = lax.bitcast_convert_type(w.astype(jnp.bfloat16), jnp.uint16)
    wu = wu.astype(jnp.uint32)
    w_ref[...] = (wu | (wu << 16)).astype(jnp.int32)


def _tc_indices(rois):
    return pl.pallas_call(
        _tc_index_body,
        out_shape=(
            jax.ShapeDtypeStruct((K, PAIRS * PH * PW), jnp.int32),
            jax.ShapeDtypeStruct((K, PAIRS * PH * PW), jnp.int32),
        ),
    )(rois)


def _lane_splat(v, lane):
    return lax.gather(
        v,
        jnp.full((16, 1), lane, jnp.int32),
        lax.GatherDimensionNumbers(
            offset_dims=(), collapsed_slice_dims=(0,), start_index_map=(0,)
        ),
        (1,),
        mode=lax.GatherScatterMode.PROMISE_IN_BOUNDS,
    )


def _sc_body(
    table, idx_hbm, w_hbm, out,
    idx_v0, idx_v1, w_v0, w_v1, rows_v0, rows_v1, out_v, sem0, sem1,
):
    wid = lax.axis_index("s") * NC + lax.axis_index("c")
    bin0 = wid * BPT
    idx_v = (idx_v0, idx_v1)
    w_v = (w_v0, w_v1)
    rows_v = (rows_v0, rows_v1)
    sem = (sem0, sem1)

    def issue(g, p):
        chunk0 = (bin0 + g * G) * PAIRS
        pltpu.sync_copy(idx_hbm.at[pl.ds(chunk0, G * PAIRS)], idx_v[p])
        pltpu.async_copy(table.at[idx_v[p]], rows_v[p], sem[p])
        pltpu.sync_copy(w_hbm.at[pl.ds(chunk0, G * PAIRS)], w_v[p])

    def compute(g, p):
        pltpu.make_async_copy(table.at[idx_v[p]], rows_v[p], sem[p]).wait()

        lanes2 = 2 * lax.broadcasted_iota(jnp.int32, (16,), 0)

        @pl.loop(0, G, unroll=2)
        def _bin(b):
            offs = b * PAIRS
            wall = w_v[p][pl.ds(offs, 16)]
            acc_e = [jnp.zeros((16,), jnp.float32) for _ in range(CB)]
            acc_o = [jnp.zeros((16,), jnp.float32) for _ in range(CB)]
            wspls = [
                plsc.bitcast(_lane_splat(wall, r), jnp.bfloat16)
                for r in range(PAIRS)
            ]
            for r4 in range(PAIRS // 4):
                prods = [[None] * 4 for _ in range(CB)]
                for rr in range(4):
                    r = r4 * 4 + rr
                    for col in range(CB):
                        chunk = rows_v[p][offs + r, pl.ds(col * 32, 32)]
                        prods[col][rr] = chunk * wspls[r]
                for col in range(CB):
                    q = prods[col]
                    lo, hi = plsc.unpack(
                        (q[0] + q[1]) + (q[2] + q[3]),
                        format=plsc.PackFormat.INTERLEAVED,
                    )
                    acc_e[col] = acc_e[col] + lo
                    acc_o[col] = acc_o[col] + hi
            brow = jnp.full((16,), b, jnp.int32)
            for col in range(CB):
                plsc.store_scatter(out_v, [brow, col * 32 + lanes2], acc_e[col])
                plsc.store_scatter(out_v, [brow, col * 32 + lanes2 + 1], acc_o[col])

        pltpu.sync_copy(out_v, out.at[pl.ds(bin0 + g * G, G)])

    issue(0, 0)

    @pl.loop(0, NG, step=2)
    def _group(g):
        issue(g + 1, 1)
        compute(g, 0)

        @pl.when(g + 2 < NG)
        def _():
            issue(g + 2, 0)

        compute(g + 1, 1)


@jax.jit
def _sc_gather(table, idx_flat, w_flat):
    mesh = plsc.VectorSubcoreMesh(
        core_axis_name="c", subcore_axis_name="s", num_cores=NC, num_subcores=NS
    )
    return pl.kernel(
        _sc_body,
        out_type=jax.ShapeDtypeStruct((BINS, C), jnp.float32),
        mesh=mesh,
        scratch_types=[
            pltpu.VMEM((G * PAIRS,), jnp.int32),
            pltpu.VMEM((G * PAIRS,), jnp.int32),
            pltpu.VMEM((G * PAIRS,), jnp.int32),
            pltpu.VMEM((G * PAIRS,), jnp.int32),
            pltpu.VMEM((G * PAIRS, C), jnp.bfloat16),
            pltpu.VMEM((G * PAIRS, C), jnp.bfloat16),
            pltpu.VMEM((G, C), jnp.float32),
            pltpu.SemaphoreType.DMA,
            pltpu.SemaphoreType.DMA,
        ],
        compiler_params=pltpu.CompilerParams(
            needs_layout_passes=False, use_tc_tiling_on_sc=False
        ),
    )(table, idx_flat, w_flat)


def kernel(input, rois):
    table = input.transpose(0, 2, 3, 1).reshape(N * H * W, C).astype(jnp.bfloat16)
    idx2, w2 = _tc_indices(rois)
    out = _sc_gather(table, idx2.reshape(-1), w2.reshape(-1))
    return out.reshape(K, PH * PW, C).transpose(0, 2, 1).reshape(K, C, PH, PW)

# --- scband reference (transcript-rebuilt; emitter-appended) ---
"""Pipeline reference for scband-ro-ialign-17678085390505 (READ-ONLY COPY).

The authoritative reference and input builder live on the scoring server;
editing this copy changes nothing except your own understanding.
"""

import jax, jax.numpy as jnp
import numpy as np

OUTPUT_SIZE = (7, 7)
SPATIAL_SCALE = 0.25
SAMPLING_RATIO = 2
ALIGNED = True


def setup_inputs(seed: int = 0) -> dict:
    key = jax.random.key(seed)
    k1, k2 = jax.random.split(key)
    x = jax.random.normal(k1, (2, 192, 128, 128), dtype=jnp.float32)
    u = jax.random.uniform(k2, (512, 5), dtype=jnp.float32)
    # build well-formed RoIs in image coordinates (512x512 image): [batch_idx, x1, y1, x2, y2]
    batch = jnp.floor(u[:, 0] * 2.0)
    x1 = u[:, 1] * 448.0
    y1 = u[:, 2] * 448.0
    x2 = x1 + u[:, 3] * (512.0 - x1)
    y2 = y1 + u[:, 4] * (512.0 - y1)
    rois = jnp.stack([batch, x1, y1, x2, y2], axis=1)
    return {"input": x, "rois": rois}


def _roi_align(x, rois, output_size, spatial_scale, sampling_ratio, aligned):
    N, C, H, W = x.shape
    PH, PW = output_size
    K = rois.shape[0]
    batch_idx = rois[:, 0].astype(jnp.int32)
    offset = 0.5 if aligned else 0.0
    sw = rois[:, 1] * spatial_scale - offset
    sh = rois[:, 2] * spatial_scale - offset
    ew = rois[:, 3] * spatial_scale - offset
    eh = rois[:, 4] * spatial_scale - offset
    roi_w = ew - sw
    roi_h = eh - sh
    if not aligned:
        roi_w = jnp.maximum(roi_w, 1.0)
        roi_h = jnp.maximum(roi_h, 1.0)
    bin_h = roi_h / PH
    bin_w = roi_w / PW
    gh = sampling_ratio
    gw = sampling_ratio
    iy = jnp.arange(gh, dtype=jnp.float32)
    ph = jnp.arange(PH, dtype=jnp.float32)
    ys = sh[:, None, None] + ph[None, :, None] * bin_h[:, None, None] + (iy[None, None, :] + 0.5) * bin_h[:, None, None] / gh
    ix = jnp.arange(gw, dtype=jnp.float32)
    pw = jnp.arange(PW, dtype=jnp.float32)
    xs = sw[:, None, None] + pw[None, :, None] * bin_w[:, None, None] + (ix[None, None, :] + 0.5) * bin_w[:, None, None] / gw
    y = jnp.broadcast_to(ys[:, :, None, :, None], (K, PH, PW, gh, gw)).reshape(K, -1)
    xq = jnp.broadcast_to(xs[:, None, :, None, :], (K, PH, PW, gh, gw)).reshape(K, -1)
    valid = (y >= -1.0) & (y <= H) & (xq >= -1.0) & (xq <= W)
    yc = jnp.clip(y, 0.0, None)
    xc = jnp.clip(xq, 0.0, None)
    y_low = jnp.clip(jnp.floor(yc).astype(jnp.int32), 0, H - 1)
    x_low = jnp.clip(jnp.floor(xc).astype(jnp.int32), 0, W - 1)
    y_high = jnp.minimum(y_low + 1, H - 1)
    x_high = jnp.minimum(x_low + 1, W - 1)
    yc = jnp.where(y_low >= H - 1, y_low.astype(jnp.float32), yc)
    xc = jnp.where(x_low >= W - 1, x_low.astype(jnp.float32), xc)
    ly = yc - y_low
    lx = xc - x_low
    hy = 1.0 - ly
    hx = 1.0 - lx
    vm = valid.astype(jnp.float32)
    w1 = hy * hx * vm
    w2 = hy * lx * vm
    w3 = ly * hx * vm
    w4 = ly * lx * vm
    b = batch_idx[:, None]

    def g(yi, xi):
        # gather -> [K, P, C]
        return x[b, :, yi, xi]

    acc = w1[:, :, None] * g(y_low, x_low)
    acc = acc + w2[:, :, None] * g(y_low, x_high)
    acc = acc + w3[:, :, None] * g(y_high, x_low)
    acc = acc + w4[:, :, None] * g(y_high, x_high)
    out = acc.reshape(K, PH, PW, gh, gw, C).mean(axis=(3, 4))
    return jnp.transpose(out, (0, 3, 1, 2))


def reference(input, rois):
    return _roi_align(input, rois, OUTPUT_SIZE, SPATIAL_SCALE, SAMPLING_RATIO, ALIGNED)

if __name__ == "__main__":
    import jax
    _d = setup_inputs()
    print(jax.jit(kernel)(*tuple(_d.values())))

</pallas_src>

<mosaic_0001>
#map = affine_map<(d0, d1) -> (0, 0)>
#map1 = affine_map<(d0, d1) -> (0)>
module attributes {stable_mosaic.version = 14 : i64} {
  func.func @_sc_body(%arg0: i32, %arg1: i32, %arg2: memref<32768x192xbf16, #tpu.memory_space<hbm>>, %arg3: memref<401408xi32, #tpu.memory_space<hbm>>, %arg4: memref<401408xi32, #tpu.memory_space<hbm>>, %arg5: memref<25088x192xf32, #tpu.memory_space<hbm>>, %arg6: memref<128xi32, #tpu.memory_space<vmem>>, %arg7: memref<128xi32, #tpu.memory_space<vmem>>, %arg8: memref<128xi32, #tpu.memory_space<vmem>>, %arg9: memref<128xi32, #tpu.memory_space<vmem>>, %arg10: memref<128x192xbf16, #tpu.memory_space<vmem>>, %arg11: memref<128x192xbf16, #tpu.memory_space<vmem>>, %arg12: memref<8x192xf32, #tpu.memory_space<vmem>>, %arg13: memref<!tpu.dma_semaphore, #tpu.memory_space<semaphore_mem>>, %arg14: memref<!tpu.dma_semaphore, #tpu.memory_space<semaphore_mem>>) attributes {dimension_semantics = [#tpu.dimension_semantics<core_parallel>, #tpu.dimension_semantics<subcore_parallel>], iteration_bounds = array<i64: 2, 16>, scalar_prefetch = 0 : i64, scratch_operands = 9 : i64, tpu.core_type = #tpu.core_type<sc_vector_subcore>, window_params = [{transform_indices = #map}, {transform_indices = #map1}, {transform_indices = #map1}, {transform_indices = #map}]} {
    %mul3A = arith.constant 2 : i32
    %mul3A_0 = arith.muli %arg1, %mul3A : i32
    %add3A = arith.addi %mul3A_0, %arg0 : i32
    %mul3A_1 = arith.constant 784 : i32
    %mul3A_2 = arith.muli %add3A, %mul3A_1 : i32
    %add3A_3 = arith.constant 0 : i32
    %add3A_4 = arith.addi %mul3A_2, %add3A_3 : i32
    %mul3A_5 = arith.constant 16 : i32
    %mul3A_6 = arith.muli %add3A_4, %mul3A_5 : i32
    "tpu.region"() ({
      %run_scoped3A = tpu.sem_alloc : memref<!tpu.dma_semaphore, #tpu.memory_space<semaphore_mem>>
      %dma_start3A_13 = tpu.memref_slice %arg3[%mul3A_6] : memref<401408xi32, #tpu.memory_space<hbm>> -> memref<128xi32, #tpu.memory_space<hbm>>
      %dma_start3A_14 = tpu.memref_slice %arg3[%mul3A_6] : memref<401408xi32, #tpu.memory_space<hbm>> -> memref<128xi32, #tpu.memory_space<hbm>>
      tpu.enqueue_dma source(%dma_start3A_14 : memref<128xi32, #tpu.memory_space<hbm>>) target(%arg6 : memref<128xi32, #tpu.memory_space<vmem>>) target_semaphore(%run_scoped3A : memref<!tpu.dma_semaphore, #tpu.memory_space<semaphore_mem>>)
      %dma_wait3A = tpu.memref_slice %arg3[%mul3A_6] : memref<401408xi32, #tpu.memory_space<hbm>> -> memref<128xi32, #tpu.memory_space<hbm>>
      %dma_wait3A_15 = tpu.memref_slice %arg3[%mul3A_6] : memref<401408xi32, #tpu.memory_space<hbm>> -> memref<128xi32, #tpu.memory_space<hbm>>
      tpu.wait_dma2 semaphore(%run_scoped3A : memref<!tpu.dma_semaphore, #tpu.memory_space<semaphore_mem>>) src(%dma_wait3A_15 : memref<128xi32, #tpu.memory_space<hbm>>) dst(%arg6 : memref<128xi32, #tpu.memory_space<vmem>>)
      tpu.yield
    }) : () -> ()
    %dma_start3A = arith.constant 0 : i32
    %dma_start3A_7 = arith.constant 0 : i32
    %dma_start3A_8 = tpu.memref_slice %arg2[%dma_start3A, %dma_start3A_7] : memref<32768x192xbf16, #tpu.memory_space<hbm>> -> memref<32768x192xbf16, #tpu.memory_space<hbm>>
    tpu.enqueue_indirect_dma source(%dma_start3A_8 : memref<32768x192xbf16, #tpu.memory_space<hbm>>) target(%arg10 : memref<128x192xbf16, #tpu.memory_space<vmem>>) offsets(%arg6 : memref<128xi32, #tpu.memory_space<vmem>>) semaphore(%arg13 : memref<!tpu.dma_semaphore, #tpu.memory_space<semaphore_mem>>)
    "tpu.region"() ({
      %run_scoped3A = tpu.sem_alloc : memref<!tpu.dma_semaphore, #tpu.memory_space<semaphore_mem>>
      %dma_start3A_13 = tpu.memref_slice %arg4[%mul3A_6] : memref<401408xi32, #tpu.memory_space<hbm>> -> memref<128xi32, #tpu.memory_space<hbm>>
      %dma_start3A_14 = tpu.memref_slice %arg4[%mul3A_6] : memref<401408xi32, #tpu.memory_space<hbm>> -> memref<128xi32, #tpu.memory_space<hbm>>
      tpu.enqueue_dma source(%dma_start3A_14 : memref<128xi32, #tpu.memory_space<hbm>>) target(%arg8 : memref<128xi32, #tpu.memory_space<vmem>>) target_semaphore(%run_scoped3A : memref<!tpu.dma_semaphore, #tpu.memory_space<semaphore_mem>>)
      %dma_wait3A = tpu.memref_slice %arg4[%mul3A_6] : memref<401408xi32, #tpu.memory_space<hbm>> -> memref<128xi32, #tpu.memory_space<hbm>>
      %dma_wait3A_15 = tpu.memref_slice %arg4[%mul3A_6] : memref<401408xi32, #tpu.memory_space<hbm>> -> memref<128xi32, #tpu.memory_space<hbm>>
      tpu.wait_dma2 semaphore(%run_scoped3A : memref<!tpu.dma_semaphore, #tpu.memory_space<semaphore_mem>>) src(%dma_wait3A_15 : memref<128xi32, #tpu.memory_space<hbm>>) dst(%arg8 : memref<128xi32, #tpu.memory_space<vmem>>)
      tpu.yield
    }) : () -> ()
    %scan3A = arith.constant 0 : i32
    %scan3A_9 = arith.constant 49 : i32
    %scan3A_10 = arith.addi %scan3A, %scan3A_9 : i32
    %scan3A_11 = arith.constant 1 : i32
    scf.for %scan3A_13 = %scan3A to %scan3A_10 step %scan3A_11  : i32 {
      %mul3A_14 = arith.constant 2 : i32
      %mul3A_15 = arith.muli %scan3A_13, %mul3A_14 : i32
      %add3A_16 = arith.constant 0 : i32
      %add3A_17 = arith.addi %add3A_16, %mul3A_15 : i32
      %add3A_18 = arith.constant 1 : i32
      %add3A_19 = arith.addi %add3A_17, %add3A_18 : i32
      %mul3A_20 = arith.constant 8 : i32
      %mul3A_21 = arith.muli %add3A_19, %mul3A_20 : i32
      %add3A_22 = arith.addi %mul3A_2, %mul3A_21 : i32
      %mul3A_23 = arith.constant 16 : i32
      %mul3A_24 = arith.muli %add3A_22, %mul3A_23 : i32
      "tpu.region"() ({
        %run_scoped3A = tpu.sem_alloc : memref<!tpu.dma_semaphore, #tpu.memory_space<semaphore_mem>>
        %dma_start3A_62 = tpu.memref_slice %arg3[%mul3A_24] : memref<401408xi32, #tpu.memory_space<hbm>> -> memref<128xi32, #tpu.memory_space<hbm>>
        %dma_start3A_63 = tpu.memref_slice %arg3[%mul3A_24] : memref<401408xi32, #tpu.memory_space<hbm>> -> memref<128xi32, #tpu.memory_space<hbm>>
        tpu.enqueue_dma source(%dma_start3A_63 : memref<128xi32, #tpu.memory_space<hbm>>) target(%arg7 : memref<128xi32, #tpu.memory_space<vmem>>) target_semaphore(%run_scoped3A : memref<!tpu.dma_semaphore, #tpu.memory_space<semaphore_mem>>)
        %dma_wait3A_64 = tpu.memref_slice %arg3[%mul3A_24] : memref<401408xi32, #tpu.memory_space<hbm>> -> memref<128xi32, #tpu.memory_space<hbm>>
        %dma_wait3A_65 = tpu.memref_slice %arg3[%mul3A_24] : memref<401408xi32, #tpu.memory_space<hbm>> -> memref<128xi32, #tpu.memory_space<hbm>>
        tpu.wait_dma2 semaphore(%run_scoped3A : memref<!tpu.dma_semaphore, #tpu.memory_space<semaphore_mem>>) src(%dma_wait3A_65 : memref<128xi32, #tpu.memory_space<hbm>>) dst(%arg7 : memref<128xi32, #tpu.memory_space<vmem>>)
        tpu.yield
      }) : () -> ()
      %dma_start3A_25 = arith.constant 0 : i32
      %dma_start3A_26 = arith.constant 0 : i32
      %dma_start3A_27 = tpu.memref_slice %arg2[%dma_start3A_25, %dma_start3A_26] : memref<32768x192xbf16, #tpu.memory_space<hbm>> -> memref<32768x192xbf16, #tpu.memory_space<hbm>>
      tpu.enqueue_indirect_dma source(%dma_start3A_27 : memref<32768x192xbf16, #tpu.memory_space<hbm>>) target(%arg11 : memref<128x192xbf16, #tpu.memory_space<vmem>>) offsets(%arg7 : memref<128xi32, #tpu.memory_space<vmem>>) semaphore(%arg14 : memref<!tpu.dma_semaphore, #tpu.memory_space<semaphore_mem>>)
      "tpu.region"() ({
        %run_scoped3A = tpu.sem_alloc : memref<!tpu.dma_semaphore, #tpu.memory_space<semaphore_mem>>
        %dma_start3A_62 = tpu.memref_slice %arg4[%mul3A_24] : memref<401408xi32, #tpu.memory_space<hbm>> -> memref<128xi32, #tpu.memory_space<hbm>>
        %dma_start3A_63 = tpu.memref_slice %arg4[%mul3A_24] : memref<401408xi32, #tpu.memory_space<hbm>> -> memref<128xi32, #tpu.memory_space<hbm>>
        tpu.enqueue_dma source(%dma_start3A_63 : memref<128xi32, #tpu.memory_space<hbm>>) target(%arg9 : memref<128xi32, #tpu.memory_space<vmem>>) target_semaphore(%run_scoped3A : memref<!tpu.dma_semaphore, #tpu.memory_space<semaphore_mem>>)
        %dma_wait3A_64 = tpu.memref_slice %arg4[%mul3A_24] : memref<401408xi32, #tpu.memory_space<hbm>> -> memref<128xi32, #tpu.memory_space<hbm>>
        %dma_wait3A_65 = tpu.memref_slice %arg4[%mul3A_24] : memref<401408xi32, #tpu.memory_space<hbm>> -> memref<128xi32, #tpu.memory_space<hbm>>
        tpu.wait_dma2 semaphore(%run_scoped3A : memref<!tpu.dma_semaphore, #tpu.memory_space<semaphore_mem>>) src(%dma_wait3A_65 : memref<128xi32, #tpu.memory_space<hbm>>) dst(%arg9 : memref<128xi32, #tpu.memory_space<vmem>>)
        tpu.yield
      }) : () -> ()
      %dma_wait3A = arith.constant 0 : i32
      %dma_wait3A_28 = arith.constant 0 : i32
      %dma_wait3A_29 = tpu.memref_slice %arg2[%dma_wait3A, %dma_wait3A_28] : memref<32768x192xbf16, #tpu.memory_space<hbm>> -> memref<32768x192xbf16, #tpu.memory_space<hbm>>
      tpu.wait_indirect_dma semaphore(%arg13 : memref<!tpu.dma_semaphore, #tpu.memory_space<semaphore_mem>>) src(%dma_wait3A_29 : memref<32768x192xbf16, #tpu.memory_space<hbm>>) dst(%arg10 : memref<128x192xbf16, #tpu.memory_space<vmem>>)
      %iota3A = tpu.iota {dimensions = array<i32: 0>} : vector<16xi32>
      %mul3A_30 = arith.constant 2 : i32
      %mul3A_31 = vector.broadcast %mul3A_30 : i32 to vector<16xi32>
      %mul3A_32 = arith.muli %mul3A_31, %iota3A : vector<16xi32>
      %scan3A_33 = arith.constant 0 : i32
      %scan3A_34 = arith.constant 8 : i32
      %scan3A_35 = arith.addi %scan3A_33, %scan3A_34 : i32
      %scan3A_36 = arith.constant 2 : i32
      scf.for %scan3A_62 = %scan3A_33 to %scan3A_35 step %scan3A_36  : i32 {
        %mul3A_63 = arith.constant 1 : i32
        %mul3A_64 = arith.muli %scan3A_62, %mul3A_63 : i32
        %add3A_65 = arith.constant 0 : i32
        %add3A_66 = arith.addi %add3A_65, %mul3A_64 : i32
        %mul3A_67 = arith.constant 16 : i32
        %mul3A_68 = arith.muli %add3A_66, %mul3A_67 : i32
        %get3A = arith.index_cast %mul3A_68 : i32 to index
        %get3A_69 = tpu.vector_load %arg8[%get3A] {strides = array<i32>} : memref<128xi32, #tpu.memory_space<vmem>>, vector<16xi32>,
        %broadcast_in_dim3A = arith.constant 0.000000e+00 : f32
        %broadcast_in_dim3A_70 = vector.broadcast %broadcast_in_dim3A : f32 to vector<16xf32>
        %broadcast_in_dim3A_71 = arith.constant 0.000000e+00 : f32
        %broadcast_in_dim3A_72 = vector.broadcast %broadcast_in_dim3A_71 : f32 to vector<16xf32>
        %broadcast_in_dim3A_73 = arith.constant 0.000000e+00 : f32
        %broadcast_in_dim3A_74 = vector.broadcast %broadcast_in_dim3A_73 : f32 to vector<16xf32>
        %broadcast_in_dim3A_75 = arith.constant 0.000000e+00 : f32
        %broadcast_in_dim3A_76 = vector.broadcast %broadcast_in_dim3A_75 : f32 to vector<16xf32>
        %broadcast_in_dim3A_77 = arith.constant 0.000000e+00 : f32
        %broadcast_in_dim3A_78 = vector.broadcast %broadcast_in_dim3A_77 : f32 to vector<16xf32>
        %broadcast_in_dim3A_79 = arith.constant 0.000000e+00 : f32
        %broadcast_in_dim3A_80 = vector.broadcast %broadcast_in_dim3A_79 : f32 to vector<16xf32>
        %broadcast_in_dim3A_81 = arith.constant 0.000000e+00 : f32
        %broadcast_in_dim3A_82 = vector.broadcast %broadcast_in_dim3A_81 : f32 to vector<16xf32>
        %broadcast_in_dim3A_83 = arith.constant 0.000000e+00 : f32
        %broadcast_in_dim3A_84 = vector.broadcast %broadcast_in_dim3A_83 : f32 to vector<16xf32>
        %broadcast_in_dim3A_85 = arith.constant 0.000000e+00 : f32
        %broadcast_in_dim3A_86 = vector.broadcast %broadcast_in_dim3A_85 : f32 to vector<16xf32>
        %broadcast_in_dim3A_87 = arith.constant 0.000000e+00 : f32
        %broadcast_in_dim3A_88 = vector.broadcast %broadcast_in_dim3A_87 : f32 to vector<16xf32>
        %broadcast_in_dim3A_89 = arith.constant 0.000000e+00 : f32
        %broadcast_in_dim3A_90 = vector.broadcast %broadcast_in_dim3A_89 : f32 to vector<16xf32>
        %broadcast_in_dim3A_91 = arith.constant 0.000000e+00 : f32
        %broadcast_in_dim3A_92 = vector.broadcast %broadcast_in_dim3A_91 : f32 to vector<16xf32>
        %broadcast_in_dim3A_93 = arith.constant 0 : i32
        %broadcast_in_dim3A_94 = vector.broadcast %broadcast_in_dim3A_93 : i32 to vector<16x1xi32>
        %gather3A = vector.shape_cast %broadcast_in_dim3A_94 : vector<16x1xi32> to vector<16xi32>
        %gather3A_95 = tpu.dynamic_gather %get3A_69[%gather3A] in [0] : vector<16xi32>, vector<16xi32> -> vector<16xi32>
        %bitcast3A = vector.bitcast %gather3A_95 : vector<16xi32> to vector<32xbf16>
        %broadcast_in_dim3A_96 = arith.constant 1 : i32
        %broadcast_in_dim3A_97 = vector.broadcast %broadcast_in_dim3A_96 : i32 to vector<16x1xi32>
        %gather3A_98 = vector.shape_cast %broadcast_in_dim3A_97 : vector<16x1xi32> to vector<16xi32>
        %gather3A_99 = tpu.dynamic_gather %get3A_69[%gather3A_98] in [0] : vector<16xi32>, vector<16xi32> -> vector<16xi32>
        %bitcast3A_100 = vector.bitcast %gather3A_99 : vector<16xi32> to vector<32xbf16>
        %broadcast_in_dim3A_101 = arith.constant 2 : i32
        %broadcast_in_dim3A_102 = vector.broadcast %broadcast_in_dim3A_101 : i32 to vector<16x1xi32>
        %gather3A_103 = vector.shape_cast %broadcast_in_dim3A_102 : vector<16x1xi32> to vector<16xi32>
        %gather3A_104 = tpu.dynamic_gather %get3A_69[%gather3A_103] in [0] : vector<16xi32>, vector<16xi32> -> vector<16xi32>
        %bitcast3A_105 = vector.bitcast %gather3A_104 : vector<16xi32> to vector<32xbf16>
        %broadcast_in_dim3A_106 = arith.constant 3 : i32
        %broadcast_in_dim3A_107 = vector.broadcast %broadcast_in_dim3A_106 : i32 to vector<16x1xi32>
        %gather3A_108 = vector.shape_cast %broadcast_in_dim3A_107 : vector<16x1xi32> to vector<16xi32>
        %gather3A_109 = tpu.dynamic_gather %get3A_69[%gather3A_108] in [0] : vector<16xi32>, vector<16xi32> -> vector<16xi32>
        %bitcast3A_110 = vector.bitcast %gather3A_109 : vector<16xi32> to vector<32xbf16>
        %broadcast_in_dim3A_111 = arith.constant 4 : i32
        %broadcast_in_dim3A_112 = vector.broadcast %broadcast_in_dim3A_111 : i32 to vector<16x1xi32>
        %gather3A_113 = vector.shape_cast %broadcast_in_dim3A_112 : vector<16x1xi32> to vector<16xi32>
        %gather3A_114 = tpu.dynamic_gather %get3A_69[%gather3A_113] in [0] : vector<16xi32>, vector<16xi32> -> vector<16xi32>
        %bitcast3A_115 = vector.bitcast %gather3A_114 : vector<16xi32> to vector<32xbf16>
        %broadcast_in_dim3A_116 = arith.constant 5 : i32
        %broadcast_in_dim3A_117 = vector.broadcast %broadcast_in_dim3A_116 : i32 to vector<16x1xi32>
        %gather3A_118 = vector.shape_cast %broadcast_in_dim3A_117 : vector<16x1xi32> to vector<16xi32>
        %gather3A_119 = tpu.dynamic_gather %get3A_69[%gather3A_118] in [0] : vector<16xi32>, vector<16xi32> -> vector<16xi32>
        %bitcast3A_120 = vector.bitcast %gather3A_119 : vector<16xi32> to vector<32xbf16>
        %broadcast_in_dim3A_121 = arith.constant 6 : i32
        %broadcast_in_dim3A_122 = vector.broadcast %broadcast_in_dim3A_121 : i32 to vector<16x1xi32>
        %gather3A_123 = vector.shape_cast %broadcast_in_dim3A_122 : vector<16x1xi32> to vector<16xi32>
        %gather3A_124 = tpu.dynamic_gather %get3A_69[%gather3A_123] in [0] : vector<16xi32>, vector<16xi32> -> vector<16xi32>
        %bitcast3A_125 = vector.bitcast %gather3A_124 : vector<16xi32> to vector<32xbf16>
        %broadcast_in_dim3A_126 = arith.constant 7 : i32
        %broadcast_in_dim3A_127 = vector.broadcast %broadcast_in_dim3A_126 : i32 to vector<16x1xi32>
        %gather3A_128 = vector.shape_cast %broadcast_in_dim3A_127 : vector<16x1xi32> to vector<16xi32>
        %gather3A_129 = tpu.dynamic_gather %get3A_69[%gather3A_128] in [0] : vector<16xi32>, vector<16xi32> -> vector<16xi32>
        %bitcast3A_130 = vector.bitcast %gather3A_129 : vector<16xi32> to vector<32xbf16>
        %broadcast_in_dim3A_131 = arith.constant 8 : i32
        %broadcast_in_dim3A_132 = vector.broadcast %broadcast_in_dim3A_131 : i32 to vector<16x1xi32>
        %gather3A_133 = vector.shape_cast %broadcast_in_dim3A_132 : vector<16x1xi32> to vector<16xi32>
        %gather3A_134 = tpu.dynamic_gather %get3A_69[%gather3A_133] in [0] : vector<16xi32>, vector<16xi32> -> vector<16xi32>
        %bitcast3A_135 = vector.bitcast %gather3A_134 : vector<16xi32> to vector<32xbf16>
        %broadcast_in_dim3A_136 = arith.constant 9 : i32
        %broadcast_in_dim3A_137 = vector.broadcast %broadcast_in_dim3A_136 : i32 to vector<16x1xi32>
        %gather3A_138 = vector.shape_cast %broadcast_in_dim3A_137 : vector<16x1xi32> to vector<16xi32>
        %gather3A_139 = tpu.dynamic_gather %get3A_69[%gather3A_138] in [0] : vector<16xi32>, vector<16xi32> -> vector<16xi32>
        %bitcast3A_140 = vector.bitcast %gather3A_139 : vector<16xi32> to vector<32xbf16>
        %broadcast_in_dim3A_141 = arith.constant 10 : i32
        %broadcast_in_dim3A_142 = vector.broadcast %broadcast_in_dim3A_141 : i32 to vector<16x1xi32>
        %gather3A_143 = vector.shape_cast %broadcast_in_dim3A_142 : vector<16x1xi32> to vector<16xi32>
        %gather3A_144 = tpu.dynamic_gather %get3A_69[%gather3A_143] in [0] : vector<16xi32>, vector<16xi32> -> vector<16xi32>
        %bitcast3A_145 = vector.bitcast %gather3A_144 : vector<16xi32> to vector<32xbf16>
        %broadcast_in_dim3A_146 = arith.constant 11 : i32
        %broadcast_in_dim3A_147 = vector.broadcast %broadcast_in_dim3A_146 : i32 to vector<16x1xi32>
        %gather3A_148 = vector.shape_cast %broadcast_in_dim3A_147 : vector<16x1xi32> to vector<16xi32>
        %gather3A_149 = tpu.dynamic_gather %get3A_69[%gather3A_148] in [0] : vector<16xi32>, vector<16xi32> -> vector<16xi32>
        %bitcast3A_150 = vector.bitcast %gather3A_149 : vector<16xi32> to vector<32xbf16>
        %broadcast_in_dim3A_151 = arith.constant 12 : i32
        %broadcast_in_dim3A_152 = vector.broadcast %broadcast_in_dim3A_151 : i32 to vector<16x1xi32>
        %gather3A_153 = vector.shape_cast %broadcast_in_dim3A_152 : vector<16x1xi32> to vector<16xi32>
        %gather3A_154 = tpu.dynamic_gather %get3A_69[%gather3A_153] in [0] : vector<16xi32>, vector<16xi32> -> vector<16xi32>
        %bitcast3A_155 = vector.bitcast %gather3A_154 : vector<16xi32> to vector<32xbf16>
        %broadcast_in_dim3A_156 = arith.constant 13 : i32
        %broadcast_in_dim3A_157 = vector.broadcast %broadcast_in_dim3A_156 : i32 to vector<16x1xi32>
        %gather3A_158 = vector.shape_cast %broadcast_in_dim3A_157 : vector<16x1xi32> to vector<16xi32>
        %gather3A_159 = tpu.dynamic_gather %get3A_69[%gather3A_158] in [0] : vector<16xi32>, vector<16xi32> -> vector<16xi32>
        %bitcast3A_160 = vector.bitcast %gather3A_159 : vector<16xi32> to vector<32xbf16>
        %broadcast_in_dim3A_161 = arith.constant 14 : i32
        %broadcast_in_dim3A_162 = vector.broadcast %broadcast_in_dim3A_161 : i32 to vector<16x1xi32>
        %gather3A_163 = vector.shape_cast %broadcast_in_dim3A_162 : vector<16x1xi32> to vector<16xi32>
        %gather3A_164 = tpu.dynamic_gather %get3A_69[%gather3A_163] in [0] : vector<16xi32>, vector<16xi32> -> vector<16xi32>
        %bitcast3A_165 = vector.bitcast %gather3A_164 : vector<16xi32> to vector<32xbf16>
        %broadcast_in_dim3A_166 = arith.constant 15 : i32
        %broadcast_in_dim3A_167 = vector.broadcast %broadcast_in_dim3A_166 : i32 to vector<16x1xi32>
        %gather3A_168 = vector.shape_cast %broadcast_in_dim3A_167 : vector<16x1xi32> to vector<16xi32>
        %gather3A_169 = tpu.dynamic_gather %get3A_69[%gather3A_168] in [0] : vector<16xi32>, vector<16xi32> -> vector<16xi32>
        %bitcast3A_170 = vector.bitcast %gather3A_169 : vector<16xi32> to vector<32xbf16>
        %add3A_171 = arith.constant 0 : i32
        %add3A_172 = arith.addi %mul3A_68, %add3A_171 : i32
        %get3A_173 = arith.index_cast %add3A_172 : i32 to index
        %get3A_174 = arith.constant 0 : index
        %get3A_175 = tpu.vector_load %arg10[%get3A_173, %get3A_174] {strides = array<i32>} : memref<128x192xbf16, #tpu.memory_space<vmem>>, vector<32xbf16>,
        %mul3A_176 = arith.mulf %get3A_175, %bitcast3A : vector<32xbf16>
        %add3A_177 = arith.constant 0 : i32
        %add3A_178 = arith.addi %mul3A_68, %add3A_177 : i32
        %get3A_179 = arith.index_cast %add3A_178 : i32 to index
        %get3A_180 = arith.constant 32 : index
        %get3A_181 = tpu.vector_load %arg10[%get3A_179, %get3A_180] {strides = array<i32>} : memref<128x192xbf16, #tpu.memory_space<vmem>>, vector<32xbf16>,
        %mul3A_182 = arith.mulf %get3A_181, %bitcast3A : vector<32xbf16>
        %add3A_183 = arith.constant 0 : i32
        %add3A_184 = arith.addi %mul3A_68, %add3A_183 : i32
        %get3A_185 = arith.index_cast %add3A_184 : i32 to index
        %get3A_186 = arith.constant 64 : index
        %get3A_187 = tpu.vector_load %arg10[%get3A_185, %get3A_186] {strides = array<i32>} : memref<128x192xbf16, #tpu.memory_space<vmem>>, vector<32xbf16>,
        %mul3A_188 = arith.mulf %get3A_187, %bitcast3A : vector<32xbf16>
        %add3A_189 = arith.constant 0 : i32
        %add3A_190 = arith.addi %mul3A_68, %add3A_189 : i32
        %get3A_191 = arith.index_cast %add3A_190 : i32 to index
        %get3A_192 = arith.constant 96 : index
        %get3A_193 = tpu.vector_load %arg10[%get3A_191, %get3A_192] {strides = array<i32>} : memref<128x192xbf16, #tpu.memory_space<vmem>>, vector<32xbf16>,
        %mul3A_194 = arith.mulf %get3A_193, %bitcast3A : vector<32xbf16>
        %add3A_195 = arith.constant 0 : i32
        %add3A_196 = arith.addi %mul3A_68, %add3A_195 : i32
        %get3A_197 = arith.index_cast %add3A_196 : i32 to index
        %get3A_198 = arith.constant 128 : index
        %get3A_199 = tpu.vector_load %arg10[%get3A_197, %get3A_198] {strides = array<i32>} : memref<128x192xbf16, #tpu.memory_space<vmem>>, vector<32xbf16>,
        %mul3A_200 = arith.mulf %get3A_199, %bitcast3A : vector<32xbf16>
        %add3A_201 = arith.constant 0 : i32
        %add3A_202 = arith.addi %mul3A_68, %add3A_201 : i32
        %get3A_203 = arith.index_cast %add3A_202 : i32 to index
        %get3A_204 = arith.constant 160 : index
        %get3A_205 = tpu.vector_load %arg10[%get3A_203, %get3A_204] {strides = array<i32>} : memref<128x192xbf16, #tpu.memory_space<vmem>>, vector<32xbf16>,
        %mul3A_206 = arith.mulf %get3A_205, %bitcast3A : vector<32xbf16>
        %add3A_207 = arith.constant 1 : i32
        %add3A_208 = arith.addi %mul3A_68, %add3A_207 : i32
        %get3A_209 = arith.index_cast %add3A_208 : i32 to index
        %get3A_210 = arith.constant 0 : index
        %get3A_211 = tpu.vector_load %arg10[%get3A_209, %get3A_210] {strides = array<i32>} : memref<128x192xbf16, #tpu.memory_space<vmem>>, vector<32xbf16>,
        %mul3A_212 = arith.mulf %get3A_211, %bitcast3A_100 : vector<32xbf16>
        %add3A_213 = arith.constant 1 : i32
        %add3A_214 = arith.addi %mul3A_68, %add3A_213 : i32
        %get3A_215 = arith.index_cast %add3A_214 : i32 to index
        %get3A_216 = arith.constant 32 : index
        %get3A_217 = tpu.vector_load %arg10[%get3A_215, %get3A_216] {strides = array<i32>} : memref<128x192xbf16, #tpu.memory_space<vmem>>, vector<32xbf16>,
        %mul3A_218 = arith.mulf %get3A_217, %bitcast3A_100 : vector<32xbf16>
        %add3A_219 = arith.constant 1 : i32
        %add3A_220 = arith.addi %mul3A_68, %add3A_219 : i32
        %get3A_221 = arith.index_cast %add3A_220 : i32 to index
        %get3A_222 = arith.constant 64 : index
        %get3A_223 = tpu.vector_load %arg10[%get3A_221, %get3A_222] {strides = array<i32>} : memref<128x192xbf16, #tpu.memory_space<vmem>>, vector<32xbf16>,
        %mul3A_224 = arith.mulf %get3A_223, %bitcast3A_100 : vector<32xbf16>
        %add3A_225 = arith.constant 1 : i32
        %add3A_226 = arith.addi %mul3A_68, %add3A_225 : i32
        %get3A_227 = arith.index_cast %add3A_226 : i32 to index
        %get3A_228 = arith.constant 96 : index
        %get3A_229 = tpu.vector_load %arg10[%get3A_227, %get3A_228] {strides = array<i32>} : memref<128x192xbf16, #tpu.memory_space<vmem>>, vector<32xbf16>,
        %mul3A_230 = arith.mulf %get3A_229, %bitcast3A_100 : vector<32xbf16>
        %add3A_231 = arith.constant 1 : i32
        %add3A_232 = arith.addi %mul3A_68, %add3A_231 : i32
        %get3A_233 = arith.index_cast %add3A_232 : i32 to index
        %get3A_234 = arith.constant 128 : index
        %get3A_235 = tpu.vector_load %arg10[%get3A_233, %get3A_234] {strides = array<i32>} : memref<128x192xbf16, #tpu.memory_space<vmem>>, vector<32xbf16>,
        %mul3A_236 = arith.mulf %get3A_235, %bitcast3A_100 : vector<32xbf16>
        %add3A_237 = arith.constant 1 : i32
        %add3A_238 = arith.addi %mul3A_68, %add3A_237 : i32
        %get3A_239 = arith.index_cast %add3A_238 : i32 to index
        %get3A_240 = arith.constant 160 : index
        %get3A_241 = tpu.vector_load %arg10[%get3A_239, %get3A_240] {strides = array<i32>} : memref<128x192xbf16, #tpu.memory_space<vmem>>, vector<32xbf16>,
        %mul3A_242 = arith.mulf %get3A_241, %bitcast3A_100 : vector<32xbf16>
        %add3A_243 = arith.constant 2 : i32
        %add3A_244 = arith.addi %mul3A_68, %add3A_243 : i32
        %get3A_245 = arith.index_cast %add3A_244 : i32 to index
        %get3A_246 = arith.constant 0 : index
        %get3A_247 = tpu.vector_load %arg10[%get3A_245, %get3A_246] {strides = array<i32>} : memref<128x192xbf16, #tpu.memory_space<vmem>>, vector<32xbf16>,
        %mul3A_248 = arith.mulf %get3A_247, %bitcast3A_105 : vector<32xbf16>
        %add3A_249 = arith.constant 2 : i32
        %add3A_250 = arith.addi %mul3A_68, %add3A_249 : i32
        %get3A_251 = arith.index_cast %add3A_250 : i32 to index
        %get3A_252 = arith.constant 32 : index
        %get3A_253 = tpu.vector_load %arg10[%get3A_251, %get3A_252] {strides = array<i32>} : memref<128x192xbf16, #tpu.memory_space<vmem>>, vector<32xbf16>,
        %mul3A_254 = arith.mulf %get3A_253, %bitcast3A_105 : vector<32xbf16>
        %add3A_255 = arith.constant 2 : i32
        %add3A_256 = arith.addi %mul3A_68, %add3A_255 : i32
        %get3A_257 = arith.index_cast %add3A_256 : i32 to index
        %get3A_258 = arith.constant 64 : index
        %get3A_259 = tpu.vector_load %arg10[%get3A_257, %get3A_258] {strides = array<i32>} : memref<128x192xbf16, #tpu.memory_space<vmem>>, vector<32xbf16>,
        %mul3A_260 = arith.mulf %get3A_259, %bitcast3A_105 : vector<32xbf16>
        %add3A_261 = arith.constant 2 : i32
        %add3A_262 = arith.addi %mul3A_68, %add3A_261 : i32
        %get3A_263 = arith.index_cast %add3A_262 : i32 to index
        %get3A_264 = arith.constant 96 : index
        %get3A_265 = tpu.vector_load %arg10[%get3A_263, %get3A_264] {strides = array<i32>} : memref<128x192xbf16, #tpu.memory_space<vmem>>, vector<32xbf16>,
        %mul3A_266 = arith.mulf %get3A_265, %bitcast3A_105 : vector<32xbf16>
        %add3A_267 = arith.constant 2 : i32
        %add3A_268 = arith.addi %mul3A_68, %add3A_267 : i32
        %get3A_269 = arith.index_cast %add3A_268 : i32 to index
        %get3A_270 = arith.constant 128 : index
        %get3A_271 = tpu.vector_load %arg10[%get3A_269, %get3A_270] {strides = array<i32>} : memref<128x192xbf16, #tpu.memory_space<vmem>>, vector<32xbf16>,
        %mul3A_272 = arith.mulf %get3A_271, %bitcast3A_105 : vector<32xbf16>
        %add3A_273 = arith.constant 2 : i32
        %add3A_274 = arith.addi %mul3A_68, %add3A_273 : i32
        %get3A_275 = arith.index_cast %add3A_274 : i32 to index
        %get3A_276 = arith.constant 160 : index
        %get3A_277 = tpu.vector_load %arg10[%get3A_275, %get3A_276] {strides = array<i32>} : memref<128x192xbf16, #tpu.memory_space<vmem>>, vector<32xbf16>,
        %mul3A_278 = arith.mulf %get3A_277, %bitcast3A_105 : vector<32xbf16>
        %add3A_279 = arith.constant 3 : i32
        %add3A_280 = arith.addi %mul3A_68, %add3A_279 : i32
        %get3A_281 = arith.index_cast %add3A_280 : i32 to index
        %get3A_282 = arith.constant 0 : index
        %get3A_283 = tpu.vector_load %arg10[%get3A_281, %get3A_282] {strides = array<i32>} : memref<128x192xbf16, #tpu.memory_space<vmem>>, vector<32xbf16>,
        %mul3A_284 = arith.mulf %get3A_283, %bitcast3A_110 : vector<32xbf16>
        %add3A_285 = arith.constant 3 : i32
        %add3A_286 = arith.addi %mul3A_68, %add3A_285 : i32
        %get3A_287 = arith.index_cast %add3A_286 : i32 to index
        %get3A_288 = arith.constant 32 : index
        %get3A_289 = tpu.vector_load %arg10[%get3A_287, %get3A_288] {strides = array<i32>} : memref<128x192xbf16, #tpu.memory_space<vmem>>, vector<32xbf16>,
        %mul3A_290 = arith.mulf %get3A_289, %bitcast3A_110 : vector<32xbf16>
        %add3A_291 = arith.constant 3 : i32
        %add3A_292 = arith.addi %mul3A_68, %add3A_291 : i32
        %get3A_293 = arith.index_cast %add3A_292 : i32 to index
        %get3A_294 = arith.constant 64 : index
        %get3A_295 = tpu.vector_load %arg10[%get3A_293, %get3A_294] {strides = array<i32>} : memref<128x192xbf16, #tpu.memory_space<vmem>>, vector<32xbf16>,
        %mul3A_296 = arith.mulf %get3A_295, %bitcast3A_110 : vector<32xbf16>
        %add3A_297 = arith.constant 3 : i32
        %add3A_298 = arith.addi %mul3A_68, %add3A_297 : i32
        %get3A_299 = arith.index_cast %add3A_298 : i32 to index
        %get3A_300 = arith.constant 96 : index
        %get3A_301 = tpu.vector_load %arg10[%get3A_299, %get3A_300] {strides = array<i32>} : memref<128x192xbf16, #tpu.memory_space<vmem>>, vector<32xbf16>,
        %mul3A_302 = arith.mulf %get3A_301, %bitcast3A_110 : vector<32xbf16>
        %add3A_303 = arith.constant 3 : i32
        %add3A_304 = arith.addi %mul3A_68, %add3A_303 : i32
        %get3A_305 = arith.index_cast %add3A_304 : i32 to index
        %get3A_306 = arith.constant 128 : index
        %get3A_307 = tpu.vector_load %arg10[%get3A_305, %get3A_306] {strides = array<i32>} : memref<128x192xbf16, #tpu.memory_space<vmem>>, vector<32xbf16>,
        %mul3A_308 = arith.mulf %get3A_307, %bitcast3A_110 : vector<32xbf16>
        %add3A_309 = arith.constant 3 : i32
        %add3A_310 = arith.addi %mul3A_68, %add3A_309 : i32
        %get3A_311 = arith.index_cast %add3A_310 : i32 to index
        %get3A_312 = arith.constant 160 : index
        %get3A_313 = tpu.vector_load %arg10[%get3A_311, %get3A_312] {strides = array<i32>} : memref<128x192xbf16, #tpu.memory_space<vmem>>, vector<32xbf16>,
        %mul3A_314 = arith.mulf %get3A_313, %bitcast3A_110 : vector<32xbf16>
        %add3A_315 = arith.addf %mul3A_176, %mul3A_212 : vector<32xbf16>
        %add3A_316 = arith.addf %mul3A_248, %mul3A_284 : vector<32xbf16>
        %add3A_317 = arith.addf %add3A_315, %add3A_316 : vector<32xbf16>
        %unpack3A = tpu.unpack_subelements %add3A_317, 0 {pack_format = #tpu.pack_format<interleaved>} : vector<32xbf16> -> vector<16xf32>
        %unpack3A_318 = tpu.unpack_subelements %add3A_317, 1 {pack_format = #tpu.pack_format<interleaved>} : vector<32xbf16> -> vector<16xf32>
        %add3A_319 = arith.addf %broadcast_in_dim3A_70, %unpack3A : vector<16xf32>
        %add3A_320 = arith.addf %broadcast_in_dim3A_82, %unpack3A_318 : vector<16xf32>
        %add3A_321 = arith.addf %mul3A_182, %mul3A_218 : vector<32xbf16>
        %add3A_322 = arith.addf %mul3A_254, %mul3A_290 : vector<32xbf16>
        %add3A_323 = arith.addf %add3A_321, %add3A_322 : vector<32xbf16>
        %unpack3A_324 = tpu.unpack_subelements %add3A_323, 0 {pack_format = #tpu.pack_format<interleaved>} : vector<32xbf16> -> vector<16xf32>
        %unpack3A_325 = tpu.unpack_subelements %add3A_323, 1 {pack_format = #tpu.pack_format<interleaved>} : vector<32xbf16> -> vector<16xf32>
        %add3A_326 = arith.addf %broadcast_in_dim3A_72, %unpack3A_324 : vector<16xf32>
        %add3A_327 = arith.addf %broadcast_in_dim3A_84, %unpack3A_325 : vector<16xf32>
        %add3A_328 = arith.addf %mul3A_188, %mul3A_224 : vector<32xbf16>
        %add3A_329 = arith.addf %mul3A_260, %mul3A_296 : vector<32xbf16>
        %add3A_330 = arith.addf %add3A_328, %add3A_329 : vector<32xbf16>
        %unpack3A_331 = tpu.unpack_subelements %add3A_330, 0 {pack_format = #tpu.pack_format<interleaved>} : vector<32xbf16> -> vector<16xf32>
        %unpack3A_332 = tpu.unpack_subelements %add3A_330, 1 {pack_format = #tpu.pack_format<interleaved>} : vector<32xbf16> -> vector<16xf32>
        %add3A_333 = arith.addf %broadcast_in_dim3A_74, %unpack3A_331 : vector<16xf32>
        %add3A_334 = arith.addf %broadcast_in_dim3A_86, %unpack3A_332 : vector<16xf32>
        %add3A_335 = arith.addf %mul3A_194, %mul3A_230 : vector<32xbf16>
        %add3A_336 = arith.addf %mul3A_266, %mul3A_302 : vector<32xbf16>
        %add3A_337 = arith.addf %add3A_335, %add3A_336 : vector<32xbf16>
        %unpack3A_338 = tpu.unpack_subelements %add3A_337, 0 {pack_format = #tpu.pack_format<interleaved>} : vector<32xbf16> -> vector<16xf32>
        %unpack3A_339 = tpu.unpack_subelements %add3A_337, 1 {pack_format = #tpu.pack_format<interleaved>} : vector<32xbf16> -> vector<16xf32>
        %add3A_340 = arith.addf %broadcast_in_dim3A_76, %unpack3A_338 : vector<16xf32>
        %add3A_341 = arith.addf %broadcast_in_dim3A_88, %unpack3A_339 : vector<16xf32>
        %add3A_342 = arith.addf %mul3A_200, %mul3A_236 : vector<32xbf16>
        %add3A_343 = arith.addf %mul3A_272, %mul3A_308 : vector<32xbf16>
        %add3A_344 = arith.addf %add3A_342, %add3A_343 : vector<32xbf16>
        %unpack3A_345 = tpu.unpack_subelements %add3A_344, 0 {pack_format = #tpu.pack_format<interleaved>} : vector<32xbf16> -> vector<16xf32>
        %unpack3A_346 = tpu.unpack_subelements %add3A_344, 1 {pack_format = #tpu.pack_format<interleaved>} : vector<32xbf16> -> vector<16xf32>
        %add3A_347 = arith.addf %broadcast_in_dim3A_78, %unpack3A_345 : vector<16xf32>
        %add3A_348 = arith.addf %broadcast_in_dim3A_90, %unpack3A_346 : vector<16xf32>
        %add3A_349 = arith.addf %mul3A_206, %mul3A_242 : vector<32xbf16>
        %add3A_350 = arith.addf %mul3A_278, %mul3A_314 : vector<32xbf16>
        %add3A_351 = arith.addf %add3A_349, %add3A_350 : vector<32xbf16>
        %unpack3A_352 = tpu.unpack_subelements %add3A_351, 0 {pack_format = #tpu.pack_format<interleaved>} : vector<32xbf16> -> vector<16xf32>
        %unpack3A_353 = tpu.unpack_subelements %add3A_351, 1 {pack_format = #tpu.pack_format<interleaved>} : vector<32xbf16> -> vector<16xf32>
        %add3A_354 = arith.addf %broadcast_in_dim3A_80, %unpack3A_352 : vector<16xf32>
        %add3A_355 = arith.addf %broadcast_in_dim3A_92, %unpack3A_353 : vector<16xf32>
        %add3A_356 = arith.constant 4 : i32
        %add3A_357 = arith.addi %mul3A_68, %add3A_356 : i32
        %get3A_358 = arith.index_cast %add3A_357 : i32 to index
        %get3A_359 = arith.constant 0 : index
        %get3A_360 = tpu.vector_load %arg10[%get3A_358, %get3A_359] {strides = array<i32>} : memref<128x192xbf16, #tpu.memory_space<vmem>>, vector<32xbf16>,
        %mul3A_361 = arith.mulf %get3A_360, %bitcast3A_115 : vector<32xbf16>
        %add3A_362 = arith.constant 4 : i32
        %add3A_363 = arith.addi %mul3A_68, %add3A_362 : i32
        %get3A_364 = arith.index_cast %add3A_363 : i32 to index
        %get3A_365 = arith.constant 32 : index
        %get3A_366 = tpu.vector_load %arg10[%get3A_364, %get3A_365] {strides = array<i32>} : memref<128x192xbf16, #tpu.memory_space<vmem>>, vector<32xbf16>,
        %mul3A_367 = arith.mulf %get3A_366, %bitcast3A_115 : vector<32xbf16>
        %add3A_368 = arith.constant 4 : i32
        %add3A_369 = arith.addi %mul3A_68, %add3A_368 : i32
        %get3A_370 = arith.index_cast %add3A_369 : i32 to index
        %get3A_371 = arith.constant 64 : index
        %get3A_372 = tpu.vector_load %arg10[%get3A_370, %get3A_371] {strides = array<i32>} : memref<128x192xbf16, #tpu.memory_space<vmem>>, vector<32xbf16>,
        %mul3A_373 = arith.mulf %get3A_372, %bitcast3A_115 : vector<32xbf16>
        %add3A_374 = arith.constant 4 : i32
        %add3A_375 = arith.addi %mul3A_68, %add3A_374 : i32
        %get3A_376 = arith.index_cast %add3A_375 : i32 to index
        %get3A_377 = arith.constant 96 : index
        %get3A_378 = tpu.vector_load %arg10[%get3A_376, %get3A_377] {strides = array<i32>} : memref<128x192xbf16, #tpu.memory_space<vmem>>, vector<32xbf16>,
        %mul3A_379 = arith.mulf %get3A_378, %bitcast3A_115 : vector<32xbf16>
        %add3A_380 = arith.constant 4 : i32
        %add3A_381 = arith.addi %mul3A_68, %add3A_380 : i32
        %get3A_382 = arith.index_cast %add3A_381 : i32 to index
        %get3A_383 = arith.constant 128 : index
        %get3A_384 = tpu.vector_load %arg10[%get3A_382, %get3A_383] {strides = array<i32>} : memref<128x192xbf16, #tpu.memory_space<vmem>>, vector<32xbf16>,
        %mul3A_385 = arith.mulf %get3A_384, %bitcast3A_115 : vector<32xbf16>
        %add3A_386 = arith.constant 4 : i32
        %add3A_387 = arith.addi %mul3A_68, %add3A_386 : i32
        %get3A_388 = arith.index_cast %add3A_387 : i32 to index
        %get3A_389 = arith.constant 160 : index
        %get3A_390 = tpu.vector_load %arg10[%get3A_388, %get3A_389] {strides = array<i32>} : memref<128x192xbf16, #tpu.memory_space<vmem>>, vector<32xbf16>,
        %mul3A_391 = arith.mulf %get3A_390, %bitcast3A_115 : vector<32xbf16>
        %add3A_392 = arith.constant 5 : i32
        %add3A_393 = arith.addi %mul3A_68, %add3A_392 : i32
        %get3A_394 = arith.index_cast %add3A_393 : i32 to index
        %get3A_395 = arith.constant 0 : index
        %get3A_396 = tpu.vector_load %arg10[%get3A_394, %get3A_395] {strides = array<i32>} : memref<128x192xbf16, #tpu.memory_space<vmem>>, vector<32xbf16>,
        %mul3A_397 = arith.mulf %get3A_396, %bitcast3A_120 : vector<32xbf16>
        %add3A_398 = arith.constant 5 : i32
        %add3A_399 = arith.addi %mul3A_68, %add3A_398 : i32
        %get3A_400 = arith.index_cast %add3A_399 : i32 to index
        %get3A_401 = arith.constant 32 : index
        %get3A_402 = tpu.vector_load %arg10[%get3A_400, %get3A_401] {strides = array<i32>} : memref<128x192xbf16, #tpu.memory_space<vmem>>, vector<32xbf16>,
        %mul3A_403 = arith.mulf %get3A_402, %bitcast3A_120 : vector<32xbf16>
        %add3A_404 = arith.constant 5 : i32
        %add3A_405 = arith.addi %mul3A_68, %add3A_404 : i32
        %get3A_406 = arith.index_cast %add3A_405 : i32 to index
        %get3A_407 = arith.constant 64 : index
        %get3A_408 = tpu.vector_load %arg10[%get3A_406, %get3A_407] {strides = array<i32>} : memref<128x192xbf16, #tpu.memory_space<vmem>>, vector<32xbf16>,
        %mul3A_409 = arith.mulf %get3A_408, %bitcast3A_120 : vector<32xbf16>
        %add3A_410 = arith.constant 5 : i32
        %add3A_411 = arith.addi %mul3A_68, %add3A_410 : i32
        %get3A_412 = arith.index_cast %add3A_411 : i32 to index
        %get3A_413 = arith.constant 96 : index
        %get3A_414 = tpu.vector_load %arg10[%get3A_412, %get3A_413] {strides = array<i32>} : memref<128x192xbf16, #tpu.memory_space<vmem>>, vector<32xbf16>,
        %mul3A_415 = arith.mulf %get3A_414, %bitcast3A_120 : vector<32xbf16>
        %add3A_416 = arith.constant 5 : i32
        %add3A_417 = arith.addi %mul3A_68, %add3A_416 : i32
        %get3A_418 = arith.index_cast %add3A_417 : i32 to index
        %get3A_419 = arith.constant 128 : index
        %get3A_420 = tpu.vector_load %arg10[%get3A_418, %get3A_419] {strides = array<i32>} : memref<128x192xbf16, #tpu.memory_space<vmem>>, vector<32xbf16>,
        %mul3A_421 = arith.mulf %get3A_420, %bitcast3A_120 : vector<32xbf16>
        %add3A_422 = arith.constant 5 : i32
        %add3A_423 = arith.addi %mul3A_68, %add3A_422 : i32
        %get3A_424 = arith.index_cast %add3A_423 : i32 to index
        %get3A_425 = arith.constant 160 : index
        %get3A_426 = tpu.vector_load %arg10[%get3A_424, %get3A_425] {strides = array<i32>} : memref<128x192xbf16, #tpu.memory_space<vmem>>, vector<32xbf16>,
        %mul3A_427 = arith.mulf %get3A_426, %bitcast3A_120 : vector<32xbf16>
        %add3A_428 = arith.constant 6 : i32
        %add3A_429 = arith.addi %mul3A_68, %add3A_428 : i32
        %get3A_430 = arith.index_cast %add3A_429 : i32 to index
        %get3A_431 = arith.constant 0 : index
        %get3A_432 = tpu.vector_load %arg10[%get3A_430, %get3A_431] {strides = array<i32>} : memref<128x192xbf16, #tpu.memory_space<vmem>>, vector<32xbf16>,
        %mul3A_433 = arith.mulf %get3A_432, %bitcast3A_125 : vector<32xbf16>
        %add3A_434 = arith.constant 6 : i32
        %add3A_435 = arith.addi %mul3A_68, %add3A_434 : i32
        %get3A_436 = arith.index_cast %add3A_435 : i32 to index
        %get3A_437 = arith.constant 32 : index
        %get3A_438 = tpu.vector_load %arg10[%get3A_436, %get3A_437] {strides = array<i32>} : memref<128x192xbf16, #tpu.memory_space<vmem>>, vector<32xbf16>,
        %mul3A_439 = arith.mulf %get3A_438, %bitcast3A_125 : vector<32xbf16>
        %add3A_440 = arith.constant 6 : i32
        %add3A_441 = arith.addi %mul3A_68, %add3A_440 : i32
        %get3A_442 = arith.index_cast %add3A_441 : i32 to index
        %get3A_443 = arith.constant 64 : index
        %get3A_444 = tpu.vector_load %arg10[%get3A_442, %get3A_443] {strides = array<i32>} : memref<128x192xbf16, #tpu.memory_space<vmem>>, vector<32xbf16>,
        %mul3A_445 = arith.mulf %get3A_444, %bitcast3A_125 : vector<32xbf16>
        %add3A_446 = arith.constant 6 : i32
        %add3A_447 = arith.addi %mul3A_68, %add3A_446 : i32
        %get3A_448 = arith.index_cast %add3A_447 : i32 to index
        %get3A_449 = arith.constant 96 : index
        %get3A_450 = tpu.vector_load %arg10[%get3A_448, %get3A_449] {strides = array<i32>} : memref<128x192xbf16, #tpu.memory_space<vmem>>, vector<32xbf16>,
        %mul3A_451 = arith.mulf %get3A_450, %bitcast3A_125 : vector<32xbf16>
        %add3A_452 = arith.constant 6 : i32
        %add3A_453 = arith.addi %mul3A_68, %add3A_452 : i32
        %get3A_454 = arith.index_cast %add3A_453 : i32 to index
        %get3A_455 = arith.constant 128 : index
        %get3A_456 = tpu.vector_load %arg10[%get3A_454, %get3A_455] {strides = array<i32>} : memref<128x192xbf16, #tpu.memory_space<vmem>>, vector<32xbf16>,
        %mul3A_457 = arith.mulf %get3A_456, %bitcast3A_125 : vector<32xbf16>
        %add3A_458 = arith.constant 6 : i32
        %add3A_459 = arith.addi %mul3A_68, %add3A_458 : i32
        %get3A_460 = arith.index_cast %add3A_459 : i32 to index
        %get3A_461 = arith.constant 160 : index
        %get3A_462 = tpu.vector_load %arg10[%get3A_460, %get3A_461] {strides = array<i32>} : memref<128x192xbf16, #tpu.memory_space<vmem>>, vector<32xbf16>,
        %mul3A_463 = arith.mulf %get3A_462, %bitcast3A_125 : vector<32xbf16>
        %add3A_464 = arith.constant 7 : i32
        %add3A_465 = arith.addi %mul3A_68, %add3A_464 : i32
        %get3A_466 = arith.index_cast %add3A_465 : i32 to index
        %get3A_467 = arith.constant 0 : index
        %get3A_468 = tpu.vector_load %arg10[%get3A_466, %get3A_467] {strides = array<i32>} : memref<128x192xbf16, #tpu.memory_space<vmem>>, vector<32xbf16>,
        %mul3A_469 = arith.mulf %get3A_468, %bitcast3A_130 : vector<32xbf16>
        %add3A_470 = arith.constant 7 : i32
        %add3A_471 = arith.addi %mul3A_68, %add3A_470 : i32
        %get3A_472 = arith.index_cast %add3A_471 : i32 to index
        %get3A_473 = arith.constant 32 : index
        %get3A_474 = tpu.vector_load %arg10[%get3A_472, %get3A_473] {strides = array<i32>} : memref<128x192xbf16, #tpu.memory_space<vmem>>, vector<32xbf16>,
        %mul3A_475 = arith.mulf %get3A_474, %bitcast3A_130 : vector<32xbf16>
        %add3A_476 = arith.constant 7 : i32
        %add3A_477 = arith.addi %mul3A_68, %add3A_476 : i32
        %get3A_478 = arith.index_cast %add3A_477 : i32 to index
        %get3A_479 = arith.constant 64 : index
        %get3A_480 = tpu.vector_load %arg10[%get3A_478, %get3A_479] {strides = array<i32>} : memref<128x192xbf16, #tpu.memory_space<vmem>>, vector<32xbf16>,
        %mul3A_481 = arith.mulf %get3A_480, %bitcast3A_130 : vector<32xbf16>
        %add3A_482 = arith.constant 7 : i32
        %add3A_483 = arith.addi %mul3A_68, %add3A_482 : i32
        %get3A_484 = arith.index_cast %add3A_483 : i32 to index
        %get3A_485 = arith.constant 96 : index
        %get3A_486 = tpu.vector_load %arg10[%get3A_484, %get3A_485] {strides = array<i32>} : memref<128x192xbf16, #tpu.memory_space<vmem>>, vector<32xbf16>,
        %mul3A_487 = arith.mulf %get3A_486, %bitcast3A_130 : vector<32xbf16>
        %add3A_488 = arith.constant 7 : i32
        %add3A_489 = arith.addi %mul3A_68, %add3A_488 : i32
        %get3A_490 = arith.index_cast %add3A_489 : i32 to index
        %get3A_491 = arith.constant 128 : index
        %get3A_492 = tpu.vector_load %arg10[%get3A_490, %get3A_491] {strides = array<i32>} : memref<128x192xbf16, #tpu.memory_space<vmem>>, vector<32xbf16>,
        %mul3A_493 = arith.mulf %get3A_492, %bitcast3A_130 : vector<32xbf16>
        %add3A_494 = arith.constant 7 : i32
        %add3A_495 = arith.addi %mul3A_68, %add3A_494 : i32
        %get3A_496 = arith.index_cast %add3A_495 : i32 to index
        %get3A_497 = arith.constant 160 : index
        %get3A_498 = tpu.vector_load %arg10[%get3A_496, %get3A_497] {strides = array<i32>} : memref<128x192xbf16, #tpu.memory_space<vmem>>, vector<32xbf16>,
        %mul3A_499 = arith.mulf %get3A_498, %bitcast3A_130 : vector<32xbf16>
        %add3A_500 = arith.addf %mul3A_361, %mul3A_397 : vector<32xbf16>
        %add3A_501 = arith.addf %mul3A_433, %mul3A_469 : vector<32xbf16>
        %add3A_502 = arith.addf %add3A_500, %add3A_501 : vector<32xbf16>
        %unpack3A_503 = tpu.unpack_subelements %add3A_502, 0 {pack_format = #tpu.pack_format<interleaved>} : vector<32xbf16> -> vector<16xf32>
        %unpack3A_504 = tpu.unpack_subelements %add3A_502, 1 {pack_format = #tpu.pack_format<interleaved>} : vector<32xbf16> -> vector<16xf32>
        %add3A_505 = arith.addf %add3A_319, %unpack3A_503 : vector<16xf32>
        %add3A_506 = arith.addf %add3A_320, %unpack3A_504 : vector<16xf32>
        %add3A_507 = arith.addf %mul3A_367, %mul3A_403 : vector<32xbf16>
        %add3A_508 = arith.addf %mul3A_439, %mul3A_475 : vector<32xbf16>
        %add3A_509 = arith.addf %add3A_507, %add3A_508 : vector<32xbf16>
        %unpack3A_510 = tpu.unpack_subelements %add3A_509, 0 {pack_format = #tpu.pack_format<interleaved>} : vector<32xbf16> -> vector<16xf32>
        %unpack3A_511 = tpu.unpack_subelements %add3A_509, 1 {pack_format = #tpu.pack_format<interleaved>} : vector<32xbf16> -> vector<16xf32>
        %add3A_512 = arith.addf %add3A_326, %unpack3A_510 : vector<16xf32>
        %add3A_513 = arith.addf %add3A_327, %unpack3A_511 : vector<16xf32>
        %add3A_514 = arith.addf %mul3A_373, %mul3A_409 : vector<32xbf16>
        %add3A_515 = arith.addf %mul3A_445, %mul3A_481 : vector<32xbf16>
        %add3A_516 = arith.addf %add3A_514, %add3A_515 : vector<32xbf16>
        %unpack3A_517 = tpu.unpack_subelements %add3A_516, 0 {pack_format = #tpu.pack_format<interleaved>} : vector<32xbf16> -> vector<16xf32>
        %unpack3A_518 = tpu.unpack_subelements %add3A_516, 1 {pack_format = #tpu.pack_format<interleaved>} : vector<32xbf16> -> vector<16xf32>
        %add3A_519 = arith.addf %add3A_333, %unpack3A_517 : vector<16xf32>
        %add3A_520 = arith.addf %add3A_334, %unpack3A_518 : vector<16xf32>
        %add3A_521 = arith.addf %mul3A_379, %mul3A_415 : vector<32xbf16>
        %add3A_522 = arith.addf %mul3A_451, %mul3A_487 : vector<32xbf16>
        %add3A_523 = arith.addf %add3A_521, %add3A_522 : vector<32xbf16>
        %unpack3A_524 = tpu.unpack_subelements %add3A_523, 0 {pack_format = #tpu.pack_format<interleaved>} : vector<32xbf16> -> vector<16xf32>
        %unpack3A_525 = tpu.unpack_subelements %add3A_523, 1 {pack_format = #tpu.pack_format<interleaved>} : vector<32xbf16> -> vector<16xf32>
        %add3A_526 = arith.addf %add3A_340, %unpack3A_524 : vector<16xf32>
        %add3A_527 = arith.addf %add3A_341, %unpack3A_525 : vector<16xf32>
        %add3A_528 = arith.addf %mul3A_385, %mul3A_421 : vector<32xbf16>
        %add3A_529 = arith.addf %mul3A_457, %mul3A_493 : vector<32xbf16>
        %add3A_530 = arith.addf %add3A_528, %add3A_529 : vector<32xbf16>
        %unpack3A_531 = tpu.unpack_subelements %add3A_530, 0 {pack_format = #tpu.pack_format<interleaved>} : vector<32xbf16> -> vector<16xf32>
        %unpack3A_532 = tpu.unpack_subelements %add3A_530, 1 {pack_format = #tpu.pack_format<interleaved>} : vector<32xbf16> -> vector<16xf32>
        %add3A_533 = arith.addf %add3A_347, %unpack3A_531 : vector<16xf32>
        %add3A_534 = arith.addf %add3A_348, %unpack3A_532 : vector<16xf32>
        %add3A_535 = arith.addf %mul3A_391, %mul3A_427 : vector<32xbf16>
        %add3A_536 = arith.addf %mul3A_463, %mul3A_499 : vector<32xbf16>
        %add3A_537 = arith.addf %add3A_535, %add3A_536 : vector<32xbf16>
        %unpack3A_538 = tpu.unpack_subelements %add3A_537, 0 {pack_format = #tpu.pack_format<interleaved>} : vector<32xbf16> -> vector<16xf32>
        %unpack3A_539 = tpu.unpack_subelements %add3A_537, 1 {pack_format = #tpu.pack_format<interleaved>} : vector<32xbf16> -> vector<16xf32>
        %add3A_540 = arith.addf %add3A_354, %unpack3A_538 : vector<16xf32>
        %add3A_541 = arith.addf %add3A_355, %unpack3A_539 : vector<16xf32>
        %add3A_542 = arith.constant 8 : i32
        %add3A_543 = arith.addi %mul3A_68, %add3A_542 : i32
        %get3A_544 = arith.index_cast %add3A_543 : i32 to index
        %get3A_545 = arith.constant 0 : index
        %get3A_546 = tpu.vector_load %arg10[%get3A_544, %get3A_545] {strides = array<i32>} : memref<128x192xbf16, #tpu.memory_space<vmem>>, vector<32xbf16>,
        %mul3A_547 = arith.mulf %get3A_546, %bitcast3A_135 : vector<32xbf16>
        %add3A_548 = arith.constant 8 : i32
        %add3A_549 = arith.addi %mul3A_68, %add3A_548 : i32
        %get3A_550 = arith.index_cast %add3A_549 : i32 to index
        %get3A_551 = arith.constant 32 : index
        %get3A_552 = tpu.vector_load %arg10[%get3A_550, %get3A_551] {strides = array<i32>} : memref<128x192xbf16, #tpu.memory_space<vmem>>, vector<32xbf16>,
        %mul3A_553 = arith.mulf %get3A_552, %bitcast3A_135 : vector<32xbf16>
        %add3A_554 = arith.constant 8 : i32
        %add3A_555 = arith.addi %mul3A_68, %add3A_554 : i32
        %get3A_556 = arith.index_cast %add3A_555 : i32 to index
        %get3A_557 = arith.constant 64 : index
        %get3A_558 = tpu.vector_load %arg10[%get3A_556, %get3A_557] {strides = array<i32>} : memref<128x192xbf16, #tpu.memory_space<vmem>>, vector<32xbf16>,
        %mul3A_559 = arith.mulf %get3A_558, %bitcast3A_135 : vector<32xbf16>
        %add3A_560 = arith.constant 8 : i32
        %add3A_561 = arith.addi %mul3A_68, %add3A_560 : i32
        %get3A_562 = arith.index_cast %add3A_561 : i32 to index
        %get3A_563 = arith.constant 96 : index
        %get3A_564 = tpu.vector_load %arg10[%get3A_562, %get3A_563] {strides = array<i32>} : memref<128x192xbf16, #tpu.memory_space<vmem>>, vector<32xbf16>,
        %mul3A_565 = arith.mulf %get3A_564, %bitcast3A_135 : vector<32xbf16>
        %add3A_566 = arith.constant 8 : i32
        %add3A_567 = arith.addi %mul3A_68, %add3A_566 : i32
        %get3A_568 = arith.index_cast %add3A_567 : i32 to index
        %get3A_569 = arith.constant 128 : index
        %get3A_570 = tpu.vector_load %arg10[%get3A_568, %get3A_569] {strides = array<i32>} : memref<128x192xbf16, #tpu.memory_space<vmem>>, vector<32xbf16>,
        %mul3A_571 = arith.mulf %get3A_570, %bitcast3A_135 : vector<32xbf16>
        %add3A_572 = arith.constant 8 : i32
        %add3A_573 = arith.addi %mul3A_68, %add3A_572 : i32
        %get3A_574 = arith.index_cast %add3A_573 : i32 to index
        %get3A_575 = arith.constant 160 : index
        %get3A_576 = tpu.vector_load %arg10[%get3A_574, %get3A_575] {strides = array<i32>} : memref<128x192xbf16, #tpu.memory_space<vmem>>, vector<32xbf16>,
        %mul3A_577 = arith.mulf %get3A_576, %bitcast3A_135 : vector<32xbf16>
        %add3A_578 = arith.constant 9 : i32
        %add3A_579 = arith.addi %mul3A_68, %add3A_578 : i32
        %get3A_580 = arith.index_cast %add3A_579 : i32 to index
        %get3A_581 = arith.constant 0 : index
        %get3A_582 = tpu.vector_load %arg10[%get3A_580, %get3A_581] {strides = array<i32>} : memref<128x192xbf16, #tpu.memory_space<vmem>>, vector<32xbf16>,
        %mul3A_583 = arith.mulf %get3A_582, %bitcast3A_140 : vector<32xbf16>
        %add3A_584 = arith.constant 9 : i32
        %add3A_585 = arith.addi %mul3A_68, %add3A_584 : i32
        %get3A_586 = arith.index_cast %add3A_585 : i32 to index
        %get3A_587 = arith.constant 32 : index
        %get3A_588 = tpu.vector_load %arg10[%get3A_586, %get3A_587] {strides = array<i32>} : memref<128x192xbf16, #tpu.memory_space<vmem>>, vector<32xbf16>,
        %mul3A_589 = arith.mulf %get3A_588, %bitcast3A_140 : vector<32xbf16>
        %add3A_590 = arith.constant 9 : i32
        %add3A_591 = arith.addi %mul3A_68, %add3A_590 : i32
        %get3A_592 = arith.index_cast %add3A_591 : i32 to index
        %get3A_593 = arith.constant 64 : index
        %get3A_594 = tpu.vector_load %arg10[%get3A_592, %get3A_593] {strides = array<i32>} : memref<128x192xbf16, #tpu.memory_space<vmem>>, vector<32xbf16>,
        %mul3A_595 = arith.mulf %get3A_594, %bitcast3A_140 : vector<32xbf16>
        %add3A_596 = arith.constant 9 : i32
        %add3A_597 = arith.addi %mul3A_68, %add3A_596 : i32
        %get3A_598 = arith.index_cast %add3A_597 : i32 to index
        %get3A_599 = arith.constant 96 : index
        %get3A_600 = tpu.vector_load %arg10[%get3A_598, %get3A_599] {strides = array<i32>} : memref<128x192xbf16, #tpu.memory_space<vmem>>, vector<32xbf16>,
        %mul3A_601 = arith.mulf %get3A_600, %bitcast3A_140 : vector<32xbf16>
        %add3A_602 = arith.constant 9 : i32
        %add3A_603 = arith.addi %mul3A_68, %add3A_602 : i32
        %get3A_604 = arith.index_cast %add3A_603 : i32 to index
        %get3A_605 = arith.constant 128 : index
        %get3A_606 = tpu.vector_load %arg10[%get3A_604, %get3A_605] {strides = array<i32>} : memref<128x192xbf16, #tpu.memory_space<vmem>>, vector<32xbf16>,
        %mul3A_607 = arith.mulf %get3A_606, %bitcast3A_140 : vector<32xbf16>
        %add3A_608 = arith.constant 9 : i32
        %add3A_609 = arith.addi %mul3A_68, %add3A_608 : i32
        %get3A_610 = arith.index_cast %add3A_609 : i32 to index
        %get3A_611 = arith.constant 160 : index
        %get3A_612 = tpu.vector_load %arg10[%get3A_610, %get3A_611] {strides = array<i32>} : memref<128x192xbf16, #tpu.memory_space<vmem>>, vector<32xbf16>,
        %mul3A_613 = arith.mulf %get3A_612, %bitcast3A_140 : vector<32xbf16>
        %add3A_614 = arith.constant 10 : i32
        %add3A_615 = arith.addi %mul3A_68, %add3A_614 : i32
        %get3A_616 = arith.index_cast %add3A_615 : i32 to index
        %get3A_617 = arith.constant 0 : index
        %get3A_618 = tpu.vector_load %arg10[%get3A_616, %get3A_617] {strides = array<i32>} : memref<128x192xbf16, #tpu.memory_space<vmem>>, vector<32xbf16>,
        %mul3A_619 = arith.mulf %get3A_618, %bitcast3A_145 : vector<32xbf16>
        %add3A_620 = arith.constant 10 : i32
        %add3A_621 = arith.addi %mul3A_68, %add3A_620 : i32
        %get3A_622 = arith.index_cast %add3A_621 : i32 to index
        %get3A_623 = arith.constant 32 : index
        %get3A_624 = tpu.vector_load %arg10[%get3A_622, %get3A_623] {strides = array<i32>} : memref<128x192xbf16, #tpu.memory_space<vmem>>, vector<32xbf16>,
        %mul3A_625 = arith.mulf %get3A_624, %bitcast3A_145 : vector<32xbf16>
        %add3A_626 = arith.constant 10 : i32
        %add3A_627 = arith.addi %mul3A_68, %add3A_626 : i32
        %get3A_628 = arith.index_cast %add3A_627 : i32 to index
        %get3A_629 = arith.constant 64 : index
        %get3A_630 = tpu.vector_load %arg10[%get3A_628, %get3A_629] {strides = array<i32>} : memref<128x192xbf16, #tpu.memory_space<vmem>>, vector<32xbf16>,
        %mul3A_631 = arith.mulf %get3A_630, %bitcast3A_145 : vector<32xbf16>
        %add3A_632 = arith.constant 10 : i32
        %add3A_633 = arith.addi %mul3A_68, %add3A_632 : i32
        %get3A_634 = arith.index_cast %add3A_633 : i32 to index
        %get3A_635 = arith.constant 96 : index
        %get3A_636 = tpu.vector_load %arg10[%get3A_634, %get3A_635] {strides = array<i32>} : memref<128x192xbf16, #tpu.memory_space<vmem>>, vector<32xbf16>,
        %mul3A_637 = arith.mulf %get3A_636, %bitcast3A_145 : vector<32xbf16>
        %add3A_638 = arith.constant 10 : i32
        %add3A_639 = arith.addi %mul3A_68, %add3A_638 : i32
        %get3A_640 = arith.index_cast %add3A_639 : i32 to index
        %get3A_641 = arith.constant 128 : index
        %get3A_642 = tpu.vector_load %arg10[%get3A_640, %get3A_641] {strides = array<i32>} : memref<128x192xbf16, #tpu.memory_space<vmem>>, vector<32xbf16>,
        %mul3A_643 = arith.mulf %get3A_642, %bitcast3A_145 : vector<32xbf16>
        %add3A_644 = arith.constant 10 : i32
        %add3A_645 = arith.addi %mul3A_68, %add3A_644 : i32
        %get3A_646 = arith.index_cast %add3A_645 : i32 to index
        %get3A_647 = arith.constant 160 : index
        %get3A_648 = tpu.vector_load %arg10[%get3A_646, %get3A_647] {strides = array<i32>} : memref<128x192xbf16, #tpu.memory_space<vmem>>, vector<32xbf16>,
        %mul3A_649 = arith.mulf %get3A_648, %bitcast3A_145 : vector<32xbf16>
        %add3A_650 = arith.constant 11 : i32
        %add3A_651 = arith.addi %mul3A_68, %add3A_650 : i32
        %get3A_652 = arith.index_cast %add3A_651 : i32 to index
        %get3A_653 = arith.constant 0 : index
        %get3A_654 = tpu.vector_load %arg10[%get3A_652, %get3A_653] {strides = array<i32>} : memref<128x192xbf16, #tpu.memory_space<vmem>>, vector<32xbf16>,
        %mul3A_655 = arith.mulf %get3A_654, %bitcast3A_150 : vector<32xbf16>
        %add3A_656 = arith.constant 11 : i32
        %add3A_657 = arith.addi %mul3A_68, %add3A_656 : i32
        %get3A_658 = arith.index_cast %add3A_657 : i32 to index
        %get3A_659 = arith.constant 32 : index
        %get3A_660 = tpu.vector_load %arg10[%get3A_658, %get3A_659] {strides = array<i32>} : memref<128x192xbf16, #tpu.memory_space<vmem>>, vector<32xbf16>,
        %mul3A_661 = arith.mulf %get3A_660, %bitcast3A_150 : vector<32xbf16>
        %add3A_662 = arith.constant 11 : i32
        %add3A_663 = arith.addi %mul3A_68, %add3A_662 : i32
        %get3A_664 = arith.index_cast %add3A_663 : i32 to index
        %get3A_665 = arith.constant 64 : index
        %get3A_666 = tpu.vector_load %arg10[%get3A_664, %get3A_665] {strides = array<i32>} : memref<128x192xbf16, #tpu.memory_space<vmem>>, vector<32xbf16>,
        %mul3A_667 = arith.mulf %get3A_666, %bitcast3A_150 : vector<32xbf16>
        %add3A_668 = arith.constant 11 : i32
        %add3A_669 = arith.addi %mul3A_68, %add3A_668 : i32
        %get3A_670 = arith.index_cast %add3A_669 : i32 to index
        %get3A_671 = arith.constant 96 : index
        %get3A_672 = tpu.vector_load %arg10[%get3A_670, %get3A_671] {strides = array<i32>} : memref<128x192xbf16, #tpu.memory_space<vmem>>, vector<32xbf16>,
        %mul3A_673 = arith.mulf %get3A_672, %bitcast3A_150 : vector<32xbf16>
        %add3A_674 = arith.constant 11 : i32
        %add3A_675 = arith.addi %mul3A_68, %add3A_674 : i32
        %get3A_676 = arith.index_cast %add3A_675 : i32 to index
        %get3A_677 = arith.constant 128 : index
        %get3A_678 = tpu.vector_load %arg10[%get3A_676, %get3A_677] {strides = array<i32>} : memref<128x192xbf16, #tpu.memory_space<vmem>>, vector<32xbf16>,
        %mul3A_679 = arith.mulf %get3A_678, %bitcast3A_150 : vector<32xbf16>
        %add3A_680 = arith.constant 11 : i32
        %add3A_681 = arith.addi %mul3A_68, %add3A_680 : i32
        %get3A_682 = arith.index_cast %add3A_681 : i32 to index
        %get3A_683 = arith.constant 160 : index
        %get3A_684 = tpu.vector_load %arg10[%get3A_682, %get3A_683] {strides = array<i32>} : memref<128x192xbf16, #tpu.memory_space<vmem>>, vector<32xbf16>,
        %mul3A_685 = arith.mulf %get3A_684, %bitcast3A_150 : vector<32xbf16>
        %add3A_686 = arith.addf %mul3A_547, %mul3A_583 : vector<32xbf16>
        %add3A_687 = arith.addf %mul3A_619, %mul3A_655 : vector<32xbf16>
        %add3A_688 = arith.addf %add3A_686, %add3A_687 : vector<32xbf16>
        %unpack3A_689 = tpu.unpack_subelements %add3A_688, 0 {pack_format = #tpu.pack_format<interleaved>} : vector<32xbf16> -> vector<16xf32>
        %unpack3A_690 = tpu.unpack_subelements %add3A_688, 1 {pack_format = #tpu.pack_format<interleaved>} : vector<32xbf16> -> vector<16xf32>
        %add3A_691 = arith.addf %add3A_505, %unpack3A_689 : vector<16xf32>
        %add3A_692 = arith.addf %add3A_506, %unpack3A_690 : vector<16xf32>
        %add3A_693 = arith.addf %mul3A_553, %mul3A_589 : vector<32xbf16>
        %add3A_694 = arith.addf %mul3A_625, %mul3A_661 : vector<32xbf16>
        %add3A_695 = arith.addf %add3A_693, %add3A_694 : vector<32xbf16>
        %unpack3A_696 = tpu.unpack_subelements %add3A_695, 0 {pack_format = #tpu.pack_format<interleaved>} : vector<32xbf16> -> vector<16xf32>
        %unpack3A_697 = tpu.unpack_subelements %add3A_695, 1 {pack_format = #tpu.pack_format<interleaved>} : vector<32xbf16> -> vector<16xf32>
        %add3A_698 = arith.addf %add3A_512, %unpack3A_696 : vector<16xf32>
        %add3A_699 = arith.addf %add3A_513, %unpack3A_697 : vector<16xf32>
        %add3A_700 = arith.addf %mul3A_559, %mul3A_595 : vector<32xbf16>
        %add3A_701 = arith.addf %mul3A_631, %mul3A_667 : vector<32xbf16>
        %add3A_702 = arith.addf %add3A_700, %add3A_701 : vector<32xbf16>
        %unpack3A_703 = tpu.unpack_subelements %add3A_702, 0 {pack_format = #tpu.pack_format<interleaved>} : vector<32xbf16> -> vector<16xf32>
        %unpack3A_704 = tpu.unpack_subelements %add3A_702, 1 {pack_format = #tpu.pack_format<interleaved>} : vector<32xbf16> -> vector<16xf32>
        %add3A_705 = arith.addf %add3A_519, %unpack3A_703 : vector<16xf32>
        %add3A_706 = arith.addf %add3A_520, %unpack3A_704 : vector<16xf32>
        %add3A_707 = arith.addf %mul3A_565, %mul3A_601 : vector<32xbf16>
        %add3A_708 = arith.addf %mul3A_637, %mul3A_673 : vector<32xbf16>
        %add3A_709 = arith.addf %add3A_707, %add3A_708 : vector<32xbf16>
        %unpack3A_710 = tpu.unpack_subelements %add3A_709, 0 {pack_format = #tpu.pack_format<interleaved>} : vector<32xbf16> -> vector<16xf32>
        %unpack3A_711 = tpu.unpack_subelements %add3A_709, 1 {pack_format = #tpu.pack_format<interleaved>} : vector<32xbf16> -> vector<16xf32>
        %add3A_712 = arith.addf %add3A_526, %unpack3A_710 : vector<16xf32>
        %add3A_713 = arith.addf %add3A_527, %unpack3A_711 : vector<16xf32>
        %add3A_714 = arith.addf %mul3A_571, %mul3A_607 : vector<32xbf16>
        %add3A_715 = arith.addf %mul3A_643, %mul3A_679 : vector<32xbf16>
        %add3A_716 = arith.addf %add3A_714, %add3A_715 : vector<32xbf16>
        %unpack3A_717 = tpu.unpack_subelements %add3A_716, 0 {pack_format = #tpu.pack_format<interleaved>} : vector<32xbf16> -> vector<16xf32>
        %unpack3A_718 = tpu.unpack_subelements %add3A_716, 1 {pack_format = #tpu.pack_format<interleaved>} : vector<32xbf16> -> vector<16xf32>
        %add3A_719 = arith.addf %add3A_533, %unpack3A_717 : vector<16xf32>
        %add3A_720 = arith.addf %add3A_534, %unpack3A_718 : vector<16xf32>
        %add3A_721 = arith.addf %mul3A_577, %mul3A_613 : vector<32xbf16>
        %add3A_722 = arith.addf %mul3A_649, %mul3A_685 : vector<32xbf16>
        %add3A_723 = arith.addf %add3A_721, %add3A_722 : vector<32xbf16>
        %unpack3A_724 = tpu.unpack_subelements %add3A_723, 0 {pack_format = #tpu.pack_format<interleaved>} : vector<32xbf16> -> vector<16xf32>
        %unpack3A_725 = tpu.unpack_subelements %add3A_723, 1 {pack_format = #tpu.pack_format<interleaved>} : vector<32xbf16> -> vector<16xf32>
        %add3A_726 = arith.addf %add3A_540, %unpack3A_724 : vector<16xf32>
        %add3A_727 = arith.addf %add3A_541, %unpack3A_725 : vector<16xf32>
        %add3A_728 = arith.constant 12 : i32
        %add3A_729 = arith.addi %mul3A_68, %add3A_728 : i32
        %get3A_730 = arith.index_cast %add3A_729 : i32 to index
        %get3A_731 = arith.constant 0 : index
        %get3A_732 = tpu.vector_load %arg10[%get3A_730, %get3A_731] {strides = array<i32>} : memref<128x192xbf16, #tpu.memory_space<vmem>>, vector<32xbf16>,
        %mul3A_733 = arith.mulf %get3A_732, %bitcast3A_155 : vector<32xbf16>
        %add3A_734 = arith.constant 12 : i32
        %add3A_735 = arith.addi %mul3A_68, %add3A_734 : i32
        %get3A_736 = arith.index_cast %add3A_735 : i32 to index
        %get3A_737 = arith.constant 32 : index
        %get3A_738 = tpu.vector_load %arg10[%get3A_736, %get3A_737] {strides = array<i32>} : memref<128x192xbf16, #tpu.memory_space<vmem>>, vector<32xbf16>,
        %mul3A_739 = arith.mulf %get3A_738, %bitcast3A_155 : vector<32xbf16>
        %add3A_740 = arith.constant 12 : i32
        %add3A_741 = arith.addi %mul3A_68, %add3A_740 : i32
        %get3A_742 = arith.index_cast %add3A_741 : i32 to index
        %get3A_743 = arith.constant 64 : index
        %get3A_744 = tpu.vector_load %arg10[%get3A_742, %get3A_743] {strides = array<i32>} : memref<128x192xbf16, #tpu.memory_space<vmem>>, vector<32xbf16>,
        %mul3A_745 = arith.mulf %get3A_744, %bitcast3A_155 : vector<32xbf16>
        %add3A_746 = arith.constant 12 : i32
        %add3A_747 = arith.addi %mul3A_68, %add3A_746 : i32
        %get3A_748 = arith.index_cast %add3A_747 : i32 to index
        %get3A_749 = arith.constant 96 : index
        %get3A_750 = tpu.vector_load %arg10[%get3A_748, %get3A_749] {strides = array<i32>} : memref<128x192xbf16, #tpu.memory_space<vmem>>, vector<32xbf16>,
        %mul3A_751 = arith.mulf %get3A_750, %bitcast3A_155 : vector<32xbf16>
        %add3A_752 = arith.constant 12 : i32
        %add3A_753 = arith.addi %mul3A_68, %add3A_752 : i32
        %get3A_754 = arith.index_cast %add3A_753 : i32 to index
        %get3A_755 = arith.constant 128 : index
        %get3A_756 = tpu.vector_load %arg10[%get3A_754, %get3A_755] {strides = array<i32>} : memref<128x192xbf16, #tpu.memory_space<vmem>>, vector<32xbf16>,
        %mul3A_757 = arith.mulf %get3A_756, %bitcast3A_155 : vector<32xbf16>
        %add3A_758 = arith.constant 12 : i32
        %add3A_759 = arith.addi %mul3A_68, %add3A_758 : i32
        %get3A_760 = arith.index_cast %add3A_759 : i32 to index
        %get3A_761 = arith.constant 160 : index
        %get3A_762 = tpu.vector_load %arg10[%get3A_760, %get3A_761] {strides = array<i32>} : memref<128x192xbf16, #tpu.memory_space<vmem>>, vector<32xbf16>,
        %mul3A_763 = arith.mulf %get3A_762, %bitcast3A_155 : vector<32xbf16>
        %add3A_764 = arith.constant 13 : i32
        %add3A_765 = arith.addi %mul3A_68, %add3A_764 : i32
        %get3A_766 = arith.index_cast %add3A_765 : i32 to index
        %get3A_767 = arith.constant 0 : index
        %get3A_768 = tpu.vector_load %arg10[%get3A_766, %get3A_767] {strides = array<i32>} : memref<128x192xbf16, #tpu.memory_space<vmem>>, vector<32xbf16>,
        %mul3A_769 = arith.mulf %get3A_768, %bitcast3A_160 : vector<32xbf16>
        %add3A_770 = arith.constant 13 : i32
        %add3A_771 = arith.addi %mul3A_68, %add3A_770 : i32
        %get3A_772 = arith.index_cast %add3A_771 : i32 to index
        %get3A_773 = arith.constant 32 : index
        %get3A_774 = tpu.vector_load %arg10[%get3A_772, %get3A_773] {strides = array<i32>} : memref<128x192xbf16, #tpu.memory_space<vmem>>, vector<32xbf16>,
        %mul3A_775 = arith.mulf %get3A_774, %bitcast3A_160 : vector<32xbf16>
        %add3A_776 = arith.constant 13 : i32
        %add3A_777 = arith.addi %mul3A_68, %add3A_776 : i32
        %get3A_778 = arith.index_cast %add3A_777 : i32 to index
        %get3A_779 = arith.constant 64 : index
        %get3A_780 = tpu.vector_load %arg10[%get3A_778, %get3A_779] {strides = array<i32>} : memref<128x192xbf16, #tpu.memory_space<vmem>>, vector<32xbf16>,
        %mul3A_781 = arith.mulf %get3A_780, %bitcast3A_160 : vector<32xbf16>
        %add3A_782 = arith.constant 13 : i32
        %add3A_783 = arith.addi %mul3A_68, %add3A_782 : i32
        %get3A_784 = arith.index_cast %add3A_783 : i32 to index
        %get3A_785 = arith.constant 96 : index
        %get3A_786 = tpu.vector_load %arg10[%get3A_784, %get3A_785] {strides = array<i32>} : memref<128x192xbf16, #tpu.memory_space<vmem>>, vector<32xbf16>,
        %mul3A_787 = arith.mulf %get3A_786, %bitcast3A_160 : vector<32xbf16>
        %add3A_788 = arith.constant 13 : i32
        %add3A_789 = arith.addi %mul3A_68, %add3A_788 : i32
        %get3A_790 = arith.index_cast %add3A_789 : i32 to index
        %get3A_791 = arith.constant 128 : index
        %get3A_792 = tpu.vector_load %arg10[%get3A_790, %get3A_791] {strides = array<i32>} : memref<128x192xbf16, #tpu.memory_space<vmem>>, vector<32xbf16>,
        %mul3A_793 = arith.mulf %get3A_792, %bitcast3A_160 : vector<32xbf16>
        %add3A_794 = arith.constant 13 : i32
        %add3A_795 = arith.addi %mul3A_68, %add3A_794 : i32
        %get3A_796 = arith.index_cast %add3A_795 : i32 to index
        %get3A_797 = arith.constant 160 : index
        %get3A_798 = tpu.vector_load %arg10[%get3A_796, %get3A_797] {strides = array<i32>} : memref<128x192xbf16, #tpu.memory_space<vmem>>, vector<32xbf16>,
        %mul3A_799 = arith.mulf %get3A_798, %bitcast3A_160 : vector<32xbf16>
        %add3A_800 = arith.constant 14 : i32
        %add3A_801 = arith.addi %mul3A_68, %add3A_800 : i32
        %get3A_802 = arith.index_cast %add3A_801 : i32 to index
        %get3A_803 = arith.constant 0 : index
        %get3A_804 = tpu.vector_load %arg10[%get3A_802, %get3A_803] {strides = array<i32>} : memref<128x192xbf16, #tpu.memory_space<vmem>>, vector<32xbf16>,
        %mul3A_805 = arith.mulf %get3A_804, %bitcast3A_165 : vector<32xbf16>
        %add3A_806 = arith.constant 14 : i32
        %add3A_807 = arith.addi %mul3A_68, %add3A_806 : i32
        %get3A_808 = arith.index_cast %add3A_807 : i32 to index
        %get3A_809 = arith.constant 32 : index
        %get3A_810 = tpu.vector_load %arg10[%get3A_808, %get3A_809] {strides = array<i32>} : memref<128x192xbf16, #tpu.memory_space<vmem>>, vector<32xbf16>,
        %mul3A_811 = arith.mulf %get3A_810, %bitcast3A_165 : vector<32xbf16>
        %add3A_812 = arith.constant 14 : i32
        %add3A_813 = arith.addi %mul3A_68, %add3A_812 : i32
        %get3A_814 = arith.index_cast %add3A_813 : i32 to index
        %get3A_815 = arith.constant 64 : index
        %get3A_816 = tpu.vector_load %arg10[%get3A_814, %get3A_815] {strides = array<i32>} : memref<128x192xbf16, #tpu.memory_space<vmem>>, vector<32xbf16>,
        %mul3A_817 = arith.mulf %get3A_816, %bitcast3A_165 : vector<32xbf16>
        %add3A_818 = arith.constant 14 : i32
        %add3A_819 = arith.addi %mul3A_68, %add3A_818 : i32
        %get3A_820 = arith.index_cast %add3A_819 : i32 to index
        %get3A_821 = arith.constant 96 : index
        %get3A_822 = tpu.vector_load %arg10[%get3A_820, %get3A_821] {strides = array<i32>} : memref<128x192xbf16, #tpu.memory_space<vmem>>, vector<32xbf16>,
        %mul3A_823 = arith.mulf %get3A_822, %bitcast3A_165 : vector<32xbf16>
        %add3A_824 = arith.constant 14 : i32
        %add3A_825 = arith.addi %mul3A_68, %add3A_824 : i32
        %get3A_826 = arith.index_cast %add3A_825 : i32 to index
        %get3A_827 = arith.constant 128 : index
        %get3A_828 = tpu.vector_load %arg10[%get3A_826, %get3A_827] {strides = array<i32>} : memref<128x192xbf16, #tpu.memory_space<vmem>>, vector<32xbf16>,
        %mul3A_829 = arith.mulf %get3A_828, %bitcast3A_165 : vector<32xbf16>
        %add3A_830 = arith.constant 14 : i32
        %add3A_831 = arith.addi %mul3A_68, %add3A_830 : i32
        %get3A_832 = arith.index_cast %add3A_831 : i32 to index
        %get3A_833 = arith.constant 160 : index
        %get3A_834 = tpu.vector_load %arg10[%get3A_832, %get3A_833] {strides = array<i32>} : memref<128x192xbf16, #tpu.memory_space<vmem>>, vector<32xbf16>,
        %mul3A_835 = arith.mulf %get3A_834, %bitcast3A_165 : vector<32xbf16>
        %add3A_836 = arith.constant 15 : i32
        %add3A_837 = arith.addi %mul3A_68, %add3A_836 : i32
        %get3A_838 = arith.index_cast %add3A_837 : i32 to index
        %get3A_839 = arith.constant 0 : index
        %get3A_840 = tpu.vector_load %arg10[%get3A_838, %get3A_839] {strides = array<i32>} : memref<128x192xbf16, #tpu.memory_space<vmem>>, vector<32xbf16>,
        %mul3A_841 = arith.mulf %get3A_840, %bitcast3A_170 : vector<32xbf16>
        %add3A_842 = arith.constant 15 : i32
        %add3A_843 = arith.addi %mul3A_68, %add3A_842 : i32
        %get3A_844 = arith.index_cast %add3A_843 : i32 to index
        %get3A_845 = arith.constant 32 : index
        %get3A_846 = tpu.vector_load %arg10[%get3A_844, %get3A_845] {strides = array<i32>} : memref<128x192xbf16, #tpu.memory_space<vmem>>, vector<32xbf16>,
        %mul3A_847 = arith.mulf %get3A_846, %bitcast3A_170 : vector<32xbf16>
        %add3A_848 = arith.constant 15 : i32
        %add3A_849 = arith.addi %mul3A_68, %add3A_848 : i32
        %get3A_850 = arith.index_cast %add3A_849 : i32 to index
        %get3A_851 = arith.constant 64 : index
        %get3A_852 = tpu.vector_load %arg10[%get3A_850, %get3A_851] {strides = array<i32>} : memref<128x192xbf16, #tpu.memory_space<vmem>>, vector<32xbf16>,
        %mul3A_853 = arith.mulf %get3A_852, %bitcast3A_170 : vector<32xbf16>
        %add3A_854 = arith.constant 15 : i32
        %add3A_855 = arith.addi %mul3A_68, %add3A_854 : i32
        %get3A_856 = arith.index_cast %add3A_855 : i32 to index
        %get3A_857 = arith.constant 96 : index
        %get3A_858 = tpu.vector_load %arg10[%get3A_856, %get3A_857] {strides = array<i32>} : memref<128x192xbf16, #tpu.memory_space<vmem>>, vector<32xbf16>,
        %mul3A_859 = arith.mulf %get3A_858, %bitcast3A_170 : vector<32xbf16>
        %add3A_860 = arith.constant 15 : i32
        %add3A_861 = arith.addi %mul3A_68, %add3A_860 : i32
        %get3A_862 = arith.index_cast %add3A_861 : i32 to index
        %get3A_863 = arith.constant 128 : index
        %get3A_864 = tpu.vector_load %arg10[%get3A_862, %get3A_863] {strides = array<i32>} : memref<128x192xbf16, #tpu.memory_space<vmem>>, vector<32xbf16>,
        %mul3A_865 = arith.mulf %get3A_864, %bitcast3A_170 : vector<32xbf16>
        %add3A_866 = arith.constant 15 : i32
        %add3A_867 = arith.addi %mul3A_68, %add3A_866 : i32
        %get3A_868 = arith.index_cast %add3A_867 : i32 to index
        %get3A_869 = arith.constant 160 : index
        %get3A_870 = tpu.vector_load %arg10[%get3A_868, %get3A_869] {strides = array<i32>} : memref<128x192xbf16, #tpu.memory_space<vmem>>, vector<32xbf16>,
        %mul3A_871 = arith.mulf %get3A_870, %bitcast3A_170 : vector<32xbf16>
        %add3A_872 = arith.addf %mul3A_733, %mul3A_769 : vector<32xbf16>
        %add3A_873 = arith.addf %mul3A_805, %mul3A_841 : vector<32xbf16>
        %add3A_874 = arith.addf %add3A_872, %add3A_873 : vector<32xbf16>
        %unpack3A_875 = tpu.unpack_subelements %add3A_874, 0 {pack_format = #tpu.pack_format<interleaved>} : vector<32xbf16> -> vector<16xf32>
        %unpack3A_876 = tpu.unpack_subelements %add3A_874, 1 {pack_format = #tpu.pack_format<interleaved>} : vector<32xbf16> -> vector<16xf32>
        %add3A_877 = arith.addf %add3A_691, %unpack3A_875 : vector<16xf32>
        %add3A_878 = arith.addf %add3A_692, %unpack3A_876 : vector<16xf32>
        %add3A_879 = arith.addf %mul3A_739, %mul3A_775 : vector<32xbf16>
        %add3A_880 = arith.addf %mul3A_811, %mul3A_847 : vector<32xbf16>
        %add3A_881 = arith.addf %add3A_879, %add3A_880 : vector<32xbf16>
        %unpack3A_882 = tpu.unpack_subelements %add3A_881, 0 {pack_format = #tpu.pack_format<interleaved>} : vector<32xbf16> -> vector<16xf32>
        %unpack3A_883 = tpu.unpack_subelements %add3A_881, 1 {pack_format = #tpu.pack_format<interleaved>} : vector<32xbf16> -> vector<16xf32>
        %add3A_884 = arith.addf %add3A_698, %unpack3A_882 : vector<16xf32>
        %add3A_885 = arith.addf %add3A_699, %unpack3A_883 : vector<16xf32>
        %add3A_886 = arith.addf %mul3A_745, %mul3A_781 : vector<32xbf16>
        %add3A_887 = arith.addf %mul3A_817, %mul3A_853 : vector<32xbf16>
        %add3A_888 = arith.addf %add3A_886, %add3A_887 : vector<32xbf16>
        %unpack3A_889 = tpu.unpack_subelements %add3A_888, 0 {pack_format = #tpu.pack_format<interleaved>} : vector<32xbf16> -> vector<16xf32>
        %unpack3A_890 = tpu.unpack_subelements %add3A_888, 1 {pack_format = #tpu.pack_format<interleaved>} : vector<32xbf16> -> vector<16xf32>
        %add3A_891 = arith.addf %add3A_705, %unpack3A_889 : vector<16xf32>
        %add3A_892 = arith.addf %add3A_706, %unpack3A_890 : vector<16xf32>
        %add3A_893 = arith.addf %mul3A_751, %mul3A_787 : vector<32xbf16>
        %add3A_894 = arith.addf %mul3A_823, %mul3A_859 : vector<32xbf16>
        %add3A_895 = arith.addf %add3A_893, %add3A_894 : vector<32xbf16>
        %unpack3A_896 = tpu.unpack_subelements %add3A_895, 0 {pack_format = #tpu.pack_format<interleaved>} : vector<32xbf16> -> vector<16xf32>
        %unpack3A_897 = tpu.unpack_subelements %add3A_895, 1 {pack_format = #tpu.pack_format<interleaved>} : vector<32xbf16> -> vector<16xf32>
        %add3A_898 = arith.addf %add3A_712, %unpack3A_896 : vector<16xf32>
        %add3A_899 = arith.addf %add3A_713, %unpack3A_897 : vector<16xf32>
        %add3A_900 = arith.addf %mul3A_757, %mul3A_793 : vector<32xbf16>
        %add3A_901 = arith.addf %mul3A_829, %mul3A_865 : vector<32xbf16>
        %add3A_902 = arith.addf %add3A_900, %add3A_901 : vector<32xbf16>
        %unpack3A_903 = tpu.unpack_subelements %add3A_902, 0 {pack_format = #tpu.pack_format<interleaved>} : vector<32xbf16> -> vector<16xf32>
        %unpack3A_904 = tpu.unpack_subelements %add3A_902, 1 {pack_format = #tpu.pack_format<interleaved>} : vector<32xbf16> -> vector<16xf32>
        %add3A_905 = arith.addf %add3A_719, %unpack3A_903 : vector<16xf32>
        %add3A_906 = arith.addf %add3A_720, %unpack3A_904 : vector<16xf32>
        %add3A_907 = arith.addf %mul3A_763, %mul3A_799 : vector<32xbf16>
        %add3A_908 = arith.addf %mul3A_835, %mul3A_871 : vector<32xbf16>
        %add3A_909 = arith.addf %add3A_907, %add3A_908 : vector<32xbf16>
        %unpack3A_910 = tpu.unpack_subelements %add3A_909, 0 {pack_format = #tpu.pack_format<interleaved>} : vector<32xbf16> -> vector<16xf32>
        %unpack3A_911 = tpu.unpack_subelements %add3A_909, 1 {pack_format = #tpu.pack_format<interleaved>} : vector<32xbf16> -> vector<16xf32>
        %add3A_912 = arith.addf %add3A_726, %unpack3A_910 : vector<16xf32>
        %add3A_913 = arith.addf %add3A_727, %unpack3A_911 : vector<16xf32>
        %broadcast_in_dim3A_914 = vector.broadcast %add3A_66 : i32 to vector<16xi32>
        %add3A_915 = arith.constant 0 : i32
        %add3A_916 = vector.broadcast %add3A_915 : i32 to vector<16xi32>
        %add3A_917 = arith.addi %add3A_916, %mul3A_32 : vector<16xi32>
        tpu.vector_store_idx %arg12[%broadcast_in_dim3A_914, %add3A_917], %add3A_877 : memref<8x192xf32, #tpu.memory_space<vmem>>[vector<16xi32>, vector<16xi32>], vector<16xf32>,
        %add3A_918 = arith.constant 0 : i32
        %add3A_919 = vector.broadcast %add3A_918 : i32 to vector<16xi32>
        %add3A_920 = arith.addi %add3A_919, %mul3A_32 : vector<16xi32>
        %add3A_921 = arith.constant 1 : i32
        %add3A_922 = vector.broadcast %add3A_921 : i32 to vector<16xi32>
        %add3A_923 = arith.addi %add3A_920, %add3A_922 : vector<16xi32>
        tpu.vector_store_idx %arg12[%broadcast_in_dim3A_914, %add3A_923], %add3A_878 : memref<8x192xf32, #tpu.memory_space<vmem>>[vector<16xi32>, vector<16xi32>], vector<16xf32>,
        %add3A_924 = arith.constant 32 : i32
        %add3A_925 = vector.broadcast %add3A_924 : i32 to vector<16xi32>
        %add3A_926 = arith.addi %add3A_925, %mul3A_32 : vector<16xi32>
        tpu.vector_store_idx %arg12[%broadcast_in_dim3A_914, %add3A_926], %add3A_884 : memref<8x192xf32, #tpu.memory_space<vmem>>[vector<16xi32>, vector<16xi32>], vector<16xf32>,
        %add3A_927 = arith.constant 32 : i32
        %add3A_928 = vector.broadcast %add3A_927 : i32 to vector<16xi32>
        %add3A_929 = arith.addi %add3A_928, %mul3A_32 : vector<16xi32>
        %add3A_930 = arith.constant 1 : i32
        %add3A_931 = vector.broadcast %add3A_930 : i32 to vector<16xi32>
        %add3A_932 = arith.addi %add3A_929, %add3A_931 : vector<16xi32>
        tpu.vector_store_idx %arg12[%broadcast_in_dim3A_914, %add3A_932], %add3A_885 : memref<8x192xf32, #tpu.memory_space<vmem>>[vector<16xi32>, vector<16xi32>], vector<16xf32>,
        %add3A_933 = arith.constant 64 : i32
        %add3A_934 = vector.broadcast %add3A_933 : i32 to vector<16xi32>
        %add3A_935 = arith.addi %add3A_934, %mul3A_32 : vector<16xi32>
        tpu.vector_store_idx %arg12[%broadcast_in_dim3A_914, %add3A_935], %add3A_891 : memref<8x192xf32, #tpu.memory_space<vmem>>[vector<16xi32>, vector<16xi32>], vector<16xf32>,
        %add3A_936 = arith.constant 64 : i32
        %add3A_937 = vector.broadcast %add3A_936 : i32 to vector<16xi32>
        %add3A_938 = arith.addi %add3A_937, %mul3A_32 : vector<16xi32>
        %add3A_939 = arith.constant 1 : i32
        %add3A_940 = vector.broadcast %add3A_939 : i32 to vector<16xi32>
        %add3A_941 = arith.addi %add3A_938, %add3A_940 : vector<16xi32>
        tpu.vector_store_idx %arg12[%broadcast_in_dim3A_914, %add3A_941], %add3A_892 : memref<8x192xf32, #tpu.memory_space<vmem>>[vector<16xi32>, vector<16xi32>], vector<16xf32>,
        %add3A_942 = arith.constant 96 : i32
        %add3A_943 = vector.broadcast %add3A_942 : i32 to vector<16xi32>
        %add3A_944 = arith.addi %add3A_943, %mul3A_32 : vector<16xi32>
        tpu.vector_store_idx %arg12[%broadcast_in_dim3A_914, %add3A_944], %add3A_898 : memref<8x192xf32, #tpu.memory_space<vmem>>[vector<16xi32>, vector<16xi32>], vector<16xf32>,
        %add3A_945 = arith.constant 96 : i32
        %add3A_946 = vector.broadcast %add3A_945 : i32 to vector<16xi32>
        %add3A_947 = arith.addi %add3A_946, %mul3A_32 : vector<16xi32>
        %add3A_948 = arith.constant 1 : i32
        %add3A_949 = vector.broadcast %add3A_948 : i32 to vector<16xi32>
        %add3A_950 = arith.addi %add3A_947, %add3A_949 : vector<16xi32>
        tpu.vector_store_idx %arg12[%broadcast_in_dim3A_914, %add3A_950], %add3A_899 : memref<8x192xf32, #tpu.memory_space<vmem>>[vector<16xi32>, vector<16xi32>], vector<16xf32>,
        %add3A_951 = arith.constant 128 : i32
        %add3A_952 = vector.broadcast %add3A_951 : i32 to vector<16xi32>
        %add3A_953 = arith.addi %add3A_952, %mul3A_32 : vector<16xi32>
        tpu.vector_store_idx %arg12[%broadcast_in_dim3A_914, %add3A_953], %add3A_905 : memref<8x192xf32, #tpu.memory_space<vmem>>[vector<16xi32>, vector<16xi32>], vector<16xf32>,
        %add3A_954 = arith.constant 128 : i32
        %add3A_955 = vector.broadcast %add3A_954 : i32 to vector<16xi32>
        %add3A_956 = arith.addi %add3A_955, %mul3A_32 : vector<16xi32>
        %add3A_957 = arith.constant 1 : i32
        %add3A_958 = vector.broadcast %add3A_957 : i32 to vector<16xi32>
        %add3A_959 = arith.addi %add3A_956, %add3A_958 : vector<16xi32>
        tpu.vector_store_idx %arg12[%broadcast_in_dim3A_914, %add3A_959], %add3A_906 : memref<8x192xf32, #tpu.memory_space<vmem>>[vector<16xi32>, vector<16xi32>], vector<16xf32>,
        %add3A_960 = arith.constant 160 : i32
        %add3A_961 = vector.broadcast %add3A_960 : i32 to vector<16xi32>
        %add3A_962 = arith.addi %add3A_961, %mul3A_32 : vector<16xi32>
        tpu.vector_store_idx %arg12[%broadcast_in_dim3A_914, %add3A_962], %add3A_912 : memref<8x192xf32, #tpu.memory_space<vmem>>[vector<16xi32>, vector<16xi32>], vector<16xf32>,
        %add3A_963 = arith.constant 160 : i32
        %add3A_964 = vector.broadcast %add3A_963 : i32 to vector<16xi32>
        %add3A_965 = arith.addi %add3A_964, %mul3A_32 : vector<16xi32>
        %add3A_966 = arith.constant 1 : i32
        %add3A_967 = vector.broadcast %add3A_966 : i32 to vector<16xi32>
        %add3A_968 = arith.addi %add3A_965, %add3A_967 : vector<16xi32>
        tpu.vector_store_idx %arg12[%broadcast_in_dim3A_914, %add3A_968], %add3A_913 : memref<8x192xf32, #tpu.memory_space<vmem>>[vector<16xi32>, vector<16xi32>], vector<16xf32>,
        %scan3A_969 = arith.constant 1 : i32
        %scan3A_970 = arith.addi %scan3A_62, %scan3A_969 : i32
        %mul3A_971 = arith.constant 1 : i32
        %mul3A_972 = arith.muli %scan3A_970, %mul3A_971 : i32
        %add3A_973 = arith.constant 0 : i32
        %add3A_974 = arith.addi %add3A_973, %mul3A_972 : i32
        %mul3A_975 = arith.constant 16 : i32
        %mul3A_976 = arith.muli %add3A_974, %mul3A_975 : i32
        %get3A_977 = arith.index_cast %mul3A_976 : i32 to index
        %get3A_978 = tpu.vector_load %arg8[%get3A_977] {strides = array<i32>} : memref<128xi32, #tpu.memory_space<vmem>>, vector<16xi32>,
        %broadcast_in_dim3A_979 = arith.constant 0.000000e+00 : f32
        %broadcast_in_dim3A_980 = vector.broadcast %broadcast_in_dim3A_979 : f32 to vector<16xf32>
        %broadcast_in_dim3A_981 = arith.constant 0.000000e+00 : f32
        %broadcast_in_dim3A_982 = vector.broadcast %broadcast_in_dim3A_981 : f32 to vector<16xf32>
        %broadcast_in_dim3A_983 = arith.constant 0.000000e+00 : f32
        %broadcast_in_dim3A_984 = vector.broadcast %broadcast_in_dim3A_983 : f32 to vector<16xf32>
        %broadcast_in_dim3A_985 = arith.constant 0.000000e+00 : f32
        %broadcast_in_dim3A_986 = vector.broadcast %broadcast_in_dim3A_985 : f32 to vector<16xf32>
        %broadcast_in_dim3A_987 = arith.constant 0.000000e+00 : f32
        %broadcast_in_dim3A_988 = vector.broadcast %broadcast_in_dim3A_987 : f32 to vector<16xf32>
        %broadcast_in_dim3A_989 = arith.constant 0.000000e+00 : f32
        %broadcast_in_dim3A_990 = vector.broadcast %broadcast_in_dim3A_989 : f32 to vector<16xf32>
        %broadcast_in_dim3A_991 = arith.constant 0.000000e+00 : f32
        %broadcast_in_dim3A_992 = vector.broadcast %broadcast_in_dim3A_991 : f32 to vector<16xf32>
        %broadcast_in_dim3A_993 = arith.constant 0.000000e+00 : f32
        %broadcast_in_dim3A_994 = vector.broadcast %broadcast_in_dim3A_993 : f32 to vector<16xf32>
        %broadcast_in_dim3A_995 = arith.constant 0.000000e+00 : f32
        %broadcast_in_dim3A_996 = vector.broadcast %broadcast_in_dim3A_995 : f32 to vector<16xf32>
        %broadcast_in_dim3A_997 = arith.constant 0.000000e+00 : f32
        %broadcast_in_dim3A_998 = vector.broadcast %broadcast_in_dim3A_997 : f32 to vector<16xf32>
        %broadcast_in_dim3A_999 = arith.constant 0.000000e+00 : f32
        %broadcast_in_dim3A_1000 = vector.broadcast %broadcast_in_dim3A_999 : f32 to vector<16xf32>
        %broadcast_in_dim3A_1001 = arith.constant 0.000000e+00 : f32
        %broadcast_in_dim3A_1002 = vector.broadcast %broadcast_in_dim3A_1001 : f32 to vector<16xf32>
        %broadcast_in_dim3A_1003 = arith.constant 0 : i32
        %broadcast_in_dim3A_1004 = vector.broadcast %broadcast_in_dim3A_1003 : i32 to vector<16x1xi32>
        %gather3A_1005 = vector.shape_cast %broadcast_in_dim3A_1004 : vector<16x1xi32> to vector<16xi32>
        %gather3A_1006 = tpu.dynamic_gather %get3A_978[%gather3A_1005] in [0] : vector<16xi32>, vector<16xi32> -> vector<16xi32>
        %bitcast3A_1007 = vector.bitcast %gather3A_1006 : vector<16xi32> to vector<32xbf16>
        %broadcast_in_dim3A_1008 = arith.constant 1 : i32
        %broadcast_in_dim3A_1009 = vector.broadcast %broadcast_in_dim3A_1008 : i32 to vector<16x1xi32>
        %gather3A_1010 = vector.shape_cast %broadcast_in_dim3A_1009 : vector<16x1xi32> to vector<16xi32>
        %gather3A_1011 = tpu.dynamic_gather %get3A_978[%gather3A_1010] in [0] : vector<16xi32>, vector<16xi32> -> vector<16xi32>
        %bitcast3A_1012 = vector.bitcast %gather3A_1011 : vector<16xi32> to vector<32xbf16>
        %broadcast_in_dim3A_1013 = arith.constant 2 : i32
        %broadcast_in_dim3A_1014 = vector.broadcast %broadcast_in_dim3A_1013 : i32 to vector<16x1xi32>
        %gather3A_1015 = vector.shape_cast %broadcast_in_dim3A_1014 : vector<16x1xi32> to vector<16xi32>
        %gather3A_1016 = tpu.dynamic_gather %get3A_978[%gather3A_1015] in [0] : vector<16xi32>, vector<16xi32> -> vector<16xi32>
        %bitcast3A_1017 = vector.bitcast %gather3A_1016 : vector<16xi32> to vector<32xbf16>
        %broadcast_in_dim3A_1018 = arith.constant 3 : i32
        %broadcast_in_dim3A_1019 = vector.broadcast %broadcast_in_dim3A_1018 : i32 to vector<16x1xi32>
        %gather3A_1020 = vector.shape_cast %broadcast_in_dim3A_1019 : vector<16x1xi32> to vector<16xi32>
        %gather3A_1021 = tpu.dynamic_gather %get3A_978[%gather3A_1020] in [0] : vector<16xi32>, vector<16xi32> -> vector<16xi32>
        %bitcast3A_1022 = vector.bitcast %gather3A_1021 : vector<16xi32> to vector<32xbf16>
        %broadcast_in_dim3A_1023 = arith.constant 4 : i32
        %broadcast_in_dim3A_1024 = vector.broadcast %broadcast_in_dim3A_1023 : i32 to vector<16x1xi32>
        %gather3A_1025 = vector.shape_cast %broadcast_in_dim3A_1024 : vector<16x1xi32> to vector<16xi32>
        %gather3A_1026 = tpu.dynamic_gather %get3A_978[%gather3A_1025] in [0] : vector<16xi32>, vector<16xi32> -> vector<16xi32>
        %bitcast3A_1027 = vector.bitcast %gather3A_1026 : vector<16xi32> to vector<32xbf16>
        %broadcast_in_dim3A_1028 = arith.constant 5 : i32
        %broadcast_in_dim3A_1029 = vector.broadcast %broadcast_in_dim3A_1028 : i32 to vector<16x1xi32>
        %gather3A_1030 = vector.shape_cast %broadcast_in_dim3A_1029 : vector<16x1xi32> to vector<16xi32>
        %gather3A_1031 = tpu.dynamic_gather %get3A_978[%gather3A_1030] in [0] : vector<16xi32>, vector<16xi32> -> vector<16xi32>
        %bitcast3A_1032 = vector.bitcast %gather3A_1031 : vector<16xi32> to vector<32xbf16>
        %broadcast_in_dim3A_1033 = arith.constant 6 : i32
        %broadcast_in_dim3A_1034 = vector.broadcast %broadcast_in_dim3A_1033 : i32 to vector<16x1xi32>
        %gather3A_1035 = vector.shape_cast %broadcast_in_dim3A_1034 : vector<16x1xi32> to vector<16xi32>
        %gather3A_1036 = tpu.dynamic_gather %get3A_978[%gather3A_1035] in [0] : vector<16xi32>, vector<16xi32> -> vector<16xi32>
        %bitcast3A_1037 = vector.bitcast %gather3A_1036 : vector<16xi32> to vector<32xbf16>
        %broadcast_in_dim3A_1038 = arith.constant 7 : i32
        %broadcast_in_dim3A_1039 = vector.broadcast %broadcast_in_dim3A_1038 : i32 to vector<16x1xi32>
        %gather3A_1040 = vector.shape_cast %broadcast_in_dim3A_1039 : vector<16x1xi32> to vector<16xi32>
        %gather3A_1041 = tpu.dynamic_gather %get3A_978[%gather3A_1040] in [0] : vector<16xi32>, vector<16xi32> -> vector<16xi32>
        %bitcast3A_1042 = vector.bitcast %gather3A_1041 : vector<16xi32> to vector<32xbf16>
        %broadcast_in_dim3A_1043 = arith.constant 8 : i32
        %broadcast_in_dim3A_1044 = vector.broadcast %broadcast_in_dim3A_1043 : i32 to vector<16x1xi32>
        %gather3A_1045 = vector.shape_cast %broadcast_in_dim3A_1044 : vector<16x1xi32> to vector<16xi32>
        %gather3A_1046 = tpu.dynamic_gather %get3A_978[%gather3A_1045] in [0] : vector<16xi32>, vector<16xi32> -> vector<16xi32>
        %bitcast3A_1047 = vector.bitcast %gather3A_1046 : vector<16xi32> to vector<32xbf16>
        %broadcast_in_dim3A_1048 = arith.constant 9 : i32
        %broadcast_in_dim3A_1049 = vector.broadcast %broadcast_in_dim3A_1048 : i32 to vector<16x1xi32>
        %gather3A_1050 = vector.shape_cast %broadcast_in_dim3A_1049 : vector<16x1xi32> to vector<16xi32>
        %gather3A_1051 = tpu.dynamic_gather %get3A_978[%gather3A_1050] in [0] : vector<16xi32>, vector<16xi32> -> vector<16xi32>
        %bitcast3A_1052 = vector.bitcast %gather3A_1051 : vector<16xi32> to vector<32xbf16>
        %broadcast_in_dim3A_1053 = arith.constant 10 : i32
        %broadcast_in_dim3A_1054 = vector.broadcast %broadcast_in_dim3A_1053 : i32 to vector<16x1xi32>
        %gather3A_1055 = vector.shape_cast %broadcast_in_dim3A_1054 : vector<16x1xi32> to vector<16xi32>
        %gather3A_1056 = tpu.dynamic_gather %get3A_978[%gather3A_1055] in [0] : vector<16xi32>, vector<16xi32> -> vector<16xi32>
        %bitcast3A_1057 = vector.bitcast %gather3A_1056 : vector<16xi32> to vector<32xbf16>
        %broadcast_in_dim3A_1058 = arith.constant 11 : i32
        %broadcast_in_dim3A_1059 = vector.broadcast %broadcast_in_dim3A_1058 : i32 to vector<16x1xi32>
        %gather3A_1060 = vector.shape_cast %broadcast_in_dim3A_1059 : vector<16x1xi32> to vector<16xi32>
        %gather3A_1061 = tpu.dynamic_gather %get3A_978[%gather3A_1060] in [0] : vector<16xi32>, vector<16xi32> -> vector<16xi32>
        %bitcast3A_1062 = vector.bitcast %gather3A_1061 : vector<16xi32> to vector<32xbf16>
        %broadcast_in_dim3A_1063 = arith.constant 12 : i32
        %broadcast_in_dim3A_1064 = vector.broadcast %broadcast_in_dim3A_1063 : i32 to vector<16x1xi32>
        %gather3A_1065 = vector.shape_cast %broadcast_in_dim3A_1064 : vector<16x1xi32> to vector<16xi32>
        %gather3A_1066 = tpu.dynamic_gather %get3A_978[%gather3A_1065] in [0] : vector<16xi32>, vector<16xi32> -> vector<16xi32>
        %bitcast3A_1067 = vector.bitcast %gather3A_1066 : vector<16xi32> to vector<32xbf16>
        %broadcast_in_dim3A_1068 = arith.constant 13 : i32
        %broadcast_in_dim3A_1069 = vector.broadcast %broadcast_in_dim3A_1068 : i32 to vector<16x1xi32>
        %gather3A_1070 = vector.shape_cast %broadcast_in_dim3A_1069 : vector<16x1xi32> to vector<16xi32>
        %gather3A_1071 = tpu.dynamic_gather %get3A_978[%gather3A_1070] in [0] : vector<16xi32>, vector<16xi32> -> vector<16xi32>
        %bitcast3A_1072 = vector.bitcast %gather3A_1071 : vector<16xi32> to vector<32xbf16>
        %broadcast_in_dim3A_1073 = arith.constant 14 : i32
        %broadcast_in_dim3A_1074 = vector.broadcast %broadcast_in_dim3A_1073 : i32 to vector<16x1xi32>
        %gather3A_1075 = vector.shape_cast %broadcast_in_dim3A_1074 : vector<16x1xi32> to vector<16xi32>
        %gather3A_1076 = tpu.dynamic_gather %get3A_978[%gather3A_1075] in [0] : vector<16xi32>, vector<16xi32> -> vector<16xi32>
        %bitcast3A_1077 = vector.bitcast %gather3A_1076 : vector<16xi32> to vector<32xbf16>
        %broadcast_in_dim3A_1078 = arith.constant 15 : i32
        %broadcast_in_dim3A_1079 = vector.broadcast %broadcast_in_dim3A_1078 : i32 to vector<16x1xi32>
        %gather3A_1080 = vector.shape_cast %broadcast_in_dim3A_1079 : vector<16x1xi32> to vector<16xi32>
        %gather3A_1081 = tpu.dynamic_gather %get3A_978[%gather3A_1080] in [0] : vector<16xi32>, vector<16xi32> -> vector<16xi32>
        %bitcast3A_1082 = vector.bitcast %gather3A_1081 : vector<16xi32> to vector<32xbf16>
        %add3A_1083 = arith.constant 0 : i32
        %add3A_1084 = arith.addi %mul3A_976, %add3A_1083 : i32
        %get3A_1085 = arith.index_cast %add3A_1084 : i32 to index
        %get3A_1086 = arith.constant 0 : index
        %get3A_1087 = tpu.vector_load %arg10[%get3A_1085, %get3A_1086] {strides = array<i32>} : memref<128x192xbf16, #tpu.memory_space<vmem>>, vector<32xbf16>,
        %mul3A_1088 = arith.mulf %get3A_1087, %bitcast3A_1007 : vector<32xbf16>
        %add3A_1089 = arith.constant 0 : i32
        %add3A_1090 = arith.addi %mul3A_976, %add3A_1089 : i32
        %get3A_1091 = arith.index_cast %add3A_1090 : i32 to index
        %get3A_1092 = arith.constant 32 : index
        %get3A_1093 = tpu.vector_load %arg10[%get3A_1091, %get3A_1092] {strides = array<i32>} : memref<128x192xbf16, #tpu.memory_space<vmem>>, vector<32xbf16>,
        %mul3A_1094 = arith.mulf %get3A_1093, %bitcast3A_1007 : vector<32xbf16>
        %add3A_1095 = arith.constant 0 : i32
        %add3A_1096 = arith.addi %mul3A_976, %add3A_1095 : i32
        %get3A_1097 = arith.index_cast %add3A_1096 : i32 to index
        %get3A_1098 = arith.constant 64 : index
        %get3A_1099 = tpu.vector_load %arg10[%get3A_1097, %get3A_1098] {strides = array<i32>} : memref<128x192xbf16, #tpu.memory_space<vmem>>, vector<32xbf16>,
        %mul3A_1100 = arith.mulf %get3A_1099, %bitcast3A_1007 : vector<32xbf16>
        %add3A_1101 = arith.constant 0 : i32
        %add3A_1102 = arith.addi %mul3A_976, %add3A_1101 : i32
        %get3A_1103 = arith.index_cast %add3A_1102 : i32 to index
        %get3A_1104 = arith.constant 96 : index
        %get3A_1105 = tpu.vector_load %arg10[%get3A_1103, %get3A_1104] {strides = array<i32>} : memref<128x192xbf16, #tpu.memory_space<vmem>>, vector<32xbf16>,
        %mul3A_1106 = arith.mulf %get3A_1105, %bitcast3A_1007 : vector<32xbf16>
        %add3A_1107 = arith.constant 0 : i32
        %add3A_1108 = arith.addi %mul3A_976, %add3A_1107 : i32
        %get3A_1109 = arith.index_cast %add3A_1108 : i32 to index
        %get3A_1110 = arith.constant 128 : index
        %get3A_1111 = tpu.vector_load %arg10[%get3A_1109, %get3A_1110] {strides = array<i32>} : memref<128x192xbf16, #tpu.memory_space<vmem>>, vector<32xbf16>,
        %mul3A_1112 = arith.mulf %get3A_1111, %bitcast3A_1007 : vector<32xbf16>
        %add3A_1113 = arith.constant 0 : i32
        %add3A_1114 = arith.addi %mul3A_976, %add3A_1113 : i32
        %get3A_1115 = arith.index_cast %add3A_1114 : i32 to index
        %get3A_1116 = arith.constant 160 : index
        %get3A_1117 = tpu.vector_load %arg10[%get3A_1115, %get3A_1116] {strides = array<i32>} : memref<128x192xbf16, #tpu.memory_space<vmem>>, vector<32xbf16>,
        %mul3A_1118 = arith.mulf %get3A_1117, %bitcast3A_1007 : vector<32xbf16>
        %add3A_1119 = arith.constant 1 : i32
        %add3A_1120 = arith.addi %mul3A_976, %add3A_1119 : i32
        %get3A_1121 = arith.index_cast %add3A_1120 : i32 to index
        %get3A_1122 = arith.constant 0 : index
        %get3A_1123 = tpu.vector_load %arg10[%get3A_1121, %get3A_1122] {strides = array<i32>} : memref<128x192xbf16, #tpu.memory_space<vmem>>, vector<32xbf16>,
        %mul3A_1124 = arith.mulf %get3A_1123, %bitcast3A_1012 : vector<32xbf16>
        %add3A_1125 = arith.constant 1 : i32
        %add3A_1126 = arith.addi %mul3A_976, %add3A_1125 : i32
        %get3A_1127 = arith.index_cast %add3A_1126 : i32 to index
        %get3A_1128 = arith.constant 32 : index
        %get3A_1129 = tpu.vector_load %arg10[%get3A_1127, %get3A_1128] {strides = array<i32>} : memref<128x192xbf16, #tpu.memory_space<vmem>>, vector<32xbf16>,
        %mul3A_1130 = arith.mulf %get3A_1129, %bitcast3A_1012 : vector<32xbf16>
        %add3A_1131 = arith.constant 1 : i32
        %add3A_1132 = arith.addi %mul3A_976, %add3A_1131 : i32
        %get3A_1133 = arith.index_cast %add3A_1132 : i32 to index
        %get3A_1134 = arith.constant 64 : index
        %get3A_1135 = tpu.vector_load %arg10[%get3A_1133, %get3A_1134] {strides = array<i32>} : memref<128x192xbf16, #tpu.memory_space<vmem>>, vector<32xbf16>,
        %mul3A_1136 = arith.mulf %get3A_1135, %bitcast3A_1012 : vector<32xbf16>
        %add3A_1137 = arith.constant 1 : i32
        %add3A_1138 = arith.addi %mul3A_976, %add3A_1137 : i32
        %get3A_1139 = arith.index_cast %add3A_1138 : i32 to index
        %get3A_1140 = arith.constant 96 : index
        %get3A_1141 = tpu.vector_load %arg10[%get3A_1139, %get3A_1140] {strides = array<i32>} : memref<128x192xbf16, #tpu.memory_space<vmem>>, vector<32xbf16>,
        %mul3A_1142 = arith.mulf %get3A_1141, %bitcast3A_1012 : vector<32xbf16>
        %add3A_1143 = arith.constant 1 : i32
        %add3A_1144 = arith.addi %mul3A_976, %add3A_1143 : i32
        %get3A_1145 = arith.index_cast %add3A_1144 : i32 to index
        %get3A_1146 = arith.constant 128 : index
        %get3A_1147 = tpu.vector_load %arg10[%get3A_1145, %get3A_1146] {strides = array<i32>} : memref<128x192xbf16, #tpu.memory_space<vmem>>, vector<32xbf16>,
        %mul3A_1148 = arith.mulf %get3A_1147, %bitcast3A_1012 : vector<32xbf16>
        %add3A_1149 = arith.constant 1 : i32
        %add3A_1150 = arith.addi %mul3A_976, %add3A_1149 : i32
        %get3A_1151 = arith.index_cast %add3A_1150 : i32 to index
        %get3A_1152 = arith.constant 160 : index
        %get3A_1153 = tpu.vector_load %arg10[%get3A_1151, %get3A_1152] {strides = array<i32>} : memref<128x192xbf16, #tpu.memory_space<vmem>>, vector<32xbf16>,
        %mul3A_1154 = arith.mulf %get3A_1153, %bitcast3A_1012 : vector<32xbf16>
        %add3A_1155 = arith.constant 2 : i32
        %add3A_1156 = arith.addi %mul3A_976, %add3A_1155 : i32
        %get3A_1157 = arith.index_cast %add3A_1156 : i32 to index
        %get3A_1158 = arith.constant 0 : index
        %get3A_1159 = tpu.vector_load %arg10[%get3A_1157, %get3A_1158] {strides = array<i32>} : memref<128x192xbf16, #tpu.memory_space<vmem>>, vector<32xbf16>,
        %mul3A_1160 = arith.mulf %get3A_1159, %bitcast3A_1017 : vector<32xbf16>
        %add3A_1161 = arith.constant 2 : i32
        %add3A_1162 = arith.addi %mul3A_976, %add3A_1161 : i32
        %get3A_1163 = arith.index_cast %add3A_1162 : i32 to index
        %get3A_1164 = arith.constant 32 : index
        %get3A_1165 = tpu.vector_load %arg10[%get3A_1163, %get3A_1164] {strides = array<i32>} : memref<128x192xbf16, #tpu.memory_space<vmem>>, vector<32xbf16>,
        %mul3A_1166 = arith.mulf %get3A_1165, %bitcast3A_1017 : vector<32xbf16>
        %add3A_1167 = arith.constant 2 : i32
        %add3A_1168 = arith.addi %mul3A_976, %add3A_1167 : i32
        %get3A_1169 = arith.index_cast %add3A_1168 : i32 to index
        %get3A_1170 = arith.constant 64 : index
        %get3A_1171 = tpu.vector_load %arg10[%get3A_1169, %get3A_1170] {strides = array<i32>} : memref<128x192xbf16, #tpu.memory_space<vmem>>, vector<32xbf16>,
        %mul3A_1172 = arith.mulf %get3A_1171, %bitcast3A_1017 : vector<32xbf16>
        %add3A_1173 = arith.constant 2 : i32
        %add3A_1174 = arith.addi %mul3A_976, %add3A_1173 : i32
        %get3A_1175 = arith.index_cast %add3A_1174 : i32 to index
        %get3A_1176 = arith.constant 96 : index
        %get3A_1177 = tpu.vector_load %arg10[%get3A_1175, %get3A_1176] {strides = array<i32>} : memref<128x192xbf16, #tpu.memory_space<vmem>>, vector<32xbf16>,
        %mul3A_1178 = arith.mulf %get3A_1177, %bitcast3A_1017 : vector<32xbf16>
        %add3A_1179 = arith.constant 2 : i32
        %add3A_1180 = arith.addi %mul3A_976, %add3A_1179 : i32
        %get3A_1181 = arith.index_cast %add3A_1180 : i32 to index
        %get3A_1182 = arith.constant 128 : index
        %get3A_1183 = tpu.vector_load %arg10[%get3A_1181, %get3A_1182] {strides = array<i32>} : memref<128x192xbf16, #tpu.memory_space<vmem>>, vector<32xbf16>,
        %mul3A_1184 = arith.mulf %get3A_1183, %bitcast3A_1017 : vector<32xbf16>
        %add3A_1185 = arith.constant 2 : i32
        %add3A_1186 = arith.addi %mul3A_976, %add3A_1185 : i32
        %get3A_1187 = arith.index_cast %add3A_1186 : i32 to index
        %get3A_1188 = arith.constant 160 : index
        %get3A_1189 = tpu.vector_load %arg10[%get3A_1187, %get3A_1188] {strides = array<i32>} : memref<128x192xbf16, #tpu.memory_space<vmem>>, vector<32xbf16>,
        %mul3A_1190 = arith.mulf %get3A_1189, %bitcast3A_1017 : vector<32xbf16>
        %add3A_1191 = arith.constant 3 : i32
        %add3A_1192 = arith.addi %mul3A_976, %add3A_1191 : i32
        %get3A_1193 = arith.index_cast %add3A_1192 : i32 to index
        %get3A_1194 = arith.constant 0 : index
        %get3A_1195 = tpu.vector_load %arg10[%get3A_1193, %get3A_1194] {strides = array<i32>} : memref<128x192xbf16, #tpu.memory_space<vmem>>, vector<32xbf16>,
        %mul3A_1196 = arith.mulf %get3A_1195, %bitcast3A_1022 : vector<32xbf16>
        %add3A_1197 = arith.constant 3 : i32
        %add3A_1198 = arith.addi %mul3A_976, %add3A_1197 : i32
        %get3A_1199 = arith.index_cast %add3A_1198 : i32 to index
        %get3A_1200 = arith.constant 32 : index
        %get3A_1201 = tpu.vector_load %arg10[%get3A_1199, %get3A_1200] {strides = array<i32>} : memref<128x192xbf16, #tpu.memory_space<vmem>>, vector<32xbf16>,
        %mul3A_1202 = arith.mulf %get3A_1201, %bitcast3A_1022 : vector<32xbf16>
        %add3A_1203 = arith.constant 3 : i32
        %add3A_1204 = arith.addi %mul3A_976, %add3A_1203 : i32
        %get3A_1205 = arith.index_cast %add3A_1204 : i32 to index
        %get3A_1206 = arith.constant 64 : index
        %get3A_1207 = tpu.vector_load %arg10[%get3A_1205, %get3A_1206] {strides = array<i32>} : memref<128x192xbf16, #tpu.memory_space<vmem>>, vector<32xbf16>,
        %mul3A_1208 = arith.mulf %get3A_1207, %bitcast3A_1022 : vector<32xbf16>
        %add3A_1209 = arith.constant 3 : i32
        %add3A_1210 = arith.addi %mul3A_976, %add3A_1209 : i32
        %get3A_1211 = arith.index_cast %add3A_1210 : i32 to index
        %get3A_1212 = arith.constant 96 : index
        %get3A_1213 = tpu.vector_load %arg10[%get3A_1211, %get3A_1212] {strides = array<i32>} : memref<128x192xbf16, #tpu.memory_space<vmem>>, vector<32xbf16>,
        %mul3A_1214 = arith.mulf %get3A_1213, %bitcast3A_1022 : vector<32xbf16>
        %add3A_1215 = arith.constant 3 : i32
        %add3A_1216 = arith.addi %mul3A_976, %add3A_1215 : i32
        %get3A_1217 = arith.index_cast %add3A_1216 : i32 to index
        %get3A_1218 = arith.constant 128 : index
        %get3A_1219 = tpu.vector_load %arg10[%get3A_1217, %get3A_1218] {strides = array<i32>} : memref<128x192xbf16, #tpu.memory_space<vmem>>, vector<32xbf16>,
        %mul3A_1220 = arith.mulf %get3A_1219, %bitcast3A_1022 : vector<32xbf16>
        %add3A_1221 = arith.constant 3 : i32
        %add3A_1222 = arith.addi %mul3A_976, %add3A_1221 : i32
        %get3A_1223 = arith.index_cast %add3A_1222 : i32 to index
        %get3A_1224 = arith.constant 160 : index
        %get3A_1225 = tpu.vector_load %arg10[%get3A_1223, %get3A_1224] {strides = array<i32>} : memref<128x192xbf16, #tpu.memory_space<vmem>>, vector<32xbf16>,
        %mul3A_1226 = arith.mulf %get3A_1225, %bitcast3A_1022 : vector<32xbf16>
        %add3A_1227 = arith.addf %mul3A_1088, %mul3A_1124 : vector<32xbf16>
        %add3A_1228 = arith.addf %mul3A_1160, %mul3A_1196 : vector<32xbf16>
        %add3A_1229 = arith.addf %add3A_1227, %add3A_1228 : vector<32xbf16>
        %unpack3A_1230 = tpu.unpack_subelements %add3A_1229, 0 {pack_format = #tpu.pack_format<interleaved>} : vector<32xbf16> -> vector<16xf32>
        %unpack3A_1231 = tpu.unpack_subelements %add3A_1229, 1 {pack_format = #tpu.pack_format<interleaved>} : vector<32xbf16> -> vector<16xf32>
        %add3A_1232 = arith.addf %broadcast_in_dim3A_980, %unpack3A_1230 : vector<16xf32>
        %add3A_1233 = arith.addf %broadcast_in_dim3A_992, %unpack3A_1231 : vector<16xf32>
        %add3A_1234 = arith.addf %mul3A_1094, %mul3A_1130 : vector<32xbf16>
        %add3A_1235 = arith.addf %mul3A_1166, %mul3A_1202 : vector<32xbf16>
        %add3A_1236 = arith.addf %add3A_1234, %add3A_1235 : vector<32xbf16>
        %unpack3A_1237 = tpu.unpack_subelements %add3A_1236, 0 {pack_format = #tpu.pack_format<interleaved>} : vector<32xbf16> -> vector<16xf32>
        %unpack3A_1238 = tpu.unpack_subelements %add3A_1236, 1 {pack_format = #tpu.pack_format<interleaved>} : vector<32xbf16> -> vector<16xf32>
        %add3A_1239 = arith.addf %broadcast_in_dim3A_982, %unpack3A_1237 : vector<16xf32>
        %add3A_1240 = arith.addf %broadcast_in_dim3A_994, %unpack3A_1238 : vector<16xf32>
        %add3A_1241 = arith.addf %mul3A_1100, %mul3A_1136 : vector<32xbf16>
        %add3A_1242 = arith.addf %mul3A_1172, %mul3A_1208 : vector<32xbf16>
        %add3A_1243 = arith.addf %add3A_1241, %add3A_1242 : vector<32xbf16>
        %unpack3A_1244 = tpu.unpack_subelements %add3A_1243, 0 {pack_format = #tpu.pack_format<interleaved>} : vector<32xbf16> -> vector<16xf32>
        %unpack3A_1245 = tpu.unpack_subelements %add3A_1243, 1 {pack_format = #tpu.pack_format<interleaved>} : vector<32xbf16> -> vector<16xf32>
        %add3A_1246 = arith.addf %broadcast_in_dim3A_984, %unpack3A_1244 : vector<16xf32>
        %add3A_1247 = arith.addf %broadcast_in_dim3A_996, %unpack3A_1245 : vector<16xf32>
        %add3A_1248 = arith.addf %mul3A_1106, %mul3A_1142 : vector<32xbf16>
        %add3A_1249 = arith.addf %mul3A_1178, %mul3A_1214 : vector<32xbf16>
        %add3A_1250 = arith.addf %add3A_1248, %add3A_1249 : vector<32xbf16>
        %unpack3A_1251 = tpu.unpack_subelements %add3A_1250, 0 {pack_format = #tpu.pack_format<interleaved>} : vector<32xbf16> -> vector<16xf32>
        %unpack3A_1252 = tpu.unpack_subelements %add3A_1250, 1 {pack_format = #tpu.pack_format<interleaved>} : vector<32xbf16> -> vector<16xf32>
        %add3A_1253 = arith.addf %broadcast_in_dim3A_986, %unpack3A_1251 : vector<16xf32>
        %add3A_1254 = arith.addf %broadcast_in_dim3A_998, %unpack3A_1252 : vector<16xf32>
        %add3A_1255 = arith.addf %mul3A_1112, %mul3A_1148 : vector<32xbf16>
        %add3A_1256 = arith.addf %mul3A_1184, %mul3A_1220 : vector<32xbf16>
        %add3A_1257 = arith.addf %add3A_1255, %add3A_1256 : vector<32xbf16>
        %unpack3A_1258 = tpu.unpack_subelements %add3A_1257, 0 {pack_format = #tpu.pack_format<interleaved>} : vector<32xbf16> -> vector<16xf32>
        %unpack3A_1259 = tpu.unpack_subelements %add3A_1257, 1 {pack_format = #tpu.pack_format<interleaved>} : vector<32xbf16> -> vector<16xf32>
        %add3A_1260 = arith.addf %broadcast_in_dim3A_988, %unpack3A_1258 : vector<16xf32>
        %add3A_1261 = arith.addf %broadcast_in_dim3A_1000, %unpack3A_1259 : vector<16xf32>
        %add3A_1262 = arith.addf %mul3A_1118, %mul3A_1154 : vector<32xbf16>
        %add3A_1263 = arith.addf %mul3A_1190, %mul3A_1226 : vector<32xbf16>
        %add3A_1264 = arith.addf %add3A_1262, %add3A_1263 : vector<32xbf16>
        %unpack3A_1265 = tpu.unpack_subelements %add3A_1264, 0 {pack_format = #tpu.pack_format<interleaved>} : vector<32xbf16> -> vector<16xf32>
        %unpack3A_1266 = tpu.unpack_subelements %add3A_1264, 1 {pack_format = #tpu.pack_format<interleaved>} : vector<32xbf16> -> vector<16xf32>
        %add3A_1267 = arith.addf %broadcast_in_dim3A_990, %unpack3A_1265 : vector<16xf32>
        %add3A_1268 = arith.addf %broadcast_in_dim3A_1002, %unpack3A_1266 : vector<16xf32>
        %add3A_1269 = arith.constant 4 : i32
        %add3A_1270 = arith.addi %mul3A_976, %add3A_1269 : i32
        %get3A_1271 = arith.index_cast %add3A_1270 : i32 to index
        %get3A_1272 = arith.constant 0 : index
        %get3A_1273 = tpu.vector_load %arg10[%get3A_1271, %get3A_1272] {strides = array<i32>} : memref<128x192xbf16, #tpu.memory_space<vmem>>, vector<32xbf16>,
        %mul3A_1274 = arith.mulf %get3A_1273, %bitcast3A_1027 : vector<32xbf16>
        %add3A_1275 = arith.constant 4 : i32
        %add3A_1276 = arith.addi %mul3A_976, %add3A_1275 : i32
        %get3A_1277 = arith.index_cast %add3A_1276 : i32 to index
        %get3A_1278 = arith.constant 32 : index
        %get3A_1279 = tpu.vector_load %arg10[%get3A_1277, %get3A_1278] {strides = array<i32>} : memref<128x192xbf16, #tpu.memory_space<vmem>>, vector<32xbf16>,
        %mul3A_1280 = arith.mulf %get3A_1279, %bitcast3A_1027 : vector<32xbf16>
        %add3A_1281 = arith.constant 4 : i32
        %add3A_1282 = arith.addi %mul3A_976, %add3A_1281 : i32
        %get3A_1283 = arith.index_cast %add3A_1282 : i32 to index
        %get3A_1284 = arith.constant 64 : index
        %get3A_1285 = tpu.vector_load %arg10[%get3A_1283, %get3A_1284] {strides = array<i32>} : memref<128x192xbf16, #tpu.memory_space<vmem>>, vector<32xbf16>,
        %mul3A_1286 = arith.mulf %get3A_1285, %bitcast3A_1027 : vector<32xbf16>
        %add3A_1287 = arith.constant 4 : i32
        %add3A_1288 = arith.addi %mul3A_976, %add3A_1287 : i32
        %get3A_1289 = arith.index_cast %add3A_1288 : i32 to index
        %get3A_1290 = arith.constant 96 : index
        %get3A_1291 = tpu.vector_load %arg10[%get3A_1289, %get3A_1290] {strides = array<i32>} : memref<128x192xbf16, #tpu.memory_space<vmem>>, vector<32xbf16>,
        %mul3A_1292 = arith.mulf %get3A_1291, %bitcast3A_1027 : vector<32xbf16>
        %add3A_1293 = arith.constant 4 : i32
        %add3A_1294 = arith.addi %mul3A_976, %add3A_1293 : i32
        %get3A_1295 = arith.index_cast %add3A_1294 : i32 to index
        %get3A_1296 = arith.constant 128 : index
        %get3A_1297 = tpu.vector_load %arg10[%get3A_1295, %get3A_1296] {strides = array<i32>} : memref<128x192xbf16, #tpu.memory_space<vmem>>, vector<32xbf16>,
        %mul3A_1298 = arith.mulf %get3A_1297, %bitcast3A_1027 : vector<32xbf16>
        %add3A_1299 = arith.constant 4 : i32
        %add3A_1300 = arith.addi %mul3A_976, %add3A_1299 : i32
        %get3A_1301 = arith.index_cast %add3A_1300 : i32 to index
        %get3A_1302 = arith.constant 160 : index
        %get3A_1303 = tpu.vector_load %arg10[%get3A_1301, %get3A_1302] {strides = array<i32>} : memref<128x192xbf16, #tpu.memory_space<vmem>>, vector<32xbf16>,
        %mul3A_1304 = arith.mulf %get3A_1303, %bitcast3A_1027 : vector<32xbf16>
        %add3A_1305 = arith.constant 5 : i32
        %add3A_1306 = arith.addi %mul3A_976, %add3A_1305 : i32
        %get3A_1307 = arith.index_cast %add3A_1306 : i32 to index
        %get3A_1308 = arith.constant 0 : index
        %get3A_1309 = tpu.vector_load %arg10[%get3A_1307, %get3A_1308] {strides = array<i32>} : memref<128x192xbf16, #tpu.memory_space<vmem>>, vector<32xbf16>,
        %mul3A_1310 = arith.mulf %get3A_1309, %bitcast3A_1032 : vector<32xbf16>
        %add3A_1311 = arith.constant 5 : i32
        %add3A_1312 = arith.addi %mul3A_976, %add3A_1311 : i32
        %get3A_1313 = arith.index_cast %add3A_1312 : i32 to index
        %get3A_1314 = arith.constant 32 : index
        %get3A_1315 = tpu.vector_load %arg10[%get3A_1313, %get3A_1314] {strides = array<i32>} : memref<128x192xbf16, #tpu.memory_space<vmem>>, vector<32xbf16>,
        %mul3A_1316 = arith.mulf %get3A_1315, %bitcast3A_1032 : vector<32xbf16>
        %add3A_1317 = arith.constant 5 : i32
        %add3A_1318 = arith.addi %mul3A_976, %add3A_1317 : i32
        %get3A_1319 = arith.index_cast %add3A_1318 : i32 to index
        %get3A_1320 = arith.constant 64 : index
        %get3A_1321 = tpu.vector_load %arg10[%get3A_1319, %get3A_1320] {strides = array<i32>} : memref<128x192xbf16, #tpu.memory_space<vmem>>, vector<32xbf16>,
        %mul3A_1322 = arith.mulf %get3A_1321, %bitcast3A_1032 : vector<32xbf16>
        %add3A_1323 = arith.constant 5 : i32
        %add3A_1324 = arith.addi %mul3A_976, %add3A_1323 : i32
        %get3A_1325 = arith.index_cast %add3A_1324 : i32 to index
        %get3A_1326 = arith.constant 96 : index
        %get3A_1327 = tpu.vector_load %arg10[%get3A_1325, %get3A_1326] {strides = array<i32>} : memref<128x192xbf16, #tpu.memory_space<vmem>>, vector<32xbf16>,
        %mul3A_1328 = arith.mulf %get3A_1327, %bitcast3A_1032 : vector<32xbf16>
        %add3A_1329 = arith.constant 5 : i32
        %add3A_1330 = arith.addi %mul3A_976, %add3A_1329 : i32
        %get3A_1331 = arith.index_cast %add3A_1330 : i32 to index
        %get3A_1332 = arith.constant 128 : index
        %get3A_1333 = tpu.vector_load %arg10[%get3A_1331, %get3A_1332] {strides = array<i32>} : memref<128x192xbf16, #tpu.memory_space<vmem>>, vector<32xbf16>,
        %mul3A_1334 = arith.mulf %get3A_1333, %bitcast3A_1032 : vector<32xbf16>
        %add3A_1335 = arith.constant 5 : i32
        %add3A_1336 = arith.addi %mul3A_976, %add3A_1335 : i32
        %get3A_1337 = arith.index_cast %add3A_1336 : i32 to index
        %get3A_1338 = arith.constant 160 : index
        %get3A_1339 = tpu.vector_load %arg10[%get3A_1337, %get3A_1338] {strides = array<i32>} : memref<128x192xbf16, #tpu.memory_space<vmem>>, vector<32xbf16>,
        %mul3A_1340 = arith.mulf %get3A_1339, %bitcast3A_1032 : vector<32xbf16>
        %add3A_1341 = arith.constant 6 : i32
        %add3A_1342 = arith.addi %mul3A_976, %add3A_1341 : i32
        %get3A_1343 = arith.index_cast %add3A_1342 : i32 to index
        %get3A_1344 = arith.constant 0 : index
        %get3A_1345 = tpu.vector_load %arg10[%get3A_1343, %get3A_1344] {strides = array<i32>} : memref<128x192xbf16, #tpu.memory_space<vmem>>, vector<32xbf16>,
        %mul3A_1346 = arith.mulf %get3A_1345, %bitcast3A_1037 : vector<32xbf16>
        %add3A_1347 = arith.constant 6 : i32
        %add3A_1348 = arith.addi %mul3A_976, %add3A_1347 : i32
        %get3A_1349 = arith.index_cast %add3A_1348 : i32 to index
        %get3A_1350 = arith.constant 32 : index
        %get3A_1351 = tpu.vector_load %arg10[%get3A_1349, %get3A_1350] {strides = array<i32>} : memref<128x192xbf16, #tpu.memory_space<vmem>>, vector<32xbf16>,
        %mul3A_1352 = arith.mulf %get3A_1351, %bitcast3A_1037 : vector<32xbf16>
        %add3A_1353 = arith.constant 6 : i32
        %add3A_1354 = arith.addi %mul3A_976, %add3A_1353 : i32
        %get3A_1355 = arith.index_cast %add3A_1354 : i32 to index
        %get3A_1356 = arith.constant 64 : index
        %get3A_1357 = tpu.vector_load %arg10[%get3A_1355, %get3A_1356] {strides = array<i32>} : memref<128x192xbf16, #tpu.memory_space<vmem>>, vector<32xbf16>,
        %mul3A_1358 = arith.mulf %get3A_1357, %bitcast3A_1037 : vector<32xbf16>
        %add3A_1359 = arith.constant 6 : i32
        %add3A_1360 = arith.addi %mul3A_976, %add3A_1359 : i32
        %get3A_1361 = arith.index_cast %add3A_1360 : i32 to index
        %get3A_1362 = arith.constant 96 : index
        %get3A_1363 = tpu.vector_load %arg10[%get3A_1361, %get3A_1362] {strides = array<i32>} : memref<128x192xbf16, #tpu.memory_space<vmem>>, vector<32xbf16>,
        %mul3A_1364 = arith.mulf %get3A_1363, %bitcast3A_1037 : vector<32xbf16>
        %add3A_1365 = arith.constant 6 : i32
        %add3A_1366 = arith.addi %mul3A_976, %add3A_1365 : i32
        %get3A_1367 = arith.index_cast %add3A_1366 : i32 to index
        %get3A_1368 = arith.constant 128 : index
        %get3A_1369 = tpu.vector_load %arg10[%get3A_1367, %get3A_1368] {strides = array<i32>} : memref<128x192xbf16, #tpu.memory_space<vmem>>, vector<32xbf16>,
        %mul3A_1370 = arith.mulf %get3A_1369, %bitcast3A_1037 : vector<32xbf16>
        %add3A_1371 = arith.constant 6 : i32
        %add3A_1372 = arith.addi %mul3A_976, %add3A_1371 : i32
        %get3A_1373 = arith.index_cast %add3A_1372 : i32 to index
        %get3A_1374 = arith.constant 160 : index
        %get3A_1375 = tpu.vector_load %arg10[%get3A_1373, %get3A_1374] {strides = array<i32>} : memref<128x192xbf16, #tpu.memory_space<vmem>>, vector<32xbf16>,
        %mul3A_1376 = arith.mulf %get3A_1375, %bitcast3A_1037 : vector<32xbf16>
        %add3A_1377 = arith.constant 7 : i32
        %add3A_1378 = arith.addi %mul3A_976, %add3A_1377 : i32
        %get3A_1379 = arith.index_cast %add3A_1378 : i32 to index
        %get3A_1380 = arith.constant 0 : index
        %get3A_1381 = tpu.vector_load %arg10[%get3A_1379, %get3A_1380] {strides = array<i32>} : memref<128x192xbf16, #tpu.memory_space<vmem>>, vector<32xbf16>,
        %mul3A_1382 = arith.mulf %get3A_1381, %bitcast3A_1042 : vector<32xbf16>
        %add3A_1383 = arith.constant 7 : i32
        %add3A_1384 = arith.addi %mul3A_976, %add3A_1383 : i32
        %get3A_1385 = arith.index_cast %add3A_1384 : i32 to index
        %get3A_1386 = arith.constant 32 : index
        %get3A_1387 = tpu.vector_load %arg10[%get3A_1385, %get3A_1386] {strides = array<i32>} : memref<128x192xbf16, #tpu.memory_space<vmem>>, vector<32xbf16>,
        %mul3A_1388 = arith.mulf %get3A_1387, %bitcast3A_1042 : vector<32xbf16>
        %add3A_1389 = arith.constant 7 : i32
        %add3A_1390 = arith.addi %mul3A_976, %add3A_1389 : i32
        %get3A_1391 = arith.index_cast %add3A_1390 : i32 to index
        %get3A_1392 = arith.constant 64 : index
        %get3A_1393 = tpu.vector_load %arg10[%get3A_1391, %get3A_1392] {strides = array<i32>} : memref<128x192xbf16, #tpu.memory_space<vmem>>, vector<32xbf16>,
        %mul3A_1394 = arith.mulf %get3A_1393, %bitcast3A_1042 : vector<32xbf16>
        %add3A_1395 = arith.constant 7 : i32
        %add3A_1396 = arith.addi %mul3A_976, %add3A_1395 : i32
        %get3A_1397 = arith.index_cast %add3A_1396 : i32 to index
        %get3A_1398 = arith.constant 96 : index
        %get3A_1399 = tpu.vector_load %arg10[%get3A_1397, %get3A_1398] {strides = array<i32>} : memref<128x192xbf16, #tpu.memory_space<vmem>>, vector<32xbf16>,
        %mul3A_1400 = arith.mulf %get3A_1399, %bitcast3A_1042 : vector<32xbf16>
        %add3A_1401 = arith.constant 7 : i32
        %add3A_1402 = arith.addi %mul3A_976, %add3A_1401 : i32
        %get3A_1403 = arith.index_cast %add3A_1402 : i32 to index
        %get3A_1404 = arith.constant 128 : index
        %get3A_1405 = tpu.vector_load %arg10[%get3A_1403, %get3A_1404] {strides = array<i32>} : memref<128x192xbf16, #tpu.memory_space<vmem>>, vector<32xbf16>,
        %mul3A_1406 = arith.mulf %get3A_1405, %bitcast3A_1042 : vector<32xbf16>
        %add3A_1407 = arith.constant 7 : i32
        %add3A_1408 = arith.addi %mul3A_976, %add3A_1407 : i32
        %get3A_1409 = arith.index_cast %add3A_1408 : i32 to index
        %get3A_1410 = arith.constant 160 : index
        %get3A_1411 = tpu.vector_load %arg10[%get3A_1409, %get3A_1410] {strides = array<i32>} : memref<128x192xbf16, #tpu.memory_space<vmem>>, vector<32xbf16>,
        %mul3A_1412 = arith.mulf %get3A_1411, %bitcast3A_1042 : vector<32xbf16>
        %add3A_1413 = arith.addf %mul3A_1274, %mul3A_1310 : vector<32xbf16>
        %add3A_1414 = arith.addf %mul3A_1346, %mul3A_1382 : vector<32xbf16>
        %add3A_1415 = arith.addf %add3A_1413, %add3A_1414 : vector<32xbf16>
        %unpack3A_1416 = tpu.unpack_subelements %add3A_1415, 0 {pack_format = #tpu.pack_format<interleaved>} : vector<32xbf16> -> vector<16xf32>
        %unpack3A_1417 = tpu.unpack_subelements %add3A_1415, 1 {pack_format = #tpu.pack_format<interleaved>} : vector<32xbf16> -> vector<16xf32>
        %add3A_1418 = arith.addf %add3A_1232, %unpack3A_1416 : vector<16xf32>
        %add3A_1419 = arith.addf %add3A_1233, %unpack3A_1417 : vector<16xf32>
        %add3A_1420 = arith.addf %mul3A_1280, %mul3A_1316 : vector<32xbf16>
        %add3A_1421 = arith.addf %mul3A_1352, %mul3A_1388 : vector<32xbf16>
        %add3A_1422 = arith.addf %add3A_1420, %add3A_1421 : vector<32xbf16>
        %unpack3A_1423 = tpu.unpack_subelements %add3A_1422, 0 {pack_format = #tpu.pack_format<interleaved>} : vector<32xbf16> -> vector<16xf32>
        %unpack3A_1424 = tpu.unpack_subelements %add3A_1422, 1 {pack_format = #tpu.pack_format<interleaved>} : vector<32xbf16> -> vector<16xf32>
        %add3A_1425 = arith.addf %add3A_1239, %unpack3A_1423 : vector<16xf32>
        %add3A_1426 = arith.addf %add3A_1240, %unpack3A_1424 : vector<16xf32>
        %add3A_1427 = arith.addf %mul3A_1286, %mul3A_1322 : vector<32xbf16>
        %add3A_1428 = arith.addf %mul3A_1358, %mul3A_1394 : vector<32xbf16>
        %add3A_1429 = arith.addf %add3A_1427, %add3A_1428 : vector<32xbf16>
        %unpack3A_1430 = tpu.unpack_subelements %add3A_1429, 0 {pack_format = #tpu.pack_format<interleaved>} : vector<32xbf16> -> vector<16xf32>
        %unpack3A_1431 = tpu.unpack_subelements %add3A_1429, 1 {pack_format = #tpu.pack_format<interleaved>} : vector<32xbf16> -> vector<16xf32>
        %add3A_1432 = arith.addf %add3A_1246, %unpack3A_1430 : vector<16xf32>
        %add3A_1433 = arith.addf %add3A_1247, %unpack3A_1431 : vector<16xf32>
        %add3A_1434 = arith.addf %mul3A_1292, %mul3A_1328 : vector<32xbf16>
        %add3A_1435 = arith.addf %mul3A_1364, %mul3A_1400 : vector<32xbf16>
        %add3A_1436 = arith.addf %add3A_1434, %add3A_1435 : vector<32xbf16>
        %unpack3A_1437 = tpu.unpack_subelements %add3A_1436, 0 {pack_format = #tpu.pack_format<interleaved>} : vector<32xbf16> -> vector<16xf32>
        %unpack3A_1438 = tpu.unpack_subelements %add3A_1436, 1 {pack_format = #tpu.pack_format<interleaved>} : vector<32xbf16> -> vector<16xf32>
        %add3A_1439 = arith.addf %add3A_1253, %unpack3A_1437 : vector<16xf32>
        %add3A_1440 = arith.addf %add3A_1254, %unpack3A_1438 : vector<16xf32>
        %add3A_1441 = arith.addf %mul3A_1298, %mul3A_1334 : vector<32xbf16>
        %add3A_1442 = arith.addf %mul3A_1370, %mul3A_1406 : vector<32xbf16>
        %add3A_1443 = arith.addf %add3A_1441, %add3A_1442 : vector<32xbf16>
        %unpack3A_1444 = tpu.unpack_subelements %add3A_1443, 0 {pack_format = #tpu.pack_format<interleaved>} : vector<32xbf16> -> vector<16xf32>
        %unpack3A_1445 = tpu.unpack_subelements %add3A_1443, 1 {pack_format = #tpu.pack_format<interleaved>} : vector<32xbf16> -> vector<16xf32>
        %add3A_1446 = arith.addf %add3A_1260, %unpack3A_1444 : vector<16xf32>
        %add3A_1447 = arith.addf %add3A_1261, %unpack3A_1445 : vector<16xf32>
        %add3A_1448 = arith.addf %mul3A_1304, %mul3A_1340 : vector<32xbf16>
        %add3A_1449 = arith.addf %mul3A_1376, %mul3A_1412 : vector<32xbf16>
        %add3A_1450 = arith.addf %add3A_1448, %add3A_1449 : vector<32xbf16>
        %unpack3A_1451 = tpu.unpack_subelements %add3A_1450, 0 {pack_format = #tpu.pack_format<interleaved>} : vector<32xbf16> -> vector<16xf32>
        %unpack3A_1452 = tpu.unpack_subelements %add3A_1450, 1 {pack_format = #tpu.pack_format<interleaved>} : vector<32xbf16> -> vector<16xf32>
        %add3A_1453 = arith.addf %add3A_1267, %unpack3A_1451 : vector<16xf32>
        %add3A_1454 = arith.addf %add3A_1268, %unpack3A_1452 : vector<16xf32>
        %add3A_1455 = arith.constant 8 : i32
        %add3A_1456 = arith.addi %mul3A_976, %add3A_1455 : i32
        %get3A_1457 = arith.index_cast %add3A_1456 : i32 to index
        %get3A_1458 = arith.constant 0 : index
        %get3A_1459 = tpu.vector_load %arg10[%get3A_1457, %get3A_1458] {strides = array<i32>} : memref<128x192xbf16, #tpu.memory_space<vmem>>, vector<32xbf16>,
        %mul3A_1460 = arith.mulf %get3A_1459, %bitcast3A_1047 : vector<32xbf16>
        %add3A_1461 = arith.constant 8 : i32
        %add3A_1462 = arith.addi %mul3A_976, %add3A_1461 : i32
        %get3A_1463 = arith.index_cast %add3A_1462 : i32 to index
        %get3A_1464 = arith.constant 32 : index
        %get3A_1465 = tpu.vector_load %arg10[%get3A_1463, %get3A_1464] {strides = array<i32>} : memref<128x192xbf16, #tpu.memory_space<vmem>>, vector<32xbf16>,
        %mul3A_1466 = arith.mulf %get3A_1465, %bitcast3A_1047 : vector<32xbf16>
        %add3A_1467 = arith.constant 8 : i32
        %add3A_1468 = arith.addi %mul3A_976, %add3A_1467 : i32
        %get3A_1469 = arith.index_cast %add3A_1468 : i32 to index
        %get3A_1470 = arith.constant 64 : index
        %get3A_1471 = tpu.vector_load %arg10[%get3A_1469, %get3A_1470] {strides = array<i32>} : memref<128x192xbf16, #tpu.memory_space<vmem>>, vector<32xbf16>,
        %mul3A_1472 = arith.mulf %get3A_1471, %bitcast3A_1047 : vector<32xbf16>
        %add3A_1473 = arith.constant 8 : i32
        %add3A_1474 = arith.addi %mul3A_976, %add3A_1473 : i32
        %get3A_1475 = arith.index_cast %add3A_1474 : i32 to index
        %get3A_1476 = arith.constant 96 : index
        %get3A_1477 = tpu.vector_load %arg10[%get3A_1475, %get3A_1476] {strides = array<i32>} : memref<128x192xbf16, #tpu.memory_space<vmem>>, vector<32xbf16>,
        %mul3A_1478 = arith.mulf %get3A_1477, %bitcast3A_1047 : vector<32xbf16>
        %add3A_1479 = arith.constant 8 : i32
        %add3A_1480 = arith.addi %mul3A_976, %add3A_1479 : i32
        %get3A_1481 = arith.index_cast %add3A_1480 : i32 to index
        %get3A_1482 = arith.constant 128 : index
        %get3A_1483 = tpu.vector_load %arg10[%get3A_1481, %get3A_1482] {strides = array<i32>} : memref<128x192xbf16, #tpu.memory_space<vmem>>, vector<32xbf16>,
        %mul3A_1484 = arith.mulf %get3A_1483, %bitcast3A_1047 : vector<32xbf16>
        %add3A_1485 = arith.constant 8 : i32
        %add3A_1486 = arith.addi %mul3A_976, %add3A_1485 : i32
        %get3A_1487 = arith.index_cast %add3A_1486 : i32 to index
        %get3A_1488 = arith.constant 160 : index
        %get3A_1489 = tpu.vector_load %arg10[%get3A_1487, %get3A_1488] {strides = array<i32>} : memref<128x192xbf16, #tpu.memory_space<vmem>>, vector<32xbf16>,
        %mul3A_1490 = arith.mulf %get3A_1489, %bitcast3A_1047 : vector<32xbf16>
        %add3A_1491 = arith.constant 9 : i32
        %add3A_1492 = arith.addi %mul3A_976, %add3A_1491 : i32
        %get3A_1493 = arith.index_cast %add3A_1492 : i32 to index
        %get3A_1494 = arith.constant 0 : index
        %get3A_1495 = tpu.vector_load %arg10[%get3A_1493, %get3A_1494] {strides = array<i32>} : memref<128x192xbf16, #tpu.memory_space<vmem>>, vector<32xbf16>,
        %mul3A_1496 = arith.mulf %get3A_1495, %bitcast3A_1052 : vector<32xbf16>
        %add3A_1497 = arith.constant 9 : i32
        %add3A_1498 = arith.addi %mul3A_976, %add3A_1497 : i32
        %get3A_1499 = arith.index_cast %add3A_1498 : i32 to index
        %get3A_1500 = arith.constant 32 : index
        %get3A_1501 = tpu.vector_load %arg10[%get3A_1499, %get3A_1500] {strides = array<i32>} : memref<128x192xbf16, #tpu.memory_space<vmem>>, vector<32xbf16>,
        %mul3A_1502 = arith.mulf %get3A_1501, %bitcast3A_1052 : vector<32xbf16>
        %add3A_1503 = arith.constant 9 : i32
        %add3A_1504 = arith.addi %mul3A_976, %add3A_1503 : i32
        %get3A_1505 = arith.index_cast %add3A_1504 : i32 to index
        %get3A_1506 = arith.constant 64 : index
        %get3A_1507 = tpu.vector_load %arg10[%get3A_1505, %get3A_1506] {strides = array<i32>} : memref<128x192xbf16, #tpu.memory_space<vmem>>, vector<32xbf16>,
        %mul3A_1508 = arith.mulf %get3A_1507, %bitcast3A_1052 : vector<32xbf16>
        %add3A_1509 = arith.constant 9 : i32
        %add3A_1510 = arith.addi %mul3A_976, %add3A_1509 : i32
        %get3A_1511 = arith.index_cast %add3A_1510 : i32 to index
        %get3A_1512 = arith.constant 96 : index
        %get3A_1513 = tpu.vector_load %arg10[%get3A_1511, %get3A_1512] {strides = array<i32>} : memref<128x192xbf16, #tpu.memory_space<vmem>>, vector<32xbf16>,
        %mul3A_1514 = arith.mulf %get3A_1513, %bitcast3A_1052 : vector<32xbf16>
        %add3A_1515 = arith.constant 9 : i32
        %add3A_1516 = arith.addi %mul3A_976, %add3A_1515 : i32
        %get3A_1517 = arith.index_cast %add3A_1516 : i32 to index
        %get3A_1518 = arith.constant 128 : index
        %get3A_1519 = tpu.vector_load %arg10[%get3A_1517, %get3A_1518] {strides = array<i32>} : memref<128x192xbf16, #tpu.memory_space<vmem>>, vector<32xbf16>,
        %mul3A_1520 = arith.mulf %get3A_1519, %bitcast3A_1052 : vector<32xbf16>
        %add3A_1521 = arith.constant 9 : i32
        %add3A_1522 = arith.addi %mul3A_976, %add3A_1521 : i32
        %get3A_1523 = arith.index_cast %add3A_1522 : i32 to index
        %get3A_1524 = arith.constant 160 : index
        %get3A_1525 = tpu.vector_load %arg10[%get3A_1523, %get3A_1524] {strides = array<i32>} : memref<128x192xbf16, #tpu.memory_space<vmem>>, vector<32xbf16>,
        %mul3A_1526 = arith.mulf %get3A_1525, %bitcast3A_1052 : vector<32xbf16>
        %add3A_1527 = arith.constant 10 : i32
        %add3A_1528 = arith.addi %mul3A_976, %add3A_1527 : i32
        %get3A_1529 = arith.index_cast %add3A_1528 : i32 to index
        %get3A_1530 = arith.constant 0 : index
        %get3A_1531 = tpu.vector_load %arg10[%get3A_1529, %get3A_1530] {strides = array<i32>} : memref<128x192xbf16, #tpu.memory_space<vmem>>, vector<32xbf16>,
        %mul3A_1532 = arith.mulf %get3A_1531, %bitcast3A_1057 : vector<32xbf16>
        %add3A_1533 = arith.constant 10 : i32
        %add3A_1534 = arith.addi %mul3A_976, %add3A_1533 : i32
        %get3A_1535 = arith.index_cast %add3A_1534 : i32 to index
        %get3A_1536 = arith.constant 32 : index
        %get3A_1537 = tpu.vector_load %arg10[%get3A_1535, %get3A_1536] {strides = array<i32>} : memref<128x192xbf16, #tpu.memory_space<vmem>>, vector<32xbf16>,
        %mul3A_1538 = arith.mulf %get3A_1537, %bitcast3A_1057 : vector<32xbf16>
        %add3A_1539 = arith.constant 10 : i32
        %add3A_1540 = arith.addi %mul3A_976, %add3A_1539 : i32
        %get3A_1541 = arith.index_cast %add3A_1540 : i32 to index
        %get3A_1542 = arith.constant 64 : index
        %get3A_1543 = tpu.vector_load %arg10[%get3A_1541, %get3A_1542] {strides = array<i32>} : memref<128x192xbf16, #tpu.memory_space<vmem>>, vector<32xbf16>,
        %mul3A_1544 = arith.mulf %get3A_1543, %bitcast3A_1057 : vector<32xbf16>
        %add3A_1545 = arith.constant 10 : i32
        %add3A_1546 = arith.addi %mul3A_976, %add3A_1545 : i32
        %get3A_1547 = arith.index_cast %add3A_1546 : i32 to index
        %get3A_1548 = arith.constant 96 : index
        %get3A_1549 = tpu.vector_load %arg10[%get3A_1547, %get3A_1548] {strides = array<i32>} : memref<128x192xbf16, #tpu.memory_space<vmem>>, vector<32xbf16>,
        %mul3A_1550 = arith.mulf %get3A_1549, %bitcast3A_1057 : vector<32xbf16>
        %add3A_1551 = arith.constant 10 : i32
        %add3A_1552 = arith.addi %mul3A_976, %add3A_1551 : i32
        %get3A_1553 = arith.index_cast %add3A_1552 : i32 to index
        %get3A_1554 = arith.constant 128 : index
        %get3A_1555 = tpu.vector_load %arg10[%get3A_1553, %get3A_1554] {strides = array<i32>} : memref<128x192xbf16, #tpu.memory_space<vmem>>, vector<32xbf16>,
        %mul3A_1556 = arith.mulf %get3A_1555, %bitcast3A_1057 : vector<32xbf16>
        %add3A_1557 = arith.constant 10 : i32
        %add3A_1558 = arith.addi %mul3A_976, %add3A_1557 : i32
        %get3A_1559 = arith.index_cast %add3A_1558 : i32 to index
        %get3A_1560 = arith.constant 160 : index
        %get3A_1561 = tpu.vector_load %arg10[%get3A_1559, %get3A_1560] {strides = array<i32>} : memref<128x192xbf16, #tpu.memory_space<vmem>>, vector<32xbf16>,
        %mul3A_1562 = arith.mulf %get3A_1561, %bitcast3A_1057 : vector<32xbf16>
        %add3A_1563 = arith.constant 11 : i32
        %add3A_1564 = arith.addi %mul3A_976, %add3A_1563 : i32
        %get3A_1565 = arith.index_cast %add3A_1564 : i32 to index
        %get3A_1566 = arith.constant 0 : index
        %get3A_1567 = tpu.vector_load %arg10[%get3A_1565, %get3A_1566] {strides = array<i32>} : memref<128x192xbf16, #tpu.memory_space<vmem>>, vector<32xbf16>,
        %mul3A_1568 = arith.mulf %get3A_1567, %bitcast3A_1062 : vector<32xbf16>
        %add3A_1569 = arith.constant 11 : i32
        %add3A_1570 = arith.addi %mul3A_976, %add3A_1569 : i32
        %get3A_1571 = arith.index_cast %add3A_1570 : i32 to index
        %get3A_1572 = arith.constant 32 : index
        %get3A_1573 = tpu.vector_load %arg10[%get3A_1571, %get3A_1572] {strides = array<i32>} : memref<128x192xbf16, #tpu.memory_space<vmem>>, vector<32xbf16>,
        %mul3A_1574 = arith.mulf %get3A_1573, %bitcast3A_1062 : vector<32xbf16>
        %add3A_1575 = arith.constant 11 : i32
        %add3A_1576 = arith.addi %mul3A_976, %add3A_1575 : i32
        %get3A_1577 = arith.index_cast %add3A_1576 : i32 to index
        %get3A_1578 = arith.constant 64 : index
        %get3A_1579 = tpu.vector_load %arg10[%get3A_1577, %get3A_1578] {strides = array<i32>} : memref<128x192xbf16, #tpu.memory_space<vmem>>, vector<32xbf16>,
        %mul3A_1580 = arith.mulf %get3A_1579, %bitcast3A_1062 : vector<32xbf16>
        %add3A_1581 = arith.constant 11 : i32
        %add3A_1582 = arith.addi %mul3A_976, %add3A_1581 : i32
        %get3A_1583 = arith.index_cast %add3A_1582 : i32 to index
        %get3A_1584 = arith.constant 96 : index
        %get3A_1585 = tpu.vector_load %arg10[%get3A_1583, %get3A_1584] {strides = array<i32>} : memref<128x192xbf16, #tpu.memory_space<vmem>>, vector<32xbf16>,
        %mul3A_1586 = arith.mulf %get3A_1585, %bitcast3A_1062 : vector<32xbf16>
        %add3A_1587 = arith.constant 11 : i32
        %add3A_1588 = arith.addi %mul3A_976, %add3A_1587 : i32
        %get3A_1589 = arith.index_cast %add3A_1588 : i32 to index
        %get3A_1590 = arith.constant 128 : index
        %get3A_1591 = tpu.vector_load %arg10[%get3A_1589, %get3A_1590] {strides = array<i32>} : memref<128x192xbf16, #tpu.memory_space<vmem>>, vector<32xbf16>,
        %mul3A_1592 = arith.mulf %get3A_1591, %bitcast3A_1062 : vector<32xbf16>
        %add3A_1593 = arith.constant 11 : i32
        %add3A_1594 = arith.addi %mul3A_976, %add3A_1593 : i32
        %get3A_1595 = arith.index_cast %add3A_1594 : i32 to index
        %get3A_1596 = arith.constant 160 : index
        %get3A_1597 = tpu.vector_load %arg10[%get3A_1595, %get3A_1596] {strides = array<i32>} : memref<128x192xbf16, #tpu.memory_space<vmem>>, vector<32xbf16>,
        %mul3A_1598 = arith.mulf %get3A_1597, %bitcast3A_1062 : vector<32xbf16>
        %add3A_1599 = arith.addf %mul3A_1460, %mul3A_1496 : vector<32xbf16>
        %add3A_1600 = arith.addf %mul3A_1532, %mul3A_1568 : vector<32xbf16>
        %add3A_1601 = arith.addf %add3A_1599, %add3A_1600 : vector<32xbf16>
        %unpack3A_1602 = tpu.unpack_subelements %add3A_1601, 0 {pack_format = #tpu.pack_format<interleaved>} : vector<32xbf16> -> vector<16xf32>
        %unpack3A_1603 = tpu.unpack_subelements %add3A_1601, 1 {pack_format = #tpu.pack_format<interleaved>} : vector<32xbf16> -> vector<16xf32>
        %add3A_1604 = arith.addf %add3A_1418, %unpack3A_1602 : vector<16xf32>
        %add3A_1605 = arith.addf %add3A_1419, %unpack3A_1603 : vector<16xf32>
        %add3A_1606 = arith.addf %mul3A_1466, %mul3A_1502 : vector<32xbf16>
        %add3A_1607 = arith.addf %mul3A_1538, %mul3A_1574 : vector<32xbf16>
        %add3A_1608 = arith.addf %add3A_1606, %add3A_1607 : vector<32xbf16>
        %unpack3A_1609 = tpu.unpack_subelements %add3A_1608, 0 {pack_format = #tpu.pack_format<interleaved>} : vector<32xbf16> -> vector<16xf32>
        %unpack3A_1610 = tpu.unpack_subelements %add3A_1608, 1 {pack_format = #tpu.pack_format<interleaved>} : vector<32xbf16> -> vector<16xf32>
        %add3A_1611 = arith.addf %add3A_1425, %unpack3A_1609 : vector<16xf32>
        %add3A_1612 = arith.addf %add3A_1426, %unpack3A_1610 : vector<16xf32>
        %add3A_1613 = arith.addf %mul3A_1472, %mul3A_1508 : vector<32xbf16>
        %add3A_1614 = arith.addf %mul3A_1544, %mul3A_1580 : vector<32xbf16>
        %add3A_1615 = arith.addf %add3A_1613, %add3A_1614 : vector<32xbf16>
        %unpack3A_1616 = tpu.unpack_subelements %add3A_1615, 0 {pack_format = #tpu.pack_format<interleaved>} : vector<32xbf16> -> vector<16xf32>
        %unpack3A_1617 = tpu.unpack_subelements %add3A_1615, 1 {pack_format = #tpu.pack_format<interleaved>} : vector<32xbf16> -> vector<16xf32>
        %add3A_1618 = arith.addf %add3A_1432, %unpack3A_1616 : vector<16xf32>
        %add3A_1619 = arith.addf %add3A_1433, %unpack3A_1617 : vector<16xf32>
        %add3A_1620 = arith.addf %mul3A_1478, %mul3A_1514 : vector<32xbf16>
        %add3A_1621 = arith.addf %mul3A_1550, %mul3A_1586 : vector<32xbf16>
        %add3A_1622 = arith.addf %add3A_1620, %add3A_1621 : vector<32xbf16>
        %unpack3A_1623 = tpu.unpack_subelements %add3A_1622, 0 {pack_format = #tpu.pack_format<interleaved>} : vector<32xbf16> -> vector<16xf32>
        %unpack3A_1624 = tpu.unpack_subelements %add3A_1622, 1 {pack_format = #tpu.pack_format<interleaved>} : vector<32xbf16> -> vector<16xf32>
        %add3A_1625 = arith.addf %add3A_1439, %unpack3A_1623 : vector<16xf32>
        %add3A_1626 = arith.addf %add3A_1440, %unpack3A_1624 : vector<16xf32>
        %add3A_1627 = arith.addf %mul3A_1484, %mul3A_1520 : vector<32xbf16>
        %add3A_1628 = arith.addf %mul3A_1556, %mul3A_1592 : vector<32xbf16>
        %add3A_1629 = arith.addf %add3A_1627, %add3A_1628 : vector<32xbf16>
        %unpack3A_1630 = tpu.unpack_subelements %add3A_1629, 0 {pack_format = #tpu.pack_format<interleaved>} : vector<32xbf16> -> vector<16xf32>
        %unpack3A_1631 = tpu.unpack_subelements %add3A_1629, 1 {pack_format = #tpu.pack_format<interleaved>} : vector<32xbf16> -> vector<16xf32>
        %add3A_1632 = arith.addf %add3A_1446, %unpack3A_1630 : vector<16xf32>
        %add3A_1633 = arith.addf %add3A_1447, %unpack3A_1631 : vector<16xf32>
        %add3A_1634 = arith.addf %mul3A_1490, %mul3A_1526 : vector<32xbf16>
        %add3A_1635 = arith.addf %mul3A_1562, %mul3A_1598 : vector<32xbf16>
        %add3A_1636 = arith.addf %add3A_1634, %add3A_1635 : vector<32xbf16>
        %unpack3A_1637 = tpu.unpack_subelements %add3A_1636, 0 {pack_format = #tpu.pack_format<interleaved>} : vector<32xbf16> -> vector<16xf32>
        %unpack3A_1638 = tpu.unpack_subelements %add3A_1636, 1 {pack_format = #tpu.pack_format<interleaved>} : vector<32xbf16> -> vector<16xf32>
        %add3A_1639 = arith.addf %add3A_1453, %unpack3A_1637 : vector<16xf32>
        %add3A_1640 = arith.addf %add3A_1454, %unpack3A_1638 : vector<16xf32>
        %add3A_1641 = arith.constant 12 : i32
        %add3A_1642 = arith.addi %mul3A_976, %add3A_1641 : i32
        %get3A_1643 = arith.index_cast %add3A_1642 : i32 to index
        %get3A_1644 = arith.constant 0 : index
        %get3A_1645 = tpu.vector_load %arg10[%get3A_1643, %get3A_1644] {strides = array<i32>} : memref<128x192xbf16, #tpu.memory_space<vmem>>, vector<32xbf16>,
        %mul3A_1646 = arith.mulf %get3A_1645, %bitcast3A_1067 : vector<32xbf16>
        %add3A_1647 = arith.constant 12 : i32
        %add3A_1648 = arith.addi %mul3A_976, %add3A_1647 : i32
        %get3A_1649 = arith.index_cast %add3A_1648 : i32 to index
        %get3A_1650 = arith.constant 32 : index
        %get3A_1651 = tpu.vector_load %arg10[%get3A_1649, %get3A_1650] {strides = array<i32>} : memref<128x192xbf16, #tpu.memory_space<vmem>>, vector<32xbf16>,
        %mul3A_1652 = arith.mulf %get3A_1651, %bitcast3A_1067 : vector<32xbf16>
        %add3A_1653 = arith.constant 12 : i32
        %add3A_1654 = arith.addi %mul3A_976, %add3A_1653 : i32
        %get3A_1655 = arith.index_cast %add3A_1654 : i32 to index
        %get3A_1656 = arith.constant 64 : index
        %get3A_1657 = tpu.vector_load %arg10[%get3A_1655, %get3A_1656] {strides = array<i32>} : memref<128x192xbf16, #tpu.memory_space<vmem>>, vector<32xbf16>,
        %mul3A_1658 = arith.mulf %get3A_1657, %bitcast3A_1067 : vector<32xbf16>
        %add3A_1659 = arith.constant 12 : i32
        %add3A_1660 = arith.addi %mul3A_976, %add3A_1659 : i32
        %get3A_1661 = arith.index_cast %add3A_1660 : i32 to index
        %get3A_1662 = arith.constant 96 : index
        %get3A_1663 = tpu.vector_load %arg10[%get3A_1661, %get3A_1662] {strides = array<i32>} : memref<128x192xbf16, #tpu.memory_space<vmem>>, vector<32xbf16>,
        %mul3A_1664 = arith.mulf %get3A_1663, %bitcast3A_1067 : vector<32xbf16>
        %add3A_1665 = arith.constant 12 : i32
        %add3A_1666 = arith.addi %mul3A_976, %add3A_1665 : i32
        %get3A_1667 = arith.index_cast %add3A_1666 : i32 to index
        %get3A_1668 = arith.constant 128 : index
        %get3A_1669 = tpu.vector_load %arg10[%get3A_1667, %get3A_1668] {strides = array<i32>} : memref<128x192xbf16, #tpu.memory_space<vmem>>, vector<32xbf16>,
        %mul3A_1670 = arith.mulf %get3A_1669, %bitcast3A_1067 : vector<32xbf16>
        %add3A_1671 = arith.constant 12 : i32
        %add3A_1672 = arith.addi %mul3A_976, %add3A_1671 : i32
        %get3A_1673 = arith.index_cast %add3A_1672 : i32 to index
        %get3A_1674 = arith.constant 160 : index
        %get3A_1675 = tpu.vector_load %arg10[%get3A_1673, %get3A_1674] {strides = array<i32>} : memref<128x192xbf16, #tpu.memory_space<vmem>>, vector<32xbf16>,
        %mul3A_1676 = arith.mulf %get3A_1675, %bitcast3A_1067 : vector<32xbf16>
        %add3A_1677 = arith.constant 13 : i32
        %add3A_1678 = arith.addi %mul3A_976, %add3A_1677 : i32
        %get3A_1679 = arith.index_cast %add3A_1678 : i32 to index
        %get3A_1680 = arith.constant 0 : index
        %get3A_1681 = tpu.vector_load %arg10[%get3A_1679, %get3A_1680] {strides = array<i32>} : memref<128x192xbf16, #tpu.memory_space<vmem>>, vector<32xbf16>,
        %mul3A_1682 = arith.mulf %get3A_1681, %bitcast3A_1072 : vector<32xbf16>
        %add3A_1683 = arith.constant 13 : i32
        %add3A_1684 = arith.addi %mul3A_976, %add3A_1683 : i32
        %get3A_1685 = arith.index_cast %add3A_1684 : i32 to index
        %get3A_1686 = arith.constant 32 : index
        %get3A_1687 = tpu.vector_load %arg10[%get3A_1685, %get3A_1686] {strides = array<i32>} : memref<128x192xbf16, #tpu.memory_space<vmem>>, vector<32xbf16>,
        %mul3A_1688 = arith.mulf %get3A_1687, %bitcast3A_1072 : vector<32xbf16>
        %add3A_1689 = arith.constant 13 : i32
        %add3A_1690 = arith.addi %mul3A_976, %add3A_1689 : i32
        %get3A_1691 = arith.index_cast %add3A_1690 : i32 to index
        %get3A_1692 = arith.constant 64 : index
        %get3A_1693 = tpu.vector_load %arg10[%get3A_1691, %get3A_1692] {strides = array<i32>} : memref<128x192xbf16, #tpu.memory_space<vmem>>, vector<32xbf16>,
        %mul3A_1694 = arith.mulf %get3A_1693, %bitcast3A_1072 : vector<32xbf16>
        %add3A_1695 = arith.constant 13 : i32
        %add3A_1696 = arith.addi %mul3A_976, %add3A_1695 : i32
        %get3A_1697 = arith.index_cast %add3A_1696 : i32 to index
        %get3A_1698 = arith.constant 96 : index
        %get3A_1699 = tpu.vector_load %arg10[%get3A_1697, %get3A_1698] {strides = array<i32>} : memref<128x192xbf16, #tpu.memory_space<vmem>>, vector<32xbf16>,
        %mul3A_1700 = arith.mulf %get3A_1699, %bitcast3A_1072 : vector<32xbf16>
        %add3A_1701 = arith.constant 13 : i32
        %add3A_1702 = arith.addi %mul3A_976, %add3A_1701 : i32
        %get3A_1703 = arith.index_cast %add3A_1702 : i32 to index
        %get3A_1704 = arith.constant 128 : index
        %get3A_1705 = tpu.vector_load %arg10[%get3A_1703, %get3A_1704] {strides = array<i32>} : memref<128x192xbf16, #tpu.memory_space<vmem>>, vector<32xbf16>,
        %mul3A_1706 = arith.mulf %get3A_1705, %bitcast3A_1072 : vector<32xbf16>
        %add3A_1707 = arith.constant 13 : i32
        %add3A_1708 = arith.addi %mul3A_976, %add3A_1707 : i32
        %get3A_1709 = arith.index_cast %add3A_1708 : i32 to index
        %get3A_1710 = arith.constant 160 : index
        %get3A_1711 = tpu.vector_load %arg10[%get3A_1709, %get3A_1710] {strides = array<i32>} : memref<128x192xbf16, #tpu.memory_space<vmem>>, vector<32xbf16>,
        %mul3A_1712 = arith.mulf %get3A_1711, %bitcast3A_1072 : vector<32xbf16>
        %add3A_1713 = arith.constant 14 : i32
        %add3A_1714 = arith.addi %mul3A_976, %add3A_1713 : i32
        %get3A_1715 = arith.index_cast %add3A_1714 : i32 to index
        %get3A_1716 = arith.constant 0 : index
        %get3A_1717 = tpu.vector_load %arg10[%get3A_1715, %get3A_1716] {strides = array<i32>} : memref<128x192xbf16, #tpu.memory_space<vmem>>, vector<32xbf16>,
        %mul3A_1718 = arith.mulf %get3A_1717, %bitcast3A_1077 : vector<32xbf16>
        %add3A_1719 = arith.constant 14 : i32
        %add3A_1720 = arith.addi %mul3A_976, %add3A_1719 : i32
        %get3A_1721 = arith.index_cast %add3A_1720 : i32 to index
        %get3A_1722 = arith.constant 32 : index
        %get3A_1723 = tpu.vector_load %arg10[%get3A_1721, %get3A_1722] {strides = array<i32>} : memref<128x192xbf16, #tpu.memory_space<vmem>>, vector<32xbf16>,
        %mul3A_1724 = arith.mulf %get3A_1723, %bitcast3A_1077 : vector<32xbf16>
        %add3A_1725 = arith.constant 14 : i32
        %add3A_1726 = arith.addi %mul3A_976, %add3A_1725 : i32
        %get3A_1727 = arith.index_cast %add3A_1726 : i32 to index
        %get3A_1728 = arith.constant 64 : index
        %get3A_1729 = tpu.vector_load %arg10[%get3A_1727, %get3A_1728] {strides = array<i32>} : memref<128x192xbf16, #tpu.memory_space<vmem>>, vector<32xbf16>,
        %mul3A_1730 = arith.mulf %get3A_1729, %bitcast3A_1077 : vector<32xbf16>
        %add3A_1731 = arith.constant 14 : i32
        %add3A_1732 = arith.addi %mul3A_976, %add3A_1731 : i32
        %get3A_1733 = arith.index_cast %add3A_1732 : i32 to index
        %get3A_1734 = arith.constant 96 : index
        %get3A_1735 = tpu.vector_load %arg10[%get3A_1733, %get3A_1734] {strides = array<i32>} : memref<128x192xbf16, #tpu.memory_space<vmem>>, vector<32xbf16>,
        %mul3A_1736 = arith.mulf %get3A_1735, %bitcast3A_1077 : vector<32xbf16>
        %add3A_1737 = arith.constant 14 : i32
        %add3A_1738 = arith.addi %mul3A_976, %add3A_1737 : i32
        %get3A_1739 = arith.index_cast %add3A_1738 : i32 to index
        %get3A_1740 = arith.constant 128 : index
        %get3A_1741 = tpu.vector_load %arg10[%get3A_1739, %get3A_1740] {strides = array<i32>} : memref<128x192xbf16, #tpu.memory_space<vmem>>, vector<32xbf16>,
        %mul3A_1742 = arith.mulf %get3A_1741, %bitcast3A_1077 : vector<32xbf16>
        %add3A_1743 = arith.constant 14 : i32
        %add3A_1744 = arith.addi %mul3A_976, %add3A_1743 : i32
        %get3A_1745 = arith.index_cast %add3A_1744 : i32 to index
        %get3A_1746 = arith.constant 160 : index
        %get3A_1747 = tpu.vector_load %arg10[%get3A_1745, %get3A_1746] {strides = array<i32>} : memref<128x192xbf16, #tpu.memory_space<vmem>>, vector<32xbf16>,
        %mul3A_1748 = arith.mulf %get3A_1747, %bitcast3A_1077 : vector<32xbf16>
        %add3A_1749 = arith.constant 15 : i32
        %add3A_1750 = arith.addi %mul3A_976, %add3A_1749 : i32
        %get3A_1751 = arith.index_cast %add3A_1750 : i32 to index
        %get3A_1752 = arith.constant 0 : index
        %get3A_1753 = tpu.vector_load %arg10[%get3A_1751, %get3A_1752] {strides = array<i32>} : memref<128x192xbf16, #tpu.memory_space<vmem>>, vector<32xbf16>,
        %mul3A_1754 = arith.mulf %get3A_1753, %bitcast3A_1082 : vector<32xbf16>
        %add3A_1755 = arith.constant 15 : i32
        %add3A_1756 = arith.addi %mul3A_976, %add3A_1755 : i32
        %get3A_1757 = arith.index_cast %add3A_1756 : i32 to index
        %get3A_1758 = arith.constant 32 : index
        %get3A_1759 = tpu.vector_load %arg10[%get3A_1757, %get3A_1758] {strides = array<i32>} : memref<128x192xbf16, #tpu.memory_space<vmem>>, vector<32xbf16>,
        %mul3A_1760 = arith.mulf %get3A_1759, %bitcast3A_1082 : vector<32xbf16>
        %add3A_1761 = arith.constant 15 : i32
        %add3A_1762 = arith.addi %mul3A_976, %add3A_1761 : i32
        %get3A_1763 = arith.index_cast %add3A_1762 : i32 to index
        %get3A_1764 = arith.constant 64 : index
        %get3A_1765 = tpu.vector_load %arg10[%get3A_1763, %get3A_1764] {strides = array<i32>} : memref<128x192xbf16, #tpu.memory_space<vmem>>, vector<32xbf16>,
        %mul3A_1766 = arith.mulf %get3A_1765, %bitcast3A_1082 : vector<32xbf16>
        %add3A_1767 = arith.constant 15 : i32
        %add3A_1768 = arith.addi %mul3A_976, %add3A_1767 : i32
        %get3A_1769 = arith.index_cast %add3A_1768 : i32 to index
        %get3A_1770 = arith.constant 96 : index
        %get3A_1771 = tpu.vector_load %arg10[%get3A_1769, %get3A_1770] {strides = array<i32>} : memref<128x192xbf16, #tpu.memory_space<vmem>>, vector<32xbf16>,
        %mul3A_1772 = arith.mulf %get3A_1771, %bitcast3A_1082 : vector<32xbf16>
        %add3A_1773 = arith.constant 15 : i32
        %add3A_1774 = arith.addi %mul3A_976, %add3A_1773 : i32
        %get3A_1775 = arith.index_cast %add3A_1774 : i32 to index
        %get3A_1776 = arith.constant 128 : index
        %get3A_1777 = tpu.vector_load %arg10[%get3A_1775, %get3A_1776] {strides = array<i32>} : memref<128x192xbf16, #tpu.memory_space<vmem>>, vector<32xbf16>,
        %mul3A_1778 = arith.mulf %get3A_1777, %bitcast3A_1082 : vector<32xbf16>
        %add3A_1779 = arith.constant 15 : i32
        %add3A_1780 = arith.addi %mul3A_976, %add3A_1779 : i32
        %get3A_1781 = arith.index_cast %add3A_1780 : i32 to index
        %get3A_1782 = arith.constant 160 : index
        %get3A_1783 = tpu.vector_load %arg10[%get3A_1781, %get3A_1782] {strides = array<i32>} : memref<128x192xbf16, #tpu.memory_space<vmem>>, vector<32xbf16>,
        %mul3A_1784 = arith.mulf %get3A_1783, %bitcast3A_1082 : vector<32xbf16>
        %add3A_1785 = arith.addf %mul3A_1646, %mul3A_1682 : vector<32xbf16>
        %add3A_1786 = arith.addf %mul3A_1718, %mul3A_1754 : vector<32xbf16>
        %add3A_1787 = arith.addf %add3A_1785, %add3A_1786 : vector<32xbf16>
        %unpack3A_1788 = tpu.unpack_subelements %add3A_1787, 0 {pack_format = #tpu.pack_format<interleaved>} : vector<32xbf16> -> vector<16xf32>
        %unpack3A_1789 = tpu.unpack_subelements %add3A_1787, 1 {pack_format = #tpu.pack_format<interleaved>} : vector<32xbf16> -> vector<16xf32>
        %add3A_1790 = arith.addf %add3A_1604, %unpack3A_1788 : vector<16xf32>
        %add3A_1791 = arith.addf %add3A_1605, %unpack3A_1789 : vector<16xf32>
        %add3A_1792 = arith.addf %mul3A_1652, %mul3A_1688 : vector<32xbf16>
        %add3A_1793 = arith.addf %mul3A_1724, %mul3A_1760 : vector<32xbf16>
        %add3A_1794 = arith.addf %add3A_1792, %add3A_1793 : vector<32xbf16>
        %unpack3A_1795 = tpu.unpack_subelements %add3A_1794, 0 {pack_format = #tpu.pack_format<interleaved>} : vector<32xbf16> -> vector<16xf32>
        %unpack3A_1796 = tpu.unpack_subelements %add3A_1794, 1 {pack_format = #tpu.pack_format<interleaved>} : vector<32xbf16> -> vector<16xf32>
        %add3A_1797 = arith.addf %add3A_1611, %unpack3A_1795 : vector<16xf32>
        %add3A_1798 = arith.addf %add3A_1612, %unpack3A_1796 : vector<16xf32>
        %add3A_1799 = arith.addf %mul3A_1658, %mul3A_1694 : vector<32xbf16>
        %add3A_1800 = arith.addf %mul3A_1730, %mul3A_1766 : vector<32xbf16>
        %add3A_1801 = arith.addf %add3A_1799, %add3A_1800 : vector<32xbf16>
        %unpack3A_1802 = tpu.unpack_subelements %add3A_1801, 0 {pack_format = #tpu.pack_format<interleaved>} : vector<32xbf16> -> vector<16xf32>
        %unpack3A_1803 = tpu.unpack_subelements %add3A_1801, 1 {pack_format = #tpu.pack_format<interleaved>} : vector<32xbf16> -> vector<16xf32>
        %add3A_1804 = arith.addf %add3A_1618, %unpack3A_1802 : vector<16xf32>
        %add3A_1805 = arith.addf %add3A_1619, %unpack3A_1803 : vector<16xf32>
        %add3A_1806 = arith.addf %mul3A_1664, %mul3A_1700 : vector<32xbf16>
        %add3A_1807 = arith.addf %mul3A_1736, %mul3A_1772 : vector<32xbf16>
        %add3A_1808 = arith.addf %add3A_1806, %add3A_1807 : vector<32xbf16>
        %unpack3A_1809 = tpu.unpack_subelements %add3A_1808, 0 {pack_format = #tpu.pack_format<interleaved>} : vector<32xbf16> -> vector<16xf32>
        %unpack3A_1810 = tpu.unpack_subelements %add3A_1808, 1 {pack_format = #tpu.pack_format<interleaved>} : vector<32xbf16> -> vector<16xf32>
        %add3A_1811 = arith.addf %add3A_1625, %unpack3A_1809 : vector<16xf32>
        %add3A_1812 = arith.addf %add3A_1626, %unpack3A_1810 : vector<16xf32>
        %add3A_1813 = arith.addf %mul3A_1670, %mul3A_1706 : vector<32xbf16>
        %add3A_1814 = arith.addf %mul3A_1742, %mul3A_1778 : vector<32xbf16>
        %add3A_1815 = arith.addf %add3A_1813, %add3A_1814 : vector<32xbf16>
        %unpack3A_1816 = tpu.unpack_subelements %add3A_1815, 0 {pack_format = #tpu.pack_format<interleaved>} : vector<32xbf16> -> vector<16xf32>
        %unpack3A_1817 = tpu.unpack_subelements %add3A_1815, 1 {pack_format = #tpu.pack_format<interleaved>} : vector<32xbf16> -> vector<16xf32>
        %add3A_1818 = arith.addf %add3A_1632, %unpack3A_1816 : vector<16xf32>
        %add3A_1819 = arith.addf %add3A_1633, %unpack3A_1817 : vector<16xf32>
        %add3A_1820 = arith.addf %mul3A_1676, %mul3A_1712 : vector<32xbf16>
        %add3A_1821 = arith.addf %mul3A_1748, %mul3A_1784 : vector<32xbf16>
        %add3A_1822 = arith.addf %add3A_1820, %add3A_1821 : vector<32xbf16>
        %unpack3A_1823 = tpu.unpack_subelements %add3A_1822, 0 {pack_format = #tpu.pack_format<interleaved>} : vector<32xbf16> -> vector<16xf32>
        %unpack3A_1824 = tpu.unpack_subelements %add3A_1822, 1 {pack_format = #tpu.pack_format<interleaved>} : vector<32xbf16> -> vector<16xf32>
        %add3A_1825 = arith.addf %add3A_1639, %unpack3A_1823 : vector<16xf32>
        %add3A_1826 = arith.addf %add3A_1640, %unpack3A_1824 : vector<16xf32>
        %broadcast_in_dim3A_1827 = vector.broadcast %add3A_974 : i32 to vector<16xi32>
        %add3A_1828 = arith.constant 0 : i32
        %add3A_1829 = vector.broadcast %add3A_1828 : i32 to vector<16xi32>
        %add3A_1830 = arith.addi %add3A_1829, %mul3A_32 : vector<16xi32>
        tpu.vector_store_idx %arg12[%broadcast_in_dim3A_1827, %add3A_1830], %add3A_1790 : memref<8x192xf32, #tpu.memory_space<vmem>>[vector<16xi32>, vector<16xi32>], vector<16xf32>,
        %add3A_1831 = arith.constant 0 : i32
        %add3A_1832 = vector.broadcast %add3A_1831 : i32 to vector<16xi32>
        %add3A_1833 = arith.addi %add3A_1832, %mul3A_32 : vector<16xi32>
        %add3A_1834 = arith.constant 1 : i32
        %add3A_1835 = vector.broadcast %add3A_1834 : i32 to vector<16xi32>
        %add3A_1836 = arith.addi %add3A_1833, %add3A_1835 : vector<16xi32>
        tpu.vector_store_idx %arg12[%broadcast_in_dim3A_1827, %add3A_1836], %add3A_1791 : memref<8x192xf32, #tpu.memory_space<vmem>>[vector<16xi32>, vector<16xi32>], vector<16xf32>,
        %add3A_1837 = arith.constant 32 : i32
        %add3A_1838 = vector.broadcast %add3A_1837 : i32 to vector<16xi32>
        %add3A_1839 = arith.addi %add3A_1838, %mul3A_32 : vector<16xi32>
        tpu.vector_store_idx %arg12[%broadcast_in_dim3A_1827, %add3A_1839], %add3A_1797 : memref<8x192xf32, #tpu.memory_space<vmem>>[vector<16xi32>, vector<16xi32>], vector<16xf32>,
        %add3A_1840 = arith.constant 32 : i32
        %add3A_1841 = vector.broadcast %add3A_1840 : i32 to vector<16xi32>
        %add3A_1842 = arith.addi %add3A_1841, %mul3A_32 : vector<16xi32>
        %add3A_1843 = arith.constant 1 : i32
        %add3A_1844 = vector.broadcast %add3A_1843 : i32 to vector<16xi32>
        %add3A_1845 = arith.addi %add3A_1842, %add3A_1844 : vector<16xi32>
        tpu.vector_store_idx %arg12[%broadcast_in_dim3A_1827, %add3A_1845], %add3A_1798 : memref<8x192xf32, #tpu.memory_space<vmem>>[vector<16xi32>, vector<16xi32>], vector<16xf32>,
        %add3A_1846 = arith.constant 64 : i32
        %add3A_1847 = vector.broadcast %add3A_1846 : i32 to vector<16xi32>
        %add3A_1848 = arith.addi %add3A_1847, %mul3A_32 : vector<16xi32>
        tpu.vector_store_idx %arg12[%broadcast_in_dim3A_1827, %add3A_1848], %add3A_1804 : memref<8x192xf32, #tpu.memory_space<vmem>>[vector<16xi32>, vector<16xi32>], vector<16xf32>,
        %add3A_1849 = arith.constant 64 : i32
        %add3A_1850 = vector.broadcast %add3A_1849 : i32 to vector<16xi32>
        %add3A_1851 = arith.addi %add3A_1850, %mul3A_32 : vector<16xi32>
        %add3A_1852 = arith.constant 1 : i32
        %add3A_1853 = vector.broadcast %add3A_1852 : i32 to vector<16xi32>
        %add3A_1854 = arith.addi %add3A_1851, %add3A_1853 : vector<16xi32>
        tpu.vector_store_idx %arg12[%broadcast_in_dim3A_1827, %add3A_1854], %add3A_1805 : memref<8x192xf32, #tpu.memory_space<vmem>>[vector<16xi32>, vector<16xi32>], vector<16xf32>,
        %add3A_1855 = arith.constant 96 : i32
        %add3A_1856 = vector.broadcast %add3A_1855 : i32 to vector<16xi32>
        %add3A_1857 = arith.addi %add3A_1856, %mul3A_32 : vector<16xi32>
        tpu.vector_store_idx %arg12[%broadcast_in_dim3A_1827, %add3A_1857], %add3A_1811 : memref<8x192xf32, #tpu.memory_space<vmem>>[vector<16xi32>, vector<16xi32>], vector<16xf32>,
        %add3A_1858 = arith.constant 96 : i32
        %add3A_1859 = vector.broadcast %add3A_1858 : i32 to vector<16xi32>
        %add3A_1860 = arith.addi %add3A_1859, %mul3A_32 : vector<16xi32>
        %add3A_1861 = arith.constant 1 : i32
        %add3A_1862 = vector.broadcast %add3A_1861 : i32 to vector<16xi32>
        %add3A_1863 = arith.addi %add3A_1860, %add3A_1862 : vector<16xi32>
        tpu.vector_store_idx %arg12[%broadcast_in_dim3A_1827, %add3A_1863], %add3A_1812 : memref<8x192xf32, #tpu.memory_space<vmem>>[vector<16xi32>, vector<16xi32>], vector<16xf32>,
        %add3A_1864 = arith.constant 128 : i32
        %add3A_1865 = vector.broadcast %add3A_1864 : i32 to vector<16xi32>
        %add3A_1866 = arith.addi %add3A_1865, %mul3A_32 : vector<16xi32>
        tpu.vector_store_idx %arg12[%broadcast_in_dim3A_1827, %add3A_1866], %add3A_1818 : memref<8x192xf32, #tpu.memory_space<vmem>>[vector<16xi32>, vector<16xi32>], vector<16xf32>,
        %add3A_1867 = arith.constant 128 : i32
        %add3A_1868 = vector.broadcast %add3A_1867 : i32 to vector<16xi32>
        %add3A_1869 = arith.addi %add3A_1868, %mul3A_32 : vector<16xi32>
        %add3A_1870 = arith.constant 1 : i32
        %add3A_1871 = vector.broadcast %add3A_1870 : i32 to vector<16xi32>
        %add3A_1872 = arith.addi %add3A_1869, %add3A_1871 : vector<16xi32>
        tpu.vector_store_idx %arg12[%broadcast_in_dim3A_1827, %add3A_1872], %add3A_1819 : memref<8x192xf32, #tpu.memory_space<vmem>>[vector<16xi32>, vector<16xi32>], vector<16xf32>,
        %add3A_1873 = arith.constant 160 : i32
        %add3A_1874 = vector.broadcast %add3A_1873 : i32 to vector<16xi32>
        %add3A_1875 = arith.addi %add3A_1874, %mul3A_32 : vector<16xi32>
        tpu.vector_store_idx %arg12[%broadcast_in_dim3A_1827, %add3A_1875], %add3A_1825 : memref<8x192xf32, #tpu.memory_space<vmem>>[vector<16xi32>, vector<16xi32>], vector<16xf32>,
        %add3A_1876 = arith.constant 160 : i32
        %add3A_1877 = vector.broadcast %add3A_1876 : i32 to vector<16xi32>
        %add3A_1878 = arith.addi %add3A_1877, %mul3A_32 : vector<16xi32>
        %add3A_1879 = arith.constant 1 : i32
        %add3A_1880 = vector.broadcast %add3A_1879 : i32 to vector<16xi32>
        %add3A_1881 = arith.addi %add3A_1878, %add3A_1880 : vector<16xi32>
        tpu.vector_store_idx %arg12[%broadcast_in_dim3A_1827, %add3A_1881], %add3A_1826 : memref<8x192xf32, #tpu.memory_space<vmem>>[vector<16xi32>, vector<16xi32>], vector<16xf32>,
      }
      %scan3A_37 = arith.constant 8 : i32
      %mul3A_38 = arith.constant 8 : i32
      %mul3A_39 = arith.muli %add3A_17, %mul3A_38 : i32
      %add3A_40 = arith.addi %mul3A_2, %mul3A_39 : i32
      "tpu.region"() ({
        %run_scoped3A = tpu.sem_alloc : memref<!tpu.dma_semaphore, #tpu.memory_space<semaphore_mem>>
        %dma_start3A_62 = arith.constant 0 : i32
        %dma_start3A_63 = tpu.memref_slice %arg5[%add3A_40, %dma_start3A_62] : memref<25088x192xf32, #tpu.memory_space<hbm>> -> memref<8x192xf32, #tpu.memory_space<hbm>>
        %dma_start3A_64 = arith.constant 0 : i32
        %dma_start3A_65 = tpu.memref_slice %arg5[%add3A_40, %dma_start3A_64] : memref<25088x192xf32, #tpu.memory_space<hbm>> -> memref<8x192xf32, #tpu.memory_space<hbm>>
        tpu.enqueue_dma source(%arg12 : memref<8x192xf32, #tpu.memory_space<vmem>>) target(%dma_start3A_65 : memref<8x192xf32, #tpu.memory_space<hbm>>) target_semaphore(%run_scoped3A : memref<!tpu.dma_semaphore, #tpu.memory_space<semaphore_mem>>)
        %dma_wait3A_66 = arith.constant 0 : i32
        %dma_wait3A_67 = tpu.memref_slice %arg5[%add3A_40, %dma_wait3A_66] : memref<25088x192xf32, #tpu.memory_space<hbm>> -> memref<8x192xf32, #tpu.memory_space<hbm>>
        %dma_wait3A_68 = arith.constant 0 : i32
        %dma_wait3A_69 = tpu.memref_slice %arg5[%add3A_40, %dma_wait3A_68] : memref<25088x192xf32, #tpu.memory_space<hbm>> -> memref<8x192xf32, #tpu.memory_space<hbm>>
        tpu.wait_dma2 semaphore(%run_scoped3A : memref<!tpu.dma_semaphore, #tpu.memory_space<semaphore_mem>>) src(%arg12 : memref<8x192xf32, #tpu.memory_space<vmem>>) dst(%dma_wait3A_69 : memref<8x192xf32, #tpu.memory_space<hbm>>)
        tpu.yield
      }) : () -> ()
      %add3A_41 = arith.constant 2 : i32
      %add3A_42 = arith.addi %add3A_17, %add3A_41 : i32
      %lt3A = arith.constant 98 : i32
      %lt3A_43 = arith.cmpi slt, %add3A_42, %lt3A : i32
      %convert_element_type3A = arith.extui %lt3A_43 : i1 to i32
      %cond3A = arith.constant 0 : i32
      %cond3A_44 = arith.cmpi ne, %convert_element_type3A, %cond3A : i32
      scf.if %cond3A_44 {
        %add3A_62 = arith.constant 2 : i32
        %add3A_63 = arith.addi %add3A_17, %add3A_62 : i32
        %mul3A_64 = arith.constant 8 : i32
        %mul3A_65 = arith.muli %add3A_63, %mul3A_64 : i32
        %add3A_66 = arith.addi %mul3A_2, %mul3A_65 : i32
        %mul3A_67 = arith.constant 16 : i32
        %mul3A_68 = arith.muli %add3A_66, %mul3A_67 : i32
        "tpu.region"() ({
          %run_scoped3A = tpu.sem_alloc : memref<!tpu.dma_semaphore, #tpu.memory_space<semaphore_mem>>
          %dma_start3A_72 = tpu.memref_slice %arg3[%mul3A_68] : memref<401408xi32, #tpu.memory_space<hbm>> -> memref<128xi32, #tpu.memory_space<hbm>>
          %dma_start3A_73 = tpu.memref_slice %arg3[%mul3A_68] : memref<401408xi32, #tpu.memory_space<hbm>> -> memref<128xi32, #tpu.memory_space<hbm>>
          tpu.enqueue_dma source(%dma_start3A_73 : memref<128xi32, #tpu.memory_space<hbm>>) target(%arg6 : memref<128xi32, #tpu.memory_space<vmem>>) target_semaphore(%run_scoped3A : memref<!tpu.dma_semaphore, #tpu.memory_space<semaphore_mem>>)
          %dma_wait3A_74 = tpu.memref_slice %arg3[%mul3A_68] : memref<401408xi32, #tpu.memory_space<hbm>> -> memref<128xi32, #tpu.memory_space<hbm>>
          %dma_wait3A_75 = tpu.memref_slice %arg3[%mul3A_68] : memref<401408xi32, #tpu.memory_space<hbm>> -> memref<128xi32, #tpu.memory_space<hbm>>
          tpu.wait_dma2 semaphore(%run_scoped3A : memref<!tpu.dma_semaphore, #tpu.memory_space<semaphore_mem>>) src(%dma_wait3A_75 : memref<128xi32, #tpu.memory_space<hbm>>) dst(%arg6 : memref<128xi32, #tpu.memory_space<vmem>>)
          tpu.yield
        }) : () -> ()
        %dma_start3A_69 = arith.constant 0 : i32
        %dma_start3A_70 = arith.constant 0 : i32
        %dma_start3A_71 = tpu.memref_slice %arg2[%dma_start3A_69, %dma_start3A_70] : memref<32768x192xbf16, #tpu.memory_space<hbm>> -> memref<32768x192xbf16, #tpu.memory_space<hbm>>
        tpu.enqueue_indirect_dma source(%dma_start3A_71 : memref<32768x192xbf16, #tpu.memory_space<hbm>>) target(%arg10 : memref<128x192xbf16, #tpu.memory_space<vmem>>) offsets(%arg6 : memref<128xi32, #tpu.memory_space<vmem>>) semaphore(%arg13 : memref<!tpu.dma_semaphore, #tpu.memory_space<semaphore_mem>>)
        "tpu.region"() ({
          %run_scoped3A = tpu.sem_alloc : memref<!tpu.dma_semaphore, #tpu.memory_space<semaphore_mem>>
          %dma_start3A_72 = tpu.memref_slice %arg4[%mul3A_68] : memref<401408xi32, #tpu.memory_space<hbm>> -> memref<128xi32, #tpu.memory_space<hbm>>
          %dma_start3A_73 = tpu.memref_slice %arg4[%mul3A_68] : memref<401408xi32, #tpu.memory_space<hbm>> -> memref<128xi32, #tpu.memory_space<hbm>>
          tpu.enqueue_dma source(%dma_start3A_73 : memref<128xi32, #tpu.memory_space<hbm>>) target(%arg8 : memref<128xi32, #tpu.memory_space<vmem>>) target_semaphore(%run_scoped3A : memref<!tpu.dma_semaphore, #tpu.memory_space<semaphore_mem>>)
          %dma_wait3A_74 = tpu.memref_slice %arg4[%mul3A_68] : memref<401408xi32, #tpu.memory_space<hbm>> -> memref<128xi32, #tpu.memory_space<hbm>>
          %dma_wait3A_75 = tpu.memref_slice %arg4[%mul3A_68] : memref<401408xi32, #tpu.memory_space<hbm>> -> memref<128xi32, #tpu.memory_space<hbm>>
          tpu.wait_dma2 semaphore(%run_scoped3A : memref<!tpu.dma_semaphore, #tpu.memory_space<semaphore_mem>>) src(%dma_wait3A_75 : memref<128xi32, #tpu.memory_space<hbm>>) dst(%arg8 : memref<128xi32, #tpu.memory_space<vmem>>)
          tpu.yield
        }) : () -> ()
      } else {
      }
      %add3A_45 = arith.constant 1 : i32
      %add3A_46 = arith.addi %add3A_17, %add3A_45 : i32
      %dma_wait3A_47 = arith.constant 0 : i32
      %dma_wait3A_48 = arith.constant 0 : i32
      %dma_wait3A_49 = tpu.memref_slice %arg2[%dma_wait3A_47, %dma_wait3A_48] : memref<32768x192xbf16, #tpu.memory_space<hbm>> -> memref<32768x192xbf16, #tpu.memory_space<hbm>>
      tpu.wait_indirect_dma semaphore(%arg14 : memref<!tpu.dma_semaphore, #tpu.memory_space<semaphore_mem>>) src(%dma_wait3A_49 : memref<32768x192xbf16, #tpu.memory_space<hbm>>) dst(%arg11 : memref<128x192xbf16, #tpu.memory_space<vmem>>)
      %iota3A_50 = tpu.iota {dimensions = array<i32: 0>} : vector<16xi32>
      %mul3A_51 = arith.constant 2 : i32
      %mul3A_52 = vector.broadcast %mul3A_51 : i32 to vector<16xi32>
      %mul3A_53 = arith.muli %mul3A_52, %iota3A_50 : vector<16xi32>
      %scan3A_54 = arith.constant 0 : i32
      %scan3A_55 = arith.constant 8 : i32
      %scan3A_56 = arith.addi %scan3A_54, %scan3A_55 : i32
      %scan3A_57 = arith.constant 2 : i32
      scf.for %scan3A_62 = %scan3A_54 to %scan3A_56 step %scan3A_57  : i32 {
        %mul3A_63 = arith.constant 1 : i32
        %mul3A_64 = arith.muli %scan3A_62, %mul3A_63 : i32
        %add3A_65 = arith.constant 0 : i32
        %add3A_66 = arith.addi %add3A_65, %mul3A_64 : i32
        %mul3A_67 = arith.constant 16 : i32
        %mul3A_68 = arith.muli %add3A_66, %mul3A_67 : i32
        %get3A = arith.index_cast %mul3A_68 : i32 to index
        %get3A_69 = tpu.vector_load %arg9[%get3A] {strides = array<i32>} : memref<128xi32, #tpu.memory_space<vmem>>, vector<16xi32>,
        %broadcast_in_dim3A = arith.constant 0.000000e+00 : f32
        %broadcast_in_dim3A_70 = vector.broadcast %broadcast_in_dim3A : f32 to vector<16xf32>
        %broadcast_in_dim3A_71 = arith.constant 0.000000e+00 : f32
        %broadcast_in_dim3A_72 = vector.broadcast %broadcast_in_dim3A_71 : f32 to vector<16xf32>
        %broadcast_in_dim3A_73 = arith.constant 0.000000e+00 : f32
        %broadcast_in_dim3A_74 = vector.broadcast %broadcast_in_dim3A_73 : f32 to vector<16xf32>
        %broadcast_in_dim3A_75 = arith.constant 0.000000e+00 : f32
        %broadcast_in_dim3A_76 = vector.broadcast %broadcast_in_dim3A_75 : f32 to vector<16xf32>
        %broadcast_in_dim3A_77 = arith.constant 0.000000e+00 : f32
        %broadcast_in_dim3A_78 = vector.broadcast %broadcast_in_dim3A_77 : f32 to vector<16xf32>
        %broadcast_in_dim3A_79 = arith.constant 0.000000e+00 : f32
        %broadcast_in_dim3A_80 = vector.broadcast %broadcast_in_dim3A_79 : f32 to vector<16xf32>
        %broadcast_in_dim3A_81 = arith.constant 0.000000e+00 : f32
        %broadcast_in_dim3A_82 = vector.broadcast %broadcast_in_dim3A_81 : f32 to vector<16xf32>
        %broadcast_in_dim3A_83 = arith.constant 0.000000e+00 : f32
        %broadcast_in_dim3A_84 = vector.broadcast %broadcast_in_dim3A_83 : f32 to vector<16xf32>
        %broadcast_in_dim3A_85 = arith.constant 0.000000e+00 : f32
        %broadcast_in_dim3A_86 = vector.broadcast %broadcast_in_dim3A_85 : f32 to vector<16xf32>
        %broadcast_in_dim3A_87 = arith.constant 0.000000e+00 : f32
        %broadcast_in_dim3A_88 = vector.broadcast %broadcast_in_dim3A_87 : f32 to vector<16xf32>
        %broadcast_in_dim3A_89 = arith.constant 0.000000e+00 : f32
        %broadcast_in_dim3A_90 = vector.broadcast %broadcast_in_dim3A_89 : f32 to vector<16xf32>
        %broadcast_in_dim3A_91 = arith.constant 0.000000e+00 : f32
        %broadcast_in_dim3A_92 = vector.broadcast %broadcast_in_dim3A_91 : f32 to vector<16xf32>
        %broadcast_in_dim3A_93 = arith.constant 0 : i32
        %broadcast_in_dim3A_94 = vector.broadcast %broadcast_in_dim3A_93 : i32 to vector<16x1xi32>
        %gather3A = vector.shape_cast %broadcast_in_dim3A_94 : vector<16x1xi32> to vector<16xi32>
        %gather3A_95 = tpu.dynamic_gather %get3A_69[%gather3A] in [0] : vector<16xi32>, vector<16xi32> -> vector<16xi32>
        %bitcast3A = vector.bitcast %gather3A_95 : vector<16xi32> to vector<32xbf16>
        %broadcast_in_dim3A_96 = arith.constant 1 : i32
        %broadcast_in_dim3A_97 = vector.broadcast %broadcast_in_dim3A_96 : i32 to vector<16x1xi32>
        %gather3A_98 = vector.shape_cast %broadcast_in_dim3A_97 : vector<16x1xi32> to vector<16xi32>
        %gather3A_99 = tpu.dynamic_gather %get3A_69[%gather3A_98] in [0] : vector<16xi32>, vector<16xi32> -> vector<16xi32>
        %bitcast3A_100 = vector.bitcast %gather3A_99 : vector<16xi32> to vector<32xbf16>
        %broadcast_in_dim3A_101 = arith.constant 2 : i32
        %broadcast_in_dim3A_102 = vector.broadcast %broadcast_in_dim3A_101 : i32 to vector<16x1xi32>
        %gather3A_103 = vector.shape_cast %broadcast_in_dim3A_102 : vector<16x1xi32> to vector<16xi32>
        %gather3A_104 = tpu.dynamic_gather %get3A_69[%gather3A_103] in [0] : vector<16xi32>, vector<16xi32> -> vector<16xi32>
        %bitcast3A_105 = vector.bitcast %gather3A_104 : vector<16xi32> to vector<32xbf16>
        %broadcast_in_dim3A_106 = arith.constant 3 : i32
        %broadcast_in_dim3A_107 = vector.broadcast %broadcast_in_dim3A_106 : i32 to vector<16x1xi32>
        %gather3A_108 = vector.shape_cast %broadcast_in_dim3A_107 : vector<16x1xi32> to vector<16xi32>
        %gather3A_109 = tpu.dynamic_gather %get3A_69[%gather3A_108] in [0] : vector<16xi32>, vector<16xi32> -> vector<16xi32>
        %bitcast3A_110 = vector.bitcast %gather3A_109 : vector<16xi32> to vector<32xbf16>
        %broadcast_in_dim3A_111 = arith.constant 4 : i32
        %broadcast_in_dim3A_112 = vector.broadcast %broadcast_in_dim3A_111 : i32 to vector<16x1xi32>
        %gather3A_113 = vector.shape_cast %broadcast_in_dim3A_112 : vector<16x1xi32> to vector<16xi32>
        %gather3A_114 = tpu.dynamic_gather %get3A_69[%gather3A_113] in [0] : vector<16xi32>, vector<16xi32> -> vector<16xi32>
        %bitcast3A_115 = vector.bitcast %gather3A_114 : vector<16xi32> to vector<32xbf16>
        %broadcast_in_dim3A_116 = arith.constant 5 : i32
        %broadcast_in_dim3A_117 = vector.broadcast %broadcast_in_dim3A_116 : i32 to vector<16x1xi32>
        %gather3A_118 = vector.shape_cast %broadcast_in_dim3A_117 : vector<16x1xi32> to vector<16xi32>
        %gather3A_119 = tpu.dynamic_gather %get3A_69[%gather3A_118] in [0] : vector<16xi32>, vector<16xi32> -> vector<16xi32>
        %bitcast3A_120 = vector.bitcast %gather3A_119 : vector<16xi32> to vector<32xbf16>
        %broadcast_in_dim3A_121 = arith.constant 6 : i32
        %broadcast_in_dim3A_122 = vector.broadcast %broadcast_in_dim3A_121 : i32 to vector<16x1xi32>
        %gather3A_123 = vector.shape_cast %broadcast_in_dim3A_122 : vector<16x1xi32> to vector<16xi32>
        %gather3A_124 = tpu.dynamic_gather %get3A_69[%gather3A_123] in [0] : vector<16xi32>, vector<16xi32> -> vector<16xi32>
        %bitcast3A_125 = vector.bitcast %gather3A_124 : vector<16xi32> to vector<32xbf16>
        %broadcast_in_dim3A_126 = arith.constant 7 : i32
        %broadcast_in_dim3A_127 = vector.broadcast %broadcast_in_dim3A_126 : i32 to vector<16x1xi32>
        %gather3A_128 = vector.shape_cast %broadcast_in_dim3A_127 : vector<16x1xi32> to vector<16xi32>
        %gather3A_129 = tpu.dynamic_gather %get3A_69[%gather3A_128] in [0] : vector<16xi32>, vector<16xi32> -> vector<16xi32>
        %bitcast3A_130 = vector.bitcast %gather3A_129 : vector<16xi32> to vector<32xbf16>
        %broadcast_in_dim3A_131 = arith.constant 8 : i32
        %broadcast_in_dim3A_132 = vector.broadcast %broadcast_in_dim3A_131 : i32 to vector<16x1xi32>
        %gather3A_133 = vector.shape_cast %broadcast_in_dim3A_132 : vector<16x1xi32> to vector<16xi32>
        %gather3A_134 = tpu.dynamic_gather %get3A_69[%gather3A_133] in [0] : vector<16xi32>, vector<16xi32> -> vector<16xi32>
        %bitcast3A_135 = vector.bitcast %gather3A_134 : vector<16xi32> to vector<32xbf16>
        %broadcast_in_dim3A_136 = arith.constant 9 : i32
        %broadcast_in_dim3A_137 = vector.broadcast %broadcast_in_dim3A_136 : i32 to vector<16x1xi32>
        %gather3A_138 = vector.shape_cast %broadcast_in_dim3A_137 : vector<16x1xi32> to vector<16xi32>
        %gather3A_139 = tpu.dynamic_gather %get3A_69[%gather3A_138] in [0] : vector<16xi32>, vector<16xi32> -> vector<16xi32>
        %bitcast3A_140 = vector.bitcast %gather3A_139 : vector<16xi32> to vector<32xbf16>
        %broadcast_in_dim3A_141 = arith.constant 10 : i32
        %broadcast_in_dim3A_142 = vector.broadcast %broadcast_in_dim3A_141 : i32 to vector<16x1xi32>
        %gather3A_143 = vector.shape_cast %broadcast_in_dim3A_142 : vector<16x1xi32> to vector<16xi32>
        %gather3A_144 = tpu.dynamic_gather %get3A_69[%gather3A_143] in [0] : vector<16xi32>, vector<16xi32> -> vector<16xi32>
        %bitcast3A_145 = vector.bitcast %gather3A_144 : vector<16xi32> to vector<32xbf16>
        %broadcast_in_dim3A_146 = arith.constant 11 : i32
        %broadcast_in_dim3A_147 = vector.broadcast %broadcast_in_dim3A_146 : i32 to vector<16x1xi32>
        %gather3A_148 = vector.shape_cast %broadcast_in_dim3A_147 : vector<16x1xi32> to vector<16xi32>
        %gather3A_149 = tpu.dynamic_gather %get3A_69[%gather3A_148] in [0] : vector<16xi32>, vector<16xi32> -> vector<16xi32>
        %bitcast3A_150 = vector.bitcast %gather3A_149 : vector<16xi32> to vector<32xbf16>
        %broadcast_in_dim3A_151 = arith.constant 12 : i32
        %broadcast_in_dim3A_152 = vector.broadcast %broadcast_in_dim3A_151 : i32 to vector<16x1xi32>
        %gather3A_153 = vector.shape_cast %broadcast_in_dim3A_152 : vector<16x1xi32> to vector<16xi32>
        %gather3A_154 = tpu.dynamic_gather %get3A_69[%gather3A_153] in [0] : vector<16xi32>, vector<16xi32> -> vector<16xi32>
        %bitcast3A_155 = vector.bitcast %gather3A_154 : vector<16xi32> to vector<32xbf16>
        %broadcast_in_dim3A_156 = arith.constant 13 : i32
        %broadcast_in_dim3A_157 = vector.broadcast %broadcast_in_dim3A_156 : i32 to vector<16x1xi32>
        %gather3A_158 = vector.shape_cast %broadcast_in_dim3A_157 : vector<16x1xi32> to vector<16xi32>
        %gather3A_159 = tpu.dynamic_gather %get3A_69[%gather3A_158] in [0] : vector<16xi32>, vector<16xi32> -> vector<16xi32>
        %bitcast3A_160 = vector.bitcast %gather3A_159 : vector<16xi32> to vector<32xbf16>
        %broadcast_in_dim3A_161 = arith.constant 14 : i32
        %broadcast_in_dim3A_162 = vector.broadcast %broadcast_in_dim3A_161 : i32 to vector<16x1xi32>
        %gather3A_163 = vector.shape_cast %broadcast_in_dim3A_162 : vector<16x1xi32> to vector<16xi32>
        %gather3A_164 = tpu.dynamic_gather %get3A_69[%gather3A_163] in [0] : vector<16xi32>, vector<16xi32> -> vector<16xi32>
        %bitcast3A_165 = vector.bitcast %gather3A_164 : vector<16xi32> to vector<32xbf16>
        %broadcast_in_dim3A_166 = arith.constant 15 : i32
        %broadcast_in_dim3A_167 = vector.broadcast %broadcast_in_dim3A_166 : i32 to vector<16x1xi32>
        %gather3A_168 = vector.shape_cast %broadcast_in_dim3A_167 : vector<16x1xi32> to vector<16xi32>
        %gather3A_169 = tpu.dynamic_gather %get3A_69[%gather3A_168] in [0] : vector<16xi32>, vector<16xi32> -> vector<16xi32>
        %bitcast3A_170 = vector.bitcast %gather3A_169 : vector<16xi32> to vector<32xbf16>
        %add3A_171 = arith.constant 0 : i32
        %add3A_172 = arith.addi %mul3A_68, %add3A_171 : i32
        %get3A_173 = arith.index_cast %add3A_172 : i32 to index
        %get3A_174 = arith.constant 0 : index
        %get3A_175 = tpu.vector_load %arg11[%get3A_173, %get3A_174] {strides = array<i32>} : memref<128x192xbf16, #tpu.memory_space<vmem>>, vector<32xbf16>,
        %mul3A_176 = arith.mulf %get3A_175, %bitcast3A : vector<32xbf16>
        %add3A_177 = arith.constant 0 : i32
        %add3A_178 = arith.addi %mul3A_68, %add3A_177 : i32
        %get3A_179 = arith.index_cast %add3A_178 : i32 to index
        %get3A_180 = arith.constant 32 : index
        %get3A_181 = tpu.vector_load %arg11[%get3A_179, %get3A_180] {strides = array<i32>} : memref<128x192xbf16, #tpu.memory_space<vmem>>, vector<32xbf16>,
        %mul3A_182 = arith.mulf %get3A_181, %bitcast3A : vector<32xbf16>
        %add3A_183 = arith.constant 0 : i32
        %add3A_184 = arith.addi %mul3A_68, %add3A_183 : i32
        %get3A_185 = arith.index_cast %add3A_184 : i32 to index
        %get3A_186 = arith.constant 64 : index
        %get3A_187 = tpu.vector_load %arg11[%get3A_185, %get3A_186] {strides = array<i32>} : memref<128x192xbf16, #tpu.memory_space<vmem>>, vector<32xbf16>,
        %mul3A_188 = arith.mulf %get3A_187, %bitcast3A : vector<32xbf16>
        %add3A_189 = arith.constant 0 : i32
        %add3A_190 = arith.addi %mul3A_68, %add3A_189 : i32
        %get3A_191 = arith.index_cast %add3A_190 : i32 to index
        %get3A_192 = arith.constant 96 : index
        %get3A_193 = tpu.vector_load %arg11[%get3A_191, %get3A_192] {strides = array<i32>} : memref<128x192xbf16, #tpu.memory_space<vmem>>, vector<32xbf16>,
        %mul3A_194 = arith.mulf %get3A_193, %bitcast3A : vector<32xbf16>
        %add3A_195 = arith.constant 0 : i32
        %add3A_196 = arith.addi %mul3A_68, %add3A_195 : i32
        %get3A_197 = arith.index_cast %add3A_196 : i32 to index
        %get3A_198 = arith.constant 128 : index
        %get3A_199 = tpu.vector_load %arg11[%get3A_197, %get3A_198] {strides = array<i32>} : memref<128x192xbf16, #tpu.memory_space<vmem>>, vector<32xbf16>,
        %mul3A_200 = arith.mulf %get3A_199, %bitcast3A : vector<32xbf16>
        %add3A_201 = arith.constant 0 : i32
        %add3A_202 = arith.addi %mul3A_68, %add3A_201 : i32
        %get3A_203 = arith.index_cast %add3A_202 : i32 to index
        %get3A_204 = arith.constant 160 : index
        %get3A_205 = tpu.vector_load %arg11[%get3A_203, %get3A_204] {strides = array<i32>} : memref<128x192xbf16, #tpu.memory_space<vmem>>, vector<32xbf16>,
        %mul3A_206 = arith.mulf %get3A_205, %bitcast3A : vector<32xbf16>
        %add3A_207 = arith.constant 1 : i32
        %add3A_208 = arith.addi %mul3A_68, %add3A_207 : i32
        %get3A_209 = arith.index_cast %add3A_208 : i32 to index
        %get3A_210 = arith.constant 0 : index
        %get3A_211 = tpu.vector_load %arg11[%get3A_209, %get3A_210] {strides = array<i32>} : memref<128x192xbf16, #tpu.memory_space<vmem>>, vector<32xbf16>,
        %mul3A_212 = arith.mulf %get3A_211, %bitcast3A_100 : vector<32xbf16>
        %add3A_213 = arith.constant 1 : i32
        %add3A_214 = arith.addi %mul3A_68, %add3A_213 : i32
        %get3A_215 = arith.index_cast %add3A_214 : i32 to index
        %get3A_216 = arith.constant 32 : index
        %get3A_217 = tpu.vector_load %arg11[%get3A_215, %get3A_216] {strides = array<i32>} : memref<128x192xbf16, #tpu.memory_space<vmem>>, vector<32xbf16>,
        %mul3A_218 = arith.mulf %get3A_217, %bitcast3A_100 : vector<32xbf16>
        %add3A_219 = arith.constant 1 : i32
        %add3A_220 = arith.addi %mul3A_68, %add3A_219 : i32
        %get3A_221 = arith.index_cast %add3A_220 : i32 to index
        %get3A_222 = arith.constant 64 : index
        %get3A_223 = tpu.vector_load %arg11[%get3A_221, %get3A_222] {strides = array<i32>} : memref<128x192xbf16, #tpu.memory_space<vmem>>, vector<32xbf16>,
        %mul3A_224 = arith.mulf %get3A_223, %bitcast3A_100 : vector<32xbf16>
        %add3A_225 = arith.constant 1 : i32
        %add3A_226 = arith.addi %mul3A_68, %add3A_225 : i32
        %get3A_227 = arith.index_cast %add3A_226 : i32 to index
        %get3A_228 = arith.constant 96 : index
        %get3A_229 = tpu.vector_load %arg11[%get3A_227, %get3A_228] {strides = array<i32>} : memref<128x192xbf16, #tpu.memory_space<vmem>>, vector<32xbf16>,
        %mul3A_230 = arith.mulf %get3A_229, %bitcast3A_100 : vector<32xbf16>
        %add3A_231 = arith.constant 1 : i32
        %add3A_232 = arith.addi %mul3A_68, %add3A_231 : i32
        %get3A_233 = arith.index_cast %add3A_232 : i32 to index
        %get3A_234 = arith.constant 128 : index
        %get3A_235 = tpu.vector_load %arg11[%get3A_233, %get3A_234] {strides = array<i32>} : memref<128x192xbf16, #tpu.memory_space<vmem>>, vector<32xbf16>,
        %mul3A_236 = arith.mulf %get3A_235, %bitcast3A_100 : vector<32xbf16>
        %add3A_237 = arith.constant 1 : i32
        %add3A_238 = arith.addi %mul3A_68, %add3A_237 : i32
        %get3A_239 = arith.index_cast %add3A_238 : i32 to index
        %get3A_240 = arith.constant 160 : index
        %get3A_241 = tpu.vector_load %arg11[%get3A_239, %get3A_240] {strides = array<i32>} : memref<128x192xbf16, #tpu.memory_space<vmem>>, vector<32xbf16>,
        %mul3A_242 = arith.mulf %get3A_241, %bitcast3A_100 : vector<32xbf16>
        %add3A_243 = arith.constant 2 : i32
        %add3A_244 = arith.addi %mul3A_68, %add3A_243 : i32
        %get3A_245 = arith.index_cast %add3A_244 : i32 to index
        %get3A_246 = arith.constant 0 : index
        %get3A_247 = tpu.vector_load %arg11[%get3A_245, %get3A_246] {strides = array<i32>} : memref<128x192xbf16, #tpu.memory_space<vmem>>, vector<32xbf16>,
        %mul3A_248 = arith.mulf %get3A_247, %bitcast3A_105 : vector<32xbf16>
        %add3A_249 = arith.constant 2 : i32
        %add3A_250 = arith.addi %mul3A_68, %add3A_249 : i32
        %get3A_251 = arith.index_cast %add3A_250 : i32 to index
        %get3A_252 = arith.constant 32 : index
        %get3A_253 = tpu.vector_load %arg11[%get3A_251, %get3A_252] {strides = array<i32>} : memref<128x192xbf16, #tpu.memory_space<vmem>>, vector<32xbf16>,
        %mul3A_254 = arith.mulf %get3A_253, %bitcast3A_105 : vector<32xbf16>
        %add3A_255 = arith.constant 2 : i32
        %add3A_256 = arith.addi %mul3A_68, %add3A_255 : i32
        %get3A_257 = arith.index_cast %add3A_256 : i32 to index
        %get3A_258 = arith.constant 64 : index
        %get3A_259 = tpu.vector_load %arg11[%get3A_257, %get3A_258] {strides = array<i32>} : memref<128x192xbf16, #tpu.memory_space<vmem>>, vector<32xbf16>,
        %mul3A_260 = arith.mulf %get3A_259, %bitcast3A_105 : vector<32xbf16>
        %add3A_261 = arith.constant 2 : i32
        %add3A_262 = arith.addi %mul3A_68, %add3A_261 : i32
        %get3A_263 = arith.index_cast %add3A_262 : i32 to index
        %get3A_264 = arith.constant 96 : index
        %get3A_265 = tpu.vector_load %arg11[%get3A_263, %get3A_264] {strides = array<i32>} : memref<128x192xbf16, #tpu.memory_space<vmem>>, vector<32xbf16>,
        %mul3A_266 = arith.mulf %get3A_265, %bitcast3A_105 : vector<32xbf16>
        %add3A_267 = arith.constant 2 : i32
        %add3A_268 = arith.addi %mul3A_68, %add3A_267 : i32
        %get3A_269 = arith.index_cast %add3A_268 : i32 to index
        %get3A_270 = arith.constant 128 : index
        %get3A_271 = tpu.vector_load %arg11[%get3A_269, %get3A_270] {strides = array<i32>} : memref<128x192xbf16, #tpu.memory_space<vmem>>, vector<32xbf16>,
        %mul3A_272 = arith.mulf %get3A_271, %bitcast3A_105 : vector<32xbf16>
        %add3A_273 = arith.constant 2 : i32
        %add3A_274 = arith.addi %mul3A_68, %add3A_273 : i32
        %get3A_275 = arith.index_cast %add3A_274 : i32 to index
        %get3A_276 = arith.constant 160 : index
        %get3A_277 = tpu.vector_load %arg11[%get3A_275, %get3A_276] {strides = array<i32>} : memref<128x192xbf16, #tpu.memory_space<vmem>>, vector<32xbf16>,
        %mul3A_278 = arith.mulf %get3A_277, %bitcast3A_105 : vector<32xbf16>
        %add3A_279 = arith.constant 3 : i32
        %add3A_280 = arith.addi %mul3A_68, %add3A_279 : i32
        %get3A_281 = arith.index_cast %add3A_280 : i32 to index
        %get3A_282 = arith.constant 0 : index
        %get3A_283 = tpu.vector_load %arg11[%get3A_281, %get3A_282] {strides = array<i32>} : memref<128x192xbf16, #tpu.memory_space<vmem>>, vector<32xbf16>,
        %mul3A_284 = arith.mulf %get3A_283, %bitcast3A_110 : vector<32xbf16>
        %add3A_285 = arith.constant 3 : i32
        %add3A_286 = arith.addi %mul3A_68, %add3A_285 : i32
        %get3A_287 = arith.index_cast %add3A_286 : i32 to index
        %get3A_288 = arith.constant 32 : index
        %get3A_289 = tpu.vector_load %arg11[%get3A_287, %get3A_288] {strides = array<i32>} : memref<128x192xbf16, #tpu.memory_space<vmem>>, vector<32xbf16>,
        %mul3A_290 = arith.mulf %get3A_289, %bitcast3A_110 : vector<32xbf16>
        %add3A_291 = arith.constant 3 : i32
        %add3A_292 = arith.addi %mul3A_68, %add3A_291 : i32
        %get3A_293 = arith.index_cast %add3A_292 : i32 to index
        %get3A_294 = arith.constant 64 : index
        %get3A_295 = tpu.vector_load %arg11[%get3A_293, %get3A_294] {strides = array<i32>} : memref<128x192xbf16, #tpu.memory_space<vmem>>, vector<32xbf16>,
        %mul3A_296 = arith.mulf %get3A_295, %bitcast3A_110 : vector<32xbf16>
        %add3A_297 = arith.constant 3 : i32
        %add3A_298 = arith.addi %mul3A_68, %add3A_297 : i32
        %get3A_299 = arith.index_cast %add3A_298 : i32 to index
        %get3A_300 = arith.constant 96 : index
        %get3A_301 = tpu.vector_load %arg11[%get3A_299, %get3A_300] {strides = array<i32>} : memref<128x192xbf16, #tpu.memory_space<vmem>>, vector<32xbf16>,
        %mul3A_302 = arith.mulf %get3A_301, %bitcast3A_110 : vector<32xbf16>
        %add3A_303 = arith.constant 3 : i32
        %add3A_304 = arith.addi %mul3A_68, %add3A_303 : i32
        %get3A_305 = arith.index_cast %add3A_304 : i32 to index
        %get3A_306 = arith.constant 128 : index
        %get3A_307 = tpu.vector_load %arg11[%get3A_305, %get3A_306] {strides = array<i32>} : memref<128x192xbf16, #tpu.memory_space<vmem>>, vector<32xbf16>,
        %mul3A_308 = arith.mulf %get3A_307, %bitcast3A_110 : vector<32xbf16>
        %add3A_309 = arith.constant 3 : i32
        %add3A_310 = arith.addi %mul3A_68, %add3A_309 : i32
        %get3A_311 = arith.index_cast %add3A_310 : i32 to index
        %get3A_312 = arith.constant 160 : index
        %get3A_313 = tpu.vector_load %arg11[%get3A_311, %get3A_312] {strides = array<i32>} : memref<128x192xbf16, #tpu.memory_space<vmem>>, vector<32xbf16>,
        %mul3A_314 = arith.mulf %get3A_313, %bitcast3A_110 : vector<32xbf16>
        %add3A_315 = arith.addf %mul3A_176, %mul3A_212 : vector<32xbf16>
        %add3A_316 = arith.addf %mul3A_248, %mul3A_284 : vector<32xbf16>
        %add3A_317 = arith.addf %add3A_315, %add3A_316 : vector<32xbf16>
        %unpack3A = tpu.unpack_subelements %add3A_317, 0 {pack_format = #tpu.pack_format<interleaved>} : vector<32xbf16> -> vector<16xf32>
        %unpack3A_318 = tpu.unpack_subelements %add3A_317, 1 {pack_format = #tpu.pack_format<interleaved>} : vector<32xbf16> -> vector<16xf32>
        %add3A_319 = arith.addf %broadcast_in_dim3A_70, %unpack3A : vector<16xf32>
        %add3A_320 = arith.addf %broadcast_in_dim3A_82, %unpack3A_318 : vector<16xf32>
        %add3A_321 = arith.addf %mul3A_182, %mul3A_218 : vector<32xbf16>
        %add3A_322 = arith.addf %mul3A_254, %mul3A_290 : vector<32xbf16>
        %add3A_323 = arith.addf %add3A_321, %add3A_322 : vector<32xbf16>
        %unpack3A_324 = tpu.unpack_subelements %add3A_323, 0 {pack_format = #tpu.pack_format<interleaved>} : vector<32xbf16> -> vector<16xf32>
        %unpack3A_325 = tpu.unpack_subelements %add3A_323, 1 {pack_format = #tpu.pack_format<interleaved>} : vector<32xbf16> -> vector<16xf32>
        %add3A_326 = arith.addf %broadcast_in_dim3A_72, %unpack3A_324 : vector<16xf32>
        %add3A_327 = arith.addf %broadcast_in_dim3A_84, %unpack3A_325 : vector<16xf32>
        %add3A_328 = arith.addf %mul3A_188, %mul3A_224 : vector<32xbf16>
        %add3A_329 = arith.addf %mul3A_260, %mul3A_296 : vector<32xbf16>
        %add3A_330 = arith.addf %add3A_328, %add3A_329 : vector<32xbf16>
        %unpack3A_331 = tpu.unpack_subelements %add3A_330, 0 {pack_format = #tpu.pack_format<interleaved>} : vector<32xbf16> -> vector<16xf32>
        %unpack3A_332 = tpu.unpack_subelements %add3A_330, 1 {pack_format = #tpu.pack_format<interleaved>} : vector<32xbf16> -> vector<16xf32>
        %add3A_333 = arith.addf %broadcast_in_dim3A_74, %unpack3A_331 : vector<16xf32>
        %add3A_334 = arith.addf %broadcast_in_dim3A_86, %unpack3A_332 : vector<16xf32>
        %add3A_335 = arith.addf %mul3A_194, %mul3A_230 : vector<32xbf16>
        %add3A_336 = arith.addf %mul3A_266, %mul3A_302 : vector<32xbf16>
        %add3A_337 = arith.addf %add3A_335, %add3A_336 : vector<32xbf16>
        %unpack3A_338 = tpu.unpack_subelements %add3A_337, 0 {pack_format = #tpu.pack_format<interleaved>} : vector<32xbf16> -> vector<16xf32>
        %unpack3A_339 = tpu.unpack_subelements %add3A_337, 1 {pack_format = #tpu.pack_format<interleaved>} : vector<32xbf16> -> vector<16xf32>
        %add3A_340 = arith.addf %broadcast_in_dim3A_76, %unpack3A_338 : vector<16xf32>
        %add3A_341 = arith.addf %broadcast_in_dim3A_88, %unpack3A_339 : vector<16xf32>
        %add3A_342 = arith.addf %mul3A_200, %mul3A_236 : vector<32xbf16>
        %add3A_343 = arith.addf %mul3A_272, %mul3A_308 : vector<32xbf16>
        %add3A_344 = arith.addf %add3A_342, %add3A_343 : vector<32xbf16>
        %unpack3A_345 = tpu.unpack_subelements %add3A_344, 0 {pack_format = #tpu.pack_format<interleaved>} : vector<32xbf16> -> vector<16xf32>
        %unpack3A_346 = tpu.unpack_subelements %add3A_344, 1 {pack_format = #tpu.pack_format<interleaved>} : vector<32xbf16> -> vector<16xf32>
        %add3A_347 = arith.addf %broadcast_in_dim3A_78, %unpack3A_345 : vector<16xf32>
        %add3A_348 = arith.addf %broadcast_in_dim3A_90, %unpack3A_346 : vector<16xf32>
        %add3A_349 = arith.addf %mul3A_206, %mul3A_242 : vector<32xbf16>
        %add3A_350 = arith.addf %mul3A_278, %mul3A_314 : vector<32xbf16>
        %add3A_351 = arith.addf %add3A_349, %add3A_350 : vector<32xbf16>
        %unpack3A_352 = tpu.unpack_subelements %add3A_351, 0 {pack_format = #tpu.pack_format<interleaved>} : vector<32xbf16> -> vector<16xf32>
        %unpack3A_353 = tpu.unpack_subelements %add3A_351, 1 {pack_format = #tpu.pack_format<interleaved>} : vector<32xbf16> -> vector<16xf32>
        %add3A_354 = arith.addf %broadcast_in_dim3A_80, %unpack3A_352 : vector<16xf32>
        %add3A_355 = arith.addf %broadcast_in_dim3A_92, %unpack3A_353 : vector<16xf32>
        %add3A_356 = arith.constant 4 : i32
        %add3A_357 = arith.addi %mul3A_68, %add3A_356 : i32
        %get3A_358 = arith.index_cast %add3A_357 : i32 to index
        %get3A_359 = arith.constant 0 : index
        %get3A_360 = tpu.vector_load %arg11[%get3A_358, %get3A_359] {strides = array<i32>} : memref<128x192xbf16, #tpu.memory_space<vmem>>, vector<32xbf16>,
        %mul3A_361 = arith.mulf %get3A_360, %bitcast3A_115 : vector<32xbf16>
        %add3A_362 = arith.constant 4 : i32
        %add3A_363 = arith.addi %mul3A_68, %add3A_362 : i32
        %get3A_364 = arith.index_cast %add3A_363 : i32 to index
        %get3A_365 = arith.constant 32 : index
        %get3A_366 = tpu.vector_load %arg11[%get3A_364, %get3A_365] {strides = array<i32>} : memref<128x192xbf16, #tpu.memory_space<vmem>>, vector<32xbf16>,
        %mul3A_367 = arith.mulf %get3A_366, %bitcast3A_115 : vector<32xbf16>
        %add3A_368 = arith.constant 4 : i32
        %add3A_369 = arith.addi %mul3A_68, %add3A_368 : i32
        %get3A_370 = arith.index_cast %add3A_369 : i32 to index
        %get3A_371 = arith.constant 64 : index
        %get3A_372 = tpu.vector_load %arg11[%get3A_370, %get3A_371] {strides = array<i32>} : memref<128x192xbf16, #tpu.memory_space<vmem>>, vector<32xbf16>,
        %mul3A_373 = arith.mulf %get3A_372, %bitcast3A_115 : vector<32xbf16>
        %add3A_374 = arith.constant 4 : i32
        %add3A_375 = arith.addi %mul3A_68, %add3A_374 : i32
        %get3A_376 = arith.index_cast %add3A_375 : i32 to index
        %get3A_377 = arith.constant 96 : index
        %get3A_378 = tpu.vector_load %arg11[%get3A_376, %get3A_377] {strides = array<i32>} : memref<128x192xbf16, #tpu.memory_space<vmem>>, vector<32xbf16>,
        %mul3A_379 = arith.mulf %get3A_378, %bitcast3A_115 : vector<32xbf16>
        %add3A_380 = arith.constant 4 : i32
        %add3A_381 = arith.addi %mul3A_68, %add3A_380 : i32
        %get3A_382 = arith.index_cast %add3A_381 : i32 to index
        %get3A_383 = arith.constant 128 : index
        %get3A_384 = tpu.vector_load %arg11[%get3A_382, %get3A_383] {strides = array<i32>} : memref<128x192xbf16, #tpu.memory_space<vmem>>, vector<32xbf16>,
        %mul3A_385 = arith.mulf %get3A_384, %bitcast3A_115 : vector<32xbf16>
        %add3A_386 = arith.constant 4 : i32
        %add3A_387 = arith.addi %mul3A_68, %add3A_386 : i32
        %get3A_388 = arith.index_cast %add3A_387 : i32 to index
        %get3A_389 = arith.constant 160 : index
        %get3A_390 = tpu.vector_load %arg11[%get3A_388, %get3A_389] {strides = array<i32>} : memref<128x192xbf16, #tpu.memory_space<vmem>>, vector<32xbf16>,
        %mul3A_391 = arith.mulf %get3A_390, %bitcast3A_115 : vector<32xbf16>
        %add3A_392 = arith.constant 5 : i32
        %add3A_393 = arith.addi %mul3A_68, %add3A_392 : i32
        %get3A_394 = arith.index_cast %add3A_393 : i32 to index
        %get3A_395 = arith.constant 0 : index
        %get3A_396 = tpu.vector_load %arg11[%get3A_394, %get3A_395] {strides = array<i32>} : memref<128x192xbf16, #tpu.memory_space<vmem>>, vector<32xbf16>,
        %mul3A_397 = arith.mulf %get3A_396, %bitcast3A_120 : vector<32xbf16>
        %add3A_398 = arith.constant 5 : i32
        %add3A_399 = arith.addi %mul3A_68, %add3A_398 : i32
        %get3A_400 = arith.index_cast %add3A_399 : i32 to index
        %get3A_401 = arith.constant 32 : index
        %get3A_402 = tpu.vector_load %arg11[%get3A_400, %get3A_401] {strides = array<i32>} : memref<128x192xbf16, #tpu.memory_space<vmem>>, vector<32xbf16>,
        %mul3A_403 = arith.mulf %get3A_402, %bitcast3A_120 : vector<32xbf16>
        %add3A_404 = arith.constant 5 : i32
        %add3A_405 = arith.addi %mul3A_68, %add3A_404 : i32
        %get3A_406 = arith.index_cast %add3A_405 : i32 to index
        %get3A_407 = arith.constant 64 : index
        %get3A_408 = tpu.vector_load %arg11[%get3A_406, %get3A_407] {strides = array<i32>} : memref<128x192xbf16, #tpu.memory_space<vmem>>, vector<32xbf16>,
        %mul3A_409 = arith.mulf %get3A_408, %bitcast3A_120 : vector<32xbf16>
        %add3A_410 = arith.constant 5 : i32
        %add3A_411 = arith.addi %mul3A_68, %add3A_410 : i32
        %get3A_412 = arith.index_cast %add3A_411 : i32 to index
        %get3A_413 = arith.constant 96 : index
        %get3A_414 = tpu.vector_load %arg11[%get3A_412, %get3A_413] {strides = array<i32>} : memref<128x192xbf16, #tpu.memory_space<vmem>>, vector<32xbf16>,
        %mul3A_415 = arith.mulf %get3A_414, %bitcast3A_120 : vector<32xbf16>
        %add3A_416 = arith.constant 5 : i32
        %add3A_417 = arith.addi %mul3A_68, %add3A_416 : i32
        %get3A_418 = arith.index_cast %add3A_417 : i32 to index
        %get3A_419 = arith.constant 128 : index
        %get3A_420 = tpu.vector_load %arg11[%get3A_418, %get3A_419] {strides = array<i32>} : memref<128x192xbf16, #tpu.memory_space<vmem>>, vector<32xbf16>,
        %mul3A_421 = arith.mulf %get3A_420, %bitcast3A_120 : vector<32xbf16>
        %add3A_422 = arith.constant 5 : i32
        %add3A_423 = arith.addi %mul3A_68, %add3A_422 : i32
        %get3A_424 = arith.index_cast %add3A_423 : i32 to index
        %get3A_425 = arith.constant 160 : index
        %get3A_426 = tpu.vector_load %arg11[%get3A_424, %get3A_425] {strides = array<i32>} : memref<128x192xbf16, #tpu.memory_space<vmem>>, vector<32xbf16>,
        %mul3A_427 = arith.mulf %get3A_426, %bitcast3A_120 : vector<32xbf16>
        %add3A_428 = arith.constant 6 : i32
        %add3A_429 = arith.addi %mul3A_68, %add3A_428 : i32
        %get3A_430 = arith.index_cast %add3A_429 : i32 to index
        %get3A_431 = arith.constant 0 : index
        %get3A_432 = tpu.vector_load %arg11[%get3A_430, %get3A_431] {strides = array<i32>} : memref<128x192xbf16, #tpu.memory_space<vmem>>, vector<32xbf16>,
        %mul3A_433 = arith.mulf %get3A_432, %bitcast3A_125 : vector<32xbf16>
        %add3A_434 = arith.constant 6 : i32
        %add3A_435 = arith.addi %mul3A_68, %add3A_434 : i32
        %get3A_436 = arith.index_cast %add3A_435 : i32 to index
        %get3A_437 = arith.constant 32 : index
        %get3A_438 = tpu.vector_load %arg11[%get3A_436, %get3A_437] {strides = array<i32>} : memref<128x192xbf16, #tpu.memory_space<vmem>>, vector<32xbf16>,
        %mul3A_439 = arith.mulf %get3A_438, %bitcast3A_125 : vector<32xbf16>
        %add3A_440 = arith.constant 6 : i32
        %add3A_441 = arith.addi %mul3A_68, %add3A_440 : i32
        %get3A_442 = arith.index_cast %add3A_441 : i32 to index
        %get3A_443 = arith.constant 64 : index
        %get3A_444 = tpu.vector_load %arg11[%get3A_442, %get3A_443] {strides = array<i32>} : memref<128x192xbf16, #tpu.memory_space<vmem>>, vector<32xbf16>,
        %mul3A_445 = arith.mulf %get3A_444, %bitcast3A_125 : vector<32xbf16>
        %add3A_446 = arith.constant 6 : i32
        %add3A_447 = arith.addi %mul3A_68, %add3A_446 : i32
        %get3A_448 = arith.index_cast %add3A_447 : i32 to index
        %get3A_449 = arith.constant 96 : index
        %get3A_450 = tpu.vector_load %arg11[%get3A_448, %get3A_449] {strides = array<i32>} : memref<128x192xbf16, #tpu.memory_space<vmem>>, vector<32xbf16>,
        %mul3A_451 = arith.mulf %get3A_450, %bitcast3A_125 : vector<32xbf16>
        %add3A_452 = arith.constant 6 : i32
        %add3A_453 = arith.addi %mul3A_68, %add3A_452 : i32
        %get3A_454 = arith.index_cast %add3A_453 : i32 to index
        %get3A_455 = arith.constant 128 : index
        %get3A_456 = tpu.vector_load %arg11[%get3A_454, %get3A_455] {strides = array<i32>} : memref<128x192xbf16, #tpu.memory_space<vmem>>, vector<32xbf16>,
        %mul3A_457 = arith.mulf %get3A_456, %bitcast3A_125 : vector<32xbf16>
        %add3A_458 = arith.constant 6 : i32
        %add3A_459 = arith.addi %mul3A_68, %add3A_458 : i32
        %get3A_460 = arith.index_cast %add3A_459 : i32 to index
        %get3A_461 = arith.constant 160 : index
        %get3A_462 = tpu.vector_load %arg11[%get3A_460, %get3A_461] {strides = array<i32>} : memref<128x192xbf16, #tpu.memory_space<vmem>>, vector<32xbf16>,
        %mul3A_463 = arith.mulf %get3A_462, %bitcast3A_125 : vector<32xbf16>
        %add3A_464 = arith.constant 7 : i32
        %add3A_465 = arith.addi %mul3A_68, %add3A_464 : i32
        %get3A_466 = arith.index_cast %add3A_465 : i32 to index
        %get3A_467 = arith.constant 0 : index
        %get3A_468 = tpu.vector_load %arg11[%get3A_466, %get3A_467] {strides = array<i32>} : memref<128x192xbf16, #tpu.memory_space<vmem>>, vector<32xbf16>,
        %mul3A_469 = arith.mulf %get3A_468, %bitcast3A_130 : vector<32xbf16>
        %add3A_470 = arith.constant 7 : i32
        %add3A_471 = arith.addi %mul3A_68, %add3A_470 : i32
        %get3A_472 = arith.index_cast %add3A_471 : i32 to index
        %get3A_473 = arith.constant 32 : index
        %get3A_474 = tpu.vector_load %arg11[%get3A_472, %get3A_473] {strides = array<i32>} : memref<128x192xbf16, #tpu.memory_space<vmem>>, vector<32xbf16>,
        %mul3A_475 = arith.mulf %get3A_474, %bitcast3A_130 : vector<32xbf16>
        %add3A_476 = arith.constant 7 : i32
        %add3A_477 = arith.addi %mul3A_68, %add3A_476 : i32
        %get3A_478 = arith.index_cast %add3A_477 : i32 to index
        %get3A_479 = arith.constant 64 : index
        %get3A_480 = tpu.vector_load %arg11[%get3A_478, %get3A_479] {strides = array<i32>} : memref<128x192xbf16, #tpu.memory_space<vmem>>, vector<32xbf16>,
        %mul3A_481 = arith.mulf %get3A_480, %bitcast3A_130 : vector<32xbf16>
        %add3A_482 = arith.constant 7 : i32
        %add3A_483 = arith.addi %mul3A_68, %add3A_482 : i32
        %get3A_484 = arith.index_cast %add3A_483 : i32 to index
        %get3A_485 = arith.constant 96 : index
        %get3A_486 = tpu.vector_load %arg11[%get3A_484, %get3A_485] {strides = array<i32>} : memref<128x192xbf16, #tpu.memory_space<vmem>>, vector<32xbf16>,
        %mul3A_487 = arith.mulf %get3A_486, %bitcast3A_130 : vector<32xbf16>
        %add3A_488 = arith.constant 7 : i32
        %add3A_489 = arith.addi %mul3A_68, %add3A_488 : i32
        %get3A_490 = arith.index_cast %add3A_489 : i32 to index
        %get3A_491 = arith.constant 128 : index
        %get3A_492 = tpu.vector_load %arg11[%get3A_490, %get3A_491] {strides = array<i32>} : memref<128x192xbf16, #tpu.memory_space<vmem>>, vector<32xbf16>,
        %mul3A_493 = arith.mulf %get3A_492, %bitcast3A_130 : vector<32xbf16>
        %add3A_494 = arith.constant 7 : i32
        %add3A_495 = arith.addi %mul3A_68, %add3A_494 : i32
        %get3A_496 = arith.index_cast %add3A_495 : i32 to index
        %get3A_497 = arith.constant 160 : index
        %get3A_498 = tpu.vector_load %arg11[%get3A_496, %get3A_497] {strides = array<i32>} : memref<128x192xbf16, #tpu.memory_space<vmem>>, vector<32xbf16>,
        %mul3A_499 = arith.mulf %get3A_498, %bitcast3A_130 : vector<32xbf16>
        %add3A_500 = arith.addf %mul3A_361, %mul3A_397 : vector<32xbf16>
        %add3A_501 = arith.addf %mul3A_433, %mul3A_469 : vector<32xbf16>
        %add3A_502 = arith.addf %add3A_500, %add3A_501 : vector<32xbf16>
        %unpack3A_503 = tpu.unpack_subelements %add3A_502, 0 {pack_format = #tpu.pack_format<interleaved>} : vector<32xbf16> -> vector<16xf32>
        %unpack3A_504 = tpu.unpack_subelements %add3A_502, 1 {pack_format = #tpu.pack_format<interleaved>} : vector<32xbf16> -> vector<16xf32>
        %add3A_505 = arith.addf %add3A_319, %unpack3A_503 : vector<16xf32>
        %add3A_506 = arith.addf %add3A_320, %unpack3A_504 : vector<16xf32>
        %add3A_507 = arith.addf %mul3A_367, %mul3A_403 : vector<32xbf16>
        %add3A_508 = arith.addf %mul3A_439, %mul3A_475 : vector<32xbf16>
        %add3A_509 = arith.addf %add3A_507, %add3A_508 : vector<32xbf16>
        %unpack3A_510 = tpu.unpack_subelements %add3A_509, 0 {pack_format = #tpu.pack_format<interleaved>} : vector<32xbf16> -> vector<16xf32>
        %unpack3A_511 = tpu.unpack_subelements %add3A_509, 1 {pack_format = #tpu.pack_format<interleaved>} : vector<32xbf16> -> vector<16xf32>
        %add3A_512 = arith.addf %add3A_326, %unpack3A_510 : vector<16xf32>
        %add3A_513 = arith.addf %add3A_327, %unpack3A_511 : vector<16xf32>
        %add3A_514 = arith.addf %mul3A_373, %mul3A_409 : vector<32xbf16>
        %add3A_515 = arith.addf %mul3A_445, %mul3A_481 : vector<32xbf16>
        %add3A_516 = arith.addf %add3A_514, %add3A_515 : vector<32xbf16>
        %unpack3A_517 = tpu.unpack_subelements %add3A_516, 0 {pack_format = #tpu.pack_format<interleaved>} : vector<32xbf16> -> vector<16xf32>
        %unpack3A_518 = tpu.unpack_subelements %add3A_516, 1 {pack_format = #tpu.pack_format<interleaved>} : vector<32xbf16> -> vector<16xf32>
        %add3A_519 = arith.addf %add3A_333, %unpack3A_517 : vector<16xf32>
        %add3A_520 = arith.addf %add3A_334, %unpack3A_518 : vector<16xf32>
        %add3A_521 = arith.addf %mul3A_379, %mul3A_415 : vector<32xbf16>
        %add3A_522 = arith.addf %mul3A_451, %mul3A_487 : vector<32xbf16>
        %add3A_523 = arith.addf %add3A_521, %add3A_522 : vector<32xbf16>
        %unpack3A_524 = tpu.unpack_subelements %add3A_523, 0 {pack_format = #tpu.pack_format<interleaved>} : vector<32xbf16> -> vector<16xf32>
        %unpack3A_525 = tpu.unpack_subelements %add3A_523, 1 {pack_format = #tpu.pack_format<interleaved>} : vector<32xbf16> -> vector<16xf32>
        %add3A_526 = arith.addf %add3A_340, %unpack3A_524 : vector<16xf32>
        %add3A_527 = arith.addf %add3A_341, %unpack3A_525 : vector<16xf32>
        %add3A_528 = arith.addf %mul3A_385, %mul3A_421 : vector<32xbf16>
        %add3A_529 = arith.addf %mul3A_457, %mul3A_493 : vector<32xbf16>
        %add3A_530 = arith.addf %add3A_528, %add3A_529 : vector<32xbf16>
        %unpack3A_531 = tpu.unpack_subelements %add3A_530, 0 {pack_format = #tpu.pack_format<interleaved>} : vector<32xbf16> -> vector<16xf32>
        %unpack3A_532 = tpu.unpack_subelements %add3A_530, 1 {pack_format = #tpu.pack_format<interleaved>} : vector<32xbf16> -> vector<16xf32>
        %add3A_533 = arith.addf %add3A_347, %unpack3A_531 : vector<16xf32>
        %add3A_534 = arith.addf %add3A_348, %unpack3A_532 : vector<16xf32>
        %add3A_535 = arith.addf %mul3A_391, %mul3A_427 : vector<32xbf16>
        %add3A_536 = arith.addf %mul3A_463, %mul3A_499 : vector<32xbf16>
        %add3A_537 = arith.addf %add3A_535, %add3A_536 : vector<32xbf16>
        %unpack3A_538 = tpu.unpack_subelements %add3A_537, 0 {pack_format = #tpu.pack_format<interleaved>} : vector<32xbf16> -> vector<16xf32>
        %unpack3A_539 = tpu.unpack_subelements %add3A_537, 1 {pack_format = #tpu.pack_format<interleaved>} : vector<32xbf16> -> vector<16xf32>
        %add3A_540 = arith.addf %add3A_354, %unpack3A_538 : vector<16xf32>
        %add3A_541 = arith.addf %add3A_355, %unpack3A_539 : vector<16xf32>
        %add3A_542 = arith.constant 8 : i32
        %add3A_543 = arith.addi %mul3A_68, %add3A_542 : i32
        %get3A_544 = arith.index_cast %add3A_543 : i32 to index
        %get3A_545 = arith.constant 0 : index
        %get3A_546 = tpu.vector_load %arg11[%get3A_544, %get3A_545] {strides = array<i32>} : memref<128x192xbf16, #tpu.memory_space<vmem>>, vector<32xbf16>,
        %mul3A_547 = arith.mulf %get3A_546, %bitcast3A_135 : vector<32xbf16>
        %add3A_548 = arith.constant 8 : i32
        %add3A_549 = arith.addi %mul3A_68, %add3A_548 : i32
        %get3A_550 = arith.index_cast %add3A_549 : i32 to index
        %get3A_551 = arith.constant 32 : index
        %get3A_552 = tpu.vector_load %arg11[%get3A_550, %get3A_551] {strides = array<i32>} : memref<128x192xbf16, #tpu.memory_space<vmem>>, vector<32xbf16>,
        %mul3A_553 = arith.mulf %get3A_552, %bitcast3A_135 : vector<32xbf16>
        %add3A_554 = arith.constant 8 : i32
        %add3A_555 = arith.addi %mul3A_68, %add3A_554 : i32
        %get3A_556 = arith.index_cast %add3A_555 : i32 to index
        %get3A_557 = arith.constant 64 : index
        %get3A_558 = tpu.vector_load %arg11[%get3A_556, %get3A_557] {strides = array<i32>} : memref<128x192xbf16, #tpu.memory_space<vmem>>, vector<32xbf16>,
        %mul3A_559 = arith.mulf %get3A_558, %bitcast3A_135 : vector<32xbf16>
        %add3A_560 = arith.constant 8 : i32
        %add3A_561 = arith.addi %mul3A_68, %add3A_560 : i32
        %get3A_562 = arith.index_cast %add3A_561 : i32 to index
        %get3A_563 = arith.constant 96 : index
        %get3A_564 = tpu.vector_load %arg11[%get3A_562, %get3A_563] {strides = array<i32>} : memref<128x192xbf16, #tpu.memory_space<vmem>>, vector<32xbf16>,
        %mul3A_565 = arith.mulf %get3A_564, %bitcast3A_135 : vector<32xbf16>
        %add3A_566 = arith.constant 8 : i32
        %add3A_567 = arith.addi %mul3A_68, %add3A_566 : i32
        %get3A_568 = arith.index_cast %add3A_567 : i32 to index
        %get3A_569 = arith.constant 128 : index
        %get3A_570 = tpu.vector_load %arg11[%get3A_568, %get3A_569] {strides = array<i32>} : memref<128x192xbf16, #tpu.memory_space<vmem>>, vector<32xbf16>,
        %mul3A_571 = arith.mulf %get3A_570, %bitcast3A_135 : vector<32xbf16>
        %add3A_572 = arith.constant 8 : i32
        %add3A_573 = arith.addi %mul3A_68, %add3A_572 : i32
        %get3A_574 = arith.index_cast %add3A_573 : i32 to index
        %get3A_575 = arith.constant 160 : index
        %get3A_576 = tpu.vector_load %arg11[%get3A_574, %get3A_575] {strides = array<i32>} : memref<128x192xbf16, #tpu.memory_space<vmem>>, vector<32xbf16>,
        %mul3A_577 = arith.mulf %get3A_576, %bitcast3A_135 : vector<32xbf16>
        %add3A_578 = arith.constant 9 : i32
        %add3A_579 = arith.addi %mul3A_68, %add3A_578 : i32
        %get3A_580 = arith.index_cast %add3A_579 : i32 to index
        %get3A_581 = arith.constant 0 : index
        %get3A_582 = tpu.vector_load %arg11[%get3A_580, %get3A_581] {strides = array<i32>} : memref<128x192xbf16, #tpu.memory_space<vmem>>, vector<32xbf16>,
        %mul3A_583 = arith.mulf %get3A_582, %bitcast3A_140 : vector<32xbf16>
        %add3A_584 = arith.constant 9 : i32
        %add3A_585 = arith.addi %mul3A_68, %add3A_584 : i32
        %get3A_586 = arith.index_cast %add3A_585 : i32 to index
        %get3A_587 = arith.constant 32 : index
        %get3A_588 = tpu.vector_load %arg11[%get3A_586, %get3A_587] {strides = array<i32>} : memref<128x192xbf16, #tpu.memory_space<vmem>>, vector<32xbf16>,
        %mul3A_589 = arith.mulf %get3A_588, %bitcast3A_140 : vector<32xbf16>
        %add3A_590 = arith.constant 9 : i32
        %add3A_591 = arith.addi %mul3A_68, %add3A_590 : i32
        %get3A_592 = arith.index_cast %add3A_591 : i32 to index
        %get3A_593 = arith.constant 64 : index
        %get3A_594 = tpu.vector_load %arg11[%get3A_592, %get3A_593] {strides = array<i32>} : memref<128x192xbf16, #tpu.memory_space<vmem>>, vector<32xbf16>,
        %mul3A_595 = arith.mulf %get3A_594, %bitcast3A_140 : vector<32xbf16>
        %add3A_596 = arith.constant 9 : i32
        %add3A_597 = arith.addi %mul3A_68, %add3A_596 : i32
        %get3A_598 = arith.index_cast %add3A_597 : i32 to index
        %get3A_599 = arith.constant 96 : index
        %get3A_600 = tpu.vector_load %arg11[%get3A_598, %get3A_599] {strides = array<i32>} : memref<128x192xbf16, #tpu.memory_space<vmem>>, vector<32xbf16>,
        %mul3A_601 = arith.mulf %get3A_600, %bitcast3A_140 : vector<32xbf16>
        %add3A_602 = arith.constant 9 : i32
        %add3A_603 = arith.addi %mul3A_68, %add3A_602 : i32
        %get3A_604 = arith.index_cast %add3A_603 : i32 to index
        %get3A_605 = arith.constant 128 : index
        %get3A_606 = tpu.vector_load %arg11[%get3A_604, %get3A_605] {strides = array<i32>} : memref<128x192xbf16, #tpu.memory_space<vmem>>, vector<32xbf16>,
        %mul3A_607 = arith.mulf %get3A_606, %bitcast3A_140 : vector<32xbf16>
        %add3A_608 = arith.constant 9 : i32
        %add3A_609 = arith.addi %mul3A_68, %add3A_608 : i32
        %get3A_610 = arith.index_cast %add3A_609 : i32 to index
        %get3A_611 = arith.constant 160 : index
        %get3A_612 = tpu.vector_load %arg11[%get3A_610, %get3A_611] {strides = array<i32>} : memref<128x192xbf16, #tpu.memory_space<vmem>>, vector<32xbf16>,
        %mul3A_613 = arith.mulf %get3A_612, %bitcast3A_140 : vector<32xbf16>
        %add3A_614 = arith.constant 10 : i32
        %add3A_615 = arith.addi %mul3A_68, %add3A_614 : i32
        %get3A_616 = arith.index_cast %add3A_615 : i32 to index
        %get3A_617 = arith.constant 0 : index
        %get3A_618 = tpu.vector_load %arg11[%get3A_616, %get3A_617] {strides = array<i32>} : memref<128x192xbf16, #tpu.memory_space<vmem>>, vector<32xbf16>,
        %mul3A_619 = arith.mulf %get3A_618, %bitcast3A_145 : vector<32xbf16>
        %add3A_620 = arith.constant 10 : i32
        %add3A_621 = arith.addi %mul3A_68, %add3A_620 : i32
        %get3A_622 = arith.index_cast %add3A_621 : i32 to index
        %get3A_623 = arith.constant 32 : index
        %get3A_624 = tpu.vector_load %arg11[%get3A_622, %get3A_623] {strides = array<i32>} : memref<128x192xbf16, #tpu.memory_space<vmem>>, vector<32xbf16>,
        %mul3A_625 = arith.mulf %get3A_624, %bitcast3A_145 : vector<32xbf16>
        %add3A_626 = arith.constant 10 : i32
        %add3A_627 = arith.addi %mul3A_68, %add3A_626 : i32
        %get3A_628 = arith.index_cast %add3A_627 : i32 to index
        %get3A_629 = arith.constant 64 : index
        %get3A_630 = tpu.vector_load %arg11[%get3A_628, %get3A_629] {strides = array<i32>} : memref<128x192xbf16, #tpu.memory_space<vmem>>, vector<32xbf16>,
        %mul3A_631 = arith.mulf %get3A_630, %bitcast3A_145 : vector<32xbf16>
        %add3A_632 = arith.constant 10 : i32
        %add3A_633 = arith.addi %mul3A_68, %add3A_632 : i32
        %get3A_634 = arith.index_cast %add3A_633 : i32 to index
        %get3A_635 = arith.constant 96 : index
        %get3A_636 = tpu.vector_load %arg11[%get3A_634, %get3A_635] {strides = array<i32>} : memref<128x192xbf16, #tpu.memory_space<vmem>>, vector<32xbf16>,
        %mul3A_637 = arith.mulf %get3A_636, %bitcast3A_145 : vector<32xbf16>
        %add3A_638 = arith.constant 10 : i32
        %add3A_639 = arith.addi %mul3A_68, %add3A_638 : i32
        %get3A_640 = arith.index_cast %add3A_639 : i32 to index
        %get3A_641 = arith.constant 128 : index
        %get3A_642 = tpu.vector_load %arg11[%get3A_640, %get3A_641] {strides = array<i32>} : memref<128x192xbf16, #tpu.memory_space<vmem>>, vector<32xbf16>,
        %mul3A_643 = arith.mulf %get3A_642, %bitcast3A_145 : vector<32xbf16>
        %add3A_644 = arith.constant 10 : i32
        %add3A_645 = arith.addi %mul3A_68, %add3A_644 : i32
        %get3A_646 = arith.index_cast %add3A_645 : i32 to index
        %get3A_647 = arith.constant 160 : index
        %get3A_648 = tpu.vector_load %arg11[%get3A_646, %get3A_647] {strides = array<i32>} : memref<128x192xbf16, #tpu.memory_space<vmem>>, vector<32xbf16>,
        %mul3A_649 = arith.mulf %get3A_648, %bitcast3A_145 : vector<32xbf16>
        %add3A_650 = arith.constant 11 : i32
        %add3A_651 = arith.addi %mul3A_68, %add3A_650 : i32
        %get3A_652 = arith.index_cast %add3A_651 : i32 to index
        %get3A_653 = arith.constant 0 : index
        %get3A_654 = tpu.vector_load %arg11[%get3A_652, %get3A_653] {strides = array<i32>} : memref<128x192xbf16, #tpu.memory_space<vmem>>, vector<32xbf16>,
        %mul3A_655 = arith.mulf %get3A_654, %bitcast3A_150 : vector<32xbf16>
        %add3A_656 = arith.constant 11 : i32
        %add3A_657 = arith.addi %mul3A_68, %add3A_656 : i32
        %get3A_658 = arith.index_cast %add3A_657 : i32 to index
        %get3A_659 = arith.constant 32 : index
        %get3A_660 = tpu.vector_load %arg11[%get3A_658, %get3A_659] {strides = array<i32>} : memref<128x192xbf16, #tpu.memory_space<vmem>>, vector<32xbf16>,
        %mul3A_661 = arith.mulf %get3A_660, %bitcast3A_150 : vector<32xbf16>
        %add3A_662 = arith.constant 11 : i32
        %add3A_663 = arith.addi %mul3A_68, %add3A_662 : i32
        %get3A_664 = arith.index_cast %add3A_663 : i32 to index
        %get3A_665 = arith.constant 64 : index
        %get3A_666 = tpu.vector_load %arg11[%get3A_664, %get3A_665] {strides = array<i32>} : memref<128x192xbf16, #tpu.memory_space<vmem>>, vector<32xbf16>,
        %mul3A_667 = arith.mulf %get3A_666, %bitcast3A_150 : vector<32xbf16>
        %add3A_668 = arith.constant 11 : i32
        %add3A_669 = arith.addi %mul3A_68, %add3A_668 : i32
        %get3A_670 = arith.index_cast %add3A_669 : i32 to index
        %get3A_671 = arith.constant 96 : index
        %get3A_672 = tpu.vector_load %arg11[%get3A_670, %get3A_671] {strides = array<i32>} : memref<128x192xbf16, #tpu.memory_space<vmem>>, vector<32xbf16>,
        %mul3A_673 = arith.mulf %get3A_672, %bitcast3A_150 : vector<32xbf16>
        %add3A_674 = arith.constant 11 : i32
        %add3A_675 = arith.addi %mul3A_68, %add3A_674 : i32
        %get3A_676 = arith.index_cast %add3A_675 : i32 to index
        %get3A_677 = arith.constant 128 : index
        %get3A_678 = tpu.vector_load %arg11[%get3A_676, %get3A_677] {strides = array<i32>} : memref<128x192xbf16, #tpu.memory_space<vmem>>, vector<32xbf16>,
        %mul3A_679 = arith.mulf %get3A_678, %bitcast3A_150 : vector<32xbf16>
        %add3A_680 = arith.constant 11 : i32
        %add3A_681 = arith.addi %mul3A_68, %add3A_680 : i32
        %get3A_682 = arith.index_cast %add3A_681 : i32 to index
        %get3A_683 = arith.constant 160 : index
        %get3A_684 = tpu.vector_load %arg11[%get3A_682, %get3A_683] {strides = array<i32>} : memref<128x192xbf16, #tpu.memory_space<vmem>>, vector<32xbf16>,
        %mul3A_685 = arith.mulf %get3A_684, %bitcast3A_150 : vector<32xbf16>
        %add3A_686 = arith.addf %mul3A_547, %mul3A_583 : vector<32xbf16>
        %add3A_687 = arith.addf %mul3A_619, %mul3A_655 : vector<32xbf16>
        %add3A_688 = arith.addf %add3A_686, %add3A_687 : vector<32xbf16>
        %unpack3A_689 = tpu.unpack_subelements %add3A_688, 0 {pack_format = #tpu.pack_format<interleaved>} : vector<32xbf16> -> vector<16xf32>
        %unpack3A_690 = tpu.unpack_subelements %add3A_688, 1 {pack_format = #tpu.pack_format<interleaved>} : vector<32xbf16> -> vector<16xf32>
        %add3A_691 = arith.addf %add3A_505, %unpack3A_689 : vector<16xf32>
        %add3A_692 = arith.addf %add3A_506, %unpack3A_690 : vector<16xf32>
        %add3A_693 = arith.addf %mul3A_553, %mul3A_589 : vector<32xbf16>
        %add3A_694 = arith.addf %mul3A_625, %mul3A_661 : vector<32xbf16>
        %add3A_695 = arith.addf %add3A_693, %add3A_694 : vector<32xbf16>
        %unpack3A_696 = tpu.unpack_subelements %add3A_695, 0 {pack_format = #tpu.pack_format<interleaved>} : vector<32xbf16> -> vector<16xf32>
        %unpack3A_697 = tpu.unpack_subelements %add3A_695, 1 {pack_format = #tpu.pack_format<interleaved>} : vector<32xbf16> -> vector<16xf32>
        %add3A_698 = arith.addf %add3A_512, %unpack3A_696 : vector<16xf32>
        %add3A_699 = arith.addf %add3A_513, %unpack3A_697 : vector<16xf32>
        %add3A_700 = arith.addf %mul3A_559, %mul3A_595 : vector<32xbf16>
        %add3A_701 = arith.addf %mul3A_631, %mul3A_667 : vector<32xbf16>
        %add3A_702 = arith.addf %add3A_700, %add3A_701 : vector<32xbf16>
        %unpack3A_703 = tpu.unpack_subelements %add3A_702, 0 {pack_format = #tpu.pack_format<interleaved>} : vector<32xbf16> -> vector<16xf32>
        %unpack3A_704 = tpu.unpack_subelements %add3A_702, 1 {pack_format = #tpu.pack_format<interleaved>} : vector<32xbf16> -> vector<16xf32>
        %add3A_705 = arith.addf %add3A_519, %unpack3A_703 : vector<16xf32>
        %add3A_706 = arith.addf %add3A_520, %unpack3A_704 : vector<16xf32>
        %add3A_707 = arith.addf %mul3A_565, %mul3A_601 : vector<32xbf16>
        %add3A_708 = arith.addf %mul3A_637, %mul3A_673 : vector<32xbf16>
        %add3A_709 = arith.addf %add3A_707, %add3A_708 : vector<32xbf16>
        %unpack3A_710 = tpu.unpack_subelements %add3A_709, 0 {pack_format = #tpu.pack_format<interleaved>} : vector<32xbf16> -> vector<16xf32>
        %unpack3A_711 = tpu.unpack_subelements %add3A_709, 1 {pack_format = #tpu.pack_format<interleaved>} : vector<32xbf16> -> vector<16xf32>
        %add3A_712 = arith.addf %add3A_526, %unpack3A_710 : vector<16xf32>
        %add3A_713 = arith.addf %add3A_527, %unpack3A_711 : vector<16xf32>
        %add3A_714 = arith.addf %mul3A_571, %mul3A_607 : vector<32xbf16>
        %add3A_715 = arith.addf %mul3A_643, %mul3A_679 : vector<32xbf16>
        %add3A_716 = arith.addf %add3A_714, %add3A_715 : vector<32xbf16>
        %unpack3A_717 = tpu.unpack_subelements %add3A_716, 0 {pack_format = #tpu.pack_format<interleaved>} : vector<32xbf16> -> vector<16xf32>
        %unpack3A_718 = tpu.unpack_subelements %add3A_716, 1 {pack_format = #tpu.pack_format<interleaved>} : vector<32xbf16> -> vector<16xf32>
        %add3A_719 = arith.addf %add3A_533, %unpack3A_717 : vector<16xf32>
        %add3A_720 = arith.addf %add3A_534, %unpack3A_718 : vector<16xf32>
        %add3A_721 = arith.addf %mul3A_577, %mul3A_613 : vector<32xbf16>
        %add3A_722 = arith.addf %mul3A_649, %mul3A_685 : vector<32xbf16>
        %add3A_723 = arith.addf %add3A_721, %add3A_722 : vector<32xbf16>
        %unpack3A_724 = tpu.unpack_subelements %add3A_723, 0 {pack_format = #tpu.pack_format<interleaved>} : vector<32xbf16> -> vector<16xf32>
        %unpack3A_725 = tpu.unpack_subelements %add3A_723, 1 {pack_format = #tpu.pack_format<interleaved>} : vector<32xbf16> -> vector<16xf32>
        %add3A_726 = arith.addf %add3A_540, %unpack3A_724 : vector<16xf32>
        %add3A_727 = arith.addf %add3A_541, %unpack3A_725 : vector<16xf32>
        %add3A_728 = arith.constant 12 : i32
        %add3A_729 = arith.addi %mul3A_68, %add3A_728 : i32
        %get3A_730 = arith.index_cast %add3A_729 : i32 to index
        %get3A_731 = arith.constant 0 : index
        %get3A_732 = tpu.vector_load %arg11[%get3A_730, %get3A_731] {strides = array<i32>} : memref<128x192xbf16, #tpu.memory_space<vmem>>, vector<32xbf16>,
        %mul3A_733 = arith.mulf %get3A_732, %bitcast3A_155 : vector<32xbf16>
        %add3A_734 = arith.constant 12 : i32
        %add3A_735 = arith.addi %mul3A_68, %add3A_734 : i32
        %get3A_736 = arith.index_cast %add3A_735 : i32 to index
        %get3A_737 = arith.constant 32 : index
        %get3A_738 = tpu.vector_load %arg11[%get3A_736, %get3A_737] {strides = array<i32>} : memref<128x192xbf16, #tpu.memory_space<vmem>>, vector<32xbf16>,
        %mul3A_739 = arith.mulf %get3A_738, %bitcast3A_155 : vector<32xbf16>
        %add3A_740 = arith.constant 12 : i32
        %add3A_741 = arith.addi %mul3A_68, %add3A_740 : i32
        %get3A_742 = arith.index_cast %add3A_741 : i32 to index
        %get3A_743 = arith.constant 64 : index
        %get3A_744 = tpu.vector_load %arg11[%get3A_742, %get3A_743] {strides = array<i32>} : memref<128x192xbf16, #tpu.memory_space<vmem>>, vector<32xbf16>,
        %mul3A_745 = arith.mulf %get3A_744, %bitcast3A_155 : vector<32xbf16>
        %add3A_746 = arith.constant 12 : i32
        %add3A_747 = arith.addi %mul3A_68, %add3A_746 : i32
        %get3A_748 = arith.index_cast %add3A_747 : i32 to index
        %get3A_749 = arith.constant 96 : index
        %get3A_750 = tpu.vector_load %arg11[%get3A_748, %get3A_749] {strides = array<i32>} : memref<128x192xbf16, #tpu.memory_space<vmem>>, vector<32xbf16>,
        %mul3A_751 = arith.mulf %get3A_750, %bitcast3A_155 : vector<32xbf16>
        %add3A_752 = arith.constant 12 : i32
        %add3A_753 = arith.addi %mul3A_68, %add3A_752 : i32
        %get3A_754 = arith.index_cast %add3A_753 : i32 to index
        %get3A_755 = arith.constant 128 : index
        %get3A_756 = tpu.vector_load %arg11[%get3A_754, %get3A_755] {strides = array<i32>} : memref<128x192xbf16, #tpu.memory_space<vmem>>, vector<32xbf16>,
        %mul3A_757 = arith.mulf %get3A_756, %bitcast3A_155 : vector<32xbf16>
        %add3A_758 = arith.constant 12 : i32
        %add3A_759 = arith.addi %mul3A_68, %add3A_758 : i32
        %get3A_760 = arith.index_cast %add3A_759 : i32 to index
        %get3A_761 = arith.constant 160 : index
        %get3A_762 = tpu.vector_load %arg11[%get3A_760, %get3A_761] {strides = array<i32>} : memref<128x192xbf16, #tpu.memory_space<vmem>>, vector<32xbf16>,
        %mul3A_763 = arith.mulf %get3A_762, %bitcast3A_155 : vector<32xbf16>
        %add3A_764 = arith.constant 13 : i32
        %add3A_765 = arith.addi %mul3A_68, %add3A_764 : i32
        %get3A_766 = arith.index_cast %add3A_765 : i32 to index
        %get3A_767 = arith.constant 0 : index
        %get3A_768 = tpu.vector_load %arg11[%get3A_766, %get3A_767] {strides = array<i32>} : memref<128x192xbf16, #tpu.memory_space<vmem>>, vector<32xbf16>,
        %mul3A_769 = arith.mulf %get3A_768, %bitcast3A_160 : vector<32xbf16>
        %add3A_770 = arith.constant 13 : i32
        %add3A_771 = arith.addi %mul3A_68, %add3A_770 : i32
        %get3A_772 = arith.index_cast %add3A_771 : i32 to index
        %get3A_773 = arith.constant 32 : index
        %get3A_774 = tpu.vector_load %arg11[%get3A_772, %get3A_773] {strides = array<i32>} : memref<128x192xbf16, #tpu.memory_space<vmem>>, vector<32xbf16>,
        %mul3A_775 = arith.mulf %get3A_774, %bitcast3A_160 : vector<32xbf16>
        %add3A_776 = arith.constant 13 : i32
        %add3A_777 = arith.addi %mul3A_68, %add3A_776 : i32
        %get3A_778 = arith.index_cast %add3A_777 : i32 to index
        %get3A_779 = arith.constant 64 : index
        %get3A_780 = tpu.vector_load %arg11[%get3A_778, %get3A_779] {strides = array<i32>} : memref<128x192xbf16, #tpu.memory_space<vmem>>, vector<32xbf16>,
        %mul3A_781 = arith.mulf %get3A_780, %bitcast3A_160 : vector<32xbf16>
        %add3A_782 = arith.constant 13 : i32
        %add3A_783 = arith.addi %mul3A_68, %add3A_782 : i32
        %get3A_784 = arith.index_cast %add3A_783 : i32 to index
        %get3A_785 = arith.constant 96 : index
        %get3A_786 = tpu.vector_load %arg11[%get3A_784, %get3A_785] {strides = array<i32>} : memref<128x192xbf16, #tpu.memory_space<vmem>>, vector<32xbf16>,
        %mul3A_787 = arith.mulf %get3A_786, %bitcast3A_160 : vector<32xbf16>
        %add3A_788 = arith.constant 13 : i32
        %add3A_789 = arith.addi %mul3A_68, %add3A_788 : i32
        %get3A_790 = arith.index_cast %add3A_789 : i32 to index
        %get3A_791 = arith.constant 128 : index
        %get3A_792 = tpu.vector_load %arg11[%get3A_790, %get3A_791] {strides = array<i32>} : memref<128x192xbf16, #tpu.memory_space<vmem>>, vector<32xbf16>,
        %mul3A_793 = arith.mulf %get3A_792, %bitcast3A_160 : vector<32xbf16>
        %add3A_794 = arith.constant 13 : i32
        %add3A_795 = arith.addi %mul3A_68, %add3A_794 : i32
        %get3A_796 = arith.index_cast %add3A_795 : i32 to index
        %get3A_797 = arith.constant 160 : index
        %get3A_798 = tpu.vector_load %arg11[%get3A_796, %get3A_797] {strides = array<i32>} : memref<128x192xbf16, #tpu.memory_space<vmem>>, vector<32xbf16>,
        %mul3A_799 = arith.mulf %get3A_798, %bitcast3A_160 : vector<32xbf16>
        %add3A_800 = arith.constant 14 : i32
        %add3A_801 = arith.addi %mul3A_68, %add3A_800 : i32
        %get3A_802 = arith.index_cast %add3A_801 : i32 to index
        %get3A_803 = arith.constant 0 : index
        %get3A_804 = tpu.vector_load %arg11[%get3A_802, %get3A_803] {strides = array<i32>} : memref<128x192xbf16, #tpu.memory_space<vmem>>, vector<32xbf16>,
        %mul3A_805 = arith.mulf %get3A_804, %bitcast3A_165 : vector<32xbf16>
        %add3A_806 = arith.constant 14 : i32
        %add3A_807 = arith.addi %mul3A_68, %add3A_806 : i32
        %get3A_808 = arith.index_cast %add3A_807 : i32 to index
        %get3A_809 = arith.constant 32 : index
        %get3A_810 = tpu.vector_load %arg11[%get3A_808, %get3A_809] {strides = array<i32>} : memref<128x192xbf16, #tpu.memory_space<vmem>>, vector<32xbf16>,
        %mul3A_811 = arith.mulf %get3A_810, %bitcast3A_165 : vector<32xbf16>
        %add3A_812 = arith.constant 14 : i32
        %add3A_813 = arith.addi %mul3A_68, %add3A_812 : i32
        %get3A_814 = arith.index_cast %add3A_813 : i32 to index
        %get3A_815 = arith.constant 64 : index
        %get3A_816 = tpu.vector_load %arg11[%get3A_814, %get3A_815] {strides = array<i32>} : memref<128x192xbf16, #tpu.memory_space<vmem>>, vector<32xbf16>,
        %mul3A_817 = arith.mulf %get3A_816, %bitcast3A_165 : vector<32xbf16>
        %add3A_818 = arith.constant 14 : i32
        %add3A_819 = arith.addi %mul3A_68, %add3A_818 : i32
        %get3A_820 = arith.index_cast %add3A_819 : i32 to index
        %get3A_821 = arith.constant 96 : index
        %get3A_822 = tpu.vector_load %arg11[%get3A_820, %get3A_821] {strides = array<i32>} : memref<128x192xbf16, #tpu.memory_space<vmem>>, vector<32xbf16>,
        %mul3A_823 = arith.mulf %get3A_822, %bitcast3A_165 : vector<32xbf16>
        %add3A_824 = arith.constant 14 : i32
        %add3A_825 = arith.addi %mul3A_68, %add3A_824 : i32
        %get3A_826 = arith.index_cast %add3A_825 : i32 to index
        %get3A_827 = arith.constant 128 : index
        %get3A_828 = tpu.vector_load %arg11[%get3A_826, %get3A_827] {strides = array<i32>} : memref<128x192xbf16, #tpu.memory_space<vmem>>, vector<32xbf16>,
        %mul3A_829 = arith.mulf %get3A_828, %bitcast3A_165 : vector<32xbf16>
        %add3A_830 = arith.constant 14 : i32
        %add3A_831 = arith.addi %mul3A_68, %add3A_830 : i32
        %get3A_832 = arith.index_cast %add3A_831 : i32 to index
        %get3A_833 = arith.constant 160 : index
        %get3A_834 = tpu.vector_load %arg11[%get3A_832, %get3A_833] {strides = array<i32>} : memref<128x192xbf16, #tpu.memory_space<vmem>>, vector<32xbf16>,
        %mul3A_835 = arith.mulf %get3A_834, %bitcast3A_165 : vector<32xbf16>
        %add3A_836 = arith.constant 15 : i32
        %add3A_837 = arith.addi %mul3A_68, %add3A_836 : i32
        %get3A_838 = arith.index_cast %add3A_837 : i32 to index
        %get3A_839 = arith.constant 0 : index
        %get3A_840 = tpu.vector_load %arg11[%get3A_838, %get3A_839] {strides = array<i32>} : memref<128x192xbf16, #tpu.memory_space<vmem>>, vector<32xbf16>,
        %mul3A_841 = arith.mulf %get3A_840, %bitcast3A_170 : vector<32xbf16>
        %add3A_842 = arith.constant 15 : i32
        %add3A_843 = arith.addi %mul3A_68, %add3A_842 : i32
        %get3A_844 = arith.index_cast %add3A_843 : i32 to index
        %get3A_845 = arith.constant 32 : index
        %get3A_846 = tpu.vector_load %arg11[%get3A_844, %get3A_845] {strides = array<i32>} : memref<128x192xbf16, #tpu.memory_space<vmem>>, vector<32xbf16>,
        %mul3A_847 = arith.mulf %get3A_846, %bitcast3A_170 : vector<32xbf16>
        %add3A_848 = arith.constant 15 : i32
        %add3A_849 = arith.addi %mul3A_68, %add3A_848 : i32
        %get3A_850 = arith.index_cast %add3A_849 : i32 to index
        %get3A_851 = arith.constant 64 : index
        %get3A_852 = tpu.vector_load %arg11[%get3A_850, %get3A_851] {strides = array<i32>} : memref<128x192xbf16, #tpu.memory_space<vmem>>, vector<32xbf16>,
        %mul3A_853 = arith.mulf %get3A_852, %bitcast3A_170 : vector<32xbf16>
        %add3A_854 = arith.constant 15 : i32
        %add3A_855 = arith.addi %mul3A_68, %add3A_854 : i32
        %get3A_856 = arith.index_cast %add3A_855 : i32 to index
        %get3A_857 = arith.constant 96 : index
        %get3A_858 = tpu.vector_load %arg11[%get3A_856, %get3A_857] {strides = array<i32>} : memref<128x192xbf16, #tpu.memory_space<vmem>>, vector<32xbf16>,
        %mul3A_859 = arith.mulf %get3A_858, %bitcast3A_170 : vector<32xbf16>
        %add3A_860 = arith.constant 15 : i32
        %add3A_861 = arith.addi %mul3A_68, %add3A_860 : i32
        %get3A_862 = arith.index_cast %add3A_861 : i32 to index
        %get3A_863 = arith.constant 128 : index
        %get3A_864 = tpu.vector_load %arg11[%get3A_862, %get3A_863] {strides = array<i32>} : memref<128x192xbf16, #tpu.memory_space<vmem>>, vector<32xbf16>,
        %mul3A_865 = arith.mulf %get3A_864, %bitcast3A_170 : vector<32xbf16>
        %add3A_866 = arith.constant 15 : i32
        %add3A_867 = arith.addi %mul3A_68, %add3A_866 : i32
        %get3A_868 = arith.index_cast %add3A_867 : i32 to index
        %get3A_869 = arith.constant 160 : index
        %get3A_870 = tpu.vector_load %arg11[%get3A_868, %get3A_869] {strides = array<i32>} : memref<128x192xbf16, #tpu.memory_space<vmem>>, vector<32xbf16>,
        %mul3A_871 = arith.mulf %get3A_870, %bitcast3A_170 : vector<32xbf16>
        %add3A_872 = arith.addf %mul3A_733, %mul3A_769 : vector<32xbf16>
        %add3A_873 = arith.addf %mul3A_805, %mul3A_841 : vector<32xbf16>
        %add3A_874 = arith.addf %add3A_872, %add3A_873 : vector<32xbf16>
        %unpack3A_875 = tpu.unpack_subelements %add3A_874, 0 {pack_format = #tpu.pack_format<interleaved>} : vector<32xbf16> -> vector<16xf32>
        %unpack3A_876 = tpu.unpack_subelements %add3A_874, 1 {pack_format = #tpu.pack_format<interleaved>} : vector<32xbf16> -> vector<16xf32>
        %add3A_877 = arith.addf %add3A_691, %unpack3A_875 : vector<16xf32>
        %add3A_878 = arith.addf %add3A_692, %unpack3A_876 : vector<16xf32>
        %add3A_879 = arith.addf %mul3A_739, %mul3A_775 : vector<32xbf16>
        %add3A_880 = arith.addf %mul3A_811, %mul3A_847 : vector<32xbf16>
        %add3A_881 = arith.addf %add3A_879, %add3A_880 : vector<32xbf16>
        %unpack3A_882 = tpu.unpack_subelements %add3A_881, 0 {pack_format = #tpu.pack_format<interleaved>} : vector<32xbf16> -> vector<16xf32>
        %unpack3A_883 = tpu.unpack_subelements %add3A_881, 1 {pack_format = #tpu.pack_format<interleaved>} : vector<32xbf16> -> vector<16xf32>
        %add3A_884 = arith.addf %add3A_698, %unpack3A_882 : vector<16xf32>
        %add3A_885 = arith.addf %add3A_699, %unpack3A_883 : vector<16xf32>
        %add3A_886 = arith.addf %mul3A_745, %mul3A_781 : vector<32xbf16>
        %add3A_887 = arith.addf %mul3A_817, %mul3A_853 : vector<32xbf16>
        %add3A_888 = arith.addf %add3A_886, %add3A_887 : vector<32xbf16>
        %unpack3A_889 = tpu.unpack_subelements %add3A_888, 0 {pack_format = #tpu.pack_format<interleaved>} : vector<32xbf16> -> vector<16xf32>
        %unpack3A_890 = tpu.unpack_subelements %add3A_888, 1 {pack_format = #tpu.pack_format<interleaved>} : vector<32xbf16> -> vector<16xf32>
        %add3A_891 = arith.addf %add3A_705, %unpack3A_889 : vector<16xf32>
        %add3A_892 = arith.addf %add3A_706, %unpack3A_890 : vector<16xf32>
        %add3A_893 = arith.addf %mul3A_751, %mul3A_787 : vector<32xbf16>
        %add3A_894 = arith.addf %mul3A_823, %mul3A_859 : vector<32xbf16>
        %add3A_895 = arith.addf %add3A_893, %add3A_894 : vector<32xbf16>
        %unpack3A_896 = tpu.unpack_subelements %add3A_895, 0 {pack_format = #tpu.pack_format<interleaved>} : vector<32xbf16> -> vector<16xf32>
        %unpack3A_897 = tpu.unpack_subelements %add3A_895, 1 {pack_format = #tpu.pack_format<interleaved>} : vector<32xbf16> -> vector<16xf32>
        %add3A_898 = arith.addf %add3A_712, %unpack3A_896 : vector<16xf32>
        %add3A_899 = arith.addf %add3A_713, %unpack3A_897 : vector<16xf32>
        %add3A_900 = arith.addf %mul3A_757, %mul3A_793 : vector<32xbf16>
        %add3A_901 = arith.addf %mul3A_829, %mul3A_865 : vector<32xbf16>
        %add3A_902 = arith.addf %add3A_900, %add3A_901 : vector<32xbf16>
        %unpack3A_903 = tpu.unpack_subelements %add3A_902, 0 {pack_format = #tpu.pack_format<interleaved>} : vector<32xbf16> -> vector<16xf32>
        %unpack3A_904 = tpu.unpack_subelements %add3A_902, 1 {pack_format = #tpu.pack_format<interleaved>} : vector<32xbf16> -> vector<16xf32>
        %add3A_905 = arith.addf %add3A_719, %unpack3A_903 : vector<16xf32>
        %add3A_906 = arith.addf %add3A_720, %unpack3A_904 : vector<16xf32>
        %add3A_907 = arith.addf %mul3A_763, %mul3A_799 : vector<32xbf16>
        %add3A_908 = arith.addf %mul3A_835, %mul3A_871 : vector<32xbf16>
        %add3A_909 = arith.addf %add3A_907, %add3A_908 : vector<32xbf16>
        %unpack3A_910 = tpu.unpack_subelements %add3A_909, 0 {pack_format = #tpu.pack_format<interleaved>} : vector<32xbf16> -> vector<16xf32>
        %unpack3A_911 = tpu.unpack_subelements %add3A_909, 1 {pack_format = #tpu.pack_format<interleaved>} : vector<32xbf16> -> vector<16xf32>
        %add3A_912 = arith.addf %add3A_726, %unpack3A_910 : vector<16xf32>
        %add3A_913 = arith.addf %add3A_727, %unpack3A_911 : vector<16xf32>
        %broadcast_in_dim3A_914 = vector.broadcast %add3A_66 : i32 to vector<16xi32>
        %add3A_915 = arith.constant 0 : i32
        %add3A_916 = vector.broadcast %add3A_915 : i32 to vector<16xi32>
        %add3A_917 = arith.addi %add3A_916, %mul3A_53 : vector<16xi32>
        tpu.vector_store_idx %arg12[%broadcast_in_dim3A_914, %add3A_917], %add3A_877 : memref<8x192xf32, #tpu.memory_space<vmem>>[vector<16xi32>, vector<16xi32>], vector<16xf32>,
        %add3A_918 = arith.constant 0 : i32
        %add3A_919 = vector.broadcast %add3A_918 : i32 to vector<16xi32>
        %add3A_920 = arith.addi %add3A_919, %mul3A_53 : vector<16xi32>
        %add3A_921 = arith.constant 1 : i32
        %add3A_922 = vector.broadcast %add3A_921 : i32 to vector<16xi32>
        %add3A_923 = arith.addi %add3A_920, %add3A_922 : vector<16xi32>
        tpu.vector_store_idx %arg12[%broadcast_in_dim3A_914, %add3A_923], %add3A_878 : memref<8x192xf32, #tpu.memory_space<vmem>>[vector<16xi32>, vector<16xi32>], vector<16xf32>,
        %add3A_924 = arith.constant 32 : i32
        %add3A_925 = vector.broadcast %add3A_924 : i32 to vector<16xi32>
        %add3A_926 = arith.addi %add3A_925, %mul3A_53 : vector<16xi32>
        tpu.vector_store_idx %arg12[%broadcast_in_dim3A_914, %add3A_926], %add3A_884 : memref<8x192xf32, #tpu.memory_space<vmem>>[vector<16xi32>, vector<16xi32>], vector<16xf32>,
        %add3A_927 = arith.constant 32 : i32
        %add3A_928 = vector.broadcast %add3A_927 : i32 to vector<16xi32>
        %add3A_929 = arith.addi %add3A_928, %mul3A_53 : vector<16xi32>
        %add3A_930 = arith.constant 1 : i32
        %add3A_931 = vector.broadcast %add3A_930 : i32 to vector<16xi32>
        %add3A_932 = arith.addi %add3A_929, %add3A_931 : vector<16xi32>
        tpu.vector_store_idx %arg12[%broadcast_in_dim3A_914, %add3A_932], %add3A_885 : memref<8x192xf32, #tpu.memory_space<vmem>>[vector<16xi32>, vector<16xi32>], vector<16xf32>,
        %add3A_933 = arith.constant 64 : i32
        %add3A_934 = vector.broadcast %add3A_933 : i32 to vector<16xi32>
        %add3A_935 = arith.addi %add3A_934, %mul3A_53 : vector<16xi32>
        tpu.vector_store_idx %arg12[%broadcast_in_dim3A_914, %add3A_935], %add3A_891 : memref<8x192xf32, #tpu.memory_space<vmem>>[vector<16xi32>, vector<16xi32>], vector<16xf32>,
        %add3A_936 = arith.constant 64 : i32
        %add3A_937 = vector.broadcast %add3A_936 : i32 to vector<16xi32>
        %add3A_938 = arith.addi %add3A_937, %mul3A_53 : vector<16xi32>
        %add3A_939 = arith.constant 1 : i32
        %add3A_940 = vector.broadcast %add3A_939 : i32 to vector<16xi32>
        %add3A_941 = arith.addi %add3A_938, %add3A_940 : vector<16xi32>
        tpu.vector_store_idx %arg12[%broadcast_in_dim3A_914, %add3A_941], %add3A_892 : memref<8x192xf32, #tpu.memory_space<vmem>>[vector<16xi32>, vector<16xi32>], vector<16xf32>,
        %add3A_942 = arith.constant 96 : i32
        %add3A_943 = vector.broadcast %add3A_942 : i32 to vector<16xi32>
        %add3A_944 = arith.addi %add3A_943, %mul3A_53 : vector<16xi32>
        tpu.vector_store_idx %arg12[%broadcast_in_dim3A_914, %add3A_944], %add3A_898 : memref<8x192xf32, #tpu.memory_space<vmem>>[vector<16xi32>, vector<16xi32>], vector<16xf32>,
        %add3A_945 = arith.constant 96 : i32
        %add3A_946 = vector.broadcast %add3A_945 : i32 to vector<16xi32>
        %add3A_947 = arith.addi %add3A_946, %mul3A_53 : vector<16xi32>
        %add3A_948 = arith.constant 1 : i32
        %add3A_949 = vector.broadcast %add3A_948 : i32 to vector<16xi32>
        %add3A_950 = arith.addi %add3A_947, %add3A_949 : vector<16xi32>
        tpu.vector_store_idx %arg12[%broadcast_in_dim3A_914, %add3A_950], %add3A_899 : memref<8x192xf32, #tpu.memory_space<vmem>>[vector<16xi32>, vector<16xi32>], vector<16xf32>,
        %add3A_951 = arith.constant 128 : i32
        %add3A_952 = vector.broadcast %add3A_951 : i32 to vector<16xi32>
        %add3A_953 = arith.addi %add3A_952, %mul3A_53 : vector<16xi32>
        tpu.vector_store_idx %arg12[%broadcast_in_dim3A_914, %add3A_953], %add3A_905 : memref<8x192xf32, #tpu.memory_space<vmem>>[vector<16xi32>, vector<16xi32>], vector<16xf32>,
        %add3A_954 = arith.constant 128 : i32
        %add3A_955 = vector.broadcast %add3A_954 : i32 to vector<16xi32>
        %add3A_956 = arith.addi %add3A_955, %mul3A_53 : vector<16xi32>
        %add3A_957 = arith.constant 1 : i32
        %add3A_958 = vector.broadcast %add3A_957 : i32 to vector<16xi32>
        %add3A_959 = arith.addi %add3A_956, %add3A_958 : vector<16xi32>
        tpu.vector_store_idx %arg12[%broadcast_in_dim3A_914, %add3A_959], %add3A_906 : memref<8x192xf32, #tpu.memory_space<vmem>>[vector<16xi32>, vector<16xi32>], vector<16xf32>,
        %add3A_960 = arith.constant 160 : i32
        %add3A_961 = vector.broadcast %add3A_960 : i32 to vector<16xi32>
        %add3A_962 = arith.addi %add3A_961, %mul3A_53 : vector<16xi32>
        tpu.vector_store_idx %arg12[%broadcast_in_dim3A_914, %add3A_962], %add3A_912 : memref<8x192xf32, #tpu.memory_space<vmem>>[vector<16xi32>, vector<16xi32>], vector<16xf32>,
        %add3A_963 = arith.constant 160 : i32
        %add3A_964 = vector.broadcast %add3A_963 : i32 to vector<16xi32>
        %add3A_965 = arith.addi %add3A_964, %mul3A_53 : vector<16xi32>
        %add3A_966 = arith.constant 1 : i32
        %add3A_967 = vector.broadcast %add3A_966 : i32 to vector<16xi32>
        %add3A_968 = arith.addi %add3A_965, %add3A_967 : vector<16xi32>
        tpu.vector_store_idx %arg12[%broadcast_in_dim3A_914, %add3A_968], %add3A_913 : memref<8x192xf32, #tpu.memory_space<vmem>>[vector<16xi32>, vector<16xi32>], vector<16xf32>,
        %scan3A_969 = arith.constant 1 : i32
        %scan3A_970 = arith.addi %scan3A_62, %scan3A_969 : i32
        %mul3A_971 = arith.constant 1 : i32
        %mul3A_972 = arith.muli %scan3A_970, %mul3A_971 : i32
        %add3A_973 = arith.constant 0 : i32
        %add3A_974 = arith.addi %add3A_973, %mul3A_972 : i32
        %mul3A_975 = arith.constant 16 : i32
        %mul3A_976 = arith.muli %add3A_974, %mul3A_975 : i32
        %get3A_977 = arith.index_cast %mul3A_976 : i32 to index
        %get3A_978 = tpu.vector_load %arg9[%get3A_977] {strides = array<i32>} : memref<128xi32, #tpu.memory_space<vmem>>, vector<16xi32>,
        %broadcast_in_dim3A_979 = arith.constant 0.000000e+00 : f32
        %broadcast_in_dim3A_980 = vector.broadcast %broadcast_in_dim3A_979 : f32 to vector<16xf32>
        %broadcast_in_dim3A_981 = arith.constant 0.000000e+00 : f32
        %broadcast_in_dim3A_982 = vector.broadcast %broadcast_in_dim3A_981 : f32 to vector<16xf32>
        %broadcast_in_dim3A_983 = arith.constant 0.000000e+00 : f32
        %broadcast_in_dim3A_984 = vector.broadcast %broadcast_in_dim3A_983 : f32 to vector<16xf32>
        %broadcast_in_dim3A_985 = arith.constant 0.000000e+00 : f32
        %broadcast_in_dim3A_986 = vector.broadcast %broadcast_in_dim3A_985 : f32 to vector<16xf32>
        %broadcast_in_dim3A_987 = arith.constant 0.000000e+00 : f32
        %broadcast_in_dim3A_988 = vector.broadcast %broadcast_in_dim3A_987 : f32 to vector<16xf32>
        %broadcast_in_dim3A_989 = arith.constant 0.000000e+00 : f32
        %broadcast_in_dim3A_990 = vector.broadcast %broadcast_in_dim3A_989 : f32 to vector<16xf32>
        %broadcast_in_dim3A_991 = arith.constant 0.000000e+00 : f32
        %broadcast_in_dim3A_992 = vector.broadcast %broadcast_in_dim3A_991 : f32 to vector<16xf32>
        %broadcast_in_dim3A_993 = arith.constant 0.000000e+00 : f32
        %broadcast_in_dim3A_994 = vector.broadcast %broadcast_in_dim3A_993 : f32 to vector<16xf32>
        %broadcast_in_dim3A_995 = arith.constant 0.000000e+00 : f32
        %broadcast_in_dim3A_996 = vector.broadcast %broadcast_in_dim3A_995 : f32 to vector<16xf32>
        %broadcast_in_dim3A_997 = arith.constant 0.000000e+00 : f32
        %broadcast_in_dim3A_998 = vector.broadcast %broadcast_in_dim3A_997 : f32 to vector<16xf32>
        %broadcast_in_dim3A_999 = arith.constant 0.000000e+00 : f32
        %broadcast_in_dim3A_1000 = vector.broadcast %broadcast_in_dim3A_999 : f32 to vector<16xf32>
        %broadcast_in_dim3A_1001 = arith.constant 0.000000e+00 : f32
        %broadcast_in_dim3A_1002 = vector.broadcast %broadcast_in_dim3A_1001 : f32 to vector<16xf32>
        %broadcast_in_dim3A_1003 = arith.constant 0 : i32
        %broadcast_in_dim3A_1004 = vector.broadcast %broadcast_in_dim3A_1003 : i32 to vector<16x1xi32>
        %gather3A_1005 = vector.shape_cast %broadcast_in_dim3A_1004 : vector<16x1xi32> to vector<16xi32>
        %gather3A_1006 = tpu.dynamic_gather %get3A_978[%gather3A_1005] in [0] : vector<16xi32>, vector<16xi32> -> vector<16xi32>
        %bitcast3A_1007 = vector.bitcast %gather3A_1006 : vector<16xi32> to vector<32xbf16>
        %broadcast_in_dim3A_1008 = arith.constant 1 : i32
        %broadcast_in_dim3A_1009 = vector.broadcast %broadcast_in_dim3A_1008 : i32 to vector<16x1xi32>
        %gather3A_1010 = vector.shape_cast %broadcast_in_dim3A_1009 : vector<16x1xi32> to vector<16xi32>
        %gather3A_1011 = tpu.dynamic_gather %get3A_978[%gather3A_1010] in [0] : vector<16xi32>, vector<16xi32> -> vector<16xi32>
        %bitcast3A_1012 = vector.bitcast %gather3A_1011 : vector<16xi32> to vector<32xbf16>
        %broadcast_in_dim3A_1013 = arith.constant 2 : i32
        %broadcast_in_dim3A_1014 = vector.broadcast %broadcast_in_dim3A_1013 : i32 to vector<16x1xi32>
        %gather3A_1015 = vector.shape_cast %broadcast_in_dim3A_1014 : vector<16x1xi32> to vector<16xi32>
        %gather3A_1016 = tpu.dynamic_gather %get3A_978[%gather3A_1015] in [0] : vector<16xi32>, vector<16xi32> -> vector<16xi32>
        %bitcast3A_1017 = vector.bitcast %gather3A_1016 : vector<16xi32> to vector<32xbf16>
        %broadcast_in_dim3A_1018 = arith.constant 3 : i32
        %broadcast_in_dim3A_1019 = vector.broadcast %broadcast_in_dim3A_1018 : i32 to vector<16x1xi32>
        %gather3A_1020 = vector.shape_cast %broadcast_in_dim3A_1019 : vector<16x1xi32> to vector<16xi32>
        %gather3A_1021 = tpu.dynamic_gather %get3A_978[%gather3A_1020] in [0] : vector<16xi32>, vector<16xi32> -> vector<16xi32>
        %bitcast3A_1022 = vector.bitcast %gather3A_1021 : vector<16xi32> to vector<32xbf16>
        %broadcast_in_dim3A_1023 = arith.constant 4 : i32
        %broadcast_in_dim3A_1024 = vector.broadcast %broadcast_in_dim3A_1023 : i32 to vector<16x1xi32>
        %gather3A_1025 = vector.shape_cast %broadcast_in_dim3A_1024 : vector<16x1xi32> to vector<16xi32>
        %gather3A_1026 = tpu.dynamic_gather %get3A_978[%gather3A_1025] in [0] : vector<16xi32>, vector<16xi32> -> vector<16xi32>
        %bitcast3A_1027 = vector.bitcast %gather3A_1026 : vector<16xi32> to vector<32xbf16>
        %broadcast_in_dim3A_1028 = arith.constant 5 : i32
        %broadcast_in_dim3A_1029 = vector.broadcast %broadcast_in_dim3A_1028 : i32 to vector<16x1xi32>
        %gather3A_1030 = vector.shape_cast %broadcast_in_dim3A_1029 : vector<16x1xi32> to vector<16xi32>
        %gather3A_1031 = tpu.dynamic_gather %get3A_978[%gather3A_1030] in [0] : vector<16xi32>, vector<16xi32> -> vector<16xi32>
        %bitcast3A_1032 = vector.bitcast %gather3A_1031 : vector<16xi32> to vector<32xbf16>
        %broadcast_in_dim3A_1033 = arith.constant 6 : i32
        %broadcast_in_dim3A_1034 = vector.broadcast %broadcast_in_dim3A_1033 : i32 to vector<16x1xi32>
        %gather3A_1035 = vector.shape_cast %broadcast_in_dim3A_1034 : vector<16x1xi32> to vector<16xi32>
        %gather3A_1036 = tpu.dynamic_gather %get3A_978[%gather3A_1035] in [0] : vector<16xi32>, vector<16xi32> -> vector<16xi32>
        %bitcast3A_1037 = vector.bitcast %gather3A_1036 : vector<16xi32> to vector<32xbf16>
        %broadcast_in_dim3A_1038 = arith.constant 7 : i32
        %broadcast_in_dim3A_1039 = vector.broadcast %broadcast_in_dim3A_1038 : i32 to vector<16x1xi32>
        %gather3A_1040 = vector.shape_cast %broadcast_in_dim3A_1039 : vector<16x1xi32> to vector<16xi32>
        %gather3A_1041 = tpu.dynamic_gather %get3A_978[%gather3A_1040] in [0] : vector<16xi32>, vector<16xi32> -> vector<16xi32>
        %bitcast3A_1042 = vector.bitcast %gather3A_1041 : vector<16xi32> to vector<32xbf16>
        %broadcast_in_dim3A_1043 = arith.constant 8 : i32
        %broadcast_in_dim3A_1044 = vector.broadcast %broadcast_in_dim3A_1043 : i32 to vector<16x1xi32>
        %gather3A_1045 = vector.shape_cast %broadcast_in_dim3A_1044 : vector<16x1xi32> to vector<16xi32>
        %gather3A_1046 = tpu.dynamic_gather %get3A_978[%gather3A_1045] in [0] : vector<16xi32>, vector<16xi32> -> vector<16xi32>
        %bitcast3A_1047 = vector.bitcast %gather3A_1046 : vector<16xi32> to vector<32xbf16>
        %broadcast_in_dim3A_1048 = arith.constant 9 : i32
        %broadcast_in_dim3A_1049 = vector.broadcast %broadcast_in_dim3A_1048 : i32 to vector<16x1xi32>
        %gather3A_1050 = vector.shape_cast %broadcast_in_dim3A_1049 : vector<16x1xi32> to vector<16xi32>
        %gather3A_1051 = tpu.dynamic_gather %get3A_978[%gather3A_1050] in [0] : vector<16xi32>, vector<16xi32> -> vector<16xi32>
        %bitcast3A_1052 = vector.bitcast %gather3A_1051 : vector<16xi32> to vector<32xbf16>
        %broadcast_in_dim3A_1053 = arith.constant 10 : i32
        %broadcast_in_dim3A_1054 = vector.broadcast %broadcast_in_dim3A_1053 : i32 to vector<16x1xi32>
        %gather3A_1055 = vector.shape_cast %broadcast_in_dim3A_1054 : vector<16x1xi32> to vector<16xi32>
        %gather3A_1056 = tpu.dynamic_gather %get3A_978[%gather3A_1055] in [0] : vector<16xi32>, vector<16xi32> -> vector<16xi32>
        %bitcast3A_1057 = vector.bitcast %gather3A_1056 : vector<16xi32> to vector<32xbf16>
        %broadcast_in_dim3A_1058 = arith.constant 11 : i32
        %broadcast_in_dim3A_1059 = vector.broadcast %broadcast_in_dim3A_1058 : i32 to vector<16x1xi32>
        %gather3A_1060 = vector.shape_cast %broadcast_in_dim3A_1059 : vector<16x1xi32> to vector<16xi32>
        %gather3A_1061 = tpu.dynamic_gather %get3A_978[%gather3A_1060] in [0] : vector<16xi32>, vector<16xi32> -> vector<16xi32>
        %bitcast3A_1062 = vector.bitcast %gather3A_1061 : vector<16xi32> to vector<32xbf16>
        %broadcast_in_dim3A_1063 = arith.constant 12 : i32
        %broadcast_in_dim3A_1064 = vector.broadcast %broadcast_in_dim3A_1063 : i32 to vector<16x1xi32>
        %gather3A_1065 = vector.shape_cast %broadcast_in_dim3A_1064 : vector<16x1xi32> to vector<16xi32>
        %gather3A_1066 = tpu.dynamic_gather %get3A_978[%gather3A_1065] in [0] : vector<16xi32>, vector<16xi32> -> vector<16xi32>
        %bitcast3A_1067 = vector.bitcast %gather3A_1066 : vector<16xi32> to vector<32xbf16>
        %broadcast_in_dim3A_1068 = arith.constant 13 : i32
        %broadcast_in_dim3A_1069 = vector.broadcast %broadcast_in_dim3A_1068 : i32 to vector<16x1xi32>
        %gather3A_1070 = vector.shape_cast %broadcast_in_dim3A_1069 : vector<16x1xi32> to vector<16xi32>
        %gather3A_1071 = tpu.dynamic_gather %get3A_978[%gather3A_1070] in [0] : vector<16xi32>, vector<16xi32> -> vector<16xi32>
        %bitcast3A_1072 = vector.bitcast %gather3A_1071 : vector<16xi32> to vector<32xbf16>
        %broadcast_in_dim3A_1073 = arith.constant 14 : i32
        %broadcast_in_dim3A_1074 = vector.broadcast %broadcast_in_dim3A_1073 : i32 to vector<16x1xi32>
        %gather3A_1075 = vector.shape_cast %broadcast_in_dim3A_1074 : vector<16x1xi32> to vector<16xi32>
        %gather3A_1076 = tpu.dynamic_gather %get3A_978[%gather3A_1075] in [0] : vector<16xi32>, vector<16xi32> -> vector<16xi32>
        %bitcast3A_1077 = vector.bitcast %gather3A_1076 : vector<16xi32> to vector<32xbf16>
        %broadcast_in_dim3A_1078 = arith.constant 15 : i32
        %broadcast_in_dim3A_1079 = vector.broadcast %broadcast_in_dim3A_1078 : i32 to vector<16x1xi32>
        %gather3A_1080 = vector.shape_cast %broadcast_in_dim3A_1079 : vector<16x1xi32> to vector<16xi32>
        %gather3A_1081 = tpu.dynamic_gather %get3A_978[%gather3A_1080] in [0] : vector<16xi32>, vector<16xi32> -> vector<16xi32>
        %bitcast3A_1082 = vector.bitcast %gather3A_1081 : vector<16xi32> to vector<32xbf16>
        %add3A_1083 = arith.constant 0 : i32
        %add3A_1084 = arith.addi %mul3A_976, %add3A_1083 : i32
        %get3A_1085 = arith.index_cast %add3A_1084 : i32 to index
        %get3A_1086 = arith.constant 0 : index
        %get3A_1087 = tpu.vector_load %arg11[%get3A_1085, %get3A_1086] {strides = array<i32>} : memref<128x192xbf16, #tpu.memory_space<vmem>>, vector<32xbf16>,
        %mul3A_1088 = arith.mulf %get3A_1087, %bitcast3A_1007 : vector<32xbf16>
        %add3A_1089 = arith.constant 0 : i32
        %add3A_1090 = arith.addi %mul3A_976, %add3A_1089 : i32
        %get3A_1091 = arith.index_cast %add3A_1090 : i32 to index
        %get3A_1092 = arith.constant 32 : index
        %get3A_1093 = tpu.vector_load %arg11[%get3A_1091, %get3A_1092] {strides = array<i32>} : memref<128x192xbf16, #tpu.memory_space<vmem>>, vector<32xbf16>,
        %mul3A_1094 = arith.mulf %get3A_1093, %bitcast3A_1007 : vector<32xbf16>
        %add3A_1095 = arith.constant 0 : i32
        %add3A_1096 = arith.addi %mul3A_976, %add3A_1095 : i32
        %get3A_1097 = arith.index_cast %add3A_1096 : i32 to index
        %get3A_1098 = arith.constant 64 : index
        %get3A_1099 = tpu.vector_load %arg11[%get3A_1097, %get3A_1098] {strides = array<i32>} : memref<128x192xbf16, #tpu.memory_space<vmem>>, vector<32xbf16>,
        %mul3A_1100 = arith.mulf %get3A_1099, %bitcast3A_1007 : vector<32xbf16>
        %add3A_1101 = arith.constant 0 : i32
        %add3A_1102 = arith.addi %mul3A_976, %add3A_1101 : i32
        %get3A_1103 = arith.index_cast %add3A_1102 : i32 to index
        %get3A_1104 = arith.constant 96 : index
        %get3A_1105 = tpu.vector_load %arg11[%get3A_1103, %get3A_1104] {strides = array<i32>} : memref<128x192xbf16, #tpu.memory_space<vmem>>, vector<32xbf16>,
        %mul3A_1106 = arith.mulf %get3A_1105, %bitcast3A_1007 : vector<32xbf16>
        %add3A_1107 = arith.constant 0 : i32
        %add3A_1108 = arith.addi %mul3A_976, %add3A_1107 : i32
        %get3A_1109 = arith.index_cast %add3A_1108 : i32 to index
        %get3A_1110 = arith.constant 128 : index
        %get3A_1111 = tpu.vector_load %arg11[%get3A_1109, %get3A_1110] {strides = array<i32>} : memref<128x192xbf16, #tpu.memory_space<vmem>>, vector<32xbf16>,
        %mul3A_1112 = arith.mulf %get3A_1111, %bitcast3A_1007 : vector<32xbf16>
        %add3A_1113 = arith.constant 0 : i32
        %add3A_1114 = arith.addi %mul3A_976, %add3A_1113 : i32
        %get3A_1115 = arith.index_cast %add3A_1114 : i32 to index
        %get3A_1116 = arith.constant 160 : index
        %get3A_1117 = tpu.vector_load %arg11[%get3A_1115, %get3A_1116] {strides = array<i32>} : memref<128x192xbf16, #tpu.memory_space<vmem>>, vector<32xbf16>,
        %mul3A_1118 = arith.mulf %get3A_1117, %bitcast3A_1007 : vector<32xbf16>
        %add3A_1119 = arith.constant 1 : i32
        %add3A_1120 = arith.addi %mul3A_976, %add3A_1119 : i32
        %get3A_1121 = arith.index_cast %add3A_1120 : i32 to index
        %get3A_1122 = arith.constant 0 : index
        %get3A_1123 = tpu.vector_load %arg11[%get3A_1121, %get3A_1122] {strides = array<i32>} : memref<128x192xbf16, #tpu.memory_space<vmem>>, vector<32xbf16>,
        %mul3A_1124 = arith.mulf %get3A_1123, %bitcast3A_1012 : vector<32xbf16>
        %add3A_1125 = arith.constant 1 : i32
        %add3A_1126 = arith.addi %mul3A_976, %add3A_1125 : i32
        %get3A_1127 = arith.index_cast %add3A_1126 : i32 to index
        %get3A_1128 = arith.constant 32 : index
        %get3A_1129 = tpu.vector_load %arg11[%get3A_1127, %get3A_1128] {strides = array<i32>} : memref<128x192xbf16, #tpu.memory_space<vmem>>, vector<32xbf16>,
        %mul3A_1130 = arith.mulf %get3A_1129, %bitcast3A_1012 : vector<32xbf16>
        %add3A_1131 = arith.constant 1 : i32
        %add3A_1132 = arith.addi %mul3A_976, %add3A_1131 : i32
        %get3A_1133 = arith.index_cast %add3A_1132 : i32 to index
        %get3A_1134 = arith.constant 64 : index
        %get3A_1135 = tpu.vector_load %arg11[%get3A_1133, %get3A_1134] {strides = array<i32>} : memref<128x192xbf16, #tpu.memory_space<vmem>>, vector<32xbf16>,
        %mul3A_1136 = arith.mulf %get3A_1135, %bitcast3A_1012 : vector<32xbf16>
        %add3A_1137 = arith.constant 1 : i32
        %add3A_1138 = arith.addi %mul3A_976, %add3A_1137 : i32
        %get3A_1139 = arith.index_cast %add3A_1138 : i32 to index
        %get3A_1140 = arith.constant 96 : index
        %get3A_1141 = tpu.vector_load %arg11[%get3A_1139, %get3A_1140] {strides = array<i32>} : memref<128x192xbf16, #tpu.memory_space<vmem>>, vector<32xbf16>,
        %mul3A_1142 = arith.mulf %get3A_1141, %bitcast3A_1012 : vector<32xbf16>
        %add3A_1143 = arith.constant 1 : i32
        %add3A_1144 = arith.addi %mul3A_976, %add3A_1143 : i32
        %get3A_1145 = arith.index_cast %add3A_1144 : i32 to index
        %get3A_1146 = arith.constant 128 : index
        %get3A_1147 = tpu.vector_load %arg11[%get3A_1145, %get3A_1146] {strides = array<i32>} : memref<128x192xbf16, #tpu.memory_space<vmem>>, vector<32xbf16>,
        %mul3A_1148 = arith.mulf %get3A_1147, %bitcast3A_1012 : vector<32xbf16>
        %add3A_1149 = arith.constant 1 : i32
        %add3A_1150 = arith.addi %mul3A_976, %add3A_1149 : i32
        %get3A_1151 = arith.index_cast %add3A_1150 : i32 to index
        %get3A_1152 = arith.constant 160 : index
        %get3A_1153 = tpu.vector_load %arg11[%get3A_1151, %get3A_1152] {strides = array<i32>} : memref<128x192xbf16, #tpu.memory_space<vmem>>, vector<32xbf16>,
        %mul3A_1154 = arith.mulf %get3A_1153, %bitcast3A_1012 : vector<32xbf16>
        %add3A_1155 = arith.constant 2 : i32
        %add3A_1156 = arith.addi %mul3A_976, %add3A_1155 : i32
        %get3A_1157 = arith.index_cast %add3A_1156 : i32 to index
        %get3A_1158 = arith.constant 0 : index
        %get3A_1159 = tpu.vector_load %arg11[%get3A_1157, %get3A_1158] {strides = array<i32>} : memref<128x192xbf16, #tpu.memory_space<vmem>>, vector<32xbf16>,
        %mul3A_1160 = arith.mulf %get3A_1159, %bitcast3A_1017 : vector<32xbf16>
        %add3A_1161 = arith.constant 2 : i32
        %add3A_1162 = arith.addi %mul3A_976, %add3A_1161 : i32
        %get3A_1163 = arith.index_cast %add3A_1162 : i32 to index
        %get3A_1164 = arith.constant 32 : index
        %get3A_1165 = tpu.vector_load %arg11[%get3A_1163, %get3A_1164] {strides = array<i32>} : memref<128x192xbf16, #tpu.memory_space<vmem>>, vector<32xbf16>,
        %mul3A_1166 = arith.mulf %get3A_1165, %bitcast3A_1017 : vector<32xbf16>
        %add3A_1167 = arith.constant 2 : i32
        %add3A_1168 = arith.addi %mul3A_976, %add3A_1167 : i32
        %get3A_1169 = arith.index_cast %add3A_1168 : i32 to index
        %get3A_1170 = arith.constant 64 : index
        %get3A_1171 = tpu.vector_load %arg11[%get3A_1169, %get3A_1170] {strides = array<i32>} : memref<128x192xbf16, #tpu.memory_space<vmem>>, vector<32xbf16>,
        %mul3A_1172 = arith.mulf %get3A_1171, %bitcast3A_1017 : vector<32xbf16>
        %add3A_1173 = arith.constant 2 : i32
        %add3A_1174 = arith.addi %mul3A_976, %add3A_1173 : i32
        %get3A_1175 = arith.index_cast %add3A_1174 : i32 to index
        %get3A_1176 = arith.constant 96 : index
        %get3A_1177 = tpu.vector_load %arg11[%get3A_1175, %get3A_1176] {strides = array<i32>} : memref<128x192xbf16, #tpu.memory_space<vmem>>, vector<32xbf16>,
        %mul3A_1178 = arith.mulf %get3A_1177, %bitcast3A_1017 : vector<32xbf16>
        %add3A_1179 = arith.constant 2 : i32
        %add3A_1180 = arith.addi %mul3A_976, %add3A_1179 : i32
        %get3A_1181 = arith.index_cast %add3A_1180 : i32 to index
        %get3A_1182 = arith.constant 128 : index
        %get3A_1183 = tpu.vector_load %arg11[%get3A_1181, %get3A_1182] {strides = array<i32>} : memref<128x192xbf16, #tpu.memory_space<vmem>>, vector<32xbf16>,
        %mul3A_1184 = arith.mulf %get3A_1183, %bitcast3A_1017 : vector<32xbf16>
        %add3A_1185 = arith.constant 2 : i32
        %add3A_1186 = arith.addi %mul3A_976, %add3A_1185 : i32
        %get3A_1187 = arith.index_cast %add3A_1186 : i32 to index
        %get3A_1188 = arith.constant 160 : index
        %get3A_1189 = tpu.vector_load %arg11[%get3A_1187, %get3A_1188] {strides = array<i32>} : memref<128x192xbf16, #tpu.memory_space<vmem>>, vector<32xbf16>,
        %mul3A_1190 = arith.mulf %get3A_1189, %bitcast3A_1017 : vector<32xbf16>
        %add3A_1191 = arith.constant 3 : i32
        %add3A_1192 = arith.addi %mul3A_976, %add3A_1191 : i32
        %get3A_1193 = arith.index_cast %add3A_1192 : i32 to index
        %get3A_1194 = arith.constant 0 : index
        %get3A_1195 = tpu.vector_load %arg11[%get3A_1193, %get3A_1194] {strides = array<i32>} : memref<128x192xbf16, #tpu.memory_space<vmem>>, vector<32xbf16>,
        %mul3A_1196 = arith.mulf %get3A_1195, %bitcast3A_1022 : vector<32xbf16>
        %add3A_1197 = arith.constant 3 : i32
        %add3A_1198 = arith.addi %mul3A_976, %add3A_1197 : i32
        %get3A_1199 = arith.index_cast %add3A_1198 : i32 to index
        %get3A_1200 = arith.constant 32 : index
        %get3A_1201 = tpu.vector_load %arg11[%get3A_1199, %get3A_1200] {strides = array<i32>} : memref<128x192xbf16, #tpu.memory_space<vmem>>, vector<32xbf16>,
        %mul3A_1202 = arith.mulf %get3A_1201, %bitcast3A_1022 : vector<32xbf16>
        %add3A_1203 = arith.constant 3 : i32
        %add3A_1204 = arith.addi %mul3A_976, %add3A_1203 : i32
        %get3A_1205 = arith.index_cast %add3A_1204 : i32 to index
        %get3A_1206 = arith.constant 64 : index
        %get3A_1207 = tpu.vector_load %arg11[%get3A_1205, %get3A_1206] {strides = array<i32>} : memref<128x192xbf16, #tpu.memory_space<vmem>>, vector<32xbf16>,
        %mul3A_1208 = arith.mulf %get3A_1207, %bitcast3A_1022 : vector<32xbf16>
        %add3A_1209 = arith.constant 3 : i32
        %add3A_1210 = arith.addi %mul3A_976, %add3A_1209 : i32
        %get3A_1211 = arith.index_cast %add3A_1210 : i32 to index
        %get3A_1212 = arith.constant 96 : index
        %get3A_1213 = tpu.vector_load %arg11[%get3A_1211, %get3A_1212] {strides = array<i32>} : memref<128x192xbf16, #tpu.memory_space<vmem>>, vector<32xbf16>,
        %mul3A_1214 = arith.mulf %get3A_1213, %bitcast3A_1022 : vector<32xbf16>
        %add3A_1215 = arith.constant 3 : i32
        %add3A_1216 = arith.addi %mul3A_976, %add3A_1215 : i32
        %get3A_1217 = arith.index_cast %add3A_1216 : i32 to index
        %get3A_1218 = arith.constant 128 : index
        %get3A_1219 = tpu.vector_load %arg11[%get3A_1217, %get3A_1218] {strides = array<i32>} : memref<128x192xbf16, #tpu.memory_space<vmem>>, vector<32xbf16>,
        %mul3A_1220 = arith.mulf %get3A_1219, %bitcast3A_1022 : vector<32xbf16>
        %add3A_1221 = arith.constant 3 : i32
        %add3A_1222 = arith.addi %mul3A_976, %add3A_1221 : i32
        %get3A_1223 = arith.index_cast %add3A_1222 : i32 to index
        %get3A_1224 = arith.constant 160 : index
        %get3A_1225 = tpu.vector_load %arg11[%get3A_1223, %get3A_1224] {strides = array<i32>} : memref<128x192xbf16, #tpu.memory_space<vmem>>, vector<32xbf16>,
        %mul3A_1226 = arith.mulf %get3A_1225, %bitcast3A_1022 : vector<32xbf16>
        %add3A_1227 = arith.addf %mul3A_1088, %mul3A_1124 : vector<32xbf16>
        %add3A_1228 = arith.addf %mul3A_1160, %mul3A_1196 : vector<32xbf16>
        %add3A_1229 = arith.addf %add3A_1227, %add3A_1228 : vector<32xbf16>
        %unpack3A_1230 = tpu.unpack_subelements %add3A_1229, 0 {pack_format = #tpu.pack_format<interleaved>} : vector<32xbf16> -> vector<16xf32>
        %unpack3A_1231 = tpu.unpack_subelements %add3A_1229, 1 {pack_format = #tpu.pack_format<interleaved>} : vector<32xbf16> -> vector<16xf32>
        %add3A_1232 = arith.addf %broadcast_in_dim3A_980, %unpack3A_1230 : vector<16xf32>
        %add3A_1233 = arith.addf %broadcast_in_dim3A_992, %unpack3A_1231 : vector<16xf32>
        %add3A_1234 = arith.addf %mul3A_1094, %mul3A_1130 : vector<32xbf16>
        %add3A_1235 = arith.addf %mul3A_1166, %mul3A_1202 : vector<32xbf16>
        %add3A_1236 = arith.addf %add3A_1234, %add3A_1235 : vector<32xbf16>
        %unpack3A_1237 = tpu.unpack_subelements %add3A_1236, 0 {pack_format = #tpu.pack_format<interleaved>} : vector<32xbf16> -> vector<16xf32>
        %unpack3A_1238 = tpu.unpack_subelements %add3A_1236, 1 {pack_format = #tpu.pack_format<interleaved>} : vector<32xbf16> -> vector<16xf32>
        %add3A_1239 = arith.addf %broadcast_in_dim3A_982, %unpack3A_1237 : vector<16xf32>
        %add3A_1240 = arith.addf %broadcast_in_dim3A_994, %unpack3A_1238 : vector<16xf32>
        %add3A_1241 = arith.addf %mul3A_1100, %mul3A_1136 : vector<32xbf16>
        %add3A_1242 = arith.addf %mul3A_1172, %mul3A_1208 : vector<32xbf16>
        %add3A_1243 = arith.addf %add3A_1241, %add3A_1242 : vector<32xbf16>
        %unpack3A_1244 = tpu.unpack_subelements %add3A_1243, 0 {pack_format = #tpu.pack_format<interleaved>} : vector<32xbf16> -> vector<16xf32>
        %unpack3A_1245 = tpu.unpack_subelements %add3A_1243, 1 {pack_format = #tpu.pack_format<interleaved>} : vector<32xbf16> -> vector<16xf32>
        %add3A_1246 = arith.addf %broadcast_in_dim3A_984, %unpack3A_1244 : vector<16xf32>
        %add3A_1247 = arith.addf %broadcast_in_dim3A_996, %unpack3A_1245 : vector<16xf32>
        %add3A_1248 = arith.addf %mul3A_1106, %mul3A_1142 : vector<32xbf16>
        %add3A_1249 = arith.addf %mul3A_1178, %mul3A_1214 : vector<32xbf16>
        %add3A_1250 = arith.addf %add3A_1248, %add3A_1249 : vector<32xbf16>
        %unpack3A_1251 = tpu.unpack_subelements %add3A_1250, 0 {pack_format = #tpu.pack_format<interleaved>} : vector<32xbf16> -> vector<16xf32>
        %unpack3A_1252 = tpu.unpack_subelements %add3A_1250, 1 {pack_format = #tpu.pack_format<interleaved>} : vector<32xbf16> -> vector<16xf32>
        %add3A_1253 = arith.addf %broadcast_in_dim3A_986, %unpack3A_1251 : vector<16xf32>
        %add3A_1254 = arith.addf %broadcast_in_dim3A_998, %unpack3A_1252 : vector<16xf32>
        %add3A_1255 = arith.addf %mul3A_1112, %mul3A_1148 : vector<32xbf16>
        %add3A_1256 = arith.addf %mul3A_1184, %mul3A_1220 : vector<32xbf16>
        %add3A_1257 = arith.addf %add3A_1255, %add3A_1256 : vector<32xbf16>
        %unpack3A_1258 = tpu.unpack_subelements %add3A_1257, 0 {pack_format = #tpu.pack_format<interleaved>} : vector<32xbf16> -> vector<16xf32>
        %unpack3A_1259 = tpu.unpack_subelements %add3A_1257, 1 {pack_format = #tpu.pack_format<interleaved>} : vector<32xbf16> -> vector<16xf32>
        %add3A_1260 = arith.addf %broadcast_in_dim3A_988, %unpack3A_1258 : vector<16xf32>
        %add3A_1261 = arith.addf %broadcast_in_dim3A_1000, %unpack3A_1259 : vector<16xf32>
        %add3A_1262 = arith.addf %mul3A_1118, %mul3A_1154 : vector<32xbf16>
        %add3A_1263 = arith.addf %mul3A_1190, %mul3A_1226 : vector<32xbf16>
        %add3A_1264 = arith.addf %add3A_1262, %add3A_1263 : vector<32xbf16>
        %unpack3A_1265 = tpu.unpack_subelements %add3A_1264, 0 {pack_format = #tpu.pack_format<interleaved>} : vector<32xbf16> -> vector<16xf32>
        %unpack3A_1266 = tpu.unpack_subelements %add3A_1264, 1 {pack_format = #tpu.pack_format<interleaved>} : vector<32xbf16> -> vector<16xf32>
        %add3A_1267 = arith.addf %broadcast_in_dim3A_990, %unpack3A_1265 : vector<16xf32>
        %add3A_1268 = arith.addf %broadcast_in_dim3A_1002, %unpack3A_1266 : vector<16xf32>
        %add3A_1269 = arith.constant 4 : i32
        %add3A_1270 = arith.addi %mul3A_976, %add3A_1269 : i32
        %get3A_1271 = arith.index_cast %add3A_1270 : i32 to index
        %get3A_1272 = arith.constant 0 : index
        %get3A_1273 = tpu.vector_load %arg11[%get3A_1271, %get3A_1272] {strides = array<i32>} : memref<128x192xbf16, #tpu.memory_space<vmem>>, vector<32xbf16>,
        %mul3A_1274 = arith.mulf %get3A_1273, %bitcast3A_1027 : vector<32xbf16>
        %add3A_1275 = arith.constant 4 : i32
        %add3A_1276 = arith.addi %mul3A_976, %add3A_1275 : i32
        %get3A_1277 = arith.index_cast %add3A_1276 : i32 to index
        %get3A_1278 = arith.constant 32 : index
        %get3A_1279 = tpu.vector_load %arg11[%get3A_1277, %get3A_1278] {strides = array<i32>} : memref<128x192xbf16, #tpu.memory_space<vmem>>, vector<32xbf16>,
        %mul3A_1280 = arith.mulf %get3A_1279, %bitcast3A_1027 : vector<32xbf16>
        %add3A_1281 = arith.constant 4 : i32
        %add3A_1282 = arith.addi %mul3A_976, %add3A_1281 : i32
        %get3A_1283 = arith.index_cast %add3A_1282 : i32 to index
        %get3A_1284 = arith.constant 64 : index
        %get3A_1285 = tpu.vector_load %arg11[%get3A_1283, %get3A_1284] {strides = array<i32>} : memref<128x192xbf16, #tpu.memory_space<vmem>>, vector<32xbf16>,
        %mul3A_1286 = arith.mulf %get3A_1285, %bitcast3A_1027 : vector<32xbf16>
        %add3A_1287 = arith.constant 4 : i32
        %add3A_1288 = arith.addi %mul3A_976, %add3A_1287 : i32
        %get3A_1289 = arith.index_cast %add3A_1288 : i32 to index
        %get3A_1290 = arith.constant 96 : index
        %get3A_1291 = tpu.vector_load %arg11[%get3A_1289, %get3A_1290] {strides = array<i32>} : memref<128x192xbf16, #tpu.memory_space<vmem>>, vector<32xbf16>,
        %mul3A_1292 = arith.mulf %get3A_1291, %bitcast3A_1027 : vector<32xbf16>
        %add3A_1293 = arith.constant 4 : i32
        %add3A_1294 = arith.addi %mul3A_976, %add3A_1293 : i32
        %get3A_1295 = arith.index_cast %add3A_1294 : i32 to index
        %get3A_1296 = arith.constant 128 : index
        %get3A_1297 = tpu.vector_load %arg11[%get3A_1295, %get3A_1296] {strides = array<i32>} : memref<128x192xbf16, #tpu.memory_space<vmem>>, vector<32xbf16>,
        %mul3A_1298 = arith.mulf %get3A_1297, %bitcast3A_1027 : vector<32xbf16>
        %add3A_1299 = arith.constant 4 : i32
        %add3A_1300 = arith.addi %mul3A_976, %add3A_1299 : i32
        %get3A_1301 = arith.index_cast %add3A_1300 : i32 to index
        %get3A_1302 = arith.constant 160 : index
        %get3A_1303 = tpu.vector_load %arg11[%get3A_1301, %get3A_1302] {strides = array<i32>} : memref<128x192xbf16, #tpu.memory_space<vmem>>, vector<32xbf16>,
        %mul3A_1304 = arith.mulf %get3A_1303, %bitcast3A_1027 : vector<32xbf16>
        %add3A_1305 = arith.constant 5 : i32
        %add3A_1306 = arith.addi %mul3A_976, %add3A_1305 : i32
        %get3A_1307 = arith.index_cast %add3A_1306 : i32 to index
        %get3A_1308 = arith.constant 0 : index
        %get3A_1309 = tpu.vector_load %arg11[%get3A_1307, %get3A_1308] {strides = array<i32>} : memref<128x192xbf16, #tpu.memory_space<vmem>>, vector<32xbf16>,
        %mul3A_1310 = arith.mulf %get3A_1309, %bitcast3A_1032 : vector<32xbf16>
        %add3A_1311 = arith.constant 5 : i32
        %add3A_1312 = arith.addi %mul3A_976, %add3A_1311 : i32
        %get3A_1313 = arith.index_cast %add3A_1312 : i32 to index
        %get3A_1314 = arith.constant 32 : index
        %get3A_1315 = tpu.vector_load %arg11[%get3A_1313, %get3A_1314] {strides = array<i32>} : memref<128x192xbf16, #tpu.memory_space<vmem>>, vector<32xbf16>,
        %mul3A_1316 = arith.mulf %get3A_1315, %bitcast3A_1032 : vector<32xbf16>
        %add3A_1317 = arith.constant 5 : i32
        %add3A_1318 = arith.addi %mul3A_976, %add3A_1317 : i32
        %get3A_1319 = arith.index_cast %add3A_1318 : i32 to index
        %get3A_1320 = arith.constant 64 : index
        %get3A_1321 = tpu.vector_load %arg11[%get3A_1319, %get3A_1320] {strides = array<i32>} : memref<128x192xbf16, #tpu.memory_space<vmem>>, vector<32xbf16>,
        %mul3A_1322 = arith.mulf %get3A_1321, %bitcast3A_1032 : vector<32xbf16>
        %add3A_1323 = arith.constant 5 : i32
        %add3A_1324 = arith.addi %mul3A_976, %add3A_1323 : i32
        %get3A_1325 = arith.index_cast %add3A_1324 : i32 to index
        %get3A_1326 = arith.constant 96 : index
        %get3A_1327 = tpu.vector_load %arg11[%get3A_1325, %get3A_1326] {strides = array<i32>} : memref<128x192xbf16, #tpu.memory_space<vmem>>, vector<32xbf16>,
        %mul3A_1328 = arith.mulf %get3A_1327, %bitcast3A_1032 : vector<32xbf16>
        %add3A_1329 = arith.constant 5 : i32
        %add3A_1330 = arith.addi %mul3A_976, %add3A_1329 : i32
        %get3A_1331 = arith.index_cast %add3A_1330 : i32 to index
        %get3A_1332 = arith.constant 128 : index
        %get3A_1333 = tpu.vector_load %arg11[%get3A_1331, %get3A_1332] {strides = array<i32>} : memref<128x192xbf16, #tpu.memory_space<vmem>>, vector<32xbf16>,
        %mul3A_1334 = arith.mulf %get3A_1333, %bitcast3A_1032 : vector<32xbf16>
        %add3A_1335 = arith.constant 5 : i32
        %add3A_1336 = arith.addi %mul3A_976, %add3A_1335 : i32
        %get3A_1337 = arith.index_cast %add3A_1336 : i32 to index
        %get3A_1338 = arith.constant 160 : index
        %get3A_1339 = tpu.vector_load %arg11[%get3A_1337, %get3A_1338] {strides = array<i32>} : memref<128x192xbf16, #tpu.memory_space<vmem>>, vector<32xbf16>,
        %mul3A_1340 = arith.mulf %get3A_1339, %bitcast3A_1032 : vector<32xbf16>
        %add3A_1341 = arith.constant 6 : i32
        %add3A_1342 = arith.addi %mul3A_976, %add3A_1341 : i32
        %get3A_1343 = arith.index_cast %add3A_1342 : i32 to index
        %get3A_1344 = arith.constant 0 : index
        %get3A_1345 = tpu.vector_load %arg11[%get3A_1343, %get3A_1344] {strides = array<i32>} : memref<128x192xbf16, #tpu.memory_space<vmem>>, vector<32xbf16>,
        %mul3A_1346 = arith.mulf %get3A_1345, %bitcast3A_1037 : vector<32xbf16>
        %add3A_1347 = arith.constant 6 : i32
        %add3A_1348 = arith.addi %mul3A_976, %add3A_1347 : i32
        %get3A_1349 = arith.index_cast %add3A_1348 : i32 to index
        %get3A_1350 = arith.constant 32 : index
        %get3A_1351 = tpu.vector_load %arg11[%get3A_1349, %get3A_1350] {strides = array<i32>} : memref<128x192xbf16, #tpu.memory_space<vmem>>, vector<32xbf16>,
        %mul3A_1352 = arith.mulf %get3A_1351, %bitcast3A_1037 : vector<32xbf16>
        %add3A_1353 = arith.constant 6 : i32
        %add3A_1354 = arith.addi %mul3A_976, %add3A_1353 : i32
        %get3A_1355 = arith.index_cast %add3A_1354 : i32 to index
        %get3A_1356 = arith.constant 64 : index
        %get3A_1357 = tpu.vector_load %arg11[%get3A_1355, %get3A_1356] {strides = array<i32>} : memref<128x192xbf16, #tpu.memory_space<vmem>>, vector<32xbf16>,
        %mul3A_1358 = arith.mulf %get3A_1357, %bitcast3A_1037 : vector<32xbf16>
        %add3A_1359 = arith.constant 6 : i32
        %add3A_1360 = arith.addi %mul3A_976, %add3A_1359 : i32
        %get3A_1361 = arith.index_cast %add3A_1360 : i32 to index
        %get3A_1362 = arith.constant 96 : index
        %get3A_1363 = tpu.vector_load %arg11[%get3A_1361, %get3A_1362] {strides = array<i32>} : memref<128x192xbf16, #tpu.memory_space<vmem>>, vector<32xbf16>,
        %mul3A_1364 = arith.mulf %get3A_1363, %bitcast3A_1037 : vector<32xbf16>
        %add3A_1365 = arith.constant 6 : i32
        %add3A_1366 = arith.addi %mul3A_976, %add3A_1365 : i32
        %get3A_1367 = arith.index_cast %add3A_1366 : i32 to index
        %get3A_1368 = arith.constant 128 : index
        %get3A_1369 = tpu.vector_load %arg11[%get3A_1367, %get3A_1368] {strides = array<i32>} : memref<128x192xbf16, #tpu.memory_space<vmem>>, vector<32xbf16>,
        %mul3A_1370 = arith.mulf %get3A_1369, %bitcast3A_1037 : vector<32xbf16>
        %add3A_1371 = arith.constant 6 : i32
        %add3A_1372 = arith.addi %mul3A_976, %add3A_1371 : i32
        %get3A_1373 = arith.index_cast %add3A_1372 : i32 to index
        %get3A_1374 = arith.constant 160 : index
        %get3A_1375 = tpu.vector_load %arg11[%get3A_1373, %get3A_1374] {strides = array<i32>} : memref<128x192xbf16, #tpu.memory_space<vmem>>, vector<32xbf16>,
        %mul3A_1376 = arith.mulf %get3A_1375, %bitcast3A_1037 : vector<32xbf16>
        %add3A_1377 = arith.constant 7 : i32
        %add3A_1378 = arith.addi %mul3A_976, %add3A_1377 : i32
        %get3A_1379 = arith.index_cast %add3A_1378 : i32 to index
        %get3A_1380 = arith.constant 0 : index
        %get3A_1381 = tpu.vector_load %arg11[%get3A_1379, %get3A_1380] {strides = array<i32>} : memref<128x192xbf16, #tpu.memory_space<vmem>>, vector<32xbf16>,
        %mul3A_1382 = arith.mulf %get3A_1381, %bitcast3A_1042 : vector<32xbf16>
        %add3A_1383 = arith.constant 7 : i32
        %add3A_1384 = arith.addi %mul3A_976, %add3A_1383 : i32
        %get3A_1385 = arith.index_cast %add3A_1384 : i32 to index
        %get3A_1386 = arith.constant 32 : index
        %get3A_1387 = tpu.vector_load %arg11[%get3A_1385, %get3A_1386] {strides = array<i32>} : memref<128x192xbf16, #tpu.memory_space<vmem>>, vector<32xbf16>,
        %mul3A_1388 = arith.mulf %get3A_1387, %bitcast3A_1042 : vector<32xbf16>
        %add3A_1389 = arith.constant 7 : i32
        %add3A_1390 = arith.addi %mul3A_976, %add3A_1389 : i32
        %get3A_1391 = arith.index_cast %add3A_1390 : i32 to index
        %get3A_1392 = arith.constant 64 : index
        %get3A_1393 = tpu.vector_load %arg11[%get3A_1391, %get3A_1392] {strides = array<i32>} : memref<128x192xbf16, #tpu.memory_space<vmem>>, vector<32xbf16>,
        %mul3A_1394 = arith.mulf %get3A_1393, %bitcast3A_1042 : vector<32xbf16>
        %add3A_1395 = arith.constant 7 : i32
        %add3A_1396 = arith.addi %mul3A_976, %add3A_1395 : i32
        %get3A_1397 = arith.index_cast %add3A_1396 : i32 to index
        %get3A_1398 = arith.constant 96 : index
        %get3A_1399 = tpu.vector_load %arg11[%get3A_1397, %get3A_1398] {strides = array<i32>} : memref<128x192xbf16, #tpu.memory_space<vmem>>, vector<32xbf16>,
        %mul3A_1400 = arith.mulf %get3A_1399, %bitcast3A_1042 : vector<32xbf16>
        %add3A_1401 = arith.constant 7 : i32
        %add3A_1402 = arith.addi %mul3A_976, %add3A_1401 : i32
        %get3A_1403 = arith.index_cast %add3A_1402 : i32 to index
        %get3A_1404 = arith.constant 128 : index
        %get3A_1405 = tpu.vector_load %arg11[%get3A_1403, %get3A_1404] {strides = array<i32>} : memref<128x192xbf16, #tpu.memory_space<vmem>>, vector<32xbf16>,
        %mul3A_1406 = arith.mulf %get3A_1405, %bitcast3A_1042 : vector<32xbf16>
        %add3A_1407 = arith.constant 7 : i32
        %add3A_1408 = arith.addi %mul3A_976, %add3A_1407 : i32
        %get3A_1409 = arith.index_cast %add3A_1408 : i32 to index
        %get3A_1410 = arith.constant 160 : index
        %get3A_1411 = tpu.vector_load %arg11[%get3A_1409, %get3A_1410] {strides = array<i32>} : memref<128x192xbf16, #tpu.memory_space<vmem>>, vector<32xbf16>,
        %mul3A_1412 = arith.mulf %get3A_1411, %bitcast3A_1042 : vector<32xbf16>
        %add3A_1413 = arith.addf %mul3A_1274, %mul3A_1310 : vector<32xbf16>
        %add3A_1414 = arith.addf %mul3A_1346, %mul3A_1382 : vector<32xbf16>
        %add3A_1415 = arith.addf %add3A_1413, %add3A_1414 : vector<32xbf16>
        %unpack3A_1416 = tpu.unpack_subelements %add3A_1415, 0 {pack_format = #tpu.pack_format<interleaved>} : vector<32xbf16> -> vector<16xf32>
        %unpack3A_1417 = tpu.unpack_subelements %add3A_1415, 1 {pack_format = #tpu.pack_format<interleaved>} : vector<32xbf16> -> vector<16xf32>
        %add3A_1418 = arith.addf %add3A_1232, %unpack3A_1416 : vector<16xf32>
        %add3A_1419 = arith.addf %add3A_1233, %unpack3A_1417 : vector<16xf32>
        %add3A_1420 = arith.addf %mul3A_1280, %mul3A_1316 : vector<32xbf16>
        %add3A_1421 = arith.addf %mul3A_1352, %mul3A_1388 : vector<32xbf16>
        %add3A_1422 = arith.addf %add3A_1420, %add3A_1421 : vector<32xbf16>
        %unpack3A_1423 = tpu.unpack_subelements %add3A_1422, 0 {pack_format = #tpu.pack_format<interleaved>} : vector<32xbf16> -> vector<16xf32>
        %unpack3A_1424 = tpu.unpack_subelements %add3A_1422, 1 {pack_format = #tpu.pack_format<interleaved>} : vector<32xbf16> -> vector<16xf32>
        %add3A_1425 = arith.addf %add3A_1239, %unpack3A_1423 : vector<16xf32>
        %add3A_1426 = arith.addf %add3A_1240, %unpack3A_1424 : vector<16xf32>
        %add3A_1427 = arith.addf %mul3A_1286, %mul3A_1322 : vector<32xbf16>
        %add3A_1428 = arith.addf %mul3A_1358, %mul3A_1394 : vector<32xbf16>
        %add3A_1429 = arith.addf %add3A_1427, %add3A_1428 : vector<32xbf16>
        %unpack3A_1430 = tpu.unpack_subelements %add3A_1429, 0 {pack_format = #tpu.pack_format<interleaved>} : vector<32xbf16> -> vector<16xf32>
        %unpack3A_1431 = tpu.unpack_subelements %add3A_1429, 1 {pack_format = #tpu.pack_format<interleaved>} : vector<32xbf16> -> vector<16xf32>
        %add3A_1432 = arith.addf %add3A_1246, %unpack3A_1430 : vector<16xf32>
        %add3A_1433 = arith.addf %add3A_1247, %unpack3A_1431 : vector<16xf32>
        %add3A_1434 = arith.addf %mul3A_1292, %mul3A_1328 : vector<32xbf16>
        %add3A_1435 = arith.addf %mul3A_1364, %mul3A_1400 : vector<32xbf16>
        %add3A_1436 = arith.addf %add3A_1434, %add3A_1435 : vector<32xbf16>
        %unpack3A_1437 = tpu.unpack_subelements %add3A_1436, 0 {pack_format = #tpu.pack_format<interleaved>} : vector<32xbf16> -> vector<16xf32>
        %unpack3A_1438 = tpu.unpack_subelements %add3A_1436, 1 {pack_format = #tpu.pack_format<interleaved>} : vector<32xbf16> -> vector<16xf32>
        %add3A_1439 = arith.addf %add3A_1253, %unpack3A_1437 : vector<16xf32>
        %add3A_1440 = arith.addf %add3A_1254, %unpack3A_1438 : vector<16xf32>
        %add3A_1441 = arith.addf %mul3A_1298, %mul3A_1334 : vector<32xbf16>
        %add3A_1442 = arith.addf %mul3A_1370, %mul3A_1406 : vector<32xbf16>
        %add3A_1443 = arith.addf %add3A_1441, %add3A_1442 : vector<32xbf16>
        %unpack3A_1444 = tpu.unpack_subelements %add3A_1443, 0 {pack_format = #tpu.pack_format<interleaved>} : vector<32xbf16> -> vector<16xf32>
        %unpack3A_1445 = tpu.unpack_subelements %add3A_1443, 1 {pack_format = #tpu.pack_format<interleaved>} : vector<32xbf16> -> vector<16xf32>
        %add3A_1446 = arith.addf %add3A_1260, %unpack3A_1444 : vector<16xf32>
        %add3A_1447 = arith.addf %add3A_1261, %unpack3A_1445 : vector<16xf32>
        %add3A_1448 = arith.addf %mul3A_1304, %mul3A_1340 : vector<32xbf16>
        %add3A_1449 = arith.addf %mul3A_1376, %mul3A_1412 : vector<32xbf16>
        %add3A_1450 = arith.addf %add3A_1448, %add3A_1449 : vector<32xbf16>
        %unpack3A_1451 = tpu.unpack_subelements %add3A_1450, 0 {pack_format = #tpu.pack_format<interleaved>} : vector<32xbf16> -> vector<16xf32>
        %unpack3A_1452 = tpu.unpack_subelements %add3A_1450, 1 {pack_format = #tpu.pack_format<interleaved>} : vector<32xbf16> -> vector<16xf32>
        %add3A_1453 = arith.addf %add3A_1267, %unpack3A_1451 : vector<16xf32>
        %add3A_1454 = arith.addf %add3A_1268, %unpack3A_1452 : vector<16xf32>
        %add3A_1455 = arith.constant 8 : i32
        %add3A_1456 = arith.addi %mul3A_976, %add3A_1455 : i32
        %get3A_1457 = arith.index_cast %add3A_1456 : i32 to index
        %get3A_1458 = arith.constant 0 : index
        %get3A_1459 = tpu.vector_load %arg11[%get3A_1457, %get3A_1458] {strides = array<i32>} : memref<128x192xbf16, #tpu.memory_space<vmem>>, vector<32xbf16>,
        %mul3A_1460 = arith.mulf %get3A_1459, %bitcast3A_1047 : vector<32xbf16>
        %add3A_1461 = arith.constant 8 : i32
        %add3A_1462 = arith.addi %mul3A_976, %add3A_1461 : i32
        %get3A_1463 = arith.index_cast %add3A_1462 : i32 to index
        %get3A_1464 = arith.constant 32 : index
        %get3A_1465 = tpu.vector_load %arg11[%get3A_1463, %get3A_1464] {strides = array<i32>} : memref<128x192xbf16, #tpu.memory_space<vmem>>, vector<32xbf16>,
        %mul3A_1466 = arith.mulf %get3A_1465, %bitcast3A_1047 : vector<32xbf16>
        %add3A_1467 = arith.constant 8 : i32
        %add3A_1468 = arith.addi %mul3A_976, %add3A_1467 : i32
        %get3A_1469 = arith.index_cast %add3A_1468 : i32 to index
        %get3A_1470 = arith.constant 64 : index
        %get3A_1471 = tpu.vector_load %arg11[%get3A_1469, %get3A_1470] {strides = array<i32>} : memref<128x192xbf16, #tpu.memory_space<vmem>>, vector<32xbf16>,
        %mul3A_1472 = arith.mulf %get3A_1471, %bitcast3A_1047 : vector<32xbf16>
        %add3A_1473 = arith.constant 8 : i32
        %add3A_1474 = arith.addi %mul3A_976, %add3A_1473 : i32
        %get3A_1475 = arith.index_cast %add3A_1474 : i32 to index
        %get3A_1476 = arith.constant 96 : index
        %get3A_1477 = tpu.vector_load %arg11[%get3A_1475, %get3A_1476] {strides = array<i32>} : memref<128x192xbf16, #tpu.memory_space<vmem>>, vector<32xbf16>,
        %mul3A_1478 = arith.mulf %get3A_1477, %bitcast3A_1047 : vector<32xbf16>
        %add3A_1479 = arith.constant 8 : i32
        %add3A_1480 = arith.addi %mul3A_976, %add3A_1479 : i32
        %get3A_1481 = arith.index_cast %add3A_1480 : i32 to index
        %get3A_1482 = arith.constant 128 : index
        %get3A_1483 = tpu.vector_load %arg11[%get3A_1481, %get3A_1482] {strides = array<i32>} : memref<128x192xbf16, #tpu.memory_space<vmem>>, vector<32xbf16>,
        %mul3A_1484 = arith.mulf %get3A_1483, %bitcast3A_1047 : vector<32xbf16>
        %add3A_1485 = arith.constant 8 : i32
        %add3A_1486 = arith.addi %mul3A_976, %add3A_1485 : i32
        %get3A_1487 = arith.index_cast %add3A_1486 : i32 to index
        %get3A_1488 = arith.constant 160 : index
        %get3A_1489 = tpu.vector_load %arg11[%get3A_1487, %get3A_1488] {strides = array<i32>} : memref<128x192xbf16, #tpu.memory_space<vmem>>, vector<32xbf16>,
        %mul3A_1490 = arith.mulf %get3A_1489, %bitcast3A_1047 : vector<32xbf16>
        %add3A_1491 = arith.constant 9 : i32
        %add3A_1492 = arith.addi %mul3A_976, %add3A_1491 : i32
        %get3A_1493 = arith.index_cast %add3A_1492 : i32 to index
        %get3A_1494 = arith.constant 0 : index
        %get3A_1495 = tpu.vector_load %arg11[%get3A_1493, %get3A_1494] {strides = array<i32>} : memref<128x192xbf16, #tpu.memory_space<vmem>>, vector<32xbf16>,
        %mul3A_1496 = arith.mulf %get3A_1495, %bitcast3A_1052 : vector<32xbf16>
        %add3A_1497 = arith.constant 9 : i32
        %add3A_1498 = arith.addi %mul3A_976, %add3A_1497 : i32
        %get3A_1499 = arith.index_cast %add3A_1498 : i32 to index
        %get3A_1500 = arith.constant 32 : index
        %get3A_1501 = tpu.vector_load %arg11[%get3A_1499, %get3A_1500] {strides = array<i32>} : memref<128x192xbf16, #tpu.memory_space<vmem>>, vector<32xbf16>,
        %mul3A_1502 = arith.mulf %get3A_1501, %bitcast3A_1052 : vector<32xbf16>
        %add3A_1503 = arith.constant 9 : i32
        %add3A_1504 = arith.addi %mul3A_976, %add3A_1503 : i32
        %get3A_1505 = arith.index_cast %add3A_1504 : i32 to index
        %get3A_1506 = arith.constant 64 : index
        %get3A_1507 = tpu.vector_load %arg11[%get3A_1505, %get3A_1506] {strides = array<i32>} : memref<128x192xbf16, #tpu.memory_space<vmem>>, vector<32xbf16>,
        %mul3A_1508 = arith.mulf %get3A_1507, %bitcast3A_1052 : vector<32xbf16>
        %add3A_1509 = arith.constant 9 : i32
        %add3A_1510 = arith.addi %mul3A_976, %add3A_1509 : i32
        %get3A_1511 = arith.index_cast %add3A_1510 : i32 to index
        %get3A_1512 = arith.constant 96 : index
        %get3A_1513 = tpu.vector_load %arg11[%get3A_1511, %get3A_1512] {strides = array<i32>} : memref<128x192xbf16, #tpu.memory_space<vmem>>, vector<32xbf16>,
        %mul3A_1514 = arith.mulf %get3A_1513, %bitcast3A_1052 : vector<32xbf16>
        %add3A_1515 = arith.constant 9 : i32
        %add3A_1516 = arith.addi %mul3A_976, %add3A_1515 : i32
        %get3A_1517 = arith.index_cast %add3A_1516 : i32 to index
        %get3A_1518 = arith.constant 128 : index
        %get3A_1519 = tpu.vector_load %arg11[%get3A_1517, %get3A_1518] {strides = array<i32>} : memref<128x192xbf16, #tpu.memory_space<vmem>>, vector<32xbf16>,
        %mul3A_1520 = arith.mulf %get3A_1519, %bitcast3A_1052 : vector<32xbf16>
        %add3A_1521 = arith.constant 9 : i32
        %add3A_1522 = arith.addi %mul3A_976, %add3A_1521 : i32
        %get3A_1523 = arith.index_cast %add3A_1522 : i32 to index
        %get3A_1524 = arith.constant 160 : index
        %get3A_1525 = tpu.vector_load %arg11[%get3A_1523, %get3A_1524] {strides = array<i32>} : memref<128x192xbf16, #tpu.memory_space<vmem>>, vector<32xbf16>,
        %mul3A_1526 = arith.mulf %get3A_1525, %bitcast3A_1052 : vector<32xbf16>
        %add3A_1527 = arith.constant 10 : i32
        %add3A_1528 = arith.addi %mul3A_976, %add3A_1527 : i32
        %get3A_1529 = arith.index_cast %add3A_1528 : i32 to index
        %get3A_1530 = arith.constant 0 : index
        %get3A_1531 = tpu.vector_load %arg11[%get3A_1529, %get3A_1530] {strides = array<i32>} : memref<128x192xbf16, #tpu.memory_space<vmem>>, vector<32xbf16>,
        %mul3A_1532 = arith.mulf %get3A_1531, %bitcast3A_1057 : vector<32xbf16>
        %add3A_1533 = arith.constant 10 : i32
        %add3A_1534 = arith.addi %mul3A_976, %add3A_1533 : i32
        %get3A_1535 = arith.index_cast %add3A_1534 : i32 to index
        %get3A_1536 = arith.constant 32 : index
        %get3A_1537 = tpu.vector_load %arg11[%get3A_1535, %get3A_1536] {strides = array<i32>} : memref<128x192xbf16, #tpu.memory_space<vmem>>, vector<32xbf16>,
        %mul3A_1538 = arith.mulf %get3A_1537, %bitcast3A_1057 : vector<32xbf16>
        %add3A_1539 = arith.constant 10 : i32
        %add3A_1540 = arith.addi %mul3A_976, %add3A_1539 : i32
        %get3A_1541 = arith.index_cast %add3A_1540 : i32 to index
        %get3A_1542 = arith.constant 64 : index
        %get3A_1543 = tpu.vector_load %arg11[%get3A_1541, %get3A_1542] {strides = array<i32>} : memref<128x192xbf16, #tpu.memory_space<vmem>>, vector<32xbf16>,
        %mul3A_1544 = arith.mulf %get3A_1543, %bitcast3A_1057 : vector<32xbf16>
        %add3A_1545 = arith.constant 10 : i32
        %add3A_1546 = arith.addi %mul3A_976, %add3A_1545 : i32
        %get3A_1547 = arith.index_cast %add3A_1546 : i32 to index
        %get3A_1548 = arith.constant 96 : index
        %get3A_1549 = tpu.vector_load %arg11[%get3A_1547, %get3A_1548] {strides = array<i32>} : memref<128x192xbf16, #tpu.memory_space<vmem>>, vector<32xbf16>,
        %mul3A_1550 = arith.mulf %get3A_1549, %bitcast3A_1057 : vector<32xbf16>
        %add3A_1551 = arith.constant 10 : i32
        %add3A_1552 = arith.addi %mul3A_976, %add3A_1551 : i32
        %get3A_1553 = arith.index_cast %add3A_1552 : i32 to index
        %get3A_1554 = arith.constant 128 : index
        %get3A_1555 = tpu.vector_load %arg11[%get3A_1553, %get3A_1554] {strides = array<i32>} : memref<128x192xbf16, #tpu.memory_space<vmem>>, vector<32xbf16>,
        %mul3A_1556 = arith.mulf %get3A_1555, %bitcast3A_1057 : vector<32xbf16>
        %add3A_1557 = arith.constant 10 : i32
        %add3A_1558 = arith.addi %mul3A_976, %add3A_1557 : i32
        %get3A_1559 = arith.index_cast %add3A_1558 : i32 to index
        %get3A_1560 = arith.constant 160 : index
        %get3A_1561 = tpu.vector_load %arg11[%get3A_1559, %get3A_1560] {strides = array<i32>} : memref<128x192xbf16, #tpu.memory_space<vmem>>, vector<32xbf16>,
        %mul3A_1562 = arith.mulf %get3A_1561, %bitcast3A_1057 : vector<32xbf16>
        %add3A_1563 = arith.constant 11 : i32
        %add3A_1564 = arith.addi %mul3A_976, %add3A_1563 : i32
        %get3A_1565 = arith.index_cast %add3A_1564 : i32 to index
        %get3A_1566 = arith.constant 0 : index
        %get3A_1567 = tpu.vector_load %arg11[%get3A_1565, %get3A_1566] {strides = array<i32>} : memref<128x192xbf16, #tpu.memory_space<vmem>>, vector<32xbf16>,
        %mul3A_1568 = arith.mulf %get3A_1567, %bitcast3A_1062 : vector<32xbf16>
        %add3A_1569 = arith.constant 11 : i32
        %add3A_1570 = arith.addi %mul3A_976, %add3A_1569 : i32
        %get3A_1571 = arith.index_cast %add3A_1570 : i32 to index
        %get3A_1572 = arith.constant 32 : index
        %get3A_1573 = tpu.vector_load %arg11[%get3A_1571, %get3A_1572] {strides = array<i32>} : memref<128x192xbf16, #tpu.memory_space<vmem>>, vector<32xbf16>,
        %mul3A_1574 = arith.mulf %get3A_1573, %bitcast3A_1062 : vector<32xbf16>
        %add3A_1575 = arith.constant 11 : i32
        %add3A_1576 = arith.addi %mul3A_976, %add3A_1575 : i32
        %get3A_1577 = arith.index_cast %add3A_1576 : i32 to index
        %get3A_1578 = arith.constant 64 : index
        %get3A_1579 = tpu.vector_load %arg11[%get3A_1577, %get3A_1578] {strides = array<i32>} : memref<128x192xbf16, #tpu.memory_space<vmem>>, vector<32xbf16>,
        %mul3A_1580 = arith.mulf %get3A_1579, %bitcast3A_1062 : vector<32xbf16>
        %add3A_1581 = arith.constant 11 : i32
        %add3A_1582 = arith.addi %mul3A_976, %add3A_1581 : i32
        %get3A_1583 = arith.index_cast %add3A_1582 : i32 to index
        %get3A_1584 = arith.constant 96 : index
        %get3A_1585 = tpu.vector_load %arg11[%get3A_1583, %get3A_1584] {strides = array<i32>} : memref<128x192xbf16, #tpu.memory_space<vmem>>, vector<32xbf16>,
        %mul3A_1586 = arith.mulf %get3A_1585, %bitcast3A_1062 : vector<32xbf16>
        %add3A_1587 = arith.constant 11 : i32
        %add3A_1588 = arith.addi %mul3A_976, %add3A_1587 : i32
        %get3A_1589 = arith.index_cast %add3A_1588 : i32 to index
        %get3A_1590 = arith.constant 128 : index
        %get3A_1591 = tpu.vector_load %arg11[%get3A_1589, %get3A_1590] {strides = array<i32>} : memref<128x192xbf16, #tpu.memory_space<vmem>>, vector<32xbf16>,
        %mul3A_1592 = arith.mulf %get3A_1591, %bitcast3A_1062 : vector<32xbf16>
        %add3A_1593 = arith.constant 11 : i32
        %add3A_1594 = arith.addi %mul3A_976, %add3A_1593 : i32
        %get3A_1595 = arith.index_cast %add3A_1594 : i32 to index
        %get3A_1596 = arith.constant 160 : index
        %get3A_1597 = tpu.vector_load %arg11[%get3A_1595, %get3A_1596] {strides = array<i32>} : memref<128x192xbf16, #tpu.memory_space<vmem>>, vector<32xbf16>,
        %mul3A_1598 = arith.mulf %get3A_1597, %bitcast3A_1062 : vector<32xbf16>
        %add3A_1599 = arith.addf %mul3A_1460, %mul3A_1496 : vector<32xbf16>
        %add3A_1600 = arith.addf %mul3A_1532, %mul3A_1568 : vector<32xbf16>
        %add3A_1601 = arith.addf %add3A_1599, %add3A_1600 : vector<32xbf16>
        %unpack3A_1602 = tpu.unpack_subelements %add3A_1601, 0 {pack_format = #tpu.pack_format<interleaved>} : vector<32xbf16> -> vector<16xf32>
        %unpack3A_1603 = tpu.unpack_subelements %add3A_1601, 1 {pack_format = #tpu.pack_format<interleaved>} : vector<32xbf16> -> vector<16xf32>
        %add3A_1604 = arith.addf %add3A_1418, %unpack3A_1602 : vector<16xf32>
        %add3A_1605 = arith.addf %add3A_1419, %unpack3A_1603 : vector<16xf32>
        %add3A_1606 = arith.addf %mul3A_1466, %mul3A_1502 : vector<32xbf16>
        %add3A_1607 = arith.addf %mul3A_1538, %mul3A_1574 : vector<32xbf16>
        %add3A_1608 = arith.addf %add3A_1606, %add3A_1607 : vector<32xbf16>
        %unpack3A_1609 = tpu.unpack_subelements %add3A_1608, 0 {pack_format = #tpu.pack_format<interleaved>} : vector<32xbf16> -> vector<16xf32>
        %unpack3A_1610 = tpu.unpack_subelements %add3A_1608, 1 {pack_format = #tpu.pack_format<interleaved>} : vector<32xbf16> -> vector<16xf32>
        %add3A_1611 = arith.addf %add3A_1425, %unpack3A_1609 : vector<16xf32>
        %add3A_1612 = arith.addf %add3A_1426, %unpack3A_1610 : vector<16xf32>
        %add3A_1613 = arith.addf %mul3A_1472, %mul3A_1508 : vector<32xbf16>
        %add3A_1614 = arith.addf %mul3A_1544, %mul3A_1580 : vector<32xbf16>
        %add3A_1615 = arith.addf %add3A_1613, %add3A_1614 : vector<32xbf16>
        %unpack3A_1616 = tpu.unpack_subelements %add3A_1615, 0 {pack_format = #tpu.pack_format<interleaved>} : vector<32xbf16> -> vector<16xf32>
        %unpack3A_1617 = tpu.unpack_subelements %add3A_1615, 1 {pack_format = #tpu.pack_format<interleaved>} : vector<32xbf16> -> vector<16xf32>
        %add3A_1618 = arith.addf %add3A_1432, %unpack3A_1616 : vector<16xf32>
        %add3A_1619 = arith.addf %add3A_1433, %unpack3A_1617 : vector<16xf32>
        %add3A_1620 = arith.addf %mul3A_1478, %mul3A_1514 : vector<32xbf16>
        %add3A_1621 = arith.addf %mul3A_1550, %mul3A_1586 : vector<32xbf16>
        %add3A_1622 = arith.addf %add3A_1620, %add3A_1621 : vector<32xbf16>
        %unpack3A_1623 = tpu.unpack_subelements %add3A_1622, 0 {pack_format = #tpu.pack_format<interleaved>} : vector<32xbf16> -> vector<16xf32>
        %unpack3A_1624 = tpu.unpack_subelements %add3A_1622, 1 {pack_format = #tpu.pack_format<interleaved>} : vector<32xbf16> -> vector<16xf32>
        %add3A_1625 = arith.addf %add3A_1439, %unpack3A_1623 : vector<16xf32>
        %add3A_1626 = arith.addf %add3A_1440, %unpack3A_1624 : vector<16xf32>
        %add3A_1627 = arith.addf %mul3A_1484, %mul3A_1520 : vector<32xbf16>
        %add3A_1628 = arith.addf %mul3A_1556, %mul3A_1592 : vector<32xbf16>
        %add3A_1629 = arith.addf %add3A_1627, %add3A_1628 : vector<32xbf16>
        %unpack3A_1630 = tpu.unpack_subelements %add3A_1629, 0 {pack_format = #tpu.pack_format<interleaved>} : vector<32xbf16> -> vector<16xf32>
        %unpack3A_1631 = tpu.unpack_subelements %add3A_1629, 1 {pack_format = #tpu.pack_format<interleaved>} : vector<32xbf16> -> vector<16xf32>
        %add3A_1632 = arith.addf %add3A_1446, %unpack3A_1630 : vector<16xf32>
        %add3A_1633 = arith.addf %add3A_1447, %unpack3A_1631 : vector<16xf32>
        %add3A_1634 = arith.addf %mul3A_1490, %mul3A_1526 : vector<32xbf16>
        %add3A_1635 = arith.addf %mul3A_1562, %mul3A_1598 : vector<32xbf16>
        %add3A_1636 = arith.addf %add3A_1634, %add3A_1635 : vector<32xbf16>
        %unpack3A_1637 = tpu.unpack_subelements %add3A_1636, 0 {pack_format = #tpu.pack_format<interleaved>} : vector<32xbf16> -> vector<16xf32>
        %unpack3A_1638 = tpu.unpack_subelements %add3A_1636, 1 {pack_format = #tpu.pack_format<interleaved>} : vector<32xbf16> -> vector<16xf32>
        %add3A_1639 = arith.addf %add3A_1453, %unpack3A_1637 : vector<16xf32>
        %add3A_1640 = arith.addf %add3A_1454, %unpack3A_1638 : vector<16xf32>
        %add3A_1641 = arith.constant 12 : i32
        %add3A_1642 = arith.addi %mul3A_976, %add3A_1641 : i32
        %get3A_1643 = arith.index_cast %add3A_1642 : i32 to index
        %get3A_1644 = arith.constant 0 : index
        %get3A_1645 = tpu.vector_load %arg11[%get3A_1643, %get3A_1644] {strides = array<i32>} : memref<128x192xbf16, #tpu.memory_space<vmem>>, vector<32xbf16>,
        %mul3A_1646 = arith.mulf %get3A_1645, %bitcast3A_1067 : vector<32xbf16>
        %add3A_1647 = arith.constant 12 : i32
        %add3A_1648 = arith.addi %mul3A_976, %add3A_1647 : i32
        %get3A_1649 = arith.index_cast %add3A_1648 : i32 to index
        %get3A_1650 = arith.constant 32 : index
        %get3A_1651 = tpu.vector_load %arg11[%get3A_1649, %get3A_1650] {strides = array<i32>} : memref<128x192xbf16, #tpu.memory_space<vmem>>, vector<32xbf16>,
        %mul3A_1652 = arith.mulf %get3A_1651, %bitcast3A_1067 : vector<32xbf16>
        %add3A_1653 = arith.constant 12 : i32
        %add3A_1654 = arith.addi %mul3A_976, %add3A_1653 : i32
        %get3A_1655 = arith.index_cast %add3A_1654 : i32 to index
        %get3A_1656 = arith.constant 64 : index
        %get3A_1657 = tpu.vector_load %arg11[%get3A_1655, %get3A_1656] {strides = array<i32>} : memref<128x192xbf16, #tpu.memory_space<vmem>>, vector<32xbf16>,
        %mul3A_1658 = arith.mulf %get3A_1657, %bitcast3A_1067 : vector<32xbf16>
        %add3A_1659 = arith.constant 12 : i32
        %add3A_1660 = arith.addi %mul3A_976, %add3A_1659 : i32
        %get3A_1661 = arith.index_cast %add3A_1660 : i32 to index
        %get3A_1662 = arith.constant 96 : index
        %get3A_1663 = tpu.vector_load %arg11[%get3A_1661, %get3A_1662] {strides = array<i32>} : memref<128x192xbf16, #tpu.memory_space<vmem>>, vector<32xbf16>,
        %mul3A_1664 = arith.mulf %get3A_1663, %bitcast3A_1067 : vector<32xbf16>
        %add3A_1665 = arith.constant 12 : i32
        %add3A_1666 = arith.addi %mul3A_976, %add3A_1665 : i32
        %get3A_1667 = arith.index_cast %add3A_1666 : i32 to index
        %get3A_1668 = arith.constant 128 : index
        %get3A_1669 = tpu.vector_load %arg11[%get3A_1667, %get3A_1668] {strides = array<i32>} : memref<128x192xbf16, #tpu.memory_space<vmem>>, vector<32xbf16>,
        %mul3A_1670 = arith.mulf %get3A_1669, %bitcast3A_1067 : vector<32xbf16>
        %add3A_1671 = arith.constant 12 : i32
        %add3A_1672 = arith.addi %mul3A_976, %add3A_1671 : i32
        %get3A_1673 = arith.index_cast %add3A_1672 : i32 to index
        %get3A_1674 = arith.constant 160 : index
        %get3A_1675 = tpu.vector_load %arg11[%get3A_1673, %get3A_1674] {strides = array<i32>} : memref<128x192xbf16, #tpu.memory_space<vmem>>, vector<32xbf16>,
        %mul3A_1676 = arith.mulf %get3A_1675, %bitcast3A_1067 : vector<32xbf16>
        %add3A_1677 = arith.constant 13 : i32
        %add3A_1678 = arith.addi %mul3A_976, %add3A_1677 : i32
        %get3A_1679 = arith.index_cast %add3A_1678 : i32 to index
        %get3A_1680 = arith.constant 0 : index
        %get3A_1681 = tpu.vector_load %arg11[%get3A_1679, %get3A_1680] {strides = array<i32>} : memref<128x192xbf16, #tpu.memory_space<vmem>>, vector<32xbf16>,
        %mul3A_1682 = arith.mulf %get3A_1681, %bitcast3A_1072 : vector<32xbf16>
        %add3A_1683 = arith.constant 13 : i32
        %add3A_1684 = arith.addi %mul3A_976, %add3A_1683 : i32
        %get3A_1685 = arith.index_cast %add3A_1684 : i32 to index
        %get3A_1686 = arith.constant 32 : index
        %get3A_1687 = tpu.vector_load %arg11[%get3A_1685, %get3A_1686] {strides = array<i32>} : memref<128x192xbf16, #tpu.memory_space<vmem>>, vector<32xbf16>,
        %mul3A_1688 = arith.mulf %get3A_1687, %bitcast3A_1072 : vector<32xbf16>
        %add3A_1689 = arith.constant 13 : i32
        %add3A_1690 = arith.addi %mul3A_976, %add3A_1689 : i32
        %get3A_1691 = arith.index_cast %add3A_1690 : i32 to index
        %get3A_1692 = arith.constant 64 : index
        %get3A_1693 = tpu.vector_load %arg11[%get3A_1691, %get3A_1692] {strides = array<i32>} : memref<128x192xbf16, #tpu.memory_space<vmem>>, vector<32xbf16>,
        %mul3A_1694 = arith.mulf %get3A_1693, %bitcast3A_1072 : vector<32xbf16>
        %add3A_1695 = arith.constant 13 : i32
        %add3A_1696 = arith.addi %mul3A_976, %add3A_1695 : i32
        %get3A_1697 = arith.index_cast %add3A_1696 : i32 to index
        %get3A_1698 = arith.constant 96 : index
        %get3A_1699 = tpu.vector_load %arg11[%get3A_1697, %get3A_1698] {strides = array<i32>} : memref<128x192xbf16, #tpu.memory_space<vmem>>, vector<32xbf16>,
        %mul3A_1700 = arith.mulf %get3A_1699, %bitcast3A_1072 : vector<32xbf16>
        %add3A_1701 = arith.constant 13 : i32
        %add3A_1702 = arith.addi %mul3A_976, %add3A_1701 : i32
        %get3A_1703 = arith.index_cast %add3A_1702 : i32 to index
        %get3A_1704 = arith.constant 128 : index
        %get3A_1705 = tpu.vector_load %arg11[%get3A_1703, %get3A_1704] {strides = array<i32>} : memref<128x192xbf16, #tpu.memory_space<vmem>>, vector<32xbf16>,
        %mul3A_1706 = arith.mulf %get3A_1705, %bitcast3A_1072 : vector<32xbf16>
        %add3A_1707 = arith.constant 13 : i32
        %add3A_1708 = arith.addi %mul3A_976, %add3A_1707 : i32
        %get3A_1709 = arith.index_cast %add3A_1708 : i32 to index
        %get3A_1710 = arith.constant 160 : index
        %get3A_1711 = tpu.vector_load %arg11[%get3A_1709, %get3A_1710] {strides = array<i32>} : memref<128x192xbf16, #tpu.memory_space<vmem>>, vector<32xbf16>,
        %mul3A_1712 = arith.mulf %get3A_1711, %bitcast3A_1072 : vector<32xbf16>
        %add3A_1713 = arith.constant 14 : i32
        %add3A_1714 = arith.addi %mul3A_976, %add3A_1713 : i32
        %get3A_1715 = arith.index_cast %add3A_1714 : i32 to index
        %get3A_1716 = arith.constant 0 : index
        %get3A_1717 = tpu.vector_load %arg11[%get3A_1715, %get3A_1716] {strides = array<i32>} : memref<128x192xbf16, #tpu.memory_space<vmem>>, vector<32xbf16>,
        %mul3A_1718 = arith.mulf %get3A_1717, %bitcast3A_1077 : vector<32xbf16>
        %add3A_1719 = arith.constant 14 : i32
        %add3A_1720 = arith.addi %mul3A_976, %add3A_1719 : i32
        %get3A_1721 = arith.index_cast %add3A_1720 : i32 to index
        %get3A_1722 = arith.constant 32 : index
        %get3A_1723 = tpu.vector_load %arg11[%get3A_1721, %get3A_1722] {strides = array<i32>} : memref<128x192xbf16, #tpu.memory_space<vmem>>, vector<32xbf16>,
        %mul3A_1724 = arith.mulf %get3A_1723, %bitcast3A_1077 : vector<32xbf16>
        %add3A_1725 = arith.constant 14 : i32
        %add3A_1726 = arith.addi %mul3A_976, %add3A_1725 : i32
        %get3A_1727 = arith.index_cast %add3A_1726 : i32 to index
        %get3A_1728 = arith.constant 64 : index
        %get3A_1729 = tpu.vector_load %arg11[%get3A_1727, %get3A_1728] {strides = array<i32>} : memref<128x192xbf16, #tpu.memory_space<vmem>>, vector<32xbf16>,
        %mul3A_1730 = arith.mulf %get3A_1729, %bitcast3A_1077 : vector<32xbf16>
        %add3A_1731 = arith.constant 14 : i32
        %add3A_1732 = arith.addi %mul3A_976, %add3A_1731 : i32
        %get3A_1733 = arith.index_cast %add3A_1732 : i32 to index
        %get3A_1734 = arith.constant 96 : index
        %get3A_1735 = tpu.vector_load %arg11[%get3A_1733, %get3A_1734] {strides = array<i32>} : memref<128x192xbf16, #tpu.memory_space<vmem>>, vector<32xbf16>,
        %mul3A_1736 = arith.mulf %get3A_1735, %bitcast3A_1077 : vector<32xbf16>
        %add3A_1737 = arith.constant 14 : i32
        %add3A_1738 = arith.addi %mul3A_976, %add3A_1737 : i32
        %get3A_1739 = arith.index_cast %add3A_1738 : i32 to index
        %get3A_1740 = arith.constant 128 : index
        %get3A_1741 = tpu.vector_load %arg11[%get3A_1739, %get3A_1740] {strides = array<i32>} : memref<128x192xbf16, #tpu.memory_space<vmem>>, vector<32xbf16>,
        %mul3A_1742 = arith.mulf %get3A_1741, %bitcast3A_1077 : vector<32xbf16>
        %add3A_1743 = arith.constant 14 : i32
        %add3A_1744 = arith.addi %mul3A_976, %add3A_1743 : i32
        %get3A_1745 = arith.index_cast %add3A_1744 : i32 to index
        %get3A_1746 = arith.constant 160 : index
        %get3A_1747 = tpu.vector_load %arg11[%get3A_1745, %get3A_1746] {strides = array<i32>} : memref<128x192xbf16, #tpu.memory_space<vmem>>, vector<32xbf16>,
        %mul3A_1748 = arith.mulf %get3A_1747, %bitcast3A_1077 : vector<32xbf16>
        %add3A_1749 = arith.constant 15 : i32
        %add3A_1750 = arith.addi %mul3A_976, %add3A_1749 : i32
        %get3A_1751 = arith.index_cast %add3A_1750 : i32 to index
        %get3A_1752 = arith.constant 0 : index
        %get3A_1753 = tpu.vector_load %arg11[%get3A_1751, %get3A_1752] {strides = array<i32>} : memref<128x192xbf16, #tpu.memory_space<vmem>>, vector<32xbf16>,
        %mul3A_1754 = arith.mulf %get3A_1753, %bitcast3A_1082 : vector<32xbf16>
        %add3A_1755 = arith.constant 15 : i32
        %add3A_1756 = arith.addi %mul3A_976, %add3A_1755 : i32
        %get3A_1757 = arith.index_cast %add3A_1756 : i32 to index
        %get3A_1758 = arith.constant 32 : index
        %get3A_1759 = tpu.vector_load %arg11[%get3A_1757, %get3A_1758] {strides = array<i32>} : memref<128x192xbf16, #tpu.memory_space<vmem>>, vector<32xbf16>,
        %mul3A_1760 = arith.mulf %get3A_1759, %bitcast3A_1082 : vector<32xbf16>
        %add3A_1761 = arith.constant 15 : i32
        %add3A_1762 = arith.addi %mul3A_976, %add3A_1761 : i32
        %get3A_1763 = arith.index_cast %add3A_1762 : i32 to index
        %get3A_1764 = arith.constant 64 : index
        %get3A_1765 = tpu.vector_load %arg11[%get3A_1763, %get3A_1764] {strides = array<i32>} : memref<128x192xbf16, #tpu.memory_space<vmem>>, vector<32xbf16>,
        %mul3A_1766 = arith.mulf %get3A_1765, %bitcast3A_1082 : vector<32xbf16>
        %add3A_1767 = arith.constant 15 : i32
        %add3A_1768 = arith.addi %mul3A_976, %add3A_1767 : i32
        %get3A_1769 = arith.index_cast %add3A_1768 : i32 to index
        %get3A_1770 = arith.constant 96 : index
        %get3A_1771 = tpu.vector_load %arg11[%get3A_1769, %get3A_1770] {strides = array<i32>} : memref<128x192xbf16, #tpu.memory_space<vmem>>, vector<32xbf16>,
        %mul3A_1772 = arith.mulf %get3A_1771, %bitcast3A_1082 : vector<32xbf16>
        %add3A_1773 = arith.constant 15 : i32
        %add3A_1774 = arith.addi %mul3A_976, %add3A_1773 : i32
        %get3A_1775 = arith.index_cast %add3A_1774 : i32 to index
        %get3A_1776 = arith.constant 128 : index
        %get3A_1777 = tpu.vector_load %arg11[%get3A_1775, %get3A_1776] {strides = array<i32>} : memref<128x192xbf16, #tpu.memory_space<vmem>>, vector<32xbf16>,
        %mul3A_1778 = arith.mulf %get3A_1777, %bitcast3A_1082 : vector<32xbf16>
        %add3A_1779 = arith.constant 15 : i32
        %add3A_1780 = arith.addi %mul3A_976, %add3A_1779 : i32
        %get3A_1781 = arith.index_cast %add3A_1780 : i32 to index
        %get3A_1782 = arith.constant 160 : index
        %get3A_1783 = tpu.vector_load %arg11[%get3A_1781, %get3A_1782] {strides = array<i32>} : memref<128x192xbf16, #tpu.memory_space<vmem>>, vector<32xbf16>,
        %mul3A_1784 = arith.mulf %get3A_1783, %bitcast3A_1082 : vector<32xbf16>
        %add3A_1785 = arith.addf %mul3A_1646, %mul3A_1682 : vector<32xbf16>
        %add3A_1786 = arith.addf %mul3A_1718, %mul3A_1754 : vector<32xbf16>
        %add3A_1787 = arith.addf %add3A_1785, %add3A_1786 : vector<32xbf16>
        %unpack3A_1788 = tpu.unpack_subelements %add3A_1787, 0 {pack_format = #tpu.pack_format<interleaved>} : vector<32xbf16> -> vector<16xf32>
        %unpack3A_1789 = tpu.unpack_subelements %add3A_1787, 1 {pack_format = #tpu.pack_format<interleaved>} : vector<32xbf16> -> vector<16xf32>
        %add3A_1790 = arith.addf %add3A_1604, %unpack3A_1788 : vector<16xf32>
        %add3A_1791 = arith.addf %add3A_1605, %unpack3A_1789 : vector<16xf32>
        %add3A_1792 = arith.addf %mul3A_1652, %mul3A_1688 : vector<32xbf16>
        %add3A_1793 = arith.addf %mul3A_1724, %mul3A_1760 : vector<32xbf16>
        %add3A_1794 = arith.addf %add3A_1792, %add3A_1793 : vector<32xbf16>
        %unpack3A_1795 = tpu.unpack_subelements %add3A_1794, 0 {pack_format = #tpu.pack_format<interleaved>} : vector<32xbf16> -> vector<16xf32>
        %unpack3A_1796 = tpu.unpack_subelements %add3A_1794, 1 {pack_format = #tpu.pack_format<interleaved>} : vector<32xbf16> -> vector<16xf32>
        %add3A_1797 = arith.addf %add3A_1611, %unpack3A_1795 : vector<16xf32>
        %add3A_1798 = arith.addf %add3A_1612, %unpack3A_1796 : vector<16xf32>
        %add3A_1799 = arith.addf %mul3A_1658, %mul3A_1694 : vector<32xbf16>
        %add3A_1800 = arith.addf %mul3A_1730, %mul3A_1766 : vector<32xbf16>
        %add3A_1801 = arith.addf %add3A_1799, %add3A_1800 : vector<32xbf16>
        %unpack3A_1802 = tpu.unpack_subelements %add3A_1801, 0 {pack_format = #tpu.pack_format<interleaved>} : vector<32xbf16> -> vector<16xf32>
        %unpack3A_1803 = tpu.unpack_subelements %add3A_1801, 1 {pack_format = #tpu.pack_format<interleaved>} : vector<32xbf16> -> vector<16xf32>
        %add3A_1804 = arith.addf %add3A_1618, %unpack3A_1802 : vector<16xf32>
        %add3A_1805 = arith.addf %add3A_1619, %unpack3A_1803 : vector<16xf32>
        %add3A_1806 = arith.addf %mul3A_1664, %mul3A_1700 : vector<32xbf16>
        %add3A_1807 = arith.addf %mul3A_1736, %mul3A_1772 : vector<32xbf16>
        %add3A_1808 = arith.addf %add3A_1806, %add3A_1807 : vector<32xbf16>
        %unpack3A_1809 = tpu.unpack_subelements %add3A_1808, 0 {pack_format = #tpu.pack_format<interleaved>} : vector<32xbf16> -> vector<16xf32>
        %unpack3A_1810 = tpu.unpack_subelements %add3A_1808, 1 {pack_format = #tpu.pack_format<interleaved>} : vector<32xbf16> -> vector<16xf32>
        %add3A_1811 = arith.addf %add3A_1625, %unpack3A_1809 : vector<16xf32>
        %add3A_1812 = arith.addf %add3A_1626, %unpack3A_1810 : vector<16xf32>
        %add3A_1813 = arith.addf %mul3A_1670, %mul3A_1706 : vector<32xbf16>
        %add3A_1814 = arith.addf %mul3A_1742, %mul3A_1778 : vector<32xbf16>
        %add3A_1815 = arith.addf %add3A_1813, %add3A_1814 : vector<32xbf16>
        %unpack3A_1816 = tpu.unpack_subelements %add3A_1815, 0 {pack_format = #tpu.pack_format<interleaved>} : vector<32xbf16> -> vector<16xf32>
        %unpack3A_1817 = tpu.unpack_subelements %add3A_1815, 1 {pack_format = #tpu.pack_format<interleaved>} : vector<32xbf16> -> vector<16xf32>
        %add3A_1818 = arith.addf %add3A_1632, %unpack3A_1816 : vector<16xf32>
        %add3A_1819 = arith.addf %add3A_1633, %unpack3A_1817 : vector<16xf32>
        %add3A_1820 = arith.addf %mul3A_1676, %mul3A_1712 : vector<32xbf16>
        %add3A_1821 = arith.addf %mul3A_1748, %mul3A_1784 : vector<32xbf16>
        %add3A_1822 = arith.addf %add3A_1820, %add3A_1821 : vector<32xbf16>
        %unpack3A_1823 = tpu.unpack_subelements %add3A_1822, 0 {pack_format = #tpu.pack_format<interleaved>} : vector<32xbf16> -> vector<16xf32>
        %unpack3A_1824 = tpu.unpack_subelements %add3A_1822, 1 {pack_format = #tpu.pack_format<interleaved>} : vector<32xbf16> -> vector<16xf32>
        %add3A_1825 = arith.addf %add3A_1639, %unpack3A_1823 : vector<16xf32>
        %add3A_1826 = arith.addf %add3A_1640, %unpack3A_1824 : vector<16xf32>
        %broadcast_in_dim3A_1827 = vector.broadcast %add3A_974 : i32 to vector<16xi32>
        %add3A_1828 = arith.constant 0 : i32
        %add3A_1829 = vector.broadcast %add3A_1828 : i32 to vector<16xi32>
        %add3A_1830 = arith.addi %add3A_1829, %mul3A_53 : vector<16xi32>
        tpu.vector_store_idx %arg12[%broadcast_in_dim3A_1827, %add3A_1830], %add3A_1790 : memref<8x192xf32, #tpu.memory_space<vmem>>[vector<16xi32>, vector<16xi32>], vector<16xf32>,
        %add3A_1831 = arith.constant 0 : i32
        %add3A_1832 = vector.broadcast %add3A_1831 : i32 to vector<16xi32>
        %add3A_1833 = arith.addi %add3A_1832, %mul3A_53 : vector<16xi32>
        %add3A_1834 = arith.constant 1 : i32
        %add3A_1835 = vector.broadcast %add3A_1834 : i32 to vector<16xi32>
        %add3A_1836 = arith.addi %add3A_1833, %add3A_1835 : vector<16xi32>
        tpu.vector_store_idx %arg12[%broadcast_in_dim3A_1827, %add3A_1836], %add3A_1791 : memref<8x192xf32, #tpu.memory_space<vmem>>[vector<16xi32>, vector<16xi32>], vector<16xf32>,
        %add3A_1837 = arith.constant 32 : i32
        %add3A_1838 = vector.broadcast %add3A_1837 : i32 to vector<16xi32>
        %add3A_1839 = arith.addi %add3A_1838, %mul3A_53 : vector<16xi32>
        tpu.vector_store_idx %arg12[%broadcast_in_dim3A_1827, %add3A_1839], %add3A_1797 : memref<8x192xf32, #tpu.memory_space<vmem>>[vector<16xi32>, vector<16xi32>], vector<16xf32>,
        %add3A_1840 = arith.constant 32 : i32
        %add3A_1841 = vector.broadcast %add3A_1840 : i32 to vector<16xi32>
        %add3A_1842 = arith.addi %add3A_1841, %mul3A_53 : vector<16xi32>
        %add3A_1843 = arith.constant 1 : i32
        %add3A_1844 = vector.broadcast %add3A_1843 : i32 to vector<16xi32>
        %add3A_1845 = arith.addi %add3A_1842, %add3A_1844 : vector<16xi32>
        tpu.vector_store_idx %arg12[%broadcast_in_dim3A_1827, %add3A_1845], %add3A_1798 : memref<8x192xf32, #tpu.memory_space<vmem>>[vector<16xi32>, vector<16xi32>], vector<16xf32>,
        %add3A_1846 = arith.constant 64 : i32
        %add3A_1847 = vector.broadcast %add3A_1846 : i32 to vector<16xi32>
        %add3A_1848 = arith.addi %add3A_1847, %mul3A_53 : vector<16xi32>
        tpu.vector_store_idx %arg12[%broadcast_in_dim3A_1827, %add3A_1848], %add3A_1804 : memref<8x192xf32, #tpu.memory_space<vmem>>[vector<16xi32>, vector<16xi32>], vector<16xf32>,
        %add3A_1849 = arith.constant 64 : i32
        %add3A_1850 = vector.broadcast %add3A_1849 : i32 to vector<16xi32>
        %add3A_1851 = arith.addi %add3A_1850, %mul3A_53 : vector<16xi32>
        %add3A_1852 = arith.constant 1 : i32
        %add3A_1853 = vector.broadcast %add3A_1852 : i32 to vector<16xi32>
        %add3A_1854 = arith.addi %add3A_1851, %add3A_1853 : vector<16xi32>
        tpu.vector_store_idx %arg12[%broadcast_in_dim3A_1827, %add3A_1854], %add3A_1805 : memref<8x192xf32, #tpu.memory_space<vmem>>[vector<16xi32>, vector<16xi32>], vector<16xf32>,
        %add3A_1855 = arith.constant 96 : i32
        %add3A_1856 = vector.broadcast %add3A_1855 : i32 to vector<16xi32>
        %add3A_1857 = arith.addi %add3A_1856, %mul3A_53 : vector<16xi32>
        tpu.vector_store_idx %arg12[%broadcast_in_dim3A_1827, %add3A_1857], %add3A_1811 : memref<8x192xf32, #tpu.memory_space<vmem>>[vector<16xi32>, vector<16xi32>], vector<16xf32>,
        %add3A_1858 = arith.constant 96 : i32
        %add3A_1859 = vector.broadcast %add3A_1858 : i32 to vector<16xi32>
        %add3A_1860 = arith.addi %add3A_1859, %mul3A_53 : vector<16xi32>
        %add3A_1861 = arith.constant 1 : i32
        %add3A_1862 = vector.broadcast %add3A_1861 : i32 to vector<16xi32>
        %add3A_1863 = arith.addi %add3A_1860, %add3A_1862 : vector<16xi32>
        tpu.vector_store_idx %arg12[%broadcast_in_dim3A_1827, %add3A_1863], %add3A_1812 : memref<8x192xf32, #tpu.memory_space<vmem>>[vector<16xi32>, vector<16xi32>], vector<16xf32>,
        %add3A_1864 = arith.constant 128 : i32
        %add3A_1865 = vector.broadcast %add3A_1864 : i32 to vector<16xi32>
        %add3A_1866 = arith.addi %add3A_1865, %mul3A_53 : vector<16xi32>
        tpu.vector_store_idx %arg12[%broadcast_in_dim3A_1827, %add3A_1866], %add3A_1818 : memref<8x192xf32, #tpu.memory_space<vmem>>[vector<16xi32>, vector<16xi32>], vector<16xf32>,
        %add3A_1867 = arith.constant 128 : i32
        %add3A_1868 = vector.broadcast %add3A_1867 : i32 to vector<16xi32>
        %add3A_1869 = arith.addi %add3A_1868, %mul3A_53 : vector<16xi32>
        %add3A_1870 = arith.constant 1 : i32
        %add3A_1871 = vector.broadcast %add3A_1870 : i32 to vector<16xi32>
        %add3A_1872 = arith.addi %add3A_1869, %add3A_1871 : vector<16xi32>
        tpu.vector_store_idx %arg12[%broadcast_in_dim3A_1827, %add3A_1872], %add3A_1819 : memref<8x192xf32, #tpu.memory_space<vmem>>[vector<16xi32>, vector<16xi32>], vector<16xf32>,
        %add3A_1873 = arith.constant 160 : i32
        %add3A_1874 = vector.broadcast %add3A_1873 : i32 to vector<16xi32>
        %add3A_1875 = arith.addi %add3A_1874, %mul3A_53 : vector<16xi32>
        tpu.vector_store_idx %arg12[%broadcast_in_dim3A_1827, %add3A_1875], %add3A_1825 : memref<8x192xf32, #tpu.memory_space<vmem>>[vector<16xi32>, vector<16xi32>], vector<16xf32>,
        %add3A_1876 = arith.constant 160 : i32
        %add3A_1877 = vector.broadcast %add3A_1876 : i32 to vector<16xi32>
        %add3A_1878 = arith.addi %add3A_1877, %mul3A_53 : vector<16xi32>
        %add3A_1879 = arith.constant 1 : i32
        %add3A_1880 = vector.broadcast %add3A_1879 : i32 to vector<16xi32>
        %add3A_1881 = arith.addi %add3A_1878, %add3A_1880 : vector<16xi32>
        tpu.vector_store_idx %arg12[%broadcast_in_dim3A_1827, %add3A_1881], %add3A_1826 : memref<8x192xf32, #tpu.memory_space<vmem>>[vector<16xi32>, vector<16xi32>], vector<16xf32>,
      }
      %scan3A_58 = arith.constant 8 : i32
      %mul3A_59 = arith.constant 8 : i32
      %mul3A_60 = arith.muli %add3A_46, %mul3A_59 : i32
      %add3A_61 = arith.addi %mul3A_2, %mul3A_60 : i32
      "tpu.region"() ({
        %run_scoped3A = tpu.sem_alloc : memref<!tpu.dma_semaphore, #tpu.memory_space<semaphore_mem>>
        %dma_start3A_62 = arith.constant 0 : i32
        %dma_start3A_63 = tpu.memref_slice %arg5[%add3A_61, %dma_start3A_62] : memref<25088x192xf32, #tpu.memory_space<hbm>> -> memref<8x192xf32, #tpu.memory_space<hbm>>
        %dma_start3A_64 = arith.constant 0 : i32
        %dma_start3A_65 = tpu.memref_slice %arg5[%add3A_61, %dma_start3A_64] : memref<25088x192xf32, #tpu.memory_space<hbm>> -> memref<8x192xf32, #tpu.memory_space<hbm>>
        tpu.enqueue_dma source(%arg12 : memref<8x192xf32, #tpu.memory_space<vmem>>) target(%dma_start3A_65 : memref<8x192xf32, #tpu.memory_space<hbm>>) target_semaphore(%run_scoped3A : memref<!tpu.dma_semaphore, #tpu.memory_space<semaphore_mem>>)
        %dma_wait3A_66 = arith.constant 0 : i32
        %dma_wait3A_67 = tpu.memref_slice %arg5[%add3A_61, %dma_wait3A_66] : memref<25088x192xf32, #tpu.memory_space<hbm>> -> memref<8x192xf32, #tpu.memory_space<hbm>>
        %dma_wait3A_68 = arith.constant 0 : i32
        %dma_wait3A_69 = tpu.memref_slice %arg5[%add3A_61, %dma_wait3A_68] : memref<25088x192xf32, #tpu.memory_space<hbm>> -> memref<8x192xf32, #tpu.memory_space<hbm>>
        tpu.wait_dma2 semaphore(%run_scoped3A : memref<!tpu.dma_semaphore, #tpu.memory_space<semaphore_mem>>) src(%arg12 : memref<8x192xf32, #tpu.memory_space<vmem>>) dst(%dma_wait3A_69 : memref<8x192xf32, #tpu.memory_space<hbm>>)
        tpu.yield
      }) : () -> ()
    }
    %scan3A_12 = arith.constant 49 : i32
    return
  }
}

</mosaic_0001>

<sc_bundles>
// kernel: _sc_gather.3.cloned.1.call-start
scs
__scs_entry_jumppad:
0x0: {  	(pc) =	sbr.rel $0x88, $3  }
0x1: {  	(tag) =	ssettag $0x0;
	lr =	simm.s32 $0x1  }
0x2: {  	[smem:$0x3F9E] =	sst lr;
	_ =	strace $0xD0000000  }
0x3: {  	_ = 	snop  }
0x4: {  	_ = 	snop  }
0x5: {  	_ = 	snop  }
0x6: {  	_ = 	snop  }
0x7: {  	_ = 	snop  }
__scs_overlays_trampoline_lowered:
0x8: {  	[smem:$0x3FAD] =	sst s0  }
0x9: {  	[smem:$0x3FAE] =	sst s1  }
0xa: {  	[smem:$0x3FAF] =	sst s2  }
0xb: {  	[smem:$0x3FB0] =	sst s3  }
0xc: {  	[smem:$0x3FB1] =	sst s4  }
0xd: {  	[smem:$0x3FB2] =	sst s5  }
0xe: {  	[smem:$0x3FB3] =	sst s6  }
0xf: {  	[smem:$0x3FB4] =	sst s7  }
0x10: {  	[smem:$0x3FB5] =	sst s8  }
0x11: {  	[smem:$0x3FB6] =	sst s9;
	s0 =	simm.s32 @!p0 $0x0  }
0x12: {  	s1 =	sld [smem:$0x3F9C];
	s0 =	simm.s32 @p0 $0x1  }
0x13: {  	[smem:$0x3FB7] =	sst s0;
	s0 =	simm.s32 @!p1 $0x0  }
0x14: {  	s2 =	sld [smem:$0x3F9B];
	s0 =	simm.s32 @p1 $0x1  }
0x15: {  	[smem:$0x3FB8] =	sst s0;
	s0 =	simm.s32 @!p2 $0x0  }
0x16: {  	s3 =	sld [smem:$0x3FDB];
	s0 =	simm.s32 @p2 $0x1  }
0x17: {  	s4 =	simm.s32 $0x1BF5;
	[smem:$0x3FBA] =	sst s0  }
0x18: {  	s0 =	sld [smem:$0x3F9D];
	_ =	swait.ge [sflag:s4], $0x0  }
0x19: {  	s7 =	sld [smem:$0x3F9E]  }
0x1a: {  	s8 =	sadd.s32 $0xFFFFE003, lr  }
0x1b: {  	s9 =	sadd.s32 $0xFFFFFEF7, lr;
	s5 =	simm.s32 $0xFFFFFFFF;
	p2 =	slt.u32 s8, $0xFFFFF086  }
0x1c: {  	p1 =	slt.u32 s9, $0xF7A;
	s5 =	simm.s32 @!p2 $0x0  }
0x1d: {  	s5 =	simm.s32 @p1 $0x1;
	p0 =	seq.s32 s7, s2  }
0x1e: {  	s7 =	smul.u32 @!p0 $0xF7A, s2;
	p2 =	seq.s32 @!p0 s5, $0x0  }
0x1f: {  	s9 =	smul.u32 $0xF7A, s1;
	s8 =	simm.s32 @!p0 $0x1BF5;
	p2 =	por !p2, p0  }
0x20: {  	[sflag:s8] =	ssyncset.s32 @!p0 $0xFFFFF086;
	s6 =	sadd.s32 @!p0 s3, s7;
	s7 =	simm.s32 @!p0 $0x108  }
0x21: {  	s3 =	sadd.s32 s3, s9;
	s6 =	sadd.s32 @!p0 $0x88, s6;
	s7 =	simm.s32 @p2 $0x1082  }
0x22: {  	[simem:s7], [sflag:s8] =	dma.local @!p0 [hbm:s6], $0xF7A  }
0x23: {  	s9 =	sor.u32 $0xD0000000, s2;
	s6 =	simm.s32 $0x108;
	_ =	swait.ge @!p0 [sflag:s8], $0x0  }
0x24: {  	s3 =	sadd.s32 $0x88, s3;
	s6 =	simm.s32 @!p1 $0x1082;
	[sflag:s4] =	ssyncset.s32 $0xFFFFF086  }
0x25: {  	[simem:s6], [sflag:s4] =	dma.local [hbm:s3], $0xF7A  }
0x26: {  	[smem:$0x3F9E] =	sst s1;
	(tag) =	ssettag s2;
	_ =	strace s9  }
0x27: {  	s1 =	sld [smem:$0x3FAE]  }
0x28: {  	s2 =	sld [smem:$0x3FAF]  }
0x29: {  	s4 =	sld [smem:$0x3FB1]  }
0x2a: {  	p0 =	seq.s32 s5, $0x0;
	s5 =	sld [smem:$0x3FB2]  }
0x2b: {  	s6 =	sld [smem:$0x3FB3]  }
0x2c: {  	s7 =	sld [smem:$0x3FB4]  }
0x2d: {  	s3 =	simm.s32 $0x108;
	s8 =	sld [smem:$0x3FB5]  }
0x2e: {  	s3 =	simm.s32 @!p0 $0x1082;
	s9 =	sld [smem:$0x3FB6]  }
0x2f: {  	lr =	sadd.s32 s0, s3;
	s0 =	sld [smem:$0x3FAD]  }
0x30: {  	s3 =	sld [smem:$0x3FB0]  }
0x31: {  	[smem:$0x3FB9] =	sst s10  }
0x32: {  	s10 =	sld [smem:$0x3FB7];
	_ =	sdelay $0x3  }
0x33: {  	p0 =	seq.s32 s10, $0x1;
	s10 =	sld [smem:$0x3FB9];
	_ =	sdelay $0x3  }
0x34: {  	[smem:$0x3FB9] =	sst s10  }
0x35: {  	s10 =	sld [smem:$0x3FB8];
	_ =	sdelay $0x3  }
0x36: {  	p1 =	seq.s32 s10, $0x1;
	s10 =	sld [smem:$0x3FB9];
	_ =	sdelay $0x3  }
0x37: {  	[smem:$0x3FB9] =	sst s10  }
0x38: {  	s10 =	sld [smem:$0x3FBA]  }
0x39: {  	_ = 	snop;
	(pc) =	sbr.ind lr, $3  }
0x3a: {  	_ = 	snop  }
0x3b: {  	_ = 	snop  }
0x3c: {  	p2 =	seq.s32 s10, $0x1;
	s10 =	sld [smem:$0x3FB9]  }
0x3d: {  	_ =	shalt  }
0x3e: {  	_ =	shalt  }
0x3f: {  	_ =	shalt  }
0x40: {  	_ =	shalt  }
0x41: {  	_ =	shalt  }
0x42: {  	_ =	shalt  }
0x43: {  	_ =	shalt  }
0x44: {  	_ =	shalt  }
0x45: {  	_ =	shalt  }
0x46: {  	_ =	shalt  }
0x47: {  	_ =	shalt  }
0x48: {  	_ =	shalt  }
0x49: {  	_ =	shalt  }
0x4a: {  	_ =	shalt  }
0x4b: {  	_ =	shalt  }
0x4c: {  	_ =	shalt  }
0x4d: {  	_ =	shalt  }
0x4e: {  	_ =	shalt  }
0x4f: {  	_ =	shalt  }
0x50: {  	_ =	shalt  }
0x51: {  	_ =	shalt  }
0x52: {  	_ =	shalt  }
0x53: {  	_ =	shalt  }
0x54: {  	_ =	shalt  }
0x55: {  	_ =	shalt  }
0x56: {  	_ =	shalt  }
0x57: {  	_ =	shalt  }
0x58: {  	_ =	shalt  }
0x59: {  	_ =	shalt  }
0x5a: {  	_ =	shalt  }
0x5b: {  	_ =	shalt  }
0x5c: {  	_ =	shalt  }
0x5d: {  	_ =	shalt  }
0x5e: {  	_ =	shalt  }
0x5f: {  	_ =	shalt  }
0x60: {  	_ =	shalt  }
0x61: {  	_ =	shalt  }
0x62: {  	_ =	shalt  }
0x63: {  	_ =	shalt  }
0x64: {  	_ =	shalt  }
0x65: {  	_ =	shalt  }
0x66: {  	_ =	shalt  }
0x67: {  	_ =	shalt  }
0x68: {  	_ =	shalt  }
0x69: {  	_ =	shalt  }
0x6a: {  	_ =	shalt  }
0x6b: {  	_ =	shalt  }
0x6c: {  	_ =	shalt  }
0x6d: {  	_ =	shalt  }
0x6e: {  	_ =	shalt  }
0x6f: {  	_ =	shalt  }
0x70: {  	_ =	shalt  }
0x71: {  	_ =	shalt  }
0x72: {  	_ =	shalt  }
0x73: {  	_ =	shalt  }
0x74: {  	_ =	shalt  }
0x75: {  	_ =	shalt  }
0x76: {  	_ =	shalt  }
0x77: {  	_ =	shalt  }
0x78: {  	_ =	shalt  }
0x79: {  	_ =	shalt  }
0x7a: {  	_ =	shalt  }
0x7b: {  	_ =	shalt  }
0x7c: {  	_ =	shalt  }
0x7d: {  	_ =	shalt  }
0x7e: {  	_ =	shalt  }
0x7f: {  	_ =	shalt  }
0x80: {  	_ =	shalt  }
0x81: {  	_ =	shalt  }
0x82: {  	_ =	shalt  }
0x83: {  	_ =	shalt  }
0x84: {  	_ =	shalt  }
0x85: {  	_ =	shalt  }
0x86: {  	_ =	shalt  }
0x87: {  	_ =	shalt  }
.Lfunc_end0:
.L_simem_size_0:
called_computation_lowered:
.L_overlay_start_0:
0x88: {  	s2 =	sld [smem:$0x3FD9]  }
0x89: {  	s3 =	sld [smem:$0x3FFE];
	_ =	sdelay $0x1  }
0x8a: {  	s1 =	srdreg.scid  }
0x8b: {  	s0 =	sand.u32 $0x1, s1  }
0x8c: {  	s17 =	sshll.u32 s0, $0xA;
	s2 =	sadd.s32 s3, s2  }
0x8d: {  	s2 =	sadd.s32 s2, s17  }
0x8e: {  	[smem:$0x3FC5] =	sst s2  }
0x8f: {  	_ = 	snop  }
0x90: {  	s2 =	sld [smem:$0x3FC8]  }
0x91: {  	s18 =	sld [smem:$0x3FC7]  }
0x92: {  	s4 =	sld [smem:$0x3FD0];
	(tm) =	ssettm $0x1  }
0x93: {  	s5 =	sld [smem:$0x3FFB];
	_ =	sdelay $0x3  }
0x94: {  	_ =	strace s5  }
0x95: {  	s5 =	sld [smem:$0x3FFC];
	_ =	sdelay $0x3  }
0x96: {  	_ =	strace s5  }
0x97: {  	s5 =	sld [smem:$0x3FFD];
	_ =	sdelay $0x3  }
0x98: {  	_ =	strace s5  }
0x99: {  	_ =	strace $0x8FFFFFFF  }
0x9a: {  	s19 =	sld [smem:$0x3FDB];
	_ =	sdelay $0x1  }
0x9b: {  	s6 =	simm.s32 $_scs_section_size  }
0x9c: {  	s7 =	simm.s32 $_size__tile_overlayer_lowered;
	s8 =	simm.s32 $_tile_overlayer_lowered  }
0x9d: {  	s22 =	simm.s32 $0x1BFF;
	s21 =	sshll.u32 s8, $0x1;
	s5 =	sadd.s32 s6, s19  }
0x9e: {  	s9 =	simm.s32 $0x0;
	s20 =	sshll.u32 s7, $0x1;
	s7 =	sadd.s32 s21, s5  }
0x9f: {  	[timem:s9], [sflag:s22] =	dma.local [hbm:s7], s20  }
0xa0: {  	_ =	swait.ge [sflag:s22], s20  }
0xa1: {  	s6 =	ssub.s32 $0x0, s20;
	[sflag:s22] =	ssyncset.done $0x0  }
0xa2: {  	[sflag:s22] =	ssyncadd.s32 s6;
	_ =	sdelay $0x1  }
0xa3: {  	s23 =	simm.s32 $0x1B8B  }
0xa4: {  	_ =	swait.ge [sflag:s23], $0x1  }
0xa5: {  	[sflag:s23] =	ssyncset.done $0x0  }
0xa6: {  	s25 =	simm.s32 $0x1B8E;
	s24 =	sld [smem:$0x3FFE];
	[sflag:s23] =	ssyncadd.s32 $0xFFFFFFFF  }
0xa7: {  	s26 =	simm.s32 $execute0_lowered;
	[smem:$0x3FD2] =	sst s25  }
0xa8: {  	s7 =	sshll.u32 s26, $0x1;
	_ =	strace $0x80000046;
	[dreg:$0x1] =	wrdreg $0xFFFFFFFF  }
0xa9: {  	s28 =	simm.s32 $_size_execute0_lowered;
	s5 =	sadd.s32 s5, s7;
	[dreg:$0x0] =	wrdreg $0x0  }
0xaa: {  	s7 =	sshll.u32 s28, $0x1;
	[dreg:$0x2] =	wrdreg s5  }
0xab: {  	[dreg:$0x3] =	wrdreg s7  }
0xac: {  	[dreg:$0x4] =	wrdreg $0xC0  }
0xad: {  	_ =	task [dreg:s9], $0x5FFFF  }
0xae: {  	[dreg:$0x1] =	wrdreg $0xFFFFFFFF  }
0xaf: {  	[dreg:$0x0] =	wrdreg $0x60  }
0xb0: {  	[dreg:$0x2] =	wrdreg s24  }
0xb1: {  	[dreg:$0x3] =	wrdreg s2  }
0xb2: {  	[dreg:$0x4] =	wrdreg s18  }
0xb3: {  	[dreg:$0x5] =	wrdreg s4  }
0xb4: {  	[dreg:$0x6] =	wrdreg $0x9  }
0xb5: {  	_ =	task.clear_ibuf [dreg:s9], $0x7FFFF;
	_ =	strace $0x90000046  }
0xb6: {  	s29 =	simm.s32 $0x9;
	_ =	strace $0x80000048  }
0xb7: {  	_ =	swait.ge [sflag:s29], $0x1  }
0xb8: {  	[sflag:s29] =	ssyncadd.s32 $0xFFFFFFFF  }
0xb9: {  	_ =	strace $0x90000048  }
0xba: {  	_ =	sfence  }
0xbb: {  	s30 =	sld [smem:$0x0];
	_ =	sdelay $0x2  }
0xbc: {  	s31 =	sshll.u32 s1, $0xD;
	s1 =	sshrl.u32 s1, $0x2  }
0xbd: {  	s3 =	sand.u32 $0x4000, s31;
	s1 =	sadd.s32 s1, s30  }
0xbe: {  	s0 =	sor.u32 s3, s0;
	s1 =	sshll.u32 s1, $0x11  }
0xbf: {  	s0 =	sor.u32 s1, s0  }
0xc0: {  	s0 =	sadd.s32 $0x8F2B, s0  }
0xc1: {  	[sflag:s0] =	ssyncadd.remote.s32 $0x1  }
0xc2: {  	_ =	sfence.sel $0xFFFF  }
0xc3: {  	[dreg:$0x0] =	wrdreg $0xFFFFFFFF;
	(pc) =	sbr.abs _section_cstart, $3  }
0xc4: {  	[dreg:$0x1] =	wrdreg $0xFFFFFFFF  }
0xc5: {  	_ =	task.clear_ibuf [dreg:s9], $0x2FFFF;
	_ =	strace $0x9FFFFFFF  }
0xc6: {  	(tm) =	ssettm $0x7FFFFFFF  }
0xc7: {  	_ =	shalt  }
tec
execute0_lowered:
.L_overlay_start_1:
0x0: {  	(tag) =	ssettag $0x1  }
0x1: {  	s6 =	rddreg [dreg:$0x0]  }
0x2: {  	s1 =	rddreg [dreg:$0x1]  }
0x3: {  	s3 =	rddreg [dreg:$0x2]  }
0x4: {  	s4 =	rddreg [dreg:$0x3]  }
0x5: {  	s0 =	rddreg [dreg:$0x4]  }
0x6: {  	s7 =	srdreg.scid;
	s2 =	stileid.u32  }
0x7: {  	s5 =	simm.s32 $0x0;
	s13 =	simm.s32 $0x80;
	s14 =	simm.s32 $0x200  }
0x8: {  	v63 =	vimm.s32 $0x0;
	v4 =	vimm.s32 $0x1;
	s15 =	simm.s32 $0x100;
	s16 =	simm.s32 $0x3200;
	s17 =	simm.s32 $0x180  }
0x9: {  	v5 =	vimm.s32 $0x2;
	v6 =	vimm.s32 $0x3;
	v12 =	vlaneseq.u32;
	s18 =	simm.s32 $0x1;
	s7 =	sand.u32 $0x1, s7;
	s8 =	sshll.u32 s2, $0x1  }
0xa: {  	v7 =	vimm.s32 $0x4;
	v8 =	vimm.s32 $0x5;
	s19 =	simm.s32 $0x6200;
	v12 =	vmul.u32 $0x2, v12;
	s9 =	ssub.s32 $0x2, s7;
	s7 =	sor.u32 s7, s8  }
0xb: {  	v9 =	vimm.s32 $0x6;
	v10 =	vimm.s32 $0x7;
	v15 =	vimm.s32 $0xE;
	s20 =	simm.s32 $0x2;
	s21 =	simm.s32 $0x0;
	s10 =	smul.u32 $0x620, s7  }
0xc: {  	v16 =	vimm.s32 $0xF;
	[smem:$0x7FF] =	sst s5;
	s6 =	sadd.s32 $0x400, s6;
	s12 =	smul.u32 $0x3100, s7;
	v17 =	vor.u32 $0x1, v12;
	v18 =	vor.u32 $0x20, v12  }
0xd: {  	_ =	strace $0x80000047;
	s31 =	sshrl.u32 s9, $0x1;
	s7 =	smul.u32 $0x310, s7;
	v19 =	vor.u32 $0x21, v12;
	v20 =	vor.u32 $0x40, v12;
	v21 =	vor.u32 $0x41, v12  }
0xe: {  	v22 =	vor.u32 $0x60, v12;
	v23 =	vor.u32 $0x61, v12;
	v24 =	vor.u32 $0x80, v12;
	s11 =	ssub.s32 s9, s31;
	s8 =	sadd.s32 s1, s10;
	s9 =	sadd.s32 s3, s10  }
0xf: {  	v25 =	vor.u32 $0x81, v12;
	v26 =	vor.u32 $0xA0, v12;
	v27 =	vor.u32 $0xA1, v12;
	s10 =	sadd.s32 $0x100, s12;
	s11 =	smax.u32 s11, $0x1;
	s12 =	simm.s32 $0x3  }
.LBB2_1:
0x10: {  	[tilespmem:s5], [sflag:$0x3] =	stream.linear.gather [hbm4b:s8+s5], $0x80, $0x38;
	[tilespmem:$0x6800] =	vst v63  }
0x11: {  	_ =	swait.ge [sflag:s12], $0x80  }
0x12: {  	[sflag:s12] =	ssyncset.done $0x0  }
0x13: {  	[sflag:s12] =	ssyncadd.s32 $0xFFFFFF80  }
0x14: {  	[tilespmem:s14], [sflag:$0x1] =	stream.indirect.gather [hbm4b:s6+s13], $0x60, s5, s13, $0xb8;
	[tilespmem:$0x6800] =	vst v63  }
0x15: {  	_ = 	snop  }
0x16: {  	[tilespmem:s15], [sflag:$0x3] =	stream.linear.gather [hbm4b:s9+s5], $0x80, $0x38;
	[tilespmem:$0x6800] =	vst v63  }
0x17: {  	_ =	swait.ge [sflag:s12], $0x80  }
0x18: {  	[sflag:s12] =	ssyncset.done $0x0  }
0x19: {  	s22 =	simm.s32 $0x0;
	[sflag:s12] =	ssyncadd.s32 $0xFFFFFF80  }
.LBB2_2:
0x1a: {  	s24 =	sshll.u32 s22, $0x4  }
0x1b: {  	s23 =	sadd.s32 s24, s7  }
0x1c: {  	s23 =	sadd.s32 $0x8, s23  }
0x1d: {  	s25 =	sshll.u32 s23, $0x1  }
0x1e: {  	s26 =	sand.u32 $0x1FFFFFF0, s25  }
0x1f: {  	s25 =	simm.s32 $0x0;
	s28 =	sadd.s32 s1, s26  }
0x20: {  	[tilespmem:s13], [sflag:$0x3] =	stream.linear.gather [hbm4b:s28+s25], $0x80, $0x38;
	[tilespmem:$0x6800] =	vst v63  }
0x21: {  	_ =	swait.ge [sflag:s12], $0x80  }
0x22: {  	[sflag:s12] =	ssyncset.done $0x0  }
0x23: {  	[sflag:s12] =	ssyncadd.s32 $0xFFFFFF80  }
0x24: {  	[tilespmem:s16], [sflag:$0x2] =	stream.indirect.gather [hbm4b:s6+s13], $0x60, s13, s13, $0xb8;
	[tilespmem:$0x6800] =	vst v63  }
0x25: {  	s26 =	sadd.s32 s3, s26  }
0x26: {  	[tilespmem:s17], [sflag:$0x3] =	stream.linear.gather [hbm4b:s26+s25], $0x80, $0x38;
	[tilespmem:$0x6800] =	vst v63  }
0x27: {  	_ =	swait.ge [sflag:s12], $0x80  }
0x28: {  	[sflag:s12] =	ssyncset.done $0x0  }
0x29: {  	[sflag:s12] =	ssyncadd.s32 $0xFFFFFF80  }
0x2a: {  	_ =	swait.ge [sflag:s18], $0x3000  }
0x2b: {  	[sflag:s18] =	ssyncset.done $0x0  }
0x2c: {  	s28 =	simm.s32 $0x800;
	s26 =	simm.s32 $0x110;
	[sflag:s18] =	ssyncadd.s32 $0xFFFFD000  }
.LBB2_3:
0x2d: {  	v28 =	vld [tilespmem:s26+$0xFFFFFFF0]  }
0x2e: {  	v30 =	vld [tilespmem:s28+$0xFFFFFA00]  }
0x2f: {  	v31 =	vld [tilespmem:s28+$0xFFFFFA10]  }
0x30: {  	v32 =	vld [tilespmem:s28+$0xFFFFFA20]  }
0x31: {  	v33 =	vld [tilespmem:s28+$0xFFFFFA30]  }
0x32: {  	v34 =	vld [tilespmem:s28+$0xFFFFFA40]  }
0x33: {  	v35 =	vld [tilespmem:s28+$0xFFFFFA50]  }
0x34: {  	v36 =	vld [tilespmem:s28+$0xFFFFFA60]  }
0x35: {  	v37 =	vld [tilespmem:s28+$0xFFFFFA70]  }
0x36: {  	v38 =	vld [tilespmem:s28+$0xFFFFFA80]  }
0x37: {  	v39 =	vld [tilespmem:s28+$0xFFFFFA90]  }
0x38: {  	v40 =	vld [tilespmem:s28+$0xFFFFFAA0]  }
0x39: {  	v41 =	vld [tilespmem:s28+$0xFFFFFAB0]  }
0x3a: {  	v42 =	vld [tilespmem:s28+$0xFFFFFAC0]  }
0x3b: {  	v43 =	vld [tilespmem:s28+$0xFFFFFAD0];
	v45 =	vperm.xlane v28, v63  }
0x3c: {  	v44 =	vld [tilespmem:s28+$0xFFFFFAE0];
	v47 =	vperm.xlane v28, v4;
	v48 =	vperm.xlane v28, v5  }
0x3d: {  	v46 =	vld [tilespmem:s28+$0xFFFFFAF0];
	v50 =	vperm.xlane v28, v6;
	v51 =	vperm.xlane v28, v7  }
0x3e: {  	v49 =	vld [tilespmem:s28+$0xFFFFFB00];
	v11 =	vimm.s32 $0x8;
	v53 =	vperm.xlane v28, v8;
	v54 =	vperm.xlane v28, v9  }
0x3f: {  	v52 =	vld [tilespmem:s28+$0xFFFFFB10];
	v56 =	vperm.xlane v28, v10;
	v29 =	vperm.xlane v28, v11  }
0x40: {  	v55 =	vld [tilespmem:s28+$0xFFFFFB20];
	v30 =	vmul.bf16 v45, v30;
	v31 =	vmul.bf16 v45, v31  }
0x41: {  	v57 =	vld [tilespmem:s28+$0xFFFFFB30];
	v32 =	vmul.bf16 v45, v32;
	v33 =	vmul.bf16 v45, v33  }
0x42: {  	v58 =	vld [tilespmem:s28+$0xFFFFFB40];
	v34 =	vmul.bf16 v45, v34;
	v35 =	vmul.bf16 v45, v35  }
0x43: {  	v59 =	vld [tilespmem:s28+$0xFFFFFB50];
	v36 =	vmul.bf16 v47, v36;
	v37 =	vmul.bf16 v47, v37  }
0x44: {  	v60 =	vld [tilespmem:s28+$0xFFFFFB70];
	v38 =	vmul.bf16 v47, v38;
	v39 =	vmul.bf16 v47, v39  }
0x45: {  	v3 =	vimm.s32 $0x9;
	v61 =	vld [tilespmem:s28+$0xFFFFFB80];
	v42 =	vmul.bf16 v48, v42;
	v55 =	vmul.bf16 v50, v55  }
0x46: {  	v13 =	vimm.s32 $0xA;
	v62 =	vld [tilespmem:s28+$0xFFFFFB90];
	v40 =	vmul.bf16 v47, v40;
	v41 =	vmul.bf16 v47, v41  }
0x47: {  	v14 =	vimm.s32 $0xC;
	v45 =	vld [tilespmem:s28+$0xFFFFFB60];
	v43 =	vmul.bf16 v48, v43;
	v44 =	vmul.bf16 v48, v44  }
0x48: {  	v47 =	vld [tilespmem:s28+$0xFFFFFBA0];
	v2 =	vmul.bf16 v50, v57;
	v46 =	vmul.bf16 v48, v46;
	v30 =	vadd.bf16 v36, v30  }
0x49: {  	v57 =	vld [tilespmem:s28+$0xFFFFFBC0];
	v49 =	vmul.bf16 v48, v49;
	v1 =	vadd.bf16 v55, v42;
	v31 =	vadd.bf16 v37, v31  }
0x4a: {  	v48 =	vmul.bf16 v48, v52;
	v42 =	vld [tilespmem:s28+$0xFFFFFBB0];
	v63 =	vadd.bf16 v2, v43;
	v32 =	vadd.bf16 v38, v32  }
0x4b: {  	v0 =	vmul.bf16 v50, v58;
	v36 =	vld [tilespmem:s28+$0xFFFFFBD0];
	v33 =	vadd.bf16 v39, v33;
	v34 =	vadd.bf16 v40, v34  }
0x4c: {  	v43 =	vld [tilespmem:s28+$0xFFFFFBE0];
	v35 =	vadd.bf16 v41, v35;
	v30 =	vadd.bf16 v1, v30;
	v1 =	vmul.bf16 v50, v59  }
0x4d: {  	v37 =	vld [tilespmem:s28+$0xFFFFFC00];
	v31 =	vadd.bf16 v63, v31;
	v45 =	vmul.bf16 v50, v45;
	v50 =	vmul.bf16 v50, v60  }
0x4e: {  	v38 =	vld [tilespmem:s28+$0xFFFFFC30];
	v60 =	vadd.bf16 v0, v44;
	v40 =	vmul.bf16 v51, v47;
	v57 =	vmul.bf16 v51, v57  }
0x4f: {  	v39 =	vld [tilespmem:s28+$0xFFFFFC40];
	v2 =	vunpack.i.l.bf16.f32 v30;
	v30 =	vunpack.i.u.bf16.f32 v30;
	v63 =	vadd.bf16 v1, v46  }
0x50: {  	v59 =	vld [tilespmem:s28+$0xFFFFFBF0];
	v0 =	vunpack.i.l.bf16.f32 v31;
	v31 =	vunpack.i.u.bf16.f32 v31;
	v58 =	vadd.f32 $0.0e+00, v2  }
0x51: {  	v44 =	vld [tilespmem:s28+$0xFFFFFC10];
	v30 =	vadd.f32 $0.0e+00, v30;
	v2 =	vadd.bf16 v45, v49;
	v49 =	vmul.bf16 v51, v61  }
0x52: {  	v47 =	vld [tilespmem:s28+$0xFFFFFCA0];
	v32 =	vadd.bf16 v60, v32;
	v61 =	vmul.bf16 v51, v62;
	v42 =	vmul.bf16 v51, v42  }
0x53: {  	v46 =	vld [tilespmem:s28+$0xFFFFFC20];
	v52 =	vadd.f32 $0.0e+00, v0;
	v36 =	vmul.bf16 v51, v36;
	v43 =	vmul.bf16 v53, v43  }
0x54: {  	v31 =	vadd.f32 $0.0e+00, v31;
	v60 =	vld [tilespmem:s28+$0xFFFFFC50];
	v37 =	vmul.bf16 v53, v37;
	v38 =	vmul.bf16 v53, v38  }
0x55: {  	v0 =	vld [tilespmem:s28+$0xFFFFFC60];
	v48 =	vadd.bf16 v50, v48;
	v39 =	vmul.bf16 v54, v39;
	v33 =	vadd.bf16 v63, v33  }
0x56: {  	v45 =	vld [tilespmem:s28+$0xFFFFFC70];
	v1 =	vunpack.i.u.bf16.f32 v32;
	v34 =	vadd.bf16 v2, v34;
	v43 =	vadd.bf16 v43, v49  }
0x57: {  	v62 =	vld [tilespmem:s28+$0xFFFFFC80];
	v32 =	vunpack.i.l.bf16.f32 v32;
	v35 =	vadd.bf16 v48, v35;
	v37 =	vadd.bf16 v37, v40  }
0x58: {  	v51 =	vld [tilespmem:s28+$0xFFFFFC90];
	v59 =	vmul.bf16 v53, v59;
	v36 =	vadd.bf16 v38, v36;
	v32 =	vadd.f32 $0.0e+00, v32  }
0x59: {  	v50 =	vld [tilespmem:s28+$0xFFFFFCE0];
	v55 =	vadd.f32 $0.0e+00, v1;
	v63 =	vunpack.i.u.bf16.f32 v33;
	v33 =	vunpack.i.l.bf16.f32 v33  }
0x5a: {  	v2 =	vld [tilespmem:s28+$0xFFFFFCB0];
	v41 =	vmul.bf16 v53, v44;
	v47 =	vmul.bf16 v56, v47;
	v33 =	vadd.f32 $0.0e+00, v33  }
0x5b: {  	v49 =	vld [tilespmem:s28+$0xFFFFFCF0];
	v63 =	vadd.f32 $0.0e+00, v63;
	v1 =	vunpack.i.u.bf16.f32 v34;
	v34 =	vunpack.i.l.bf16.f32 v34  }
0x5c: {  	v44 =	vld [tilespmem:s28+$0xFFFFFCC0];
	v46 =	vmul.bf16 v53, v46;
	v59 =	vadd.bf16 v59, v61;
	v60 =	vmul.bf16 v54, v60  }
0x5d: {  	v53 =	vld [tilespmem:s28+$0xFFFFFCD0];
	v34 =	vadd.f32 $0.0e+00, v34;
	v0 =	vmul.bf16 v54, v0;
	v45 =	vmul.bf16 v54, v45  }
0x5e: {  	v40 =	vld [tilespmem:s28+$0xFFFFFD70];
	v39 =	vadd.bf16 v47, v39;
	v1 =	vadd.f32 $0.0e+00, v1;
	v62 =	vmul.bf16 v54, v62  }
0x5f: {  	v47 =	vld [tilespmem:s28+$0xFFFFFD00];
	v51 =	vmul.bf16 v54, v51;
	v50 =	vmul.bf16 v56, v50;
	v41 =	vadd.bf16 v41, v42  }
0x60: {  	v54 =	vld [tilespmem:s28+$0xFFFFFD10];
	v46 =	vadd.bf16 v46, v57;
	v2 =	vmul.bf16 v56, v2;
	v39 =	vadd.bf16 v39, v43  }
0x61: {  	v57 =	vld [tilespmem:s28+$0xFFFFFDB0];
	v49 =	vmul.bf16 v56, v49;
	v50 =	vadd.bf16 v50, v62;
	v44 =	vmul.bf16 v56, v44  }
0x62: {  	v43 =	vld [tilespmem:s28+$0xFFFFFD20];
	v48 =	vmul.bf16 v56, v53;
	v61 =	vunpack.i.l.bf16.f32 v39;
	v2 =	vadd.bf16 v2, v60  }
0x63: {  	v62 =	vld [tilespmem:s28+$0xFFFFFDC0];
	v39 =	vunpack.i.u.bf16.f32 v39;
	v46 =	vadd.bf16 v50, v46;
	v49 =	vadd.bf16 v49, v51  }
0x64: {  	v53 =	vld [tilespmem:s28+$0xFFFFFD30];
	v56 =	vadd.f32 v61, v58;
	v61 =	vperm.xlane v28, v3;
	v30 =	vadd.f32 v39, v30  }
0x65: {  	v60 =	vld [tilespmem:s28+$0xFFFFFD40];
	v0 =	vadd.bf16 v44, v0;
	v38 =	vmul.bf16 v29, v47;
	v47 =	vmul.bf16 v29, v54  }
0x66: {  	v50 =	vld [tilespmem:s28+$0xFFFFFDD0];
	v2 =	vadd.bf16 v2, v59;
	v59 =	vperm.xlane v28, v13;
	v13 =	vimm.s32 $0xB  }
0x67: {  	v58 =	vld [tilespmem:s28+$0xFFFFFD50];
	v42 =	vadd.bf16 v48, v45;
	v48 =	vunpack.i.l.bf16.f32 v35;
	v36 =	vadd.bf16 v49, v36  }
0x68: {  	v39 =	vld [tilespmem:s28+$0xFFFFFD60];
	v35 =	vunpack.i.u.bf16.f32 v35;
	v0 =	vadd.bf16 v0, v37;
	v43 =	vmul.bf16 v29, v43  }
0x69: {  	v54 =	vld [tilespmem:s28+$0xFFFFFE00];
	v48 =	vadd.f32 $0.0e+00, v48;
	v40 =	vmul.bf16 v61, v40;
	v57 =	vmul.bf16 v61, v57  }
0x6a: {  	v45 =	vld [tilespmem:s28+$0xFFFFFD80];
	v35 =	vadd.f32 $0.0e+00, v35;
	v44 =	vunpack.i.l.bf16.f32 v2;
	v41 =	vadd.bf16 v42, v41  }
0x6b: {  	v49 =	vld [tilespmem:s28+$0xFFFFFE30];
	v2 =	vunpack.i.u.bf16.f32 v2;
	v44 =	vadd.f32 v44, v52;
	v52 =	vperm.xlane v28, v13  }
0x6c: {  	v37 =	vld [tilespmem:s28+$0xFFFFFD90];
	v2 =	vadd.f32 v2, v31;
	v31 =	vunpack.i.u.bf16.f32 v0;
	v0 =	vunpack.i.l.bf16.f32 v0  }
0x6d: {  	v42 =	vld [tilespmem:s28+$0xFFFFFDA0];
	v51 =	vmul.bf16 v29, v53;
	v50 =	vmul.bf16 v59, v50;
	v40 =	vadd.bf16 v40, v47  }
0x6e: {  	v53 =	vld [tilespmem:s28+$0xFFFFFE20];
	v0 =	vadd.f32 v0, v32;
	v32 =	vunpack.i.l.bf16.f32 v41;
	v31 =	vadd.f32 v31, v55  }
0x6f: {  	v41 =	vunpack.i.u.bf16.f32 v41;
	v55 =	vunpack.i.u.bf16.f32 v46;
	v32 =	vadd.f32 v32, v33;
	v33 =	vld [tilespmem:s28+$0xFFFFFDE0]  }
0x70: {  	v46 =	vunpack.i.l.bf16.f32 v46;
	v58 =	vmul.bf16 v29, v58;
	v41 =	vadd.f32 v41, v63;
	v63 =	vld [tilespmem:s28+$0xFFFFFDF0]  }
0x71: {  	v39 =	vmul.bf16 v61, v39;
	v34 =	vadd.f32 v46, v34;
	v46 =	vmul.bf16 v29, v60;
	v29 =	vld [tilespmem:s28+$0xFFFFFE10]  }
0x72: {  	v54 =	vmul.bf16 v59, v54;
	v1 =	vadd.f32 v55, v1;
	v55 =	vld [tilespmem:s28+$0xFFFFFE40];
	v60 =	vunpack.i.l.bf16.f32 v36  }
0x73: {  	v45 =	vmul.bf16 v61, v45;
	v48 =	vadd.f32 v60, v48;
	v60 =	vmul.bf16 v59, v62;
	v62 =	vld [tilespmem:s28+$0xFFFFFE60]  }
0x74: {  	v37 =	vmul.bf16 v61, v37;
	v38 =	vadd.bf16 v39, v38;
	v39 =	vld [tilespmem:s28+$0xFFFFFE70];
	v57 =	vadd.bf16 v57, v58  }
0x75: {  	v42 =	vmul.bf16 v61, v42;
	v61 =	vld [tilespmem:s28+$0xFFFFFE50];
	v43 =	vadd.bf16 v45, v43;
	v53 =	vmul.bf16 v52, v53  }
0x76: {  	v3 =	vld [tilespmem:s28+$0xFFFFFE90];
	v37 =	vadd.bf16 v37, v51;
	v33 =	vmul.bf16 v59, v33;
	v63 =	vmul.bf16 v59, v63  }
0x77: {  	v53 =	vadd.bf16 v53, v60;
	v60 =	vld [tilespmem:s28+$0xFFFFFE80];
	v59 =	vmul.bf16 v59, v29;
	v29 =	vunpack.i.u.bf16.f32 v36  }
0x78: {  	v42 =	vadd.bf16 v42, v46;
	v36 =	vmul.bf16 v52, v49;
	v49 =	vld [tilespmem:s28+$0xFFFFFEA0];
	v29 =	vadd.f32 v29, v35  }
0x79: {  	v35 =	vmul.bf16 v52, v55;
	v55 =	vld [tilespmem:s28+$0xFFFFFEB0];
	v39 =	vmul.bf16 v52, v39;
	v38 =	vadd.bf16 v53, v38  }
0x7a: {  	v53 =	vmul.bf16 v52, v61;
	v36 =	vadd.bf16 v36, v50;
	v50 =	vld [tilespmem:s28+$0xFFFFFEC0];
	v61 =	vmul.bf16 v52, v62  }
0x7b: {  	v52 =	vld [tilespmem:s28+$0xFFFFFF00];
	v33 =	vadd.bf16 v35, v33;
	v39 =	vadd.bf16 v39, v59;
	v47 =	vunpack.i.l.bf16.f32 v38  }
0x7c: {  	v35 =	vld [tilespmem:s28+$0xFFFFFEF0];
	v38 =	vunpack.i.u.bf16.f32 v38;
	v36 =	vadd.bf16 v36, v40;
	v40 =	vperm.xlane v28, v14  }
0x7d: {  	v59 =	vld [tilespmem:s28+$0xFFFFFF80];
	v14 =	vimm.s32 $0xD;
	v51 =	vadd.bf16 v53, v63;
	v46 =	vadd.bf16 v61, v54  }
0x7e: {  	v54 =	vld [tilespmem:s28+$0xFFFFFF30];
	v47 =	vadd.f32 v47, v56;
	v30 =	vadd.f32 v38, v30;
	v53 =	vperm.xlane v28, v14  }
0x7f: {  	v61 =	vld [tilespmem:s28+$0xFFFFFF40];
	v33 =	vadd.bf16 v33, v43;
	v45 =	vunpack.i.l.bf16.f32 v36;
	v37 =	vadd.bf16 v51, v37  }
0x80: {  	v56 =	vld [tilespmem:s28+$0xFFFFFED0];
	v36 =	vunpack.i.u.bf16.f32 v36;
	v42 =	vadd.bf16 v46, v42;
	v3 =	vmul.bf16 v40, v3  }
0x81: {  	v38 =	vld [tilespmem:s28+$0xFFFFFEE0];
	v49 =	vmul.bf16 v40, v49;
	v55 =	vmul.bf16 v40, v55;
	v44 =	vadd.f32 v45, v44  }
0x82: {  	v43 =	vld [tilespmem:s28+$0xFFFFFF10];
	v45 =	vperm.xlane v28, v15;
	v28 =	vperm.xlane v28, v16;
	v2 =	vadd.f32 v36, v2  }
0x83: {  	v51 =	vld [tilespmem:s28+$0xFFFFFF20];
	v36 =	vunpack.i.u.bf16.f32 v33;
	v33 =	vunpack.i.l.bf16.f32 v33;
	v50 =	vmul.bf16 v40, v50  }
0x84: {  	v46 =	vld [tilespmem:s28+$0xFFFFFF50];
	v0 =	vadd.f32 v33, v0;
	v33 =	vunpack.i.l.bf16.f32 v37;
	v31 =	vadd.f32 v36, v31  }
0x85: {  	v62 =	vunpack.i.u.bf16.f32 v37;
	v37 =	vunpack.i.u.bf16.f32 v42;
	v32 =	vadd.f32 v33, v32;
	v33 =	vld [tilespmem:s28+$0xFFFFFF60]  }
0x86: {  	v42 =	vunpack.i.l.bf16.f32 v42;
	v36 =	vadd.f32 v62, v41;
	v41 =	vmul.bf16 v40, v60;
	v60 =	vld [tilespmem:s28+$0xFFFFFF70]  }
0x87: {  	v35 =	vmul.bf16 v53, v35;
	v62 =	vld [tilespmem:s28+$0xFFFFFFA0];
	v34 =	vadd.f32 v42, v34;
	v42 =	vmul.bf16 v53, v52  }
0x88: {  	v52 =	vld [tilespmem:s28+$0xFFFFFFB0];
	v1 =	vadd.f32 v37, v1;
	v37 =	vmul.bf16 v45, v61;
	v40 =	vmul.bf16 v40, v56  }
0x89: {  	v39 =	vadd.bf16 v39, v57;
	v61 =	vld [tilespmem:s28+$0xFFFFFFD0];
	v38 =	vmul.bf16 v53, v38;
	v43 =	vmul.bf16 v53, v43  }
0x8a: {  	v57 =	vld [tilespmem:s28+$0xFFFFFFC0];
	v3 =	vadd.bf16 v35, v3;
	v51 =	vmul.bf16 v53, v51;
	v53 =	vmul.bf16 v53, v54  }
0x8b: {  	v54 =	vunpack.i.l.bf16.f32 v39;
	v46 =	vmul.bf16 v45, v46;
	v42 =	vadd.bf16 v42, v49  }
0x8c: {  	v56 =	vld [tilespmem:s28+$0xFFFFFF90];
	v38 =	vadd.bf16 v38, v41;
	v58 =	vmul.bf16 v28, v62;
	v33 =	vmul.bf16 v45, v33  }
0x8d: {  	v48 =	vadd.f32 v54, v48;
	v62 =	vld [tilespmem:s28+$0xFFFFFFE0];
	v54 =	vmul.bf16 v45, v60;
	v52 =	vmul.bf16 v28, v52  }
0x8e: {  	v61 =	vmul.bf16 v28, v61;
	v37 =	vadd.bf16 v58, v37;
	v58 =	vmul.bf16 v45, v59  }
0x8f: {  	v59 =	vmul.bf16 v28, v57;
	v60 =	vadd.bf16 v52, v46;
	v57 =	vmov s25  }
0x90: {  	v61 =	vadd.bf16 v61, v54;
	v35 =	vmul.u32 $0xC0, v57;
	v57 =	vadd.bf16 v51, v50  }
0x91: {  	v45 =	vmul.bf16 v45, v56;
	v56 =	vld [tilespmem:s28+$0xFFFFFFF0];
	v37 =	vadd.bf16 v37, v38;
	v3 =	vadd.bf16 v60, v3  }
0x92: {  	v33 =	vadd.bf16 v59, v33;
	v60 =	vadd.bf16 v43, v55;
	v41 =	vmul.bf16 v28, v62  }
0x93: {  	v35 =	vbroadcast v35, $0x0;
	v62 =	vunpack.i.u.bf16.f32 v37;
	v37 =	vunpack.i.l.bf16.f32 v37  }
0x94: {  	v59 =	vunpack.i.u.bf16.f32 v3;
	v33 =	vadd.bf16 v33, v42;
	v3 =	vunpack.i.l.bf16.f32 v3  }
0x95: {  	v42 =	vadd.bf16 v61, v60;
	v30 =	vadd.f32 v62, v30;
	v62 =	vor.u32 v12, v35  }
0x96: {  	v28 =	vmul.bf16 v28, v56;
	v37 =	vadd.f32 v37, v47;
	v52 =	vor.u32 v17, v35  }
0x97: {  	v3 =	vadd.f32 v3, v44;
	v2 =	vadd.f32 v59, v2;
	v54 =	vor.u32 v18, v35  }
0x98: {  	v56 =	vor.u32 v19, v35;
	v41 =	vadd.bf16 v41, v58;
	v58 =	vor.u32 v20, v35  }
0x99: {  	v59 =	vor.u32 v21, v35;
	v61 =	vor.u32 v22, v35;
	v47 =	vadd.s32 v24, v35  }
0x9a: {  	v50 =	vadd.s32 v25, v35;
	v49 =	vunpack.i.l.bf16.f32 v33;
	v33 =	vunpack.i.u.bf16.f32 v33;
	[tilespmem:v62+s19+$0x0] =	vst.idx.msk $0xffff, v37  }
0x9b: {  	v0 =	vadd.f32 v49, v0;
	v31 =	vadd.f32 v33, v31;
	[tilespmem:v52+s19+$0x0] =	vst.idx.msk $0xffff, v30  }
0x9c: {  	v55 =	vunpack.i.l.bf16.f32 v42;
	v60 =	vadd.bf16 v41, v57;
	[tilespmem:v54+s19+$0x0] =	vst.idx.msk $0xffff, v3;
	v3 =	vor.u32 v23, v35  }
0x9d: {  	v44 =	vunpack.i.u.bf16.f32 v42;
	v28 =	vadd.bf16 v28, v45;
	v62 =	vadd.bf16 v53, v40;
	[tilespmem:v56+s19+$0x0] =	vst.idx.msk $0xffff, v2  }
0x9e: {  	v39 =	vunpack.i.u.bf16.f32 v39;
	v32 =	vadd.f32 v55, v32;
	v36 =	vadd.f32 v44, v36;
	[tilespmem:v58+s19+$0x0] =	vst.idx.msk $0xffff, v0  }
0x9f: {  	v51 =	vunpack.i.l.bf16.f32 v60;
	v52 =	vadd.s32 v26, v35;
	v28 =	vadd.bf16 v28, v62;
	[tilespmem:v59+s19+$0x0] =	vst.idx.msk $0xffff, v31  }
0xa0: {  	v53 =	vunpack.i.u.bf16.f32 v60;
	v34 =	vadd.f32 v51, v34;
	v54 =	vadd.s32 v27, v35;
	[tilespmem:v61+s19+$0x0] =	vst.idx.msk $0xffff, v32  }
0xa1: {  	v29 =	vadd.f32 v39, v29;
	v1 =	vadd.f32 v53, v1;
	v55 =	vunpack.i.l.bf16.f32 v28;
	[tilespmem:v3+s19+$0x0] =	vst.idx.msk $0xffff, v36  }
0xa2: {  	v3 =	vunpack.i.u.bf16.f32 v28;
	v28 =	vadd.f32 v55, v48;
	[tilespmem:v47+s19+$0x0] =	vst.idx.msk $0xffff, v34  }
0xa3: {  	v56 =	vadd.f32 v3, v29;
	[tilespmem:v50+s19+$0x0] =	vst.idx.msk $0xffff, v1  }
0xa4: {  	[tilespmem:v52+s19+$0x0] =	vst.idx.msk $0xffff, v28  }
0xa5: {  	[tilespmem:v54+s19+$0x0] =	vst.idx.msk $0xffff, v56  }
0xa6: {  	v28 =	vld [tilespmem:s26+$0x0]  }
0xa7: {  	v0 =	vld [tilespmem:s28+$0x0]  }
0xa8: {  	v1 =	vld [tilespmem:s28+$0x10]  }
0xa9: {  	v2 =	vld [tilespmem:s28+$0x20]  }
0xaa: {  	v3 =	vld [tilespmem:s28+$0x30]  }
0xab: {  	v30 =	vld [tilespmem:s28+$0x40]  }
0xac: {  	v31 =	vld [tilespmem:s28+$0x50]  }
0xad: {  	v57 =	vld [tilespmem:s28+$0x60]  }
0xae: {  	v58 =	vld [tilespmem:s28+$0x70]  }
0xaf: {  	v34 =	vld [tilespmem:s28+$0x80]  }
0xb0: {  	v35 =	vld [tilespmem:s28+$0x90]  }
0xb1: {  	v36 =	vld [tilespmem:s28+$0xA0]  }
0xb2: {  	v37 =	vld [tilespmem:s28+$0xB0]  }
0xb3: {  	v4 =	vimm.s32 $0x1;
	v5 =	vimm.s32 $0x2;
	v63 =	vimm.s32 $0x0;
	v38 =	vld [tilespmem:s28+$0xC0]  }
0xb4: {  	v6 =	vimm.s32 $0x3;
	v7 =	vimm.s32 $0x4;
	v39 =	vld [tilespmem:s28+$0xD0];
	v59 =	vperm.xlane v28, v63  }
0xb5: {  	v8 =	vimm.s32 $0x5;
	v40 =	vld [tilespmem:s28+$0xE0];
	v43 =	vperm.xlane v28, v4;
	v44 =	vperm.xlane v28, v5  }
0xb6: {  	v9 =	vimm.s32 $0x6;
	v42 =	vld [tilespmem:s28+$0xF0];
	v46 =	vperm.xlane v28, v6;
	v47 =	vperm.xlane v28, v7  }
0xb7: {  	v10 =	vimm.s32 $0x7;
	v45 =	vld [tilespmem:s28+$0x100];
	v49 =	vperm.xlane v28, v8;
	v50 =	vperm.xlane v28, v9  }
0xb8: {  	v48 =	vld [tilespmem:s28+$0x110];
	v52 =	vperm.xlane v28, v10;
	v29 =	vperm.xlane v28, v11  }
0xb9: {  	v61 =	vld [tilespmem:s28+$0x120];
	v0 =	vmul.bf16 v59, v0;
	v1 =	vmul.bf16 v59, v1  }
0xba: {  	v62 =	vld [tilespmem:s28+$0x130];
	v2 =	vmul.bf16 v59, v2;
	v3 =	vmul.bf16 v59, v3  }
0xbb: {  	v60 =	vld [tilespmem:s28+$0x140];
	v30 =	vmul.bf16 v59, v30;
	v31 =	vmul.bf16 v59, v31  }
0xbc: {  	v55 =	vld [tilespmem:s28+$0x150];
	v32 =	vmul.bf16 v43, v57;
	v33 =	vmul.bf16 v43, v58  }
0xbd: {  	v41 =	vld [tilespmem:s28+$0x160];
	v34 =	vmul.bf16 v43, v34;
	v35 =	vmul.bf16 v43, v35  }
0xbe: {  	v56 =	vld [tilespmem:s28+$0x170];
	v6 =	vimm.s32 $0xC;
	v38 =	vmul.bf16 v44, v38;
	v51 =	vmul.bf16 v46, v61  }
0xbf: {  	v53 =	vld [tilespmem:s28+$0x1C0];
	v5 =	vimm.s32 $0xA;
	v36 =	vmul.bf16 v43, v36;
	v37 =	vmul.bf16 v43, v37  }
0xc0: {  	v4 =	vimm.s32 $0x9;
	v57 =	vld [tilespmem:s28+$0x180];
	v39 =	vmul.bf16 v44, v39;
	v40 =	vmul.bf16 v44, v40  }
0xc1: {  	v58 =	vld [tilespmem:s28+$0x190];
	v62 =	vmul.bf16 v46, v62;
	v42 =	vmul.bf16 v44, v42;
	v0 =	vadd.bf16 v32, v0  }
0xc2: {  	v43 =	vld [tilespmem:s28+$0x1A0];
	v45 =	vmul.bf16 v44, v45;
	v61 =	vadd.bf16 v51, v38;
	v1 =	vadd.bf16 v33, v1  }
0xc3: {  	v41 =	vmul.bf16 v46, v41;
	v38 =	vld [tilespmem:s28+$0x1B0];
	v59 =	vadd.bf16 v62, v39;
	v2 =	vadd.bf16 v34, v2  }
0xc4: {  	v44 =	vmul.bf16 v44, v48;
	v32 =	vld [tilespmem:s28+$0x1D0];
	v3 =	vadd.bf16 v35, v3;
	v30 =	vadd.bf16 v36, v30  }
0xc5: {  	v60 =	vmul.bf16 v46, v60;
	v39 =	vld [tilespmem:s28+$0x1E0];
	v41 =	vadd.bf16 v41, v45;
	v31 =	vadd.bf16 v37, v31  }
0xc6: {  	v33 =	vld [tilespmem:s28+$0x200];
	v0 =	vadd.bf16 v61, v0;
	v61 =	vmul.bf16 v46, v55;
	v1 =	vadd.bf16 v59, v1  }
0xc7: {  	v34 =	vld [tilespmem:s28+$0x230];
	v46 =	vmul.bf16 v46, v56;
	v30 =	vadd.bf16 v41, v30;
	v41 =	vmul.bf16 v47, v53  }
0xc8: {  	v35 =	vld [tilespmem:s28+$0x240];
	v56 =	vadd.bf16 v60, v40;
	v45 =	vmul.bf16 v47, v57;
	v57 =	vmul.bf16 v47, v58  }
0xc9: {  	v36 =	vld [tilespmem:s28+$0x270];
	v43 =	vmul.bf16 v47, v43;
	v62 =	vunpack.i.l.bf16.f32 v0;
	v0 =	vunpack.i.u.bf16.f32 v0  }
0xca: {  	v55 =	vld [tilespmem:s28+$0x1F0];
	v59 =	vadd.bf16 v61, v42;
	v60 =	vunpack.i.l.bf16.f32 v1;
	v2 =	vadd.bf16 v56, v2  }
0xcb: {  	v40 =	vld [tilespmem:s28+$0x210];
	v1 =	vunpack.i.u.bf16.f32 v1;
	v44 =	vadd.bf16 v46, v44;
	v54 =	vadd.f32 $0.0e+00, v62  }
0xcc: {  	v53 =	vld [tilespmem:s28+$0x2B0];
	v0 =	vadd.f32 $0.0e+00, v0;
	v38 =	vmul.bf16 v47, v38;
	v32 =	vmul.bf16 v47, v32  }
0xcd: {  	v58 =	vld [tilespmem:s28+$0x280];
	v48 =	vadd.f32 $0.0e+00, v60;
	v37 =	vmul.bf16 v49, v39;
	v33 =	vmul.bf16 v49, v33  }
0xce: {  	v42 =	vld [tilespmem:s28+$0x220];
	v1 =	vadd.f32 $0.0e+00, v1;
	v34 =	vmul.bf16 v49, v34;
	v35 =	vmul.bf16 v50, v35  }
0xcf: {  	v56 =	vld [tilespmem:s28+$0x250];
	v3 =	vadd.bf16 v59, v3;
	v61 =	vunpack.i.u.bf16.f32 v2;
	v2 =	vunpack.i.l.bf16.f32 v2  }
0xd0: {  	v60 =	vld [tilespmem:s28+$0x260];
	v36 =	vmul.bf16 v50, v36;
	v31 =	vadd.bf16 v44, v31;
	v2 =	vadd.f32 $0.0e+00, v2  }
0xd1: {  	v47 =	vld [tilespmem:s28+$0x290];
	v51 =	vadd.f32 $0.0e+00, v61;
	v39 =	vmul.bf16 v49, v55;
	v40 =	vmul.bf16 v49, v40  }
0xd2: {  	v46 =	vld [tilespmem:s28+$0x2C0];
	v55 =	vunpack.i.l.bf16.f32 v30;
	v37 =	vadd.bf16 v37, v45;
	v30 =	vunpack.i.u.bf16.f32 v30  }
0xd3: {  	v61 =	vld [tilespmem:s28+$0x2A0];
	v53 =	vmul.bf16 v52, v53;
	v33 =	vadd.bf16 v33, v43;
	v32 =	vadd.bf16 v34, v32  }
0xd4: {  	v45 =	vld [tilespmem:s28+$0x2E0];
	v59 =	vunpack.i.l.bf16.f32 v3;
	v3 =	vunpack.i.u.bf16.f32 v3;
	v58 =	vmul.bf16 v50, v58  }
0xd5: {  	v55 =	vadd.f32 $0.0e+00, v55;
	v42 =	vmul.bf16 v49, v42;
	v49 =	vld [tilespmem:s28+$0x2D0];
	v56 =	vmul.bf16 v50, v56  }
0xd6: {  	v30 =	vadd.f32 $0.0e+00, v30;
	v60 =	vmul.bf16 v50, v60;
	v47 =	vmul.bf16 v50, v47;
	v50 =	vld [tilespmem:s28+$0x300]  }
0xd7: {  	v59 =	vadd.f32 $0.0e+00, v59;
	v46 =	vmul.bf16 v52, v46;
	v38 =	vadd.bf16 v40, v38;
	v40 =	vld [tilespmem:s28+$0x370]  }
0xd8: {  	v3 =	vadd.f32 $0.0e+00, v3;
	v53 =	vadd.bf16 v53, v56;
	v56 =	vld [tilespmem:s28+$0x330];
	v61 =	vmul.bf16 v52, v61  }
0xd9: {  	v39 =	vadd.bf16 v39, v57;
	v45 =	vmul.bf16 v52, v45;
	v43 =	vadd.bf16 v46, v60;
	v46 =	vld [tilespmem:s28+$0x360]  }
0xda: {  	v41 =	vadd.bf16 v42, v41;
	v35 =	vadd.bf16 v61, v35;
	v61 =	vld [tilespmem:s28+$0x2F0];
	v44 =	vmul.bf16 v52, v49  }
0xdb: {  	v49 =	vld [tilespmem:s28+$0x320];
	v33 =	vadd.bf16 v43, v33;
	v42 =	vadd.bf16 v45, v58;
	v34 =	vmul.bf16 v29, v50  }
0xdc: {  	v43 =	vld [tilespmem:s28+$0x380];
	v35 =	vadd.bf16 v35, v37;
	v36 =	vadd.bf16 v44, v36;
	v44 =	vunpack.i.l.bf16.f32 v31  }
0xdd: {  	v37 =	vld [tilespmem:s28+$0x310];
	v41 =	vadd.bf16 v42, v41;
	v31 =	vunpack.i.u.bf16.f32 v31;
	v44 =	vadd.f32 $0.0e+00, v44  }
0xde: {  	v45 =	vld [tilespmem:s28+$0x3A0];
	v62 =	vunpack.i.l.bf16.f32 v35;
	v35 =	vunpack.i.u.bf16.f32 v35;
	v36 =	vadd.bf16 v36, v38  }
0xdf: {  	v58 =	vld [tilespmem:s28+$0x3B0];
	v52 =	vmul.bf16 v52, v61;
	v54 =	vadd.f32 v62, v54;
	v61 =	vperm.xlane v28, v4  }
0xe0: {  	v42 =	vld [tilespmem:s28+$0x3C0];
	v0 =	vadd.f32 v35, v0;
	v35 =	vadd.bf16 v53, v39;
	v53 =	vperm.xlane v28, v5  }
0xe1: {  	v50 =	vld [tilespmem:s28+$0x3F0];
	v49 =	vmul.bf16 v29, v49;
	v62 =	vunpack.i.l.bf16.f32 v36;
	v36 =	vunpack.i.u.bf16.f32 v36  }
0xe2: {  	v57 =	vld [tilespmem:s28+$0x340];
	v37 =	vmul.bf16 v29, v37;
	v47 =	vadd.bf16 v52, v47;
	v52 =	vmul.bf16 v29, v56  }
0xe3: {  	v38 =	vld [tilespmem:s28+$0x390];
	v60 =	vunpack.i.l.bf16.f32 v35;
	v46 =	vmul.bf16 v61, v46;
	v40 =	vmul.bf16 v61, v40  }
0xe4: {  	v39 =	vld [tilespmem:s28+$0x350];
	v3 =	vadd.f32 v36, v3;
	v36 =	vmul.bf16 v61, v43;
	v45 =	vmul.bf16 v61, v45  }
0xe5: {  	v35 =	vunpack.i.u.bf16.f32 v35;
	v56 =	vld [tilespmem:s28+$0x420];
	v58 =	vmul.bf16 v61, v58;
	v42 =	vmul.bf16 v53, v42  }
0xe6: {  	v43 =	vld [tilespmem:s28+$0x430];
	v50 =	vmul.bf16 v53, v50;
	v1 =	vadd.f32 v35, v1;
	v35 =	vunpack.i.u.bf16.f32 v33  }
0xe7: {  	v48 =	vadd.f32 v60, v48;
	v33 =	vunpack.i.l.bf16.f32 v33;
	v35 =	vadd.f32 v35, v51;
	v51 =	vld [tilespmem:s28+$0x3D0]  }
0xe8: {  	v60 =	vperm.xlane v28, v13;
	v2 =	vadd.f32 v33, v2;
	v33 =	vadd.f32 v62, v59;
	v59 =	vld [tilespmem:s28+$0x3E0]  }
0xe9: {  	v62 =	vunpack.i.u.bf16.f32 v41;
	v41 =	vunpack.i.l.bf16.f32 v41;
	v32 =	vadd.bf16 v47, v32;
	v47 =	vld [tilespmem:s28+$0x410]  }
0xea: {  	v38 =	vmul.bf16 v61, v38;
	v61 =	vld [tilespmem:s28+$0x440];
	v34 =	vadd.bf16 v46, v34;
	v37 =	vadd.bf16 v40, v37  }
0xeb: {  	v41 =	vadd.f32 v41, v55;
	v55 =	vmul.bf16 v29, v57;
	v39 =	vmul.bf16 v29, v39;
	v29 =	vld [tilespmem:s28+$0x400]  }
0xec: {  	v46 =	vld [tilespmem:s28+$0x460];
	v36 =	vadd.bf16 v36, v49;
	v49 =	vperm.xlane v28, v14;
	v57 =	vunpack.i.l.bf16.f32 v32  }
0xed: {  	v30 =	vadd.f32 v62, v30;
	v44 =	vadd.f32 v57, v44;
	v56 =	vmul.bf16 v60, v56;
	v57 =	vld [tilespmem:s28+$0x450]  }
0xee: {  	v32 =	vunpack.i.u.bf16.f32 v32;
	v38 =	vadd.bf16 v38, v52;
	v39 =	vadd.bf16 v58, v39  }
0xef: {  	v51 =	vmul.bf16 v53, v51;
	v59 =	vmul.bf16 v53, v59;
	v42 =	vadd.bf16 v56, v42  }
0xf0: {  	v56 =	vld [tilespmem:s28+$0x470];
	v47 =	vmul.bf16 v53, v47;
	v62 =	vmul.bf16 v53, v29;
	v29 =	vadd.f32 $0.0e+00, v31  }
0xf1: {  	v52 =	vld [tilespmem:s28+$0x4E0];
	v61 =	vmul.bf16 v60, v61;
	v53 =	vmul.bf16 v60, v43;
	v31 =	vadd.bf16 v42, v34  }
0xf2: {  	v58 =	vld [tilespmem:s28+$0x550];
	v46 =	vmul.bf16 v60, v46;
	v29 =	vadd.f32 v32, v29;
	v42 =	vmul.bf16 v60, v57  }
0xf3: {  	v43 =	vld [tilespmem:s28+$0x480];
	v34 =	vadd.bf16 v53, v51;
	v32 =	vadd.bf16 v61, v59;
	v57 =	vunpack.i.l.bf16.f32 v31  }
0xf4: {  	v51 =	vld [tilespmem:s28+$0x490];
	v59 =	vadd.bf16 v45, v55;
	v31 =	vunpack.i.u.bf16.f32 v31;
	v40 =	vadd.f32 v57, v54  }
0xf5: {  	v55 =	vld [tilespmem:s28+$0x510];
	v53 =	vmul.bf16 v60, v56;
	v34 =	vadd.bf16 v34, v37;
	v42 =	vadd.bf16 v42, v50  }
0xf6: {  	v45 =	vld [tilespmem:s28+$0x520];
	v56 =	vperm.xlane v28, v6;
	v0 =	vadd.f32 v31, v0;
	v60 =	vadd.bf16 v46, v62  }
0xf7: {  	v54 =	vld [tilespmem:s28+$0x4A0];
	v31 =	vperm.xlane v28, v15;
	v28 =	vperm.xlane v28, v16;
	v32 =	vadd.bf16 v32, v36  }
0xf8: {  	v37 =	vld [tilespmem:s28+$0x4B0];
	v61 =	vunpack.i.l.bf16.f32 v34;
	v36 =	vadd.bf16 v42, v38;
	v42 =	vadd.bf16 v60, v59  }
0xf9: {  	v57 =	vld [tilespmem:s28+$0x4C0];
	v34 =	vunpack.i.u.bf16.f32 v34;
	v47 =	vadd.bf16 v53, v47;
	v48 =	vadd.f32 v61, v48  }
0xfa: {  	v50 =	vld [tilespmem:s28+$0x4D0];
	v1 =	vadd.f32 v34, v1;
	v61 =	vunpack.i.u.bf16.f32 v32;
	v32 =	vunpack.i.l.bf16.f32 v32  }
0xfb: {  	v46 =	vld [tilespmem:s28+$0x500];
	v45 =	vmul.bf16 v49, v45;
	v2 =	vadd.f32 v32, v2;
	v62 =	vunpack.i.l.bf16.f32 v36  }
0xfc: {  	v38 =	vld [tilespmem:s28+$0x4F0];
	v34 =	vadd.f32 v61, v35;
	v59 =	vunpack.i.u.bf16.f32 v36;
	v35 =	vunpack.i.u.bf16.f32 v42  }
0xfd: {  	v60 =	vunpack.i.l.bf16.f32 v42;
	v61 =	vld [tilespmem:s28+$0x540];
	v39 =	vadd.bf16 v47, v39;
	v47 =	vmul.bf16 v49, v55  }
0xfe: {  	v55 =	vld [tilespmem:s28+$0x5B0];
	v36 =	vadd.f32 v60, v41;
	v41 =	vmul.bf16 v56, v43;
	v43 =	vmul.bf16 v56, v51  }
0xff: {  	v32 =	vadd.f32 v62, v33;
	v33 =	vld [tilespmem:s28+$0x530];
	v54 =	vmul.bf16 v56, v54;
	v37 =	vmul.bf16 v56, v37  }
0x100: {  	v3 =	vadd.f32 v59, v3;
	v62 =	vld [tilespmem:s28+$0x5A0];
	v60 =	vmul.bf16 v49, v52;
	v46 =	vmul.bf16 v49, v46  }
0x101: {  	v53 =	vmul.bf16 v56, v57;
	v50 =	vmul.bf16 v56, v50;
	v56 =	vld [tilespmem:s28+$0x560];
	v30 =	vadd.f32 v35, v30  }
0x102: {  	v52 =	vld [tilespmem:s28+$0x570];
	v38 =	vmul.bf16 v49, v38;
	v35 =	vadd.bf16 v60, v41;
	v46 =	vadd.bf16 v46, v54  }
0x103: {  	s29 =	sadd.s32 $0x1, s25;
	v41 =	vld [tilespmem:s28+$0x5C0];
	v60 =	vmul.bf16 v31, v58;
	v58 =	vadd.bf16 v47, v37;
	v45 =	vadd.bf16 v45, v53  }
0x104: {  	v57 =	vld [tilespmem:s28+$0x580];
	v42 =	vmul.bf16 v31, v61;
	v61 =	vmov s29;
	v55 =	vmul.bf16 v28, v55  }
0x105: {  	v51 =	vmul.bf16 v28, v62;
	v33 =	vmul.bf16 v49, v33;
	v49 =	vmul.u32 $0xC0, v61  }
0x106: {  	v38 =	vadd.bf16 v38, v43;
	v62 =	vunpack.i.l.bf16.f32 v39;
	v56 =	vmul.bf16 v31, v56  }
0x107: {  	v61 =	vld [tilespmem:s28+$0x590];
	v44 =	vadd.f32 v62, v44;
	v42 =	vadd.bf16 v51, v42;
	v49 =	vbroadcast v49, $0x0  }
0x108: {  	v51 =	vadd.bf16 v55, v60;
	v41 =	vmul.bf16 v28, v41;
	v33 =	vadd.bf16 v33, v50  }
0x109: {  	v35 =	vadd.bf16 v42, v35;
	v42 =	vmul.bf16 v31, v52;
	v52 =	vmul.bf16 v31, v57  }
0x10a: {  	v57 =	vld [tilespmem:s28+$0x5D0];
	v59 =	vor.u32 v12, v49;
	v60 =	vor.u32 v17, v49;
	v38 =	vadd.bf16 v51, v38  }
0x10b: {  	v41 =	vadd.bf16 v41, v56;
	v47 =	vadd.s32 v21, v49;
	v53 =	vadd.s32 v23, v49  }
0x10c: {  	v55 =	vld [tilespmem:s28+$0x5E0];
	v31 =	vmul.bf16 v31, v61;
	v61 =	vor.u32 v18, v49;
	v62 =	vunpack.i.l.bf16.f32 v35  }
0x10d: {  	v51 =	vld [tilespmem:s28+$0x5F0];
	v35 =	vunpack.i.u.bf16.f32 v35;
	v56 =	vunpack.i.l.bf16.f32 v38;
	v41 =	vadd.bf16 v41, v46  }
0x10e: {  	v38 =	vunpack.i.u.bf16.f32 v38;
	v40 =	vadd.f32 v62, v40;
	v0 =	vadd.f32 v35, v0  }
0x10f: {  	v35 =	vadd.f32 v56, v48;
	v1 =	vadd.f32 v38, v1;
	v62 =	vmul.bf16 v28, v57  }
0x110: {  	v56 =	vadd.s32 v26, v49;
	[tilespmem:v59+s19+$0x0] =	vst.idx.msk $0xffff, v40;
	v57 =	vor.u32 v19, v49  }
0x111: {  	[tilespmem:v60+s19+$0x0] =	vst.idx.msk $0xffff, v0;
	v60 =	vmul.bf16 v28, v55;
	v59 =	vadd.bf16 v62, v42  }
0x112: {  	v28 =	vmul.bf16 v28, v51;
	[tilespmem:v61+s19+$0x0] =	vst.idx.msk $0xffff, v35;
	v61 =	vunpack.i.l.bf16.f32 v41;
	v62 =	vadd.s32 v20, v49  }
0x113: {  	v48 =	vunpack.i.u.bf16.f32 v41;
	v2 =	vadd.f32 v61, v2;
	v0 =	vadd.bf16 v59, v58  }
0x114: {  	v40 =	vadd.bf16 v60, v52;
	v52 =	vadd.s32 v22, v49;
	v54 =	vadd.bf16 v28, v31  }
0x115: {  	v28 =	vadd.s32 v24, v49;
	[tilespmem:v57+s19+$0x0] =	vst.idx.msk $0xffff, v1;
	v1 =	vadd.f32 v48, v34;
	v51 =	vunpack.i.l.bf16.f32 v0  }
0x116: {  	v35 =	vadd.bf16 v40, v45;
	v0 =	vunpack.i.u.bf16.f32 v0;
	v32 =	vadd.f32 v51, v32  }
0x117: {  	[tilespmem:v62+s19+$0x0] =	vst.idx.msk $0xffff, v2;
	v0 =	vadd.f32 v0, v3;
	v3 =	vadd.s32 v25, v49  }
0x118: {  	v59 =	vadd.s32 v27, v49;
	v55 =	vunpack.i.l.bf16.f32 v35;
	v2 =	vadd.bf16 v54, v33;
	[tilespmem:v47+s19+$0x0] =	vst.idx.msk $0xffff, v1  }
0x119: {  	p0 =	slt.u32 s25, $0x6;
	v57 =	vunpack.i.u.bf16.f32 v39;
	v58 =	vunpack.i.u.bf16.f32 v35;
	v1 =	vadd.f32 v55, v36;
	[tilespmem:v52+s19+$0x0] =	vst.idx.msk $0xffff, v32  }
.Ltmp0:
0x11a: {  	v60 =	vadd.f32 v57, v29;
	v29 =	vadd.f32 v58, v30;
	v61 =	vunpack.i.l.bf16.f32 v2;
	[tilespmem:v53+s19+$0x0] =	vst.idx.msk $0xffff, v0;
	(pc) =	sbr.rel @p0 .LBB2_3-.Ltmp0, $4  }
0x11b: {  	v2 =	vunpack.i.u.bf16.f32 v2;
	v62 =	vadd.f32 v61, v44;
	[tilespmem:v28+s19+$0x0] =	vst.idx.msk $0xffff, v1  }
0x11c: {  	v10 =	vimm.s32 $0x7;
	v0 =	vadd.f32 v2, v60;
	[tilespmem:v3+s19+$0x0] =	vst.idx.msk $0xffff, v29  }
0x11d: {  	v9 =	vimm.s32 $0x6;
	v8 =	vimm.s32 $0x5;
	v7 =	vimm.s32 $0x4;
	[tilespmem:v56+s19+$0x0] =	vst.idx.msk $0xffff, v62  }
0x11e: {  	s25 =	sadd.s32 $0x2, s25;
	s26 =	sadd.s32 $0x20, s26;
	v5 =	vimm.s32 $0x2;
	v4 =	vimm.s32 $0x1;
	v6 =	vimm.s32 $0x3;
	s28 =	sadd.s32 $0xC00, s28;
	[tilespmem:v59+s19+$0x0] =	vst.idx.msk $0xffff, v0  }
0x11f: {  	s24 =	sadd.s32 s7, s24  }
0x120: {  	s24 =	smul.u32 $0x18, s24;
	_ =	sdelay $0x1  }
0x121: {  	p0 =	seq.s32 s22, $0x30;
	s24 =	sadd.s32 s4, s24  }
0x122: {  	[hbm4b:s24+s5] =	stream.linear.scatter [tilespmem:s19], [sflag:$0x3], $0x600, $0x38;
	[tilespmem:$0x6800] =	vst v63  }
0x123: {  	s24 =	sshll.u32 @!p0 s22, $0x8  }
0x124: {  	_ =	swait.ge [sflag:s12], $0x600;
	s24 =	sadd.s32 @!p0 s24, s10  }
0x125: {  	[sflag:s12] =	ssyncset.done $0x0;
	s24 =	sshrl.u32 @!p0 s24, $0x3  }
0x126: {  	s26 =	simm.s32 @!p0 $0x0;
	[sflag:s12] =	ssyncadd.s32 $0xFFFFFA00;
	s25 =	sadd.s32 @!p0 s1, s24  }
0x127: {  	[tilespmem:s26], [sflag:$0x3] =	stream.linear.gather @!p0 [hbm4b:s25+s26], $0x80, $0x38;
	[tilespmem:$0x6800] =	vst v63  }
0x128: {  	s25 =	simm.s32 @!p0 $0x3  }
0x129: {  	_ =	swait.ge @!p0 [sflag:s25], $0x80  }
0x12a: {  	[sflag:s25] =	ssyncset.done @!p0 $0x0  }
0x12b: {  	s28 =	simm.s32 @!p0 $0x80;
	s29 =	simm.s32 @!p0 $0x200;
	[sflag:s25] =	ssyncadd.s32 @!p0 $0xFFFFFF80  }
0x12c: {  	[tilespmem:s29], [sflag:$0x1] =	stream.indirect.gather @!p0 [hbm4b:s6+s28], $0x60, s26, s28, $0xb8;
	[tilespmem:$0x6800] =	vst v63  }
0x12d: {  	s24 =	sadd.s32 @!p0 s3, s24;
	s28 =	simm.s32 @!p0 $0x100  }
0x12e: {  	[tilespmem:s28], [sflag:$0x3] =	stream.linear.gather @!p0 [hbm4b:s24+s26], $0x80, $0x38;
	[tilespmem:$0x6800] =	vst v63  }
0x12f: {  	_ =	swait.ge @!p0 [sflag:s25], $0x80  }
0x130: {  	[sflag:s25] =	ssyncset.done @!p0 $0x0  }
0x131: {  	[sflag:s25] =	ssyncadd.s32 @!p0 $0xFFFFFF80  }
0x132: {  	_ =	swait.ge [sflag:s20], $0x3000  }
0x133: {  	s24 =	simm.s32 $0x0;
	[sflag:s20] =	ssyncset.done $0x0  }
0x134: {  	s26 =	simm.s32 $0x3800;
	s25 =	simm.s32 $0x190;
	[sflag:s20] =	ssyncadd.s32 $0xFFFFD000  }
.LBB2_5:
0x135: {  	v28 =	vld [tilespmem:s25+$0xFFFFFFF0]  }
0x136: {  	v0 =	vld [tilespmem:s26+$0xFFFFFA00]  }
0x137: {  	v1 =	vld [tilespmem:s26+$0xFFFFFA10]  }
0x138: {  	v2 =	vld [tilespmem:s26+$0xFFFFFA20]  }
0x139: {  	v3 =	vld [tilespmem:s26+$0xFFFFFA30]  }
0x13a: {  	v30 =	vld [tilespmem:s26+$0xFFFFFA40]  }
0x13b: {  	v31 =	vld [tilespmem:s26+$0xFFFFFA50]  }
0x13c: {  	v32 =	vld [tilespmem:s26+$0xFFFFFA60]  }
0x13d: {  	v33 =	vld [tilespmem:s26+$0xFFFFFA70]  }
0x13e: {  	v34 =	vld [tilespmem:s26+$0xFFFFFA80]  }
0x13f: {  	v35 =	vld [tilespmem:s26+$0xFFFFFA90]  }
0x140: {  	v36 =	vld [tilespmem:s26+$0xFFFFFAA0]  }
0x141: {  	v37 =	vld [tilespmem:s26+$0xFFFFFAB0]  }
0x142: {  	v38 =	vld [tilespmem:s26+$0xFFFFFAC0]  }
0x143: {  	v39 =	vld [tilespmem:s26+$0xFFFFFAD0]  }
0x144: {  	v40 =	vld [tilespmem:s26+$0xFFFFFAE0];
	v41 =	vperm.xlane v28, v63;
	v43 =	vperm.xlane v28, v4  }
0x145: {  	v42 =	vld [tilespmem:s26+$0xFFFFFAF0];
	v44 =	vperm.xlane v28, v5;
	v46 =	vperm.xlane v28, v6  }
0x146: {  	v45 =	vld [tilespmem:s26+$0xFFFFFB00];
	v47 =	vperm.xlane v28, v7;
	v49 =	vperm.xlane v28, v8  }
0x147: {  	v48 =	vld [tilespmem:s26+$0xFFFFFB10];
	v11 =	vimm.s32 $0x8;
	v50 =	vperm.xlane v28, v9;
	v52 =	vperm.xlane v28, v10  }
0x148: {  	v51 =	vld [tilespmem:s26+$0xFFFFFB20];
	v29 =	vperm.xlane v28, v11;
	v0 =	vmul.bf16 v41, v0  }
0x149: {  	v53 =	vld [tilespmem:s26+$0xFFFFFB30];
	v1 =	vmul.bf16 v41, v1;
	v2 =	vmul.bf16 v41, v2  }
0x14a: {  	v54 =	vld [tilespmem:s26+$0xFFFFFB40];
	v3 =	vmul.bf16 v41, v3;
	v30 =	vmul.bf16 v41, v30  }
0x14b: {  	v55 =	vld [tilespmem:s26+$0xFFFFFB50];
	v31 =	vmul.bf16 v41, v31;
	v32 =	vmul.bf16 v43, v32  }
0x14c: {  	v56 =	vld [tilespmem:s26+$0xFFFFFB70];
	v33 =	vmul.bf16 v43, v33;
	v34 =	vmul.bf16 v43, v34  }
0x14d: {  	v57 =	vld [tilespmem:s26+$0xFFFFFB80];
	v35 =	vmul.bf16 v43, v35;
	v38 =	vmul.bf16 v44, v38  }
0x14e: {  	v58 =	vld [tilespmem:s26+$0xFFFFFB90];
	v51 =	vmul.bf16 v46, v51;
	v36 =	vmul.bf16 v43, v36  }
0x14f: {  	v13 =	vimm.s32 $0xA;
	v41 =	vld [tilespmem:s26+$0xFFFFFB60];
	v37 =	vmul.bf16 v43, v37;
	v39 =	vmul.bf16 v44, v39  }
0x150: {  	v63 =	vimm.s32 $0x9;
	v43 =	vld [tilespmem:s26+$0xFFFFFBA0];
	v40 =	vmul.bf16 v44, v40;
	v62 =	vmul.bf16 v46, v53  }
0x151: {  	v53 =	vld [tilespmem:s26+$0xFFFFFBC0];
	v42 =	vmul.bf16 v44, v42;
	v0 =	vadd.bf16 v32, v0;
	v61 =	vadd.bf16 v51, v38  }
0x152: {  	v45 =	vmul.bf16 v44, v45;
	v38 =	vld [tilespmem:s26+$0xFFFFFBB0];
	v1 =	vadd.bf16 v33, v1;
	v59 =	vadd.bf16 v62, v39  }
0x153: {  	v44 =	vmul.bf16 v44, v48;
	v32 =	vld [tilespmem:s26+$0xFFFFFBD0];
	v2 =	vadd.bf16 v34, v2;
	v3 =	vadd.bf16 v35, v3  }
0x154: {  	v60 =	vmul.bf16 v46, v54;
	v39 =	vld [tilespmem:s26+$0xFFFFFBE0];
	v30 =	vadd.bf16 v36, v30;
	v31 =	vadd.bf16 v37, v31  }
0x155: {  	v33 =	vld [tilespmem:s26+$0xFFFFFC00];
	v0 =	vadd.bf16 v61, v0;
	v61 =	vmul.bf16 v46, v55;
	v1 =	vadd.bf16 v59, v1  }
0x156: {  	v34 =	vld [tilespmem:s26+$0xFFFFFC30];
	v41 =	vmul.bf16 v46, v41;
	v46 =	vmul.bf16 v46, v56;
	v56 =	vadd.bf16 v60, v40  }
0x157: {  	v35 =	vld [tilespmem:s26+$0xFFFFFC40];
	v36 =	vmul.bf16 v47, v43;
	v53 =	vmul.bf16 v47, v53;
	v62 =	vunpack.i.l.bf16.f32 v0  }
0x158: {  	v55 =	vld [tilespmem:s26+$0xFFFFFBF0];
	v0 =	vunpack.i.u.bf16.f32 v0;
	v59 =	vadd.bf16 v61, v42;
	v60 =	vunpack.i.l.bf16.f32 v1  }
0x159: {  	v40 =	vld [tilespmem:s26+$0xFFFFFC10];
	v1 =	vunpack.i.u.bf16.f32 v1;
	v54 =	vadd.f32 $0.0e+00, v62;
	v0 =	vadd.f32 $0.0e+00, v0  }
0x15a: {  	v43 =	vld [tilespmem:s26+$0xFFFFFCA0];
	v2 =	vadd.bf16 v56, v2;
	v62 =	vadd.bf16 v41, v45;
	v45 =	vmul.bf16 v47, v57  }
0x15b: {  	v42 =	vld [tilespmem:s26+$0xFFFFFC20];
	v48 =	vadd.f32 $0.0e+00, v60;
	v57 =	vmul.bf16 v47, v58;
	v38 =	vmul.bf16 v47, v38  }
0x15c: {  	v1 =	vadd.f32 $0.0e+00, v1;
	v56 =	vld [tilespmem:s26+$0xFFFFFC50];
	v32 =	vmul.bf16 v47, v32;
	v39 =	vmul.bf16 v49, v39  }
0x15d: {  	v60 =	vld [tilespmem:s26+$0xFFFFFC60];
	v33 =	vmul.bf16 v49, v33;
	v34 =	vmul.bf16 v49, v34;
	v44 =	vadd.bf16 v46, v44  }
0x15e: {  	v41 =	vld [tilespmem:s26+$0xFFFFFC70];
	v35 =	vmul.bf16 v50, v35;
	v3 =	vadd.bf16 v59, v3;
	v30 =	vadd.bf16 v62, v30  }
0x15f: {  	v58 =	vld [tilespmem:s26+$0xFFFFFC80];
	v61 =	vunpack.i.u.bf16.f32 v2;
	v39 =	vadd.bf16 v39, v45;
	v31 =	vadd.bf16 v44, v31  }
0x160: {  	v47 =	vld [tilespmem:s26+$0xFFFFFC90];
	v2 =	vunpack.i.l.bf16.f32 v2;
	v33 =	vadd.bf16 v33, v36;
	v32 =	vadd.bf16 v34, v32  }
0x161: {  	v46 =	vld [tilespmem:s26+$0xFFFFFCE0];
	v55 =	vmul.bf16 v49, v55;
	v2 =	vadd.f32 $0.0e+00, v2;
	v51 =	vadd.f32 $0.0e+00, v61  }
0x162: {  	v62 =	vld [tilespmem:s26+$0xFFFFFCB0];
	v59 =	vunpack.i.u.bf16.f32 v3;
	v3 =	vunpack.i.l.bf16.f32 v3;
	v37 =	vmul.bf16 v49, v40  }
0x163: {  	v45 =	vld [tilespmem:s26+$0xFFFFFCF0];
	v43 =	vmul.bf16 v52, v43;
	v3 =	vadd.f32 $0.0e+00, v3;
	v59 =	vadd.f32 $0.0e+00, v59  }
0x164: {  	v40 =	vld [tilespmem:s26+$0xFFFFFCC0];
	v61 =	vunpack.i.u.bf16.f32 v30;
	v30 =	vunpack.i.l.bf16.f32 v30;
	v42 =	vmul.bf16 v49, v42  }
0x165: {  	v49 =	vld [tilespmem:s26+$0xFFFFFCD0];
	v55 =	vadd.bf16 v55, v57;
	v30 =	vadd.f32 $0.0e+00, v30;
	v56 =	vmul.bf16 v50, v56  }
0x166: {  	v60 =	vmul.bf16 v50, v60;
	v41 =	vmul.bf16 v50, v41;
	v35 =	vadd.bf16 v43, v35  }
0x167: {  	v43 =	vld [tilespmem:s26+$0xFFFFFD00];
	v61 =	vadd.f32 $0.0e+00, v61;
	v58 =	vmul.bf16 v50, v58;
	v46 =	vmul.bf16 v52, v46  }
0x168: {  	v47 =	vmul.bf16 v50, v47;
	v50 =	vld [tilespmem:s26+$0xFFFFFD10];
	v42 =	vadd.bf16 v42, v53;
	v62 =	vmul.bf16 v52, v62  }
0x169: {  	v53 =	vld [tilespmem:s26+$0xFFFFFDB0];
	v35 =	vadd.bf16 v35, v39;
	v45 =	vmul.bf16 v52, v45;
	v46 =	vadd.bf16 v46, v58  }
0x16a: {  	v37 =	vadd.bf16 v37, v38;
	v39 =	vld [tilespmem:s26+$0xFFFFFD20];
	v40 =	vmul.bf16 v52, v40;
	v44 =	vmul.bf16 v52, v49  }
0x16b: {  	v58 =	vld [tilespmem:s26+$0xFFFFFDC0];
	v57 =	vunpack.i.l.bf16.f32 v35;
	v56 =	vadd.bf16 v62, v56;
	v42 =	vadd.bf16 v46, v42  }
0x16c: {  	v49 =	vld [tilespmem:s26+$0xFFFFFD30];
	v35 =	vunpack.i.u.bf16.f32 v35;
	v45 =	vadd.bf16 v45, v47;
	v52 =	vadd.f32 v57, v54  }
0x16d: {  	v62 =	vld [tilespmem:s26+$0xFFFFFD40];
	v57 =	vperm.xlane v28, v63;
	v0 =	vadd.f32 v35, v0;
	v36 =	vadd.bf16 v40, v60  }
0x16e: {  	v46 =	vld [tilespmem:s26+$0xFFFFFDD0];
	v34 =	vmul.bf16 v29, v43;
	v43 =	vmul.bf16 v29, v50;
	v35 =	vadd.bf16 v56, v55  }
0x16f: {  	v54 =	vld [tilespmem:s26+$0xFFFFFD50];
	v56 =	vperm.xlane v28, v13;
	v13 =	vimm.s32 $0xB;
	v38 =	vadd.bf16 v44, v41  }
0x170: {  	v40 =	vld [tilespmem:s26+$0xFFFFFD70];
	v44 =	vunpack.i.l.bf16.f32 v31;
	v32 =	vadd.bf16 v45, v32;
	v31 =	vunpack.i.u.bf16.f32 v31  }
0x171: {  	v50 =	vld [tilespmem:s26+$0xFFFFFE00];
	v33 =	vadd.bf16 v36, v33;
	v44 =	vadd.f32 $0.0e+00, v44;
	v39 =	vmul.bf16 v29, v39  }
0x172: {  	v55 =	vld [tilespmem:s26+$0xFFFFFD60];
	v53 =	vmul.bf16 v57, v53;
	v31 =	vadd.f32 $0.0e+00, v31;
	v60 =	vunpack.i.l.bf16.f32 v35  }
0x173: {  	v41 =	vld [tilespmem:s26+$0xFFFFFD80];
	v37 =	vadd.bf16 v38, v37;
	v35 =	vunpack.i.u.bf16.f32 v35;
	v58 =	vmul.bf16 v56, v58  }
0x174: {  	v36 =	vld [tilespmem:s26+$0xFFFFFD90];
	v48 =	vadd.f32 v60, v48;
	v60 =	vperm.xlane v28, v13;
	v1 =	vadd.f32 v35, v1  }
0x175: {  	v38 =	vld [tilespmem:s26+$0xFFFFFDA0];
	v35 =	vunpack.i.u.bf16.f32 v33;
	v33 =	vunpack.i.l.bf16.f32 v33;
	v47 =	vmul.bf16 v29, v49  }
0x176: {  	v49 =	vld [tilespmem:s26+$0xFFFFFE20];
	v46 =	vmul.bf16 v56, v46;
	v2 =	vadd.f32 v33, v2;
	v63 =	vunpack.i.l.bf16.f32 v37  }
0x177: {  	v35 =	vadd.f32 v35, v51;
	v37 =	vunpack.i.u.bf16.f32 v37;
	v33 =	vld [tilespmem:s26+$0xFFFFFDE0];
	v54 =	vmul.bf16 v29, v54  }
0x178: {  	v40 =	vmul.bf16 v57, v40;
	v3 =	vadd.f32 v63, v3;
	v37 =	vadd.f32 v37, v59;
	v59 =	vld [tilespmem:s26+$0xFFFFFDF0]  }
0x179: {  	v63 =	vunpack.i.u.bf16.f32 v42;
	v42 =	vunpack.i.l.bf16.f32 v42;
	v45 =	vmul.bf16 v57, v55;
	v55 =	vld [tilespmem:s26+$0xFFFFFE30]  }
0x17a: {  	v41 =	vmul.bf16 v57, v41;
	v30 =	vadd.f32 v42, v30;
	v42 =	vmul.bf16 v29, v62;
	v29 =	vld [tilespmem:s26+$0xFFFFFE10]  }
0x17b: {  	v51 =	vadd.f32 v63, v61;
	v36 =	vmul.bf16 v57, v36;
	v61 =	vld [tilespmem:s26+$0xFFFFFE40];
	v62 =	vunpack.i.l.bf16.f32 v32  }
0x17c: {  	v40 =	vadd.bf16 v40, v43;
	v53 =	vadd.bf16 v53, v54;
	v38 =	vmul.bf16 v57, v38;
	v57 =	vld [tilespmem:s26+$0xFFFFFE50]  }
0x17d: {  	v50 =	vmul.bf16 v56, v50;
	v44 =	vadd.f32 v62, v44;
	v62 =	vld [tilespmem:s26+$0xFFFFFE60];
	v34 =	vadd.bf16 v45, v34  }
0x17e: {  	v45 =	vld [tilespmem:s26+$0xFFFFFE70];
	v39 =	vadd.bf16 v41, v39;
	v49 =	vmul.bf16 v60, v49;
	v36 =	vadd.bf16 v36, v47  }
0x17f: {  	v63 =	vld [tilespmem:s26+$0xFFFFFE90];
	v33 =	vmul.bf16 v56, v33;
	v38 =	vadd.bf16 v38, v42;
	v59 =	vmul.bf16 v56, v59  }
0x180: {  	v47 =	vld [tilespmem:s26+$0xFFFFFF20];
	v49 =	vadd.bf16 v49, v58;
	v56 =	vmul.bf16 v56, v29;
	v29 =	vunpack.i.u.bf16.f32 v32  }
0x181: {  	v58 =	vld [tilespmem:s26+$0xFFFFFE80];
	v32 =	vmul.bf16 v60, v55;
	v29 =	vadd.f32 v29, v31;
	v31 =	vmul.bf16 v60, v61  }
0x182: {  	v34 =	vadd.bf16 v49, v34;
	v49 =	vld [tilespmem:s26+$0xFFFFFEA0];
	v55 =	vmul.bf16 v60, v57;
	v61 =	vmul.bf16 v60, v62  }
0x183: {  	v57 =	vld [tilespmem:s26+$0xFFFFFEB0];
	v45 =	vmul.bf16 v60, v45;
	v32 =	vadd.bf16 v32, v46;
	v31 =	vadd.bf16 v31, v33  }
0x184: {  	v46 =	vld [tilespmem:s26+$0xFFFFFEC0];
	v43 =	vunpack.i.l.bf16.f32 v34;
	v60 =	vadd.bf16 v55, v59;
	v42 =	vadd.bf16 v61, v50  }
0x185: {  	v34 =	vunpack.i.u.bf16.f32 v34;
	v33 =	vld [tilespmem:s26+$0xFFFFFEF0];
	v45 =	vadd.bf16 v45, v56;
	v43 =	vadd.f32 v43, v52  }
0x186: {  	v14 =	vimm.s32 $0xC;
	v55 =	vld [tilespmem:s26+$0xFFFFFF00];
	v0 =	vadd.f32 v34, v0;
	v32 =	vadd.bf16 v32, v40  }
0x187: {  	v50 =	vld [tilespmem:s26+$0xFFFFFF30];
	v40 =	vperm.xlane v28, v14;
	v14 =	vimm.s32 $0xD;
	v31 =	vadd.bf16 v31, v39  }
0x188: {  	v52 =	vld [tilespmem:s26+$0xFFFFFED0];
	v59 =	vperm.xlane v28, v14;
	v36 =	vadd.bf16 v60, v36;
	v38 =	vadd.bf16 v42, v38  }
0x189: {  	v34 =	vld [tilespmem:s26+$0xFFFFFEE0];
	v45 =	vadd.bf16 v45, v53;
	v62 =	vunpack.i.l.bf16.f32 v32;
	v54 =	vmul.bf16 v40, v63  }
0x18a: {  	v39 =	vld [tilespmem:s26+$0xFFFFFF10];
	v32 =	vunpack.i.u.bf16.f32 v32;
	v49 =	vmul.bf16 v40, v49;
	v56 =	vmul.bf16 v40, v57  }
0x18b: {  	v60 =	vld [tilespmem:s26+$0xFFFFFF40];
	v41 =	vadd.f32 v62, v48;
	v48 =	vperm.xlane v28, v15;
	v28 =	vperm.xlane v28, v16  }
0x18c: {  	v42 =	vld [tilespmem:s26+$0xFFFFFF50];
	v1 =	vadd.f32 v32, v1;
	v32 =	vunpack.i.u.bf16.f32 v31;
	v31 =	vunpack.i.l.bf16.f32 v31  }
0x18d: {  	v57 =	vld [tilespmem:s26+$0xFFFFFF80];
	v62 =	vunpack.i.l.bf16.f32 v36;
	v61 =	vunpack.i.u.bf16.f32 v36;
	v36 =	vunpack.i.u.bf16.f32 v38  }
0x18e: {  	v46 =	vmul.bf16 v40, v46;
	v38 =	vunpack.i.l.bf16.f32 v38;
	v2 =	vadd.f32 v31, v2;
	v31 =	vld [tilespmem:s26+$0xFFFFFF60]  }
0x18f: {  	v32 =	vadd.f32 v32, v35;
	v35 =	vadd.f32 v61, v37;
	v37 =	vmul.bf16 v40, v58;
	v58 =	vld [tilespmem:s26+$0xFFFFFF70]  }
0x190: {  	v47 =	vmul.bf16 v59, v47;
	v3 =	vadd.f32 v62, v3;
	v61 =	vld [tilespmem:s26+$0xFFFFFFA0];
	v33 =	vmul.bf16 v59, v33  }
0x191: {  	v30 =	vadd.f32 v38, v30;
	v38 =	vmul.bf16 v59, v55;
	v55 =	vld [tilespmem:s26+$0xFFFFFFB0];
	v50 =	vmul.bf16 v59, v50  }
0x192: {  	v36 =	vadd.f32 v36, v51;
	v40 =	vmul.bf16 v40, v52;
	v34 =	vmul.bf16 v59, v34;
	v52 =	vld [tilespmem:s26+$0xFFFFFF90]  }
0x193: {  	v53 =	vld [tilespmem:s26+$0xFFFFFFC0];
	v46 =	vadd.bf16 v47, v46;
	v39 =	vmul.bf16 v59, v39;
	v51 =	vmul.bf16 v48, v60  }
0x194: {  	v62 =	vld [tilespmem:s26+$0xFFFFFFE0];
	v59 =	vunpack.i.l.bf16.f32 v45;
	v42 =	vmul.bf16 v48, v42;
	v33 =	vadd.bf16 v33, v54  }
0x195: {  	v38 =	vadd.bf16 v38, v49;
	v57 =	vmul.bf16 v48, v57;
	v60 =	vmul.bf16 v28, v61  }
0x196: {  	v34 =	vadd.bf16 v34, v37;
	v31 =	vmul.bf16 v48, v31;
	v55 =	vmul.bf16 v28, v55  }
0x197: {  	v44 =	vadd.f32 v59, v44;
	v61 =	vld [tilespmem:s26+$0xFFFFFFD0];
	v58 =	vmul.bf16 v48, v58;
	v48 =	vmul.bf16 v48, v52  }
0x198: {  	v52 =	vld [tilespmem:s26+$0xFFFFFFF0];
	v51 =	vadd.bf16 v60, v51;
	v60 =	vmul.bf16 v28, v53;
	v42 =	vadd.bf16 v55, v42  }
0x199: {  	v59 =	vmov s24;
	v39 =	vadd.bf16 v39, v56;
	v37 =	vmul.bf16 v28, v62  }
0x19a: {  	v33 =	vadd.bf16 v42, v33;
	v31 =	vadd.bf16 v60, v31;
	v42 =	vmul.u32 $0xC0, v59  }
0x19b: {  	v37 =	vadd.bf16 v37, v57;
	v34 =	vadd.bf16 v51, v34  }
0x19c: {  	v61 =	vmul.bf16 v28, v61;
	v31 =	vadd.bf16 v31, v38;
	v38 =	vbroadcast v42, $0x0  }
0x19d: {  	v62 =	vunpack.i.u.bf16.f32 v34;
	v34 =	vunpack.i.l.bf16.f32 v34;
	v28 =	vmul.bf16 v28, v52  }
0x19e: {  	v60 =	vunpack.i.u.bf16.f32 v33;
	v0 =	vadd.f32 v62, v0;
	v62 =	vor.u32 v12, v38  }
0x19f: {  	v33 =	vunpack.i.l.bf16.f32 v33;
	v34 =	vadd.f32 v34, v43;
	v53 =	vor.u32 v17, v38  }
0x1a0: {  	v61 =	vadd.bf16 v61, v58;
	v33 =	vadd.f32 v33, v41;
	v54 =	vor.u32 v18, v38  }
0x1a1: {  	v1 =	vadd.f32 v60, v1;
	v60 =	vadd.bf16 v37, v46;
	v56 =	vor.u32 v19, v38  }
0x1a2: {  	v58 =	vor.u32 v20, v38;
	v59 =	vor.u32 v21, v38;
	v46 =	vor.u32 v23, v38  }
0x1a3: {  	v52 =	vunpack.i.l.bf16.f32 v31;
	v28 =	vadd.bf16 v28, v48;
	v39 =	vadd.bf16 v61, v39;
	[tilespmem:v62+s19+$0x0] =	vst.idx.msk $0xffff, v34  }
0x1a4: {  	v31 =	vunpack.i.u.bf16.f32 v31;
	v2 =	vadd.f32 v52, v2;
	v61 =	vor.u32 v22, v38;
	[tilespmem:v53+s19+$0x0] =	vst.idx.msk $0xffff, v0  }
0x1a5: {  	v31 =	vadd.f32 v31, v32;
	v52 =	vadd.s32 v25, v38;
	v55 =	vunpack.i.l.bf16.f32 v39;
	[tilespmem:v54+s19+$0x0] =	vst.idx.msk $0xffff, v33  }
0x1a6: {  	v39 =	vunpack.i.u.bf16.f32 v39;
	v62 =	vadd.bf16 v50, v40;
	v50 =	vadd.s32 v24, v38;
	[tilespmem:v56+s19+$0x0] =	vst.idx.msk $0xffff, v1  }
0x1a7: {  	v51 =	vunpack.i.u.bf16.f32 v45;
	v3 =	vadd.f32 v55, v3;
	v35 =	vadd.f32 v39, v35;
	[tilespmem:v58+s19+$0x0] =	vst.idx.msk $0xffff, v2  }
0x1a8: {  	v53 =	vunpack.i.l.bf16.f32 v60;
	v28 =	vadd.bf16 v28, v62;
	v54 =	vadd.s32 v26, v38;
	[tilespmem:v59+s19+$0x0] =	vst.idx.msk $0xffff, v31  }
0x1a9: {  	v55 =	vunpack.i.u.bf16.f32 v60;
	v30 =	vadd.f32 v53, v30;
	v56 =	vadd.s32 v27, v38;
	[tilespmem:v61+s19+$0x0] =	vst.idx.msk $0xffff, v3  }
0x1aa: {  	v57 =	vunpack.i.l.bf16.f32 v28;
	v3 =	vadd.f32 v51, v29;
	v29 =	vadd.f32 v55, v36;
	[tilespmem:v46+s19+$0x0] =	vst.idx.msk $0xffff, v35  }
0x1ab: {  	v28 =	vunpack.i.u.bf16.f32 v28;
	v32 =	vadd.f32 v57, v44;
	[tilespmem:v50+s19+$0x0] =	vst.idx.msk $0xffff, v30  }
0x1ac: {  	v58 =	vadd.f32 v28, v3;
	[tilespmem:v52+s19+$0x0] =	vst.idx.msk $0xffff, v29  }
0x1ad: {  	[tilespmem:v54+s19+$0x0] =	vst.idx.msk $0xffff, v32  }
0x1ae: {  	[tilespmem:v56+s19+$0x0] =	vst.idx.msk $0xffff, v58  }
0x1af: {  	v28 =	vld [tilespmem:s25+$0x0]  }
0x1b0: {  	v0 =	vld [tilespmem:s26+$0x0]  }
0x1b1: {  	v1 =	vld [tilespmem:s26+$0x10]  }
0x1b2: {  	v2 =	vld [tilespmem:s26+$0x20]  }
0x1b3: {  	v3 =	vld [tilespmem:s26+$0x30]  }
0x1b4: {  	v30 =	vld [tilespmem:s26+$0x40]  }
0x1b5: {  	v31 =	vld [tilespmem:s26+$0x50]  }
0x1b6: {  	v32 =	vld [tilespmem:s26+$0x60]  }
0x1b7: {  	v33 =	vld [tilespmem:s26+$0x70]  }
0x1b8: {  	v34 =	vld [tilespmem:s26+$0x80]  }
0x1b9: {  	v35 =	vld [tilespmem:s26+$0x90]  }
0x1ba: {  	v36 =	vld [tilespmem:s26+$0xA0]  }
0x1bb: {  	v4 =	vimm.s32 $0x1;
	v5 =	vimm.s32 $0x2;
	v37 =	vld [tilespmem:s26+$0xB0]  }
0x1bc: {  	v6 =	vimm.s32 $0x3;
	v7 =	vimm.s32 $0x4;
	v63 =	vimm.s32 $0x0;
	v38 =	vld [tilespmem:s26+$0xC0]  }
0x1bd: {  	v8 =	vimm.s32 $0x5;
	v39 =	vld [tilespmem:s26+$0xD0];
	v59 =	vperm.xlane v28, v63;
	v43 =	vperm.xlane v28, v4  }
0x1be: {  	v9 =	vimm.s32 $0x6;
	v40 =	vld [tilespmem:s26+$0xE0];
	v44 =	vperm.xlane v28, v5;
	v46 =	vperm.xlane v28, v6  }
0x1bf: {  	v10 =	vimm.s32 $0x7;
	v42 =	vld [tilespmem:s26+$0xF0];
	v47 =	vperm.xlane v28, v7;
	v49 =	vperm.xlane v28, v8  }
0x1c0: {  	v45 =	vld [tilespmem:s26+$0x100];
	v50 =	vperm.xlane v28, v9;
	v52 =	vperm.xlane v28, v10  }
0x1c1: {  	v48 =	vld [tilespmem:s26+$0x110];
	v29 =	vperm.xlane v28, v11;
	v0 =	vmul.bf16 v59, v0  }
0x1c2: {  	v61 =	vld [tilespmem:s26+$0x120];
	v1 =	vmul.bf16 v59, v1;
	v2 =	vmul.bf16 v59, v2  }
0x1c3: {  	v62 =	vld [tilespmem:s26+$0x130];
	v3 =	vmul.bf16 v59, v3;
	v30 =	vmul.bf16 v59, v30  }
0x1c4: {  	v60 =	vld [tilespmem:s26+$0x140];
	v31 =	vmul.bf16 v59, v31;
	v32 =	vmul.bf16 v43, v32  }
0x1c5: {  	v55 =	vld [tilespmem:s26+$0x150];
	v33 =	vmul.bf16 v43, v33;
	v34 =	vmul.bf16 v43, v34  }
0x1c6: {  	v41 =	vld [tilespmem:s26+$0x160];
	v35 =	vmul.bf16 v43, v35;
	v38 =	vmul.bf16 v44, v38  }
0x1c7: {  	v56 =	vld [tilespmem:s26+$0x170];
	v51 =	vmul.bf16 v46, v61;
	v36 =	vmul.bf16 v43, v36  }
0x1c8: {  	v57 =	vld [tilespmem:s26+$0x180];
	v6 =	vimm.s32 $0xC;
	v37 =	vmul.bf16 v43, v37;
	v39 =	vmul.bf16 v44, v39  }
0x1c9: {  	v58 =	vld [tilespmem:s26+$0x190];
	v5 =	vimm.s32 $0xA;
	v40 =	vmul.bf16 v44, v40;
	v62 =	vmul.bf16 v46, v62  }
0x1ca: {  	v53 =	vld [tilespmem:s26+$0x1C0];
	v4 =	vimm.s32 $0x9;
	v42 =	vmul.bf16 v44, v42;
	v45 =	vmul.bf16 v44, v45  }
0x1cb: {  	v43 =	vld [tilespmem:s26+$0x1A0];
	v44 =	vmul.bf16 v44, v48;
	v0 =	vadd.bf16 v32, v0;
	v61 =	vadd.bf16 v51, v38  }
0x1cc: {  	v41 =	vmul.bf16 v46, v41;
	v38 =	vld [tilespmem:s26+$0x1B0];
	v1 =	vadd.bf16 v33, v1;
	v59 =	vadd.bf16 v62, v39  }
0x1cd: {  	v60 =	vmul.bf16 v46, v60;
	v32 =	vld [tilespmem:s26+$0x1D0];
	v2 =	vadd.bf16 v34, v2;
	v3 =	vadd.bf16 v35, v3  }
0x1ce: {  	v39 =	vld [tilespmem:s26+$0x1E0];
	v30 =	vadd.bf16 v36, v30;
	v41 =	vadd.bf16 v41, v45;
	v45 =	vmul.bf16 v47, v57  }
0x1cf: {  	v33 =	vld [tilespmem:s26+$0x200];
	v57 =	vmul.bf16 v47, v58;
	v31 =	vadd.bf16 v37, v31;
	v0 =	vadd.bf16 v61, v0  }
0x1d0: {  	v34 =	vld [tilespmem:s26+$0x230];
	v61 =	vmul.bf16 v46, v55;
	v1 =	vadd.bf16 v59, v1;
	v46 =	vmul.bf16 v46, v56  }
0x1d1: {  	v35 =	vld [tilespmem:s26+$0x240];
	v56 =	vadd.bf16 v60, v40;
	v30 =	vadd.bf16 v41, v30;
	v41 =	vmul.bf16 v47, v53  }
0x1d2: {  	v36 =	vld [tilespmem:s26+$0x270];
	v43 =	vmul.bf16 v47, v43;
	v62 =	vunpack.i.l.bf16.f32 v0;
	v0 =	vunpack.i.u.bf16.f32 v0  }
0x1d3: {  	v58 =	vld [tilespmem:s26+$0x280];
	v59 =	vadd.bf16 v61, v42;
	v60 =	vunpack.i.l.bf16.f32 v1;
	v2 =	vadd.bf16 v56, v2  }
0x1d4: {  	v55 =	vld [tilespmem:s26+$0x1F0];
	v1 =	vunpack.i.u.bf16.f32 v1;
	v44 =	vadd.bf16 v46, v44;
	v54 =	vadd.f32 $0.0e+00, v62  }
0x1d5: {  	v40 =	vld [tilespmem:s26+$0x210];
	v0 =	vadd.f32 $0.0e+00, v0;
	v38 =	vmul.bf16 v47, v38;
	v32 =	vmul.bf16 v47, v32  }
0x1d6: {  	v53 =	vld [tilespmem:s26+$0x2B0];
	v48 =	vadd.f32 $0.0e+00, v60;
	v37 =	vmul.bf16 v49, v39;
	v33 =	vmul.bf16 v49, v33  }
0x1d7: {  	v42 =	vld [tilespmem:s26+$0x220];
	v1 =	vadd.f32 $0.0e+00, v1;
	v34 =	vmul.bf16 v49, v34;
	v35 =	vmul.bf16 v50, v35  }
0x1d8: {  	v56 =	vld [tilespmem:s26+$0x250];
	v36 =	vmul.bf16 v50, v36;
	v58 =	vmul.bf16 v50, v58;
	v3 =	vadd.bf16 v59, v3  }
0x1d9: {  	v60 =	vld [tilespmem:s26+$0x260];
	v61 =	vunpack.i.u.bf16.f32 v2;
	v2 =	vunpack.i.l.bf16.f32 v2;
	v31 =	vadd.bf16 v44, v31  }
0x1da: {  	v47 =	vld [tilespmem:s26+$0x290];
	v2 =	vadd.f32 $0.0e+00, v2;
	v51 =	vadd.f32 $0.0e+00, v61;
	v39 =	vmul.bf16 v49, v55  }
0x1db: {  	v46 =	vld [tilespmem:s26+$0x2C0];
	v40 =	vmul.bf16 v49, v40;
	v55 =	vunpack.i.l.bf16.f32 v30;
	v37 =	vadd.bf16 v37, v45  }
0x1dc: {  	v61 =	vld [tilespmem:s26+$0x2A0];
	v30 =	vunpack.i.u.bf16.f32 v30;
	v53 =	vmul.bf16 v52, v53;
	v33 =	vadd.bf16 v33, v43  }
0x1dd: {  	v45 =	vld [tilespmem:s26+$0x2E0];
	v32 =	vadd.bf16 v34, v32;
	v59 =	vunpack.i.l.bf16.f32 v3;
	v3 =	vunpack.i.u.bf16.f32 v3  }
0x1de: {  	v55 =	vadd.f32 $0.0e+00, v55;
	v42 =	vmul.bf16 v49, v42;
	v49 =	vld [tilespmem:s26+$0x2D0];
	v56 =	vmul.bf16 v50, v56  }
0x1df: {  	v30 =	vadd.f32 $0.0e+00, v30;
	v60 =	vmul.bf16 v50, v60;
	v47 =	vmul.bf16 v50, v47;
	v50 =	vld [tilespmem:s26+$0x300]  }
0x1e0: {  	v59 =	vadd.f32 $0.0e+00, v59;
	v46 =	vmul.bf16 v52, v46;
	v38 =	vadd.bf16 v40, v38;
	v40 =	vld [tilespmem:s26+$0x370]  }
0x1e1: {  	v3 =	vadd.f32 $0.0e+00, v3;
	v53 =	vadd.bf16 v53, v56;
	v56 =	vld [tilespmem:s26+$0x330];
	v61 =	vmul.bf16 v52, v61  }
0x1e2: {  	v39 =	vadd.bf16 v39, v57;
	v45 =	vmul.bf16 v52, v45;
	v43 =	vadd.bf16 v46, v60;
	v46 =	vld [tilespmem:s26+$0x360]  }
0x1e3: {  	v41 =	vadd.bf16 v42, v41;
	v35 =	vadd.bf16 v61, v35;
	v61 =	vld [tilespmem:s26+$0x2F0];
	v44 =	vmul.bf16 v52, v49  }
0x1e4: {  	v49 =	vld [tilespmem:s26+$0x320];
	v33 =	vadd.bf16 v43, v33;
	v42 =	vadd.bf16 v45, v58;
	v34 =	vmul.bf16 v29, v50  }
0x1e5: {  	v43 =	vld [tilespmem:s26+$0x380];
	v35 =	vadd.bf16 v35, v37;
	v36 =	vadd.bf16 v44, v36;
	v44 =	vunpack.i.l.bf16.f32 v31  }
0x1e6: {  	v37 =	vld [tilespmem:s26+$0x310];
	v41 =	vadd.bf16 v42, v41;
	v31 =	vunpack.i.u.bf16.f32 v31;
	v44 =	vadd.f32 $0.0e+00, v44  }
0x1e7: {  	v45 =	vld [tilespmem:s26+$0x3A0];
	v62 =	vunpack.i.l.bf16.f32 v35;
	v35 =	vunpack.i.u.bf16.f32 v35;
	v36 =	vadd.bf16 v36, v38  }
0x1e8: {  	v58 =	vld [tilespmem:s26+$0x3B0];
	v52 =	vmul.bf16 v52, v61;
	v54 =	vadd.f32 v62, v54;
	v61 =	vperm.xlane v28, v4  }
0x1e9: {  	v42 =	vld [tilespmem:s26+$0x3C0];
	v0 =	vadd.f32 v35, v0;
	v35 =	vadd.bf16 v53, v39;
	v53 =	vperm.xlane v28, v5  }
0x1ea: {  	v50 =	vld [tilespmem:s26+$0x3F0];
	v49 =	vmul.bf16 v29, v49;
	v62 =	vunpack.i.l.bf16.f32 v36;
	v36 =	vunpack.i.u.bf16.f32 v36  }
0x1eb: {  	v57 =	vld [tilespmem:s26+$0x340];
	v37 =	vmul.bf16 v29, v37;
	v47 =	vadd.bf16 v52, v47;
	v52 =	vmul.bf16 v29, v56  }
0x1ec: {  	v38 =	vld [tilespmem:s26+$0x390];
	v60 =	vunpack.i.l.bf16.f32 v35;
	v46 =	vmul.bf16 v61, v46;
	v40 =	vmul.bf16 v61, v40  }
0x1ed: {  	v39 =	vld [tilespmem:s26+$0x350];
	v3 =	vadd.f32 v36, v3;
	v36 =	vmul.bf16 v61, v43;
	v45 =	vmul.bf16 v61, v45  }
0x1ee: {  	v35 =	vunpack.i.u.bf16.f32 v35;
	v56 =	vld [tilespmem:s26+$0x420];
	v58 =	vmul.bf16 v61, v58;
	v42 =	vmul.bf16 v53, v42  }
0x1ef: {  	v43 =	vld [tilespmem:s26+$0x430];
	v50 =	vmul.bf16 v53, v50;
	v1 =	vadd.f32 v35, v1;
	v35 =	vunpack.i.u.bf16.f32 v33  }
0x1f0: {  	v48 =	vadd.f32 v60, v48;
	v33 =	vunpack.i.l.bf16.f32 v33;
	v35 =	vadd.f32 v35, v51;
	v51 =	vld [tilespmem:s26+$0x3D0]  }
0x1f1: {  	v60 =	vperm.xlane v28, v13;
	v2 =	vadd.f32 v33, v2;
	v33 =	vadd.f32 v62, v59;
	v59 =	vld [tilespmem:s26+$0x3E0]  }
0x1f2: {  	v62 =	vunpack.i.u.bf16.f32 v41;
	v41 =	vunpack.i.l.bf16.f32 v41;
	v32 =	vadd.bf16 v47, v32;
	v47 =	vld [tilespmem:s26+$0x410]  }
0x1f3: {  	v38 =	vmul.bf16 v61, v38;
	v61 =	vld [tilespmem:s26+$0x440];
	v34 =	vadd.bf16 v46, v34;
	v37 =	vadd.bf16 v40, v37  }
0x1f4: {  	v41 =	vadd.f32 v41, v55;
	v55 =	vmul.bf16 v29, v57;
	v39 =	vmul.bf16 v29, v39;
	v29 =	vld [tilespmem:s26+$0x400]  }
0x1f5: {  	v46 =	vld [tilespmem:s26+$0x460];
	v36 =	vadd.bf16 v36, v49;
	v49 =	vperm.xlane v28, v14;
	v57 =	vunpack.i.l.bf16.f32 v32  }
0x1f6: {  	v30 =	vadd.f32 v62, v30;
	v44 =	vadd.f32 v57, v44;
	v56 =	vmul.bf16 v60, v56;
	v57 =	vld [tilespmem:s26+$0x450]  }
0x1f7: {  	v32 =	vunpack.i.u.bf16.f32 v32;
	v38 =	vadd.bf16 v38, v52;
	v39 =	vadd.bf16 v58, v39  }
0x1f8: {  	v51 =	vmul.bf16 v53, v51;
	v59 =	vmul.bf16 v53, v59;
	v42 =	vadd.bf16 v56, v42  }
0x1f9: {  	v56 =	vld [tilespmem:s26+$0x470];
	v47 =	vmul.bf16 v53, v47;
	v62 =	vmul.bf16 v53, v29;
	v29 =	vadd.f32 $0.0e+00, v31  }
0x1fa: {  	v52 =	vld [tilespmem:s26+$0x4E0];
	v61 =	vmul.bf16 v60, v61;
	v53 =	vmul.bf16 v60, v43;
	v31 =	vadd.bf16 v42, v34  }
0x1fb: {  	v58 =	vld [tilespmem:s26+$0x550];
	v46 =	vmul.bf16 v60, v46;
	v29 =	vadd.f32 v32, v29;
	v42 =	vmul.bf16 v60, v57  }
0x1fc: {  	v43 =	vld [tilespmem:s26+$0x480];
	v34 =	vadd.bf16 v53, v51;
	v32 =	vadd.bf16 v61, v59;
	v57 =	vunpack.i.l.bf16.f32 v31  }
0x1fd: {  	v51 =	vld [tilespmem:s26+$0x490];
	v59 =	vadd.bf16 v45, v55;
	v31 =	vunpack.i.u.bf16.f32 v31;
	v40 =	vadd.f32 v57, v54  }
0x1fe: {  	v55 =	vld [tilespmem:s26+$0x510];
	v53 =	vmul.bf16 v60, v56;
	v34 =	vadd.bf16 v34, v37;
	v42 =	vadd.bf16 v42, v50  }
0x1ff: {  	v45 =	vld [tilespmem:s26+$0x520];
	v56 =	vperm.xlane v28, v6;
	v0 =	vadd.f32 v31, v0;
	v60 =	vadd.bf16 v46, v62  }
0x200: {  	v54 =	vld [tilespmem:s26+$0x4A0];
	v31 =	vperm.xlane v28, v15;
	v28 =	vperm.xlane v28, v16;
	v32 =	vadd.bf16 v32, v36  }
0x201: {  	v37 =	vld [tilespmem:s26+$0x4B0];
	v61 =	vunpack.i.l.bf16.f32 v34;
	v36 =	vadd.bf16 v42, v38;
	v42 =	vadd.bf16 v60, v59  }
0x202: {  	v57 =	vld [tilespmem:s26+$0x4C0];
	v34 =	vunpack.i.u.bf16.f32 v34;
	v47 =	vadd.bf16 v53, v47;
	v48 =	vadd.f32 v61, v48  }
0x203: {  	v50 =	vld [tilespmem:s26+$0x4D0];
	v1 =	vadd.f32 v34, v1;
	v61 =	vunpack.i.u.bf16.f32 v32;
	v32 =	vunpack.i.l.bf16.f32 v32  }
0x204: {  	v46 =	vld [tilespmem:s26+$0x500];
	v45 =	vmul.bf16 v49, v45;
	v2 =	vadd.f32 v32, v2;
	v62 =	vunpack.i.l.bf16.f32 v36  }
0x205: {  	v38 =	vld [tilespmem:s26+$0x4F0];
	v34 =	vadd.f32 v61, v35;
	v59 =	vunpack.i.u.bf16.f32 v36;
	v35 =	vunpack.i.u.bf16.f32 v42  }
0x206: {  	v60 =	vunpack.i.l.bf16.f32 v42;
	v61 =	vld [tilespmem:s26+$0x540];
	v39 =	vadd.bf16 v47, v39;
	v47 =	vmul.bf16 v49, v55  }
0x207: {  	v55 =	vld [tilespmem:s26+$0x5B0];
	v36 =	vadd.f32 v60, v41;
	v41 =	vmul.bf16 v56, v43;
	v43 =	vmul.bf16 v56, v51  }
0x208: {  	v32 =	vadd.f32 v62, v33;
	v33 =	vld [tilespmem:s26+$0x530];
	v54 =	vmul.bf16 v56, v54;
	v37 =	vmul.bf16 v56, v37  }
0x209: {  	v3 =	vadd.f32 v59, v3;
	v62 =	vld [tilespmem:s26+$0x5A0];
	v60 =	vmul.bf16 v49, v52;
	v46 =	vmul.bf16 v49, v46  }
0x20a: {  	v53 =	vmul.bf16 v56, v57;
	v50 =	vmul.bf16 v56, v50;
	v56 =	vld [tilespmem:s26+$0x560];
	v30 =	vadd.f32 v35, v30  }
0x20b: {  	v52 =	vld [tilespmem:s26+$0x570];
	v38 =	vmul.bf16 v49, v38;
	v35 =	vadd.bf16 v60, v41;
	v46 =	vadd.bf16 v46, v54  }
0x20c: {  	s28 =	sadd.s32 $0x1, s24;
	v41 =	vld [tilespmem:s26+$0x5C0];
	v60 =	vmul.bf16 v31, v58;
	v58 =	vadd.bf16 v47, v37;
	v45 =	vadd.bf16 v45, v53  }
0x20d: {  	v57 =	vld [tilespmem:s26+$0x580];
	v42 =	vmul.bf16 v31, v61;
	v61 =	vmov s28;
	v55 =	vmul.bf16 v28, v55  }
0x20e: {  	v51 =	vmul.bf16 v28, v62;
	v33 =	vmul.bf16 v49, v33;
	v49 =	vmul.u32 $0xC0, v61  }
0x20f: {  	v38 =	vadd.bf16 v38, v43;
	v62 =	vunpack.i.l.bf16.f32 v39;
	v56 =	vmul.bf16 v31, v56  }
0x210: {  	v61 =	vld [tilespmem:s26+$0x590];
	v44 =	vadd.f32 v62, v44;
	v42 =	vadd.bf16 v51, v42;
	v49 =	vbroadcast v49, $0x0  }
0x211: {  	v51 =	vadd.bf16 v55, v60;
	v41 =	vmul.bf16 v28, v41;
	v33 =	vadd.bf16 v33, v50  }
0x212: {  	v35 =	vadd.bf16 v42, v35;
	v42 =	vmul.bf16 v31, v52;
	v52 =	vmul.bf16 v31, v57  }
0x213: {  	v57 =	vld [tilespmem:s26+$0x5D0];
	v59 =	vor.u32 v12, v49;
	v60 =	vor.u32 v17, v49;
	v38 =	vadd.bf16 v51, v38  }
0x214: {  	v41 =	vadd.bf16 v41, v56;
	v47 =	vadd.s32 v21, v49;
	v53 =	vadd.s32 v23, v49  }
0x215: {  	v55 =	vld [tilespmem:s26+$0x5E0];
	v31 =	vmul.bf16 v31, v61;
	v61 =	vor.u32 v18, v49;
	v62 =	vunpack.i.l.bf16.f32 v35  }
0x216: {  	v51 =	vld [tilespmem:s26+$0x5F0];
	v35 =	vunpack.i.u.bf16.f32 v35;
	v56 =	vunpack.i.l.bf16.f32 v38;
	v41 =	vadd.bf16 v41, v46  }
0x217: {  	v38 =	vunpack.i.u.bf16.f32 v38;
	v40 =	vadd.f32 v62, v40;
	v0 =	vadd.f32 v35, v0  }
0x218: {  	v35 =	vadd.f32 v56, v48;
	v1 =	vadd.f32 v38, v1;
	v62 =	vmul.bf16 v28, v57  }
0x219: {  	v56 =	vadd.s32 v26, v49;
	[tilespmem:v59+s19+$0x0] =	vst.idx.msk $0xffff, v40;
	v57 =	vor.u32 v19, v49  }
0x21a: {  	[tilespmem:v60+s19+$0x0] =	vst.idx.msk $0xffff, v0;
	v60 =	vmul.bf16 v28, v55;
	v59 =	vadd.bf16 v62, v42  }
0x21b: {  	v28 =	vmul.bf16 v28, v51;
	[tilespmem:v61+s19+$0x0] =	vst.idx.msk $0xffff, v35;
	v61 =	vunpack.i.l.bf16.f32 v41;
	v62 =	vadd.s32 v20, v49  }
0x21c: {  	v48 =	vunpack.i.u.bf16.f32 v41;
	v2 =	vadd.f32 v61, v2;
	v0 =	vadd.bf16 v59, v58  }
0x21d: {  	v40 =	vadd.bf16 v60, v52;
	v52 =	vadd.s32 v22, v49;
	v54 =	vadd.bf16 v28, v31  }
0x21e: {  	v28 =	vadd.s32 v24, v49;
	[tilespmem:v57+s19+$0x0] =	vst.idx.msk $0xffff, v1;
	v1 =	vadd.f32 v48, v34;
	v51 =	vunpack.i.l.bf16.f32 v0  }
0x21f: {  	v35 =	vadd.bf16 v40, v45;
	v0 =	vunpack.i.u.bf16.f32 v0;
	v32 =	vadd.f32 v51, v32  }
0x220: {  	[tilespmem:v62+s19+$0x0] =	vst.idx.msk $0xffff, v2;
	v0 =	vadd.f32 v0, v3;
	v3 =	vadd.s32 v25, v49  }
0x221: {  	v59 =	vadd.s32 v27, v49;
	v55 =	vunpack.i.l.bf16.f32 v35;
	v2 =	vadd.bf16 v54, v33;
	[tilespmem:v47+s19+$0x0] =	vst.idx.msk $0xffff, v1  }
0x222: {  	p0 =	slt.u32 s24, $0x6;
	v57 =	vunpack.i.u.bf16.f32 v39;
	v58 =	vunpack.i.u.bf16.f32 v35;
	v1 =	vadd.f32 v55, v36;
	[tilespmem:v52+s19+$0x0] =	vst.idx.msk $0xffff, v32  }
.Ltmp1:
0x223: {  	v60 =	vadd.f32 v57, v29;
	v29 =	vadd.f32 v58, v30;
	v61 =	vunpack.i.l.bf16.f32 v2;
	[tilespmem:v53+s19+$0x0] =	vst.idx.msk $0xffff, v0;
	(pc) =	sbr.rel @p0 .LBB2_5-.Ltmp1, $4  }
0x224: {  	v2 =	vunpack.i.u.bf16.f32 v2;
	v62 =	vadd.f32 v61, v44;
	[tilespmem:v28+s19+$0x0] =	vst.idx.msk $0xffff, v1  }
0x225: {  	v10 =	vimm.s32 $0x7;
	v0 =	vadd.f32 v2, v60;
	[tilespmem:v3+s19+$0x0] =	vst.idx.msk $0xffff, v29  }
0x226: {  	v9 =	vimm.s32 $0x6;
	v8 =	vimm.s32 $0x5;
	v7 =	vimm.s32 $0x4;
	[tilespmem:v56+s19+$0x0] =	vst.idx.msk $0xffff, v62  }
0x227: {  	s24 =	sadd.s32 $0x2, s24;
	s25 =	sadd.s32 $0x20, s25;
	v5 =	vimm.s32 $0x2;
	v4 =	vimm.s32 $0x1;
	v6 =	vimm.s32 $0x3;
	s26 =	sadd.s32 $0xC00, s26;
	[tilespmem:v59+s19+$0x0] =	vst.idx.msk $0xffff, v0  }
0x228: {  	s23 =	smul.u32 $0x18, s23;
	s22 =	sadd.s32 $0x1, s22  }
0x229: {  	p0 =	sne.s32 s22, $0x31  }
.Ltmp2:
0x22a: {  	s23 =	sadd.s32 s4, s23;
	(pc) =	sbr.rel @p0 .LBB2_2-.Ltmp2, $4  }
0x22b: {  	[hbm4b:s23+s5] =	stream.linear.scatter [tilespmem:s19], [sflag:$0x3], $0x600, $0x38;
	[tilespmem:$0x6800] =	vst v63  }
0x22c: {  	_ =	swait.ge [sflag:s12], $0x600  }
0x22d: {  	[sflag:s12] =	ssyncset.done $0x0  }
0x22e: {  	[sflag:s12] =	ssyncadd.s32 $0xFFFFFA00  }
0x22f: {  	s21 =	sadd.s32 $0x1, s21  }
0x230: {  	p0 =	sne.s32 s21, s11  }
.Ltmp3:
0x231: {  	_ = 	snop;
	(pc) =	sbr.rel @p0 .LBB2_1-.Ltmp3, $1  }
0x232: {  	_ =	sdelay $0x3  }
0x233: {  	_ =	sfence.sel $0x180000  }
0x234: {  	[bflag:$0x0] =	sbarrier.arrive $0xFFFF  }
0x235: {  	p0 =	sne.s32 s2, $0x0;
	_ =	strace $0x90000047  }
0x236: {  	s0 =	sadd.s32 @!p0 $0x100000, s0;
	[bflag:$0x2] =	sbarrier.arrive $0xFFFF  }
0x237: {  	[sflag:s0] =	ssyncadd.tile.s32 @!p0 $0x1;
	_ =	shalt  }
.Lfunc_end2:
_tile_overlayer_lowered:
.L_overlay_start_2:
0x238: {  	(tag) =	ssettag $0x2  }
0x239: {  	s0 =	rddreg [dreg:$0x0];
	s2 =	stileid.u32  }
0x23a: {  	s1 =	rddreg [dreg:$0x1];
	p0 =	sne.s32 s2, $0x0  }
0x23b: {  	s3 =	rddreg [dreg:$0x2];
	[bflag:$0x3] =	sbarrier.arrive $0xFFFF;
	s2 =	simm.s32 @!p0 $0x1C03  }
0x23c: {  	[timem:s3], [sflag:s2] =	dma.local @!p0 [hbm:s0], s1  }
0x23d: {  	s0 =	simm.s32 @!p0 $0x3  }
0x23e: {  	_ =	swait.ge @!p0 [sflag:s0], s1  }
0x23f: {  	s1 =	ssub.s32 @!p0 $0x0, s1;
	[sflag:s0] =	ssyncset.done @!p0 $0x0  }
0x240: {  	[sflag:s0] =	ssyncadd.s32 @!p0 s1  }
0x241: {  	[bflag:$0x3] =	sbarrier.arrive $0xFFFF  }
0x242: {  	_ =	shalt  }

</sc_bundles>
